<compile_context>
chip_gen: v7x
topology: tpu7x:2x2x1
jax: 0.10.2.dev20260603
libtpu: 0.0.44.dev20260713+nightly
codegen_flags: <defaults>
</compile_context>

<pallas_src>
import functools

import jax
import jax.numpy as jnp
from jax import lax
from jax.experimental import pallas as pl
from jax.experimental.pallas import tpu as pltpu
from jax.experimental.pallas import tpu_sc as plsc

N_IDS = 1000000
EMBED_DIM = 32
BATCH = 16384
HIST = 50

NC = 2
NS = 16
NW = NC * NS
ROWS_PER_W = BATCH // NW
ROWS_PER_CHUNK = 2
CHUNK = ROWS_PER_CHUNK * HIST
NCHUNKS = ROWS_PER_W // ROWS_PER_CHUNK


def _sc_embedding_sum(idx3, table):
  mesh = plsc.VectorSubcoreMesh(core_axis_name="c", subcore_axis_name="s")

  @functools.partial(
      pl.kernel,
      mesh=mesh,
      out_type=jax.ShapeDtypeStruct((BATCH, EMBED_DIM), jnp.float32),
      compiler_params=pltpu.CompilerParams(use_tc_tiling_on_sc=False),
      scratch_types=[
          pltpu.VMEM((NCHUNKS, CHUNK), jnp.int32),
          pltpu.VMEM((CHUNK, EMBED_DIM), jnp.float32),
          pltpu.VMEM((CHUNK, EMBED_DIM), jnp.float32),
          pltpu.VMEM((CHUNK, EMBED_DIM), jnp.float32),
          pltpu.VMEM((CHUNK, EMBED_DIM), jnp.float32),
          pltpu.VMEM((ROWS_PER_W, EMBED_DIM), jnp.float32),
          pltpu.SemaphoreType.DMA,
          pltpu.SemaphoreType.DMA,
          pltpu.SemaphoreType.DMA,
          pltpu.SemaphoreType.DMA,
          pltpu.SemaphoreType.DMA,
          pltpu.SemaphoreType.DMA,
      ],
  )
  def k(idx_hbm, table_hbm, out_hbm, idx_v, buf0, buf1, buf2, buf3, out_v,
        sem0, sem1, sem2, sem3, isem, osem):
    bufs = (buf0, buf1, buf2, buf3)
    sems = (sem0, sem1, sem2, sem3)
    nbuf = 4
    wid = lax.axis_index("s") * NC + lax.axis_index("c")

    head = 32
    pltpu.sync_copy(idx_hbm.at[wid, pl.ds(0, head)], idx_v.at[pl.ds(0, head)])
    pltpu.async_copy(idx_hbm.at[wid, pl.ds(head, NCHUNKS - head)],
                     idx_v.at[pl.ds(head, NCHUNKS - head)], isem)

    def start(c, buf, sem):
      pltpu.async_copy(table_hbm.at[idx_v.at[c]], buf, sem)

    def wait(buf, sem):
      pltpu.make_async_copy(table_hbm.at[idx_v.at[0]], buf, sem).wait()

    def accumulate(buf, local_row0):
      for g in range(ROWS_PER_CHUNK):
        base = g * HIST
        a0 = buf[base, pl.ds(0, 16)]
        a1 = buf[base, pl.ds(16, 16)]
        for j in range(1, HIST):
          a0 = a0 + buf[base + j, pl.ds(0, 16)]
          a1 = a1 + buf[base + j, pl.ds(16, 16)]
        out_v[local_row0 + g, pl.ds(0, 16)] = a0
        out_v[local_row0 + g, pl.ds(16, 16)] = a1

    for c in range(nbuf - 1):
      start(c, bufs[c], sems[c])

    def body(i, _):
      for k in range(nbuf):
        c = nbuf * i + k
        ahead = c + nbuf - 1

        @pl.when(ahead < NCHUNKS)
        def _():
          start(ahead, bufs[(k + nbuf - 1) % nbuf], sems[(k + nbuf - 1) % nbuf])

        wait(bufs[k], sems[k])
        accumulate(bufs[k], ROWS_PER_CHUNK * c)

      @pl.when(i == 6)
      def _():
        pltpu.make_async_copy(
            idx_hbm.at[wid, pl.ds(head, NCHUNKS - head)],
            idx_v.at[pl.ds(head, NCHUNKS - head)], isem).wait()

      @pl.when(i == (NCHUNKS // nbuf) // 2)
      def _():
        pltpu.async_copy(
            out_v.at[pl.ds(0, ROWS_PER_W // 2)],
            out_hbm.at[pl.ds(wid * ROWS_PER_W, ROWS_PER_W // 2)], osem)
      return 0

    lax.fori_loop(0, NCHUNKS // nbuf, body, 0)

    pltpu.sync_copy(
        out_v.at[pl.ds(ROWS_PER_W // 2, ROWS_PER_W // 2)],
        out_hbm.at[pl.ds(wid * ROWS_PER_W + ROWS_PER_W // 2, ROWS_PER_W // 2)])
    pltpu.make_async_copy(
        out_v.at[pl.ds(0, ROWS_PER_W // 2)],
        out_hbm.at[pl.ds(wid * ROWS_PER_W, ROWS_PER_W // 2)], osem).wait()

  return k(idx3, table)


def kernel(inputs, W):
  idx3 = inputs.astype(jnp.int32).reshape(NW, NCHUNKS, CHUNK)
  return _sc_embedding_sum(idx3, W)

# --- scband reference (transcript-rebuilt; emitter-appended) ---
"""Pipeline reference for scband-embedding-12025908429429 (READ-ONLY COPY).

The authoritative reference and input builder live on the scoring server;
editing this copy changes nothing except your own understanding.
"""

import jax, jax.numpy as jnp
import numpy as np
import math

N_IDS = 1000000
EMBED_DIM = 32
BATCH = 16384
HIST = 50

def setup_inputs(seed: int = 0) -> dict:
    key = jax.random.key(seed)
    k_idx, k_w = jax.random.split(key)
    inputs = jax.random.randint(k_idx, (BATCH, HIST), 0, N_IDS, dtype=jnp.int64 if jax.config.jax_enable_x64 else jnp.int32)
    W = jax.random.truncated_normal(k_w, -2.0, 2.0, (N_IDS, EMBED_DIM), dtype=jnp.float32) * (1.0 / math.sqrt(EMBED_DIM))
    return {"inputs": inputs, "W": W}

def reference(inputs, W):
    # tf.nn.embedding_lookup -> gather rows, then sum over axis 1
    x = jnp.take(W, inputs, axis=0)  # [B, L, D]
    x = jnp.sum(x, axis=1)           # [B, D]
    return x

if __name__ == "__main__":
    import jax
    _d = setup_inputs()
    print(jax.jit(kernel)(*tuple(_d.values())))

</pallas_src>

<mosaic_0001>
#map = affine_map<(d0, d1) -> (0, 0, 0)>
#map1 = affine_map<(d0, d1) -> (0, 0)>
module attributes {stable_mosaic.version = 14 : i64} {
  func.func @k(%arg0: i32, %arg1: i32, %arg2: memref<32x256x100xi32, #tpu.memory_space<hbm>>, %arg3: memref<1000000x32xf32, #tpu.memory_space<hbm>>, %arg4: memref<16384x32xf32, #tpu.memory_space<hbm>>, %arg5: memref<256x100xi32, #tpu.memory_space<vmem>>, %arg6: memref<100x32xf32, #tpu.memory_space<vmem>>, %arg7: memref<100x32xf32, #tpu.memory_space<vmem>>, %arg8: memref<100x32xf32, #tpu.memory_space<vmem>>, %arg9: memref<100x32xf32, #tpu.memory_space<vmem>>, %arg10: memref<512x32xf32, #tpu.memory_space<vmem>>, %arg11: memref<!tpu.dma_semaphore, #tpu.memory_space<semaphore_mem>>, %arg12: memref<!tpu.dma_semaphore, #tpu.memory_space<semaphore_mem>>, %arg13: memref<!tpu.dma_semaphore, #tpu.memory_space<semaphore_mem>>, %arg14: memref<!tpu.dma_semaphore, #tpu.memory_space<semaphore_mem>>, %arg15: memref<!tpu.dma_semaphore, #tpu.memory_space<semaphore_mem>>, %arg16: memref<!tpu.dma_semaphore, #tpu.memory_space<semaphore_mem>>) attributes {dimension_semantics = [#tpu.dimension_semantics<core_parallel>, #tpu.dimension_semantics<subcore_parallel>], iteration_bounds = array<i64: 2, 16>, scalar_prefetch = 0 : i64, scratch_operands = 12 : i64, tpu.core_type = #tpu.core_type<sc_vector_subcore>, window_params = [{transform_indices = #map}, {transform_indices = #map1}, {transform_indices = #map1}]} {
    %mul3A = arith.constant 2 : i32
    %mul3A_0 = arith.muli %arg1, %mul3A : i32
    %add3A = arith.addi %mul3A_0, %arg0 : i32
    "tpu.region"() ({
      %run_scoped3A = tpu.sem_alloc : memref<!tpu.dma_semaphore, #tpu.memory_space<semaphore_mem>>
      %dma_start3A_56 = arith.constant 0 : i32
      %dma_start3A_57 = arith.constant 0 : i32
      %dma_start3A_58 = tpu.memref_slice %arg5[%dma_start3A_56, %dma_start3A_57] : memref<256x100xi32, #tpu.memory_space<vmem>> -> memref<32x100xi32, #tpu.memory_space<vmem>>
      %dma_start3A_59 = arith.constant 0 : i32
      %dma_start3A_60 = arith.constant 0 : i32
      %dma_start3A_61 = tpu.memref_slice %arg2[%add3A, %dma_start3A_59, %dma_start3A_60] : memref<32x256x100xi32, #tpu.memory_space<hbm>> -> memref<1x32x100xi32, #tpu.memory_space<hbm>>
      %dma_start3A_62 = tpu.memref_squeeze %dma_start3A_61 : memref<1x32x100xi32, #tpu.memory_space<hbm>> -> memref<32x100xi32, #tpu.memory_space<hbm>>
      %dma_start3A_63 = arith.constant 0 : i32
      %dma_start3A_64 = arith.constant 0 : i32
      %dma_start3A_65 = tpu.memref_slice %arg5[%dma_start3A_63, %dma_start3A_64] : memref<256x100xi32, #tpu.memory_space<vmem>> -> memref<32x100xi32, #tpu.memory_space<vmem>>
      %dma_start3A_66 = arith.constant 0 : i32
      %dma_start3A_67 = arith.constant 0 : i32
      %dma_start3A_68 = tpu.memref_slice %arg2[%add3A, %dma_start3A_66, %dma_start3A_67] : memref<32x256x100xi32, #tpu.memory_space<hbm>> -> memref<1x32x100xi32, #tpu.memory_space<hbm>>
      %dma_start3A_69 = tpu.memref_squeeze %dma_start3A_68 : memref<1x32x100xi32, #tpu.memory_space<hbm>> -> memref<32x100xi32, #tpu.memory_space<hbm>>
      tpu.enqueue_dma source(%dma_start3A_69 : memref<32x100xi32, #tpu.memory_space<hbm>>) target(%dma_start3A_65 : memref<32x100xi32, #tpu.memory_space<vmem>>) target_semaphore(%run_scoped3A : memref<!tpu.dma_semaphore, #tpu.memory_space<semaphore_mem>>)
      %dma_wait3A_70 = arith.constant 0 : i32
      %dma_wait3A_71 = arith.constant 0 : i32
      %dma_wait3A_72 = tpu.memref_slice %arg5[%dma_wait3A_70, %dma_wait3A_71] : memref<256x100xi32, #tpu.memory_space<vmem>> -> memref<32x100xi32, #tpu.memory_space<vmem>>
      %dma_wait3A_73 = arith.constant 0 : i32
      %dma_wait3A_74 = arith.constant 0 : i32
      %dma_wait3A_75 = tpu.memref_slice %arg2[%add3A, %dma_wait3A_73, %dma_wait3A_74] : memref<32x256x100xi32, #tpu.memory_space<hbm>> -> memref<1x32x100xi32, #tpu.memory_space<hbm>>
      %dma_wait3A_76 = tpu.memref_squeeze %dma_wait3A_75 : memref<1x32x100xi32, #tpu.memory_space<hbm>> -> memref<32x100xi32, #tpu.memory_space<hbm>>
      %dma_wait3A_77 = arith.constant 0 : i32
      %dma_wait3A_78 = arith.constant 0 : i32
      %dma_wait3A_79 = tpu.memref_slice %arg5[%dma_wait3A_77, %dma_wait3A_78] : memref<256x100xi32, #tpu.memory_space<vmem>> -> memref<32x100xi32, #tpu.memory_space<vmem>>
      %dma_wait3A_80 = arith.constant 0 : i32
      %dma_wait3A_81 = arith.constant 0 : i32
      %dma_wait3A_82 = tpu.memref_slice %arg2[%add3A, %dma_wait3A_80, %dma_wait3A_81] : memref<32x256x100xi32, #tpu.memory_space<hbm>> -> memref<1x32x100xi32, #tpu.memory_space<hbm>>
      %dma_wait3A_83 = tpu.memref_squeeze %dma_wait3A_82 : memref<1x32x100xi32, #tpu.memory_space<hbm>> -> memref<32x100xi32, #tpu.memory_space<hbm>>
      tpu.wait_dma2 semaphore(%run_scoped3A : memref<!tpu.dma_semaphore, #tpu.memory_space<semaphore_mem>>) src(%dma_wait3A_83 : memref<32x100xi32, #tpu.memory_space<hbm>>) dst(%dma_wait3A_79 : memref<32x100xi32, #tpu.memory_space<vmem>>)
      tpu.yield
    }) : () -> ()
    %dma_start3A = arith.constant 32 : i32
    %dma_start3A_1 = arith.constant 0 : i32
    %dma_start3A_2 = tpu.memref_slice %arg5[%dma_start3A, %dma_start3A_1] : memref<256x100xi32, #tpu.memory_space<vmem>> -> memref<224x100xi32, #tpu.memory_space<vmem>>
    %dma_start3A_3 = arith.constant 32 : i32
    %dma_start3A_4 = arith.constant 0 : i32
    %dma_start3A_5 = tpu.memref_slice %arg2[%add3A, %dma_start3A_3, %dma_start3A_4] : memref<32x256x100xi32, #tpu.memory_space<hbm>> -> memref<1x224x100xi32, #tpu.memory_space<hbm>>
    %dma_start3A_6 = tpu.memref_squeeze %dma_start3A_5 : memref<1x224x100xi32, #tpu.memory_space<hbm>> -> memref<224x100xi32, #tpu.memory_space<hbm>>
    %dma_start3A_7 = arith.constant 32 : i32
    %dma_start3A_8 = arith.constant 0 : i32
    %dma_start3A_9 = tpu.memref_slice %arg5[%dma_start3A_7, %dma_start3A_8] : memref<256x100xi32, #tpu.memory_space<vmem>> -> memref<224x100xi32, #tpu.memory_space<vmem>>
    %dma_start3A_10 = arith.constant 32 : i32
    %dma_start3A_11 = arith.constant 0 : i32
    %dma_start3A_12 = tpu.memref_slice %arg2[%add3A, %dma_start3A_10, %dma_start3A_11] : memref<32x256x100xi32, #tpu.memory_space<hbm>> -> memref<1x224x100xi32, #tpu.memory_space<hbm>>
    %dma_start3A_13 = tpu.memref_squeeze %dma_start3A_12 : memref<1x224x100xi32, #tpu.memory_space<hbm>> -> memref<224x100xi32, #tpu.memory_space<hbm>>
    tpu.enqueue_dma source(%dma_start3A_13 : memref<224x100xi32, #tpu.memory_space<hbm>>) target(%dma_start3A_9 : memref<224x100xi32, #tpu.memory_space<vmem>>) target_semaphore(%arg15 : memref<!tpu.dma_semaphore, #tpu.memory_space<semaphore_mem>>)
    %dma_start3A_14 = arith.constant 0 : i32
    %dma_start3A_15 = arith.constant 0 : i32
    %dma_start3A_16 = tpu.memref_slice %arg5[%dma_start3A_14, %dma_start3A_15] : memref<256x100xi32, #tpu.memory_space<vmem>> -> memref<1x100xi32, #tpu.memory_space<vmem>>
    %dma_start3A_17 = tpu.memref_squeeze %dma_start3A_16 : memref<1x100xi32, #tpu.memory_space<vmem>> -> memref<100xi32, #tpu.memory_space<vmem>>
    %dma_start3A_18 = arith.constant 0 : i32
    %dma_start3A_19 = arith.constant 0 : i32
    %dma_start3A_20 = tpu.memref_slice %arg3[%dma_start3A_18, %dma_start3A_19] : memref<1000000x32xf32, #tpu.memory_space<hbm>> -> memref<1000000x32xf32, #tpu.memory_space<hbm>>
    tpu.enqueue_indirect_dma source(%dma_start3A_20 : memref<1000000x32xf32, #tpu.memory_space<hbm>>) target(%arg6 : memref<100x32xf32, #tpu.memory_space<vmem>>) offsets(%dma_start3A_17 : memref<100xi32, #tpu.memory_space<vmem>>) semaphore(%arg11 : memref<!tpu.dma_semaphore, #tpu.memory_space<semaphore_mem>>)
    %dma_start3A_21 = arith.constant 1 : i32
    %dma_start3A_22 = arith.constant 0 : i32
    %dma_start3A_23 = tpu.memref_slice %arg5[%dma_start3A_21, %dma_start3A_22] : memref<256x100xi32, #tpu.memory_space<vmem>> -> memref<1x100xi32, #tpu.memory_space<vmem>>
    %dma_start3A_24 = tpu.memref_squeeze %dma_start3A_23 : memref<1x100xi32, #tpu.memory_space<vmem>> -> memref<100xi32, #tpu.memory_space<vmem>>
    %dma_start3A_25 = arith.constant 0 : i32
    %dma_start3A_26 = arith.constant 0 : i32
    %dma_start3A_27 = tpu.memref_slice %arg3[%dma_start3A_25, %dma_start3A_26] : memref<1000000x32xf32, #tpu.memory_space<hbm>> -> memref<1000000x32xf32, #tpu.memory_space<hbm>>
    tpu.enqueue_indirect_dma source(%dma_start3A_27 : memref<1000000x32xf32, #tpu.memory_space<hbm>>) target(%arg7 : memref<100x32xf32, #tpu.memory_space<vmem>>) offsets(%dma_start3A_24 : memref<100xi32, #tpu.memory_space<vmem>>) semaphore(%arg12 : memref<!tpu.dma_semaphore, #tpu.memory_space<semaphore_mem>>)
    %dma_start3A_28 = arith.constant 2 : i32
    %dma_start3A_29 = arith.constant 0 : i32
    %dma_start3A_30 = tpu.memref_slice %arg5[%dma_start3A_28, %dma_start3A_29] : memref<256x100xi32, #tpu.memory_space<vmem>> -> memref<1x100xi32, #tpu.memory_space<vmem>>
    %dma_start3A_31 = tpu.memref_squeeze %dma_start3A_30 : memref<1x100xi32, #tpu.memory_space<vmem>> -> memref<100xi32, #tpu.memory_space<vmem>>
    %dma_start3A_32 = arith.constant 0 : i32
    %dma_start3A_33 = arith.constant 0 : i32
    %dma_start3A_34 = tpu.memref_slice %arg3[%dma_start3A_32, %dma_start3A_33] : memref<1000000x32xf32, #tpu.memory_space<hbm>> -> memref<1000000x32xf32, #tpu.memory_space<hbm>>
    tpu.enqueue_indirect_dma source(%dma_start3A_34 : memref<1000000x32xf32, #tpu.memory_space<hbm>>) target(%arg8 : memref<100x32xf32, #tpu.memory_space<vmem>>) offsets(%dma_start3A_31 : memref<100xi32, #tpu.memory_space<vmem>>) semaphore(%arg13 : memref<!tpu.dma_semaphore, #tpu.memory_space<semaphore_mem>>)
    %scan3A = arith.constant 0 : i32
    %scan3A_35 = arith.constant 0 : i32
    %scan3A_36 = arith.constant 64 : i32
    %scan3A_37 = arith.addi %scan3A_35, %scan3A_36 : i32
    %scan3A_38 = arith.constant 1 : i32
    %scan3A_39 = scf.for %scan3A_56 = %scan3A_35 to %scan3A_37 step %scan3A_38 iter_args(%scan3A_57 = %scan3A) -> (i32)  : i32 {
      %mul3A_58 = arith.constant 4 : i32
      %mul3A_59 = arith.muli %mul3A_58, %scan3A_56 : i32
      %add3A_60 = arith.constant 0 : i32
      %add3A_61 = arith.addi %mul3A_59, %add3A_60 : i32
      %add3A_62 = arith.constant 4 : i32
      %add3A_63 = arith.addi %add3A_61, %add3A_62 : i32
      %sub3A = arith.constant 1 : i32
      %sub3A_64 = arith.subi %add3A_63, %sub3A : i32
      %lt3A = arith.constant 256 : i32
      %lt3A_65 = arith.cmpi slt, %sub3A_64, %lt3A : i32
      %convert_element_type3A = arith.extui %lt3A_65 : i1 to i32
      %cond3A = arith.constant 0 : i32
      %cond3A_66 = arith.cmpi ne, %convert_element_type3A, %cond3A : i32
      scf.if %cond3A_66 {
        %dma_start3A_5046 = arith.constant 0 : i32
        %dma_start3A_5047 = tpu.memref_slice %arg5[%sub3A_64, %dma_start3A_5046] : memref<256x100xi32, #tpu.memory_space<vmem>> -> memref<1x100xi32, #tpu.memory_space<vmem>>
        %dma_start3A_5048 = tpu.memref_squeeze %dma_start3A_5047 : memref<1x100xi32, #tpu.memory_space<vmem>> -> memref<100xi32, #tpu.memory_space<vmem>>
        %dma_start3A_5049 = arith.constant 0 : i32
        %dma_start3A_5050 = arith.constant 0 : i32
        %dma_start3A_5051 = tpu.memref_slice %arg3[%dma_start3A_5049, %dma_start3A_5050] : memref<1000000x32xf32, #tpu.memory_space<hbm>> -> memref<1000000x32xf32, #tpu.memory_space<hbm>>
        tpu.enqueue_indirect_dma source(%dma_start3A_5051 : memref<1000000x32xf32, #tpu.memory_space<hbm>>) target(%arg9 : memref<100x32xf32, #tpu.memory_space<vmem>>) offsets(%dma_start3A_5048 : memref<100xi32, #tpu.memory_space<vmem>>) semaphore(%arg14 : memref<!tpu.dma_semaphore, #tpu.memory_space<semaphore_mem>>)
      } else {
      }
      %dma_wait3A_67 = arith.constant 0 : i32
      %dma_wait3A_68 = arith.constant 0 : i32
      %dma_wait3A_69 = tpu.memref_slice %arg5[%dma_wait3A_67, %dma_wait3A_68] : memref<256x100xi32, #tpu.memory_space<vmem>> -> memref<1x100xi32, #tpu.memory_space<vmem>>
      %dma_wait3A_70 = tpu.memref_squeeze %dma_wait3A_69 : memref<1x100xi32, #tpu.memory_space<vmem>> -> memref<100xi32, #tpu.memory_space<vmem>>
      %dma_wait3A_71 = arith.constant 0 : i32
      %dma_wait3A_72 = arith.constant 0 : i32
      %dma_wait3A_73 = tpu.memref_slice %arg3[%dma_wait3A_71, %dma_wait3A_72] : memref<1000000x32xf32, #tpu.memory_space<hbm>> -> memref<1000000x32xf32, #tpu.memory_space<hbm>>
      tpu.wait_indirect_dma semaphore(%arg11 : memref<!tpu.dma_semaphore, #tpu.memory_space<semaphore_mem>>) src(%dma_wait3A_73 : memref<1000000x32xf32, #tpu.memory_space<hbm>>) dst(%arg6 : memref<100x32xf32, #tpu.memory_space<vmem>>)
      %mul3A_74 = arith.constant 2 : i32
      %mul3A_75 = arith.muli %mul3A_74, %add3A_61 : i32
      %get3A = arith.constant 0 : i32
      %get3A_76 = arith.index_cast %get3A : i32 to index
      %get3A_77 = arith.constant 0 : index
      %get3A_78 = tpu.vector_load %arg6[%get3A_76, %get3A_77] {strides = array<i32>} : memref<100x32xf32, #tpu.memory_space<vmem>>, vector<1x16xf32>,
      %get3A_79 = vector.shape_cast %get3A_78 : vector<1x16xf32> to vector<16xf32>
      %get3A_80 = arith.constant 0 : i32
      %get3A_81 = arith.index_cast %get3A_80 : i32 to index
      %get3A_82 = arith.constant 16 : index
      %get3A_83 = tpu.vector_load %arg6[%get3A_81, %get3A_82] {strides = array<i32>} : memref<100x32xf32, #tpu.memory_space<vmem>>, vector<1x16xf32>,
      %get3A_84 = vector.shape_cast %get3A_83 : vector<1x16xf32> to vector<16xf32>
      %get3A_85 = arith.constant 1 : i32
      %get3A_86 = arith.index_cast %get3A_85 : i32 to index
      %get3A_87 = arith.constant 0 : index
      %get3A_88 = tpu.vector_load %arg6[%get3A_86, %get3A_87] {strides = array<i32>} : memref<100x32xf32, #tpu.memory_space<vmem>>, vector<1x16xf32>,
      %get3A_89 = vector.shape_cast %get3A_88 : vector<1x16xf32> to vector<16xf32>
      %add3A_90 = arith.addf %get3A_79, %get3A_89 : vector<16xf32>
      %get3A_91 = arith.constant 1 : i32
      %get3A_92 = arith.index_cast %get3A_91 : i32 to index
      %get3A_93 = arith.constant 16 : index
      %get3A_94 = tpu.vector_load %arg6[%get3A_92, %get3A_93] {strides = array<i32>} : memref<100x32xf32, #tpu.memory_space<vmem>>, vector<1x16xf32>,
      %get3A_95 = vector.shape_cast %get3A_94 : vector<1x16xf32> to vector<16xf32>
      %add3A_96 = arith.addf %get3A_84, %get3A_95 : vector<16xf32>
      %get3A_97 = arith.constant 2 : i32
      %get3A_98 = arith.index_cast %get3A_97 : i32 to index
      %get3A_99 = arith.constant 0 : index
      %get3A_100 = tpu.vector_load %arg6[%get3A_98, %get3A_99] {strides = array<i32>} : memref<100x32xf32, #tpu.memory_space<vmem>>, vector<1x16xf32>,
      %get3A_101 = vector.shape_cast %get3A_100 : vector<1x16xf32> to vector<16xf32>
      %add3A_102 = arith.addf %add3A_90, %get3A_101 : vector<16xf32>
      %get3A_103 = arith.constant 2 : i32
      %get3A_104 = arith.index_cast %get3A_103 : i32 to index
      %get3A_105 = arith.constant 16 : index
      %get3A_106 = tpu.vector_load %arg6[%get3A_104, %get3A_105] {strides = array<i32>} : memref<100x32xf32, #tpu.memory_space<vmem>>, vector<1x16xf32>,
      %get3A_107 = vector.shape_cast %get3A_106 : vector<1x16xf32> to vector<16xf32>
      %add3A_108 = arith.addf %add3A_96, %get3A_107 : vector<16xf32>
      %get3A_109 = arith.constant 3 : i32
      %get3A_110 = arith.index_cast %get3A_109 : i32 to index
      %get3A_111 = arith.constant 0 : index
      %get3A_112 = tpu.vector_load %arg6[%get3A_110, %get3A_111] {strides = array<i32>} : memref<100x32xf32, #tpu.memory_space<vmem>>, vector<1x16xf32>,
      %get3A_113 = vector.shape_cast %get3A_112 : vector<1x16xf32> to vector<16xf32>
      %add3A_114 = arith.addf %add3A_102, %get3A_113 : vector<16xf32>
      %get3A_115 = arith.constant 3 : i32
      %get3A_116 = arith.index_cast %get3A_115 : i32 to index
      %get3A_117 = arith.constant 16 : index
      %get3A_118 = tpu.vector_load %arg6[%get3A_116, %get3A_117] {strides = array<i32>} : memref<100x32xf32, #tpu.memory_space<vmem>>, vector<1x16xf32>,
      %get3A_119 = vector.shape_cast %get3A_118 : vector<1x16xf32> to vector<16xf32>
      %add3A_120 = arith.addf %add3A_108, %get3A_119 : vector<16xf32>
      %get3A_121 = arith.constant 4 : i32
      %get3A_122 = arith.index_cast %get3A_121 : i32 to index
      %get3A_123 = arith.constant 0 : index
      %get3A_124 = tpu.vector_load %arg6[%get3A_122, %get3A_123] {strides = array<i32>} : memref<100x32xf32, #tpu.memory_space<vmem>>, vector<1x16xf32>,
      %get3A_125 = vector.shape_cast %get3A_124 : vector<1x16xf32> to vector<16xf32>
      %add3A_126 = arith.addf %add3A_114, %get3A_125 : vector<16xf32>
      %get3A_127 = arith.constant 4 : i32
      %get3A_128 = arith.index_cast %get3A_127 : i32 to index
      %get3A_129 = arith.constant 16 : index
      %get3A_130 = tpu.vector_load %arg6[%get3A_128, %get3A_129] {strides = array<i32>} : memref<100x32xf32, #tpu.memory_space<vmem>>, vector<1x16xf32>,
      %get3A_131 = vector.shape_cast %get3A_130 : vector<1x16xf32> to vector<16xf32>
      %add3A_132 = arith.addf %add3A_120, %get3A_131 : vector<16xf32>
      %get3A_133 = arith.constant 5 : i32
      %get3A_134 = arith.index_cast %get3A_133 : i32 to index
      %get3A_135 = arith.constant 0 : index
      %get3A_136 = tpu.vector_load %arg6[%get3A_134, %get3A_135] {strides = array<i32>} : memref<100x32xf32, #tpu.memory_space<vmem>>, vector<1x16xf32>,
      %get3A_137 = vector.shape_cast %get3A_136 : vector<1x16xf32> to vector<16xf32>
      %add3A_138 = arith.addf %add3A_126, %get3A_137 : vector<16xf32>
      %get3A_139 = arith.constant 5 : i32
      %get3A_140 = arith.index_cast %get3A_139 : i32 to index
      %get3A_141 = arith.constant 16 : index
      %get3A_142 = tpu.vector_load %arg6[%get3A_140, %get3A_141] {strides = array<i32>} : memref<100x32xf32, #tpu.memory_space<vmem>>, vector<1x16xf32>,
      %get3A_143 = vector.shape_cast %get3A_142 : vector<1x16xf32> to vector<16xf32>
      %add3A_144 = arith.addf %add3A_132, %get3A_143 : vector<16xf32>
      %get3A_145 = arith.constant 6 : i32
      %get3A_146 = arith.index_cast %get3A_145 : i32 to index
      %get3A_147 = arith.constant 0 : index
      %get3A_148 = tpu.vector_load %arg6[%get3A_146, %get3A_147] {strides = array<i32>} : memref<100x32xf32, #tpu.memory_space<vmem>>, vector<1x16xf32>,
      %get3A_149 = vector.shape_cast %get3A_148 : vector<1x16xf32> to vector<16xf32>
      %add3A_150 = arith.addf %add3A_138, %get3A_149 : vector<16xf32>
      %get3A_151 = arith.constant 6 : i32
      %get3A_152 = arith.index_cast %get3A_151 : i32 to index
      %get3A_153 = arith.constant 16 : index
      %get3A_154 = tpu.vector_load %arg6[%get3A_152, %get3A_153] {strides = array<i32>} : memref<100x32xf32, #tpu.memory_space<vmem>>, vector<1x16xf32>,
      %get3A_155 = vector.shape_cast %get3A_154 : vector<1x16xf32> to vector<16xf32>
      %add3A_156 = arith.addf %add3A_144, %get3A_155 : vector<16xf32>
      %get3A_157 = arith.constant 7 : i32
      %get3A_158 = arith.index_cast %get3A_157 : i32 to index
      %get3A_159 = arith.constant 0 : index
      %get3A_160 = tpu.vector_load %arg6[%get3A_158, %get3A_159] {strides = array<i32>} : memref<100x32xf32, #tpu.memory_space<vmem>>, vector<1x16xf32>,
      %get3A_161 = vector.shape_cast %get3A_160 : vector<1x16xf32> to vector<16xf32>
      %add3A_162 = arith.addf %add3A_150, %get3A_161 : vector<16xf32>
      %get3A_163 = arith.constant 7 : i32
      %get3A_164 = arith.index_cast %get3A_163 : i32 to index
      %get3A_165 = arith.constant 16 : index
      %get3A_166 = tpu.vector_load %arg6[%get3A_164, %get3A_165] {strides = array<i32>} : memref<100x32xf32, #tpu.memory_space<vmem>>, vector<1x16xf32>,
      %get3A_167 = vector.shape_cast %get3A_166 : vector<1x16xf32> to vector<16xf32>
      %add3A_168 = arith.addf %add3A_156, %get3A_167 : vector<16xf32>
      %get3A_169 = arith.constant 8 : i32
      %get3A_170 = arith.index_cast %get3A_169 : i32 to index
      %get3A_171 = arith.constant 0 : index
      %get3A_172 = tpu.vector_load %arg6[%get3A_170, %get3A_171] {strides = array<i32>} : memref<100x32xf32, #tpu.memory_space<vmem>>, vector<1x16xf32>,
      %get3A_173 = vector.shape_cast %get3A_172 : vector<1x16xf32> to vector<16xf32>
      %add3A_174 = arith.addf %add3A_162, %get3A_173 : vector<16xf32>
      %get3A_175 = arith.constant 8 : i32
      %get3A_176 = arith.index_cast %get3A_175 : i32 to index
      %get3A_177 = arith.constant 16 : index
      %get3A_178 = tpu.vector_load %arg6[%get3A_176, %get3A_177] {strides = array<i32>} : memref<100x32xf32, #tpu.memory_space<vmem>>, vector<1x16xf32>,
      %get3A_179 = vector.shape_cast %get3A_178 : vector<1x16xf32> to vector<16xf32>
      %add3A_180 = arith.addf %add3A_168, %get3A_179 : vector<16xf32>
      %get3A_181 = arith.constant 9 : i32
      %get3A_182 = arith.index_cast %get3A_181 : i32 to index
      %get3A_183 = arith.constant 0 : index
      %get3A_184 = tpu.vector_load %arg6[%get3A_182, %get3A_183] {strides = array<i32>} : memref<100x32xf32, #tpu.memory_space<vmem>>, vector<1x16xf32>,
      %get3A_185 = vector.shape_cast %get3A_184 : vector<1x16xf32> to vector<16xf32>
      %add3A_186 = arith.addf %add3A_174, %get3A_185 : vector<16xf32>
      %get3A_187 = arith.constant 9 : i32
      %get3A_188 = arith.index_cast %get3A_187 : i32 to index
      %get3A_189 = arith.constant 16 : index
      %get3A_190 = tpu.vector_load %arg6[%get3A_188, %get3A_189] {strides = array<i32>} : memref<100x32xf32, #tpu.memory_space<vmem>>, vector<1x16xf32>,
      %get3A_191 = vector.shape_cast %get3A_190 : vector<1x16xf32> to vector<16xf32>
      %add3A_192 = arith.addf %add3A_180, %get3A_191 : vector<16xf32>
      %get3A_193 = arith.constant 10 : i32
      %get3A_194 = arith.index_cast %get3A_193 : i32 to index
      %get3A_195 = arith.constant 0 : index
      %get3A_196 = tpu.vector_load %arg6[%get3A_194, %get3A_195] {strides = array<i32>} : memref<100x32xf32, #tpu.memory_space<vmem>>, vector<1x16xf32>,
      %get3A_197 = vector.shape_cast %get3A_196 : vector<1x16xf32> to vector<16xf32>
      %add3A_198 = arith.addf %add3A_186, %get3A_197 : vector<16xf32>
      %get3A_199 = arith.constant 10 : i32
      %get3A_200 = arith.index_cast %get3A_199 : i32 to index
      %get3A_201 = arith.constant 16 : index
      %get3A_202 = tpu.vector_load %arg6[%get3A_200, %get3A_201] {strides = array<i32>} : memref<100x32xf32, #tpu.memory_space<vmem>>, vector<1x16xf32>,
      %get3A_203 = vector.shape_cast %get3A_202 : vector<1x16xf32> to vector<16xf32>
      %add3A_204 = arith.addf %add3A_192, %get3A_203 : vector<16xf32>
      %get3A_205 = arith.constant 11 : i32
      %get3A_206 = arith.index_cast %get3A_205 : i32 to index
      %get3A_207 = arith.constant 0 : index
      %get3A_208 = tpu.vector_load %arg6[%get3A_206, %get3A_207] {strides = array<i32>} : memref<100x32xf32, #tpu.memory_space<vmem>>, vector<1x16xf32>,
      %get3A_209 = vector.shape_cast %get3A_208 : vector<1x16xf32> to vector<16xf32>
      %add3A_210 = arith.addf %add3A_198, %get3A_209 : vector<16xf32>
      %get3A_211 = arith.constant 11 : i32
      %get3A_212 = arith.index_cast %get3A_211 : i32 to index
      %get3A_213 = arith.constant 16 : index
      %get3A_214 = tpu.vector_load %arg6[%get3A_212, %get3A_213] {strides = array<i32>} : memref<100x32xf32, #tpu.memory_space<vmem>>, vector<1x16xf32>,
      %get3A_215 = vector.shape_cast %get3A_214 : vector<1x16xf32> to vector<16xf32>
      %add3A_216 = arith.addf %add3A_204, %get3A_215 : vector<16xf32>
      %get3A_217 = arith.constant 12 : i32
      %get3A_218 = arith.index_cast %get3A_217 : i32 to index
      %get3A_219 = arith.constant 0 : index
      %get3A_220 = tpu.vector_load %arg6[%get3A_218, %get3A_219] {strides = array<i32>} : memref<100x32xf32, #tpu.memory_space<vmem>>, vector<1x16xf32>,
      %get3A_221 = vector.shape_cast %get3A_220 : vector<1x16xf32> to vector<16xf32>
      %add3A_222 = arith.addf %add3A_210, %get3A_221 : vector<16xf32>
      %get3A_223 = arith.constant 12 : i32
      %get3A_224 = arith.index_cast %get3A_223 : i32 to index
      %get3A_225 = arith.constant 16 : index
      %get3A_226 = tpu.vector_load %arg6[%get3A_224, %get3A_225] {strides = array<i32>} : memref<100x32xf32, #tpu.memory_space<vmem>>, vector<1x16xf32>,
      %get3A_227 = vector.shape_cast %get3A_226 : vector<1x16xf32> to vector<16xf32>
      %add3A_228 = arith.addf %add3A_216, %get3A_227 : vector<16xf32>
      %get3A_229 = arith.constant 13 : i32
      %get3A_230 = arith.index_cast %get3A_229 : i32 to index
      %get3A_231 = arith.constant 0 : index
      %get3A_232 = tpu.vector_load %arg6[%get3A_230, %get3A_231] {strides = array<i32>} : memref<100x32xf32, #tpu.memory_space<vmem>>, vector<1x16xf32>,
      %get3A_233 = vector.shape_cast %get3A_232 : vector<1x16xf32> to vector<16xf32>
      %add3A_234 = arith.addf %add3A_222, %get3A_233 : vector<16xf32>
      %get3A_235 = arith.constant 13 : i32
      %get3A_236 = arith.index_cast %get3A_235 : i32 to index
      %get3A_237 = arith.constant 16 : index
      %get3A_238 = tpu.vector_load %arg6[%get3A_236, %get3A_237] {strides = array<i32>} : memref<100x32xf32, #tpu.memory_space<vmem>>, vector<1x16xf32>,
      %get3A_239 = vector.shape_cast %get3A_238 : vector<1x16xf32> to vector<16xf32>
      %add3A_240 = arith.addf %add3A_228, %get3A_239 : vector<16xf32>
      %get3A_241 = arith.constant 14 : i32
      %get3A_242 = arith.index_cast %get3A_241 : i32 to index
      %get3A_243 = arith.constant 0 : index
      %get3A_244 = tpu.vector_load %arg6[%get3A_242, %get3A_243] {strides = array<i32>} : memref<100x32xf32, #tpu.memory_space<vmem>>, vector<1x16xf32>,
      %get3A_245 = vector.shape_cast %get3A_244 : vector<1x16xf32> to vector<16xf32>
      %add3A_246 = arith.addf %add3A_234, %get3A_245 : vector<16xf32>
      %get3A_247 = arith.constant 14 : i32
      %get3A_248 = arith.index_cast %get3A_247 : i32 to index
      %get3A_249 = arith.constant 16 : index
      %get3A_250 = tpu.vector_load %arg6[%get3A_248, %get3A_249] {strides = array<i32>} : memref<100x32xf32, #tpu.memory_space<vmem>>, vector<1x16xf32>,
      %get3A_251 = vector.shape_cast %get3A_250 : vector<1x16xf32> to vector<16xf32>
      %add3A_252 = arith.addf %add3A_240, %get3A_251 : vector<16xf32>
      %get3A_253 = arith.constant 15 : i32
      %get3A_254 = arith.index_cast %get3A_253 : i32 to index
      %get3A_255 = arith.constant 0 : index
      %get3A_256 = tpu.vector_load %arg6[%get3A_254, %get3A_255] {strides = array<i32>} : memref<100x32xf32, #tpu.memory_space<vmem>>, vector<1x16xf32>,
      %get3A_257 = vector.shape_cast %get3A_256 : vector<1x16xf32> to vector<16xf32>
      %add3A_258 = arith.addf %add3A_246, %get3A_257 : vector<16xf32>
      %get3A_259 = arith.constant 15 : i32
      %get3A_260 = arith.index_cast %get3A_259 : i32 to index
      %get3A_261 = arith.constant 16 : index
      %get3A_262 = tpu.vector_load %arg6[%get3A_260, %get3A_261] {strides = array<i32>} : memref<100x32xf32, #tpu.memory_space<vmem>>, vector<1x16xf32>,
      %get3A_263 = vector.shape_cast %get3A_262 : vector<1x16xf32> to vector<16xf32>
      %add3A_264 = arith.addf %add3A_252, %get3A_263 : vector<16xf32>
      %get3A_265 = arith.constant 16 : i32
      %get3A_266 = arith.index_cast %get3A_265 : i32 to index
      %get3A_267 = arith.constant 0 : index
      %get3A_268 = tpu.vector_load %arg6[%get3A_266, %get3A_267] {strides = array<i32>} : memref<100x32xf32, #tpu.memory_space<vmem>>, vector<1x16xf32>,
      %get3A_269 = vector.shape_cast %get3A_268 : vector<1x16xf32> to vector<16xf32>
      %add3A_270 = arith.addf %add3A_258, %get3A_269 : vector<16xf32>
      %get3A_271 = arith.constant 16 : i32
      %get3A_272 = arith.index_cast %get3A_271 : i32 to index
      %get3A_273 = arith.constant 16 : index
      %get3A_274 = tpu.vector_load %arg6[%get3A_272, %get3A_273] {strides = array<i32>} : memref<100x32xf32, #tpu.memory_space<vmem>>, vector<1x16xf32>,
      %get3A_275 = vector.shape_cast %get3A_274 : vector<1x16xf32> to vector<16xf32>
      %add3A_276 = arith.addf %add3A_264, %get3A_275 : vector<16xf32>
      %get3A_277 = arith.constant 17 : i32
      %get3A_278 = arith.index_cast %get3A_277 : i32 to index
      %get3A_279 = arith.constant 0 : index
      %get3A_280 = tpu.vector_load %arg6[%get3A_278, %get3A_279] {strides = array<i32>} : memref<100x32xf32, #tpu.memory_space<vmem>>, vector<1x16xf32>,
      %get3A_281 = vector.shape_cast %get3A_280 : vector<1x16xf32> to vector<16xf32>
      %add3A_282 = arith.addf %add3A_270, %get3A_281 : vector<16xf32>
      %get3A_283 = arith.constant 17 : i32
      %get3A_284 = arith.index_cast %get3A_283 : i32 to index
      %get3A_285 = arith.constant 16 : index
      %get3A_286 = tpu.vector_load %arg6[%get3A_284, %get3A_285] {strides = array<i32>} : memref<100x32xf32, #tpu.memory_space<vmem>>, vector<1x16xf32>,
      %get3A_287 = vector.shape_cast %get3A_286 : vector<1x16xf32> to vector<16xf32>
      %add3A_288 = arith.addf %add3A_276, %get3A_287 : vector<16xf32>
      %get3A_289 = arith.constant 18 : i32
      %get3A_290 = arith.index_cast %get3A_289 : i32 to index
      %get3A_291 = arith.constant 0 : index
      %get3A_292 = tpu.vector_load %arg6[%get3A_290, %get3A_291] {strides = array<i32>} : memref<100x32xf32, #tpu.memory_space<vmem>>, vector<1x16xf32>,
      %get3A_293 = vector.shape_cast %get3A_292 : vector<1x16xf32> to vector<16xf32>
      %add3A_294 = arith.addf %add3A_282, %get3A_293 : vector<16xf32>
      %get3A_295 = arith.constant 18 : i32
      %get3A_296 = arith.index_cast %get3A_295 : i32 to index
      %get3A_297 = arith.constant 16 : index
      %get3A_298 = tpu.vector_load %arg6[%get3A_296, %get3A_297] {strides = array<i32>} : memref<100x32xf32, #tpu.memory_space<vmem>>, vector<1x16xf32>,
      %get3A_299 = vector.shape_cast %get3A_298 : vector<1x16xf32> to vector<16xf32>
      %add3A_300 = arith.addf %add3A_288, %get3A_299 : vector<16xf32>
      %get3A_301 = arith.constant 19 : i32
      %get3A_302 = arith.index_cast %get3A_301 : i32 to index
      %get3A_303 = arith.constant 0 : index
      %get3A_304 = tpu.vector_load %arg6[%get3A_302, %get3A_303] {strides = array<i32>} : memref<100x32xf32, #tpu.memory_space<vmem>>, vector<1x16xf32>,
      %get3A_305 = vector.shape_cast %get3A_304 : vector<1x16xf32> to vector<16xf32>
      %add3A_306 = arith.addf %add3A_294, %get3A_305 : vector<16xf32>
      %get3A_307 = arith.constant 19 : i32
      %get3A_308 = arith.index_cast %get3A_307 : i32 to index
      %get3A_309 = arith.constant 16 : index
      %get3A_310 = tpu.vector_load %arg6[%get3A_308, %get3A_309] {strides = array<i32>} : memref<100x32xf32, #tpu.memory_space<vmem>>, vector<1x16xf32>,
      %get3A_311 = vector.shape_cast %get3A_310 : vector<1x16xf32> to vector<16xf32>
      %add3A_312 = arith.addf %add3A_300, %get3A_311 : vector<16xf32>
      %get3A_313 = arith.constant 20 : i32
      %get3A_314 = arith.index_cast %get3A_313 : i32 to index
      %get3A_315 = arith.constant 0 : index
      %get3A_316 = tpu.vector_load %arg6[%get3A_314, %get3A_315] {strides = array<i32>} : memref<100x32xf32, #tpu.memory_space<vmem>>, vector<1x16xf32>,
      %get3A_317 = vector.shape_cast %get3A_316 : vector<1x16xf32> to vector<16xf32>
      %add3A_318 = arith.addf %add3A_306, %get3A_317 : vector<16xf32>
      %get3A_319 = arith.constant 20 : i32
      %get3A_320 = arith.index_cast %get3A_319 : i32 to index
      %get3A_321 = arith.constant 16 : index
      %get3A_322 = tpu.vector_load %arg6[%get3A_320, %get3A_321] {strides = array<i32>} : memref<100x32xf32, #tpu.memory_space<vmem>>, vector<1x16xf32>,
      %get3A_323 = vector.shape_cast %get3A_322 : vector<1x16xf32> to vector<16xf32>
      %add3A_324 = arith.addf %add3A_312, %get3A_323 : vector<16xf32>
      %get3A_325 = arith.constant 21 : i32
      %get3A_326 = arith.index_cast %get3A_325 : i32 to index
      %get3A_327 = arith.constant 0 : index
      %get3A_328 = tpu.vector_load %arg6[%get3A_326, %get3A_327] {strides = array<i32>} : memref<100x32xf32, #tpu.memory_space<vmem>>, vector<1x16xf32>,
      %get3A_329 = vector.shape_cast %get3A_328 : vector<1x16xf32> to vector<16xf32>
      %add3A_330 = arith.addf %add3A_318, %get3A_329 : vector<16xf32>
      %get3A_331 = arith.constant 21 : i32
      %get3A_332 = arith.index_cast %get3A_331 : i32 to index
      %get3A_333 = arith.constant 16 : index
      %get3A_334 = tpu.vector_load %arg6[%get3A_332, %get3A_333] {strides = array<i32>} : memref<100x32xf32, #tpu.memory_space<vmem>>, vector<1x16xf32>,
      %get3A_335 = vector.shape_cast %get3A_334 : vector<1x16xf32> to vector<16xf32>
      %add3A_336 = arith.addf %add3A_324, %get3A_335 : vector<16xf32>
      %get3A_337 = arith.constant 22 : i32
      %get3A_338 = arith.index_cast %get3A_337 : i32 to index
      %get3A_339 = arith.constant 0 : index
      %get3A_340 = tpu.vector_load %arg6[%get3A_338, %get3A_339] {strides = array<i32>} : memref<100x32xf32, #tpu.memory_space<vmem>>, vector<1x16xf32>,
      %get3A_341 = vector.shape_cast %get3A_340 : vector<1x16xf32> to vector<16xf32>
      %add3A_342 = arith.addf %add3A_330, %get3A_341 : vector<16xf32>
      %get3A_343 = arith.constant 22 : i32
      %get3A_344 = arith.index_cast %get3A_343 : i32 to index
      %get3A_345 = arith.constant 16 : index
      %get3A_346 = tpu.vector_load %arg6[%get3A_344, %get3A_345] {strides = array<i32>} : memref<100x32xf32, #tpu.memory_space<vmem>>, vector<1x16xf32>,
      %get3A_347 = vector.shape_cast %get3A_346 : vector<1x16xf32> to vector<16xf32>
      %add3A_348 = arith.addf %add3A_336, %get3A_347 : vector<16xf32>
      %get3A_349 = arith.constant 23 : i32
      %get3A_350 = arith.index_cast %get3A_349 : i32 to index
      %get3A_351 = arith.constant 0 : index
      %get3A_352 = tpu.vector_load %arg6[%get3A_350, %get3A_351] {strides = array<i32>} : memref<100x32xf32, #tpu.memory_space<vmem>>, vector<1x16xf32>,
      %get3A_353 = vector.shape_cast %get3A_352 : vector<1x16xf32> to vector<16xf32>
      %add3A_354 = arith.addf %add3A_342, %get3A_353 : vector<16xf32>
      %get3A_355 = arith.constant 23 : i32
      %get3A_356 = arith.index_cast %get3A_355 : i32 to index
      %get3A_357 = arith.constant 16 : index
      %get3A_358 = tpu.vector_load %arg6[%get3A_356, %get3A_357] {strides = array<i32>} : memref<100x32xf32, #tpu.memory_space<vmem>>, vector<1x16xf32>,
      %get3A_359 = vector.shape_cast %get3A_358 : vector<1x16xf32> to vector<16xf32>
      %add3A_360 = arith.addf %add3A_348, %get3A_359 : vector<16xf32>
      %get3A_361 = arith.constant 24 : i32
      %get3A_362 = arith.index_cast %get3A_361 : i32 to index
      %get3A_363 = arith.constant 0 : index
      %get3A_364 = tpu.vector_load %arg6[%get3A_362, %get3A_363] {strides = array<i32>} : memref<100x32xf32, #tpu.memory_space<vmem>>, vector<1x16xf32>,
      %get3A_365 = vector.shape_cast %get3A_364 : vector<1x16xf32> to vector<16xf32>
      %add3A_366 = arith.addf %add3A_354, %get3A_365 : vector<16xf32>
      %get3A_367 = arith.constant 24 : i32
      %get3A_368 = arith.index_cast %get3A_367 : i32 to index
      %get3A_369 = arith.constant 16 : index
      %get3A_370 = tpu.vector_load %arg6[%get3A_368, %get3A_369] {strides = array<i32>} : memref<100x32xf32, #tpu.memory_space<vmem>>, vector<1x16xf32>,
      %get3A_371 = vector.shape_cast %get3A_370 : vector<1x16xf32> to vector<16xf32>
      %add3A_372 = arith.addf %add3A_360, %get3A_371 : vector<16xf32>
      %get3A_373 = arith.constant 25 : i32
      %get3A_374 = arith.index_cast %get3A_373 : i32 to index
      %get3A_375 = arith.constant 0 : index
      %get3A_376 = tpu.vector_load %arg6[%get3A_374, %get3A_375] {strides = array<i32>} : memref<100x32xf32, #tpu.memory_space<vmem>>, vector<1x16xf32>,
      %get3A_377 = vector.shape_cast %get3A_376 : vector<1x16xf32> to vector<16xf32>
      %add3A_378 = arith.addf %add3A_366, %get3A_377 : vector<16xf32>
      %get3A_379 = arith.constant 25 : i32
      %get3A_380 = arith.index_cast %get3A_379 : i32 to index
      %get3A_381 = arith.constant 16 : index
      %get3A_382 = tpu.vector_load %arg6[%get3A_380, %get3A_381] {strides = array<i32>} : memref<100x32xf32, #tpu.memory_space<vmem>>, vector<1x16xf32>,
      %get3A_383 = vector.shape_cast %get3A_382 : vector<1x16xf32> to vector<16xf32>
      %add3A_384 = arith.addf %add3A_372, %get3A_383 : vector<16xf32>
      %get3A_385 = arith.constant 26 : i32
      %get3A_386 = arith.index_cast %get3A_385 : i32 to index
      %get3A_387 = arith.constant 0 : index
      %get3A_388 = tpu.vector_load %arg6[%get3A_386, %get3A_387] {strides = array<i32>} : memref<100x32xf32, #tpu.memory_space<vmem>>, vector<1x16xf32>,
      %get3A_389 = vector.shape_cast %get3A_388 : vector<1x16xf32> to vector<16xf32>
      %add3A_390 = arith.addf %add3A_378, %get3A_389 : vector<16xf32>
      %get3A_391 = arith.constant 26 : i32
      %get3A_392 = arith.index_cast %get3A_391 : i32 to index
      %get3A_393 = arith.constant 16 : index
      %get3A_394 = tpu.vector_load %arg6[%get3A_392, %get3A_393] {strides = array<i32>} : memref<100x32xf32, #tpu.memory_space<vmem>>, vector<1x16xf32>,
      %get3A_395 = vector.shape_cast %get3A_394 : vector<1x16xf32> to vector<16xf32>
      %add3A_396 = arith.addf %add3A_384, %get3A_395 : vector<16xf32>
      %get3A_397 = arith.constant 27 : i32
      %get3A_398 = arith.index_cast %get3A_397 : i32 to index
      %get3A_399 = arith.constant 0 : index
      %get3A_400 = tpu.vector_load %arg6[%get3A_398, %get3A_399] {strides = array<i32>} : memref<100x32xf32, #tpu.memory_space<vmem>>, vector<1x16xf32>,
      %get3A_401 = vector.shape_cast %get3A_400 : vector<1x16xf32> to vector<16xf32>
      %add3A_402 = arith.addf %add3A_390, %get3A_401 : vector<16xf32>
      %get3A_403 = arith.constant 27 : i32
      %get3A_404 = arith.index_cast %get3A_403 : i32 to index
      %get3A_405 = arith.constant 16 : index
      %get3A_406 = tpu.vector_load %arg6[%get3A_404, %get3A_405] {strides = array<i32>} : memref<100x32xf32, #tpu.memory_space<vmem>>, vector<1x16xf32>,
      %get3A_407 = vector.shape_cast %get3A_406 : vector<1x16xf32> to vector<16xf32>
      %add3A_408 = arith.addf %add3A_396, %get3A_407 : vector<16xf32>
      %get3A_409 = arith.constant 28 : i32
      %get3A_410 = arith.index_cast %get3A_409 : i32 to index
      %get3A_411 = arith.constant 0 : index
      %get3A_412 = tpu.vector_load %arg6[%get3A_410, %get3A_411] {strides = array<i32>} : memref<100x32xf32, #tpu.memory_space<vmem>>, vector<1x16xf32>,
      %get3A_413 = vector.shape_cast %get3A_412 : vector<1x16xf32> to vector<16xf32>
      %add3A_414 = arith.addf %add3A_402, %get3A_413 : vector<16xf32>
      %get3A_415 = arith.constant 28 : i32
      %get3A_416 = arith.index_cast %get3A_415 : i32 to index
      %get3A_417 = arith.constant 16 : index
      %get3A_418 = tpu.vector_load %arg6[%get3A_416, %get3A_417] {strides = array<i32>} : memref<100x32xf32, #tpu.memory_space<vmem>>, vector<1x16xf32>,
      %get3A_419 = vector.shape_cast %get3A_418 : vector<1x16xf32> to vector<16xf32>
      %add3A_420 = arith.addf %add3A_408, %get3A_419 : vector<16xf32>
      %get3A_421 = arith.constant 29 : i32
      %get3A_422 = arith.index_cast %get3A_421 : i32 to index
      %get3A_423 = arith.constant 0 : index
      %get3A_424 = tpu.vector_load %arg6[%get3A_422, %get3A_423] {strides = array<i32>} : memref<100x32xf32, #tpu.memory_space<vmem>>, vector<1x16xf32>,
      %get3A_425 = vector.shape_cast %get3A_424 : vector<1x16xf32> to vector<16xf32>
      %add3A_426 = arith.addf %add3A_414, %get3A_425 : vector<16xf32>
      %get3A_427 = arith.constant 29 : i32
      %get3A_428 = arith.index_cast %get3A_427 : i32 to index
      %get3A_429 = arith.constant 16 : index
      %get3A_430 = tpu.vector_load %arg6[%get3A_428, %get3A_429] {strides = array<i32>} : memref<100x32xf32, #tpu.memory_space<vmem>>, vector<1x16xf32>,
      %get3A_431 = vector.shape_cast %get3A_430 : vector<1x16xf32> to vector<16xf32>
      %add3A_432 = arith.addf %add3A_420, %get3A_431 : vector<16xf32>
      %get3A_433 = arith.constant 30 : i32
      %get3A_434 = arith.index_cast %get3A_433 : i32 to index
      %get3A_435 = arith.constant 0 : index
      %get3A_436 = tpu.vector_load %arg6[%get3A_434, %get3A_435] {strides = array<i32>} : memref<100x32xf32, #tpu.memory_space<vmem>>, vector<1x16xf32>,
      %get3A_437 = vector.shape_cast %get3A_436 : vector<1x16xf32> to vector<16xf32>
      %add3A_438 = arith.addf %add3A_426, %get3A_437 : vector<16xf32>
      %get3A_439 = arith.constant 30 : i32
      %get3A_440 = arith.index_cast %get3A_439 : i32 to index
      %get3A_441 = arith.constant 16 : index
      %get3A_442 = tpu.vector_load %arg6[%get3A_440, %get3A_441] {strides = array<i32>} : memref<100x32xf32, #tpu.memory_space<vmem>>, vector<1x16xf32>,
      %get3A_443 = vector.shape_cast %get3A_442 : vector<1x16xf32> to vector<16xf32>
      %add3A_444 = arith.addf %add3A_432, %get3A_443 : vector<16xf32>
      %get3A_445 = arith.constant 31 : i32
      %get3A_446 = arith.index_cast %get3A_445 : i32 to index
      %get3A_447 = arith.constant 0 : index
      %get3A_448 = tpu.vector_load %arg6[%get3A_446, %get3A_447] {strides = array<i32>} : memref<100x32xf32, #tpu.memory_space<vmem>>, vector<1x16xf32>,
      %get3A_449 = vector.shape_cast %get3A_448 : vector<1x16xf32> to vector<16xf32>
      %add3A_450 = arith.addf %add3A_438, %get3A_449 : vector<16xf32>
      %get3A_451 = arith.constant 31 : i32
      %get3A_452 = arith.index_cast %get3A_451 : i32 to index
      %get3A_453 = arith.constant 16 : index
      %get3A_454 = tpu.vector_load %arg6[%get3A_452, %get3A_453] {strides = array<i32>} : memref<100x32xf32, #tpu.memory_space<vmem>>, vector<1x16xf32>,
      %get3A_455 = vector.shape_cast %get3A_454 : vector<1x16xf32> to vector<16xf32>
      %add3A_456 = arith.addf %add3A_444, %get3A_455 : vector<16xf32>
      %get3A_457 = arith.constant 32 : i32
      %get3A_458 = arith.index_cast %get3A_457 : i32 to index
      %get3A_459 = arith.constant 0 : index
      %get3A_460 = tpu.vector_load %arg6[%get3A_458, %get3A_459] {strides = array<i32>} : memref<100x32xf32, #tpu.memory_space<vmem>>, vector<1x16xf32>,
      %get3A_461 = vector.shape_cast %get3A_460 : vector<1x16xf32> to vector<16xf32>
      %add3A_462 = arith.addf %add3A_450, %get3A_461 : vector<16xf32>
      %get3A_463 = arith.constant 32 : i32
      %get3A_464 = arith.index_cast %get3A_463 : i32 to index
      %get3A_465 = arith.constant 16 : index
      %get3A_466 = tpu.vector_load %arg6[%get3A_464, %get3A_465] {strides = array<i32>} : memref<100x32xf32, #tpu.memory_space<vmem>>, vector<1x16xf32>,
      %get3A_467 = vector.shape_cast %get3A_466 : vector<1x16xf32> to vector<16xf32>
      %add3A_468 = arith.addf %add3A_456, %get3A_467 : vector<16xf32>
      %get3A_469 = arith.constant 33 : i32
      %get3A_470 = arith.index_cast %get3A_469 : i32 to index
      %get3A_471 = arith.constant 0 : index
      %get3A_472 = tpu.vector_load %arg6[%get3A_470, %get3A_471] {strides = array<i32>} : memref<100x32xf32, #tpu.memory_space<vmem>>, vector<1x16xf32>,
      %get3A_473 = vector.shape_cast %get3A_472 : vector<1x16xf32> to vector<16xf32>
      %add3A_474 = arith.addf %add3A_462, %get3A_473 : vector<16xf32>
      %get3A_475 = arith.constant 33 : i32
      %get3A_476 = arith.index_cast %get3A_475 : i32 to index
      %get3A_477 = arith.constant 16 : index
      %get3A_478 = tpu.vector_load %arg6[%get3A_476, %get3A_477] {strides = array<i32>} : memref<100x32xf32, #tpu.memory_space<vmem>>, vector<1x16xf32>,
      %get3A_479 = vector.shape_cast %get3A_478 : vector<1x16xf32> to vector<16xf32>
      %add3A_480 = arith.addf %add3A_468, %get3A_479 : vector<16xf32>
      %get3A_481 = arith.constant 34 : i32
      %get3A_482 = arith.index_cast %get3A_481 : i32 to index
      %get3A_483 = arith.constant 0 : index
      %get3A_484 = tpu.vector_load %arg6[%get3A_482, %get3A_483] {strides = array<i32>} : memref<100x32xf32, #tpu.memory_space<vmem>>, vector<1x16xf32>,
      %get3A_485 = vector.shape_cast %get3A_484 : vector<1x16xf32> to vector<16xf32>
      %add3A_486 = arith.addf %add3A_474, %get3A_485 : vector<16xf32>
      %get3A_487 = arith.constant 34 : i32
      %get3A_488 = arith.index_cast %get3A_487 : i32 to index
      %get3A_489 = arith.constant 16 : index
      %get3A_490 = tpu.vector_load %arg6[%get3A_488, %get3A_489] {strides = array<i32>} : memref<100x32xf32, #tpu.memory_space<vmem>>, vector<1x16xf32>,
      %get3A_491 = vector.shape_cast %get3A_490 : vector<1x16xf32> to vector<16xf32>
      %add3A_492 = arith.addf %add3A_480, %get3A_491 : vector<16xf32>
      %get3A_493 = arith.constant 35 : i32
      %get3A_494 = arith.index_cast %get3A_493 : i32 to index
      %get3A_495 = arith.constant 0 : index
      %get3A_496 = tpu.vector_load %arg6[%get3A_494, %get3A_495] {strides = array<i32>} : memref<100x32xf32, #tpu.memory_space<vmem>>, vector<1x16xf32>,
      %get3A_497 = vector.shape_cast %get3A_496 : vector<1x16xf32> to vector<16xf32>
      %add3A_498 = arith.addf %add3A_486, %get3A_497 : vector<16xf32>
      %get3A_499 = arith.constant 35 : i32
      %get3A_500 = arith.index_cast %get3A_499 : i32 to index
      %get3A_501 = arith.constant 16 : index
      %get3A_502 = tpu.vector_load %arg6[%get3A_500, %get3A_501] {strides = array<i32>} : memref<100x32xf32, #tpu.memory_space<vmem>>, vector<1x16xf32>,
      %get3A_503 = vector.shape_cast %get3A_502 : vector<1x16xf32> to vector<16xf32>
      %add3A_504 = arith.addf %add3A_492, %get3A_503 : vector<16xf32>
      %get3A_505 = arith.constant 36 : i32
      %get3A_506 = arith.index_cast %get3A_505 : i32 to index
      %get3A_507 = arith.constant 0 : index
      %get3A_508 = tpu.vector_load %arg6[%get3A_506, %get3A_507] {strides = array<i32>} : memref<100x32xf32, #tpu.memory_space<vmem>>, vector<1x16xf32>,
      %get3A_509 = vector.shape_cast %get3A_508 : vector<1x16xf32> to vector<16xf32>
      %add3A_510 = arith.addf %add3A_498, %get3A_509 : vector<16xf32>
      %get3A_511 = arith.constant 36 : i32
      %get3A_512 = arith.index_cast %get3A_511 : i32 to index
      %get3A_513 = arith.constant 16 : index
      %get3A_514 = tpu.vector_load %arg6[%get3A_512, %get3A_513] {strides = array<i32>} : memref<100x32xf32, #tpu.memory_space<vmem>>, vector<1x16xf32>,
      %get3A_515 = vector.shape_cast %get3A_514 : vector<1x16xf32> to vector<16xf32>
      %add3A_516 = arith.addf %add3A_504, %get3A_515 : vector<16xf32>
      %get3A_517 = arith.constant 37 : i32
      %get3A_518 = arith.index_cast %get3A_517 : i32 to index
      %get3A_519 = arith.constant 0 : index
      %get3A_520 = tpu.vector_load %arg6[%get3A_518, %get3A_519] {strides = array<i32>} : memref<100x32xf32, #tpu.memory_space<vmem>>, vector<1x16xf32>,
      %get3A_521 = vector.shape_cast %get3A_520 : vector<1x16xf32> to vector<16xf32>
      %add3A_522 = arith.addf %add3A_510, %get3A_521 : vector<16xf32>
      %get3A_523 = arith.constant 37 : i32
      %get3A_524 = arith.index_cast %get3A_523 : i32 to index
      %get3A_525 = arith.constant 16 : index
      %get3A_526 = tpu.vector_load %arg6[%get3A_524, %get3A_525] {strides = array<i32>} : memref<100x32xf32, #tpu.memory_space<vmem>>, vector<1x16xf32>,
      %get3A_527 = vector.shape_cast %get3A_526 : vector<1x16xf32> to vector<16xf32>
      %add3A_528 = arith.addf %add3A_516, %get3A_527 : vector<16xf32>
      %get3A_529 = arith.constant 38 : i32
      %get3A_530 = arith.index_cast %get3A_529 : i32 to index
      %get3A_531 = arith.constant 0 : index
      %get3A_532 = tpu.vector_load %arg6[%get3A_530, %get3A_531] {strides = array<i32>} : memref<100x32xf32, #tpu.memory_space<vmem>>, vector<1x16xf32>,
      %get3A_533 = vector.shape_cast %get3A_532 : vector<1x16xf32> to vector<16xf32>
      %add3A_534 = arith.addf %add3A_522, %get3A_533 : vector<16xf32>
      %get3A_535 = arith.constant 38 : i32
      %get3A_536 = arith.index_cast %get3A_535 : i32 to index
      %get3A_537 = arith.constant 16 : index
      %get3A_538 = tpu.vector_load %arg6[%get3A_536, %get3A_537] {strides = array<i32>} : memref<100x32xf32, #tpu.memory_space<vmem>>, vector<1x16xf32>,
      %get3A_539 = vector.shape_cast %get3A_538 : vector<1x16xf32> to vector<16xf32>
      %add3A_540 = arith.addf %add3A_528, %get3A_539 : vector<16xf32>
      %get3A_541 = arith.constant 39 : i32
      %get3A_542 = arith.index_cast %get3A_541 : i32 to index
      %get3A_543 = arith.constant 0 : index
      %get3A_544 = tpu.vector_load %arg6[%get3A_542, %get3A_543] {strides = array<i32>} : memref<100x32xf32, #tpu.memory_space<vmem>>, vector<1x16xf32>,
      %get3A_545 = vector.shape_cast %get3A_544 : vector<1x16xf32> to vector<16xf32>
      %add3A_546 = arith.addf %add3A_534, %get3A_545 : vector<16xf32>
      %get3A_547 = arith.constant 39 : i32
      %get3A_548 = arith.index_cast %get3A_547 : i32 to index
      %get3A_549 = arith.constant 16 : index
      %get3A_550 = tpu.vector_load %arg6[%get3A_548, %get3A_549] {strides = array<i32>} : memref<100x32xf32, #tpu.memory_space<vmem>>, vector<1x16xf32>,
      %get3A_551 = vector.shape_cast %get3A_550 : vector<1x16xf32> to vector<16xf32>
      %add3A_552 = arith.addf %add3A_540, %get3A_551 : vector<16xf32>
      %get3A_553 = arith.constant 40 : i32
      %get3A_554 = arith.index_cast %get3A_553 : i32 to index
      %get3A_555 = arith.constant 0 : index
      %get3A_556 = tpu.vector_load %arg6[%get3A_554, %get3A_555] {strides = array<i32>} : memref<100x32xf32, #tpu.memory_space<vmem>>, vector<1x16xf32>,
      %get3A_557 = vector.shape_cast %get3A_556 : vector<1x16xf32> to vector<16xf32>
      %add3A_558 = arith.addf %add3A_546, %get3A_557 : vector<16xf32>
      %get3A_559 = arith.constant 40 : i32
      %get3A_560 = arith.index_cast %get3A_559 : i32 to index
      %get3A_561 = arith.constant 16 : index
      %get3A_562 = tpu.vector_load %arg6[%get3A_560, %get3A_561] {strides = array<i32>} : memref<100x32xf32, #tpu.memory_space<vmem>>, vector<1x16xf32>,
      %get3A_563 = vector.shape_cast %get3A_562 : vector<1x16xf32> to vector<16xf32>
      %add3A_564 = arith.addf %add3A_552, %get3A_563 : vector<16xf32>
      %get3A_565 = arith.constant 41 : i32
      %get3A_566 = arith.index_cast %get3A_565 : i32 to index
      %get3A_567 = arith.constant 0 : index
      %get3A_568 = tpu.vector_load %arg6[%get3A_566, %get3A_567] {strides = array<i32>} : memref<100x32xf32, #tpu.memory_space<vmem>>, vector<1x16xf32>,
      %get3A_569 = vector.shape_cast %get3A_568 : vector<1x16xf32> to vector<16xf32>
      %add3A_570 = arith.addf %add3A_558, %get3A_569 : vector<16xf32>
      %get3A_571 = arith.constant 41 : i32
      %get3A_572 = arith.index_cast %get3A_571 : i32 to index
      %get3A_573 = arith.constant 16 : index
      %get3A_574 = tpu.vector_load %arg6[%get3A_572, %get3A_573] {strides = array<i32>} : memref<100x32xf32, #tpu.memory_space<vmem>>, vector<1x16xf32>,
      %get3A_575 = vector.shape_cast %get3A_574 : vector<1x16xf32> to vector<16xf32>
      %add3A_576 = arith.addf %add3A_564, %get3A_575 : vector<16xf32>
      %get3A_577 = arith.constant 42 : i32
      %get3A_578 = arith.index_cast %get3A_577 : i32 to index
      %get3A_579 = arith.constant 0 : index
      %get3A_580 = tpu.vector_load %arg6[%get3A_578, %get3A_579] {strides = array<i32>} : memref<100x32xf32, #tpu.memory_space<vmem>>, vector<1x16xf32>,
      %get3A_581 = vector.shape_cast %get3A_580 : vector<1x16xf32> to vector<16xf32>
      %add3A_582 = arith.addf %add3A_570, %get3A_581 : vector<16xf32>
      %get3A_583 = arith.constant 42 : i32
      %get3A_584 = arith.index_cast %get3A_583 : i32 to index
      %get3A_585 = arith.constant 16 : index
      %get3A_586 = tpu.vector_load %arg6[%get3A_584, %get3A_585] {strides = array<i32>} : memref<100x32xf32, #tpu.memory_space<vmem>>, vector<1x16xf32>,
      %get3A_587 = vector.shape_cast %get3A_586 : vector<1x16xf32> to vector<16xf32>
      %add3A_588 = arith.addf %add3A_576, %get3A_587 : vector<16xf32>
      %get3A_589 = arith.constant 43 : i32
      %get3A_590 = arith.index_cast %get3A_589 : i32 to index
      %get3A_591 = arith.constant 0 : index
      %get3A_592 = tpu.vector_load %arg6[%get3A_590, %get3A_591] {strides = array<i32>} : memref<100x32xf32, #tpu.memory_space<vmem>>, vector<1x16xf32>,
      %get3A_593 = vector.shape_cast %get3A_592 : vector<1x16xf32> to vector<16xf32>
      %add3A_594 = arith.addf %add3A_582, %get3A_593 : vector<16xf32>
      %get3A_595 = arith.constant 43 : i32
      %get3A_596 = arith.index_cast %get3A_595 : i32 to index
      %get3A_597 = arith.constant 16 : index
      %get3A_598 = tpu.vector_load %arg6[%get3A_596, %get3A_597] {strides = array<i32>} : memref<100x32xf32, #tpu.memory_space<vmem>>, vector<1x16xf32>,
      %get3A_599 = vector.shape_cast %get3A_598 : vector<1x16xf32> to vector<16xf32>
      %add3A_600 = arith.addf %add3A_588, %get3A_599 : vector<16xf32>
      %get3A_601 = arith.constant 44 : i32
      %get3A_602 = arith.index_cast %get3A_601 : i32 to index
      %get3A_603 = arith.constant 0 : index
      %get3A_604 = tpu.vector_load %arg6[%get3A_602, %get3A_603] {strides = array<i32>} : memref<100x32xf32, #tpu.memory_space<vmem>>, vector<1x16xf32>,
      %get3A_605 = vector.shape_cast %get3A_604 : vector<1x16xf32> to vector<16xf32>
      %add3A_606 = arith.addf %add3A_594, %get3A_605 : vector<16xf32>
      %get3A_607 = arith.constant 44 : i32
      %get3A_608 = arith.index_cast %get3A_607 : i32 to index
      %get3A_609 = arith.constant 16 : index
      %get3A_610 = tpu.vector_load %arg6[%get3A_608, %get3A_609] {strides = array<i32>} : memref<100x32xf32, #tpu.memory_space<vmem>>, vector<1x16xf32>,
      %get3A_611 = vector.shape_cast %get3A_610 : vector<1x16xf32> to vector<16xf32>
      %add3A_612 = arith.addf %add3A_600, %get3A_611 : vector<16xf32>
      %get3A_613 = arith.constant 45 : i32
      %get3A_614 = arith.index_cast %get3A_613 : i32 to index
      %get3A_615 = arith.constant 0 : index
      %get3A_616 = tpu.vector_load %arg6[%get3A_614, %get3A_615] {strides = array<i32>} : memref<100x32xf32, #tpu.memory_space<vmem>>, vector<1x16xf32>,
      %get3A_617 = vector.shape_cast %get3A_616 : vector<1x16xf32> to vector<16xf32>
      %add3A_618 = arith.addf %add3A_606, %get3A_617 : vector<16xf32>
      %get3A_619 = arith.constant 45 : i32
      %get3A_620 = arith.index_cast %get3A_619 : i32 to index
      %get3A_621 = arith.constant 16 : index
      %get3A_622 = tpu.vector_load %arg6[%get3A_620, %get3A_621] {strides = array<i32>} : memref<100x32xf32, #tpu.memory_space<vmem>>, vector<1x16xf32>,
      %get3A_623 = vector.shape_cast %get3A_622 : vector<1x16xf32> to vector<16xf32>
      %add3A_624 = arith.addf %add3A_612, %get3A_623 : vector<16xf32>
      %get3A_625 = arith.constant 46 : i32
      %get3A_626 = arith.index_cast %get3A_625 : i32 to index
      %get3A_627 = arith.constant 0 : index
      %get3A_628 = tpu.vector_load %arg6[%get3A_626, %get3A_627] {strides = array<i32>} : memref<100x32xf32, #tpu.memory_space<vmem>>, vector<1x16xf32>,
      %get3A_629 = vector.shape_cast %get3A_628 : vector<1x16xf32> to vector<16xf32>
      %add3A_630 = arith.addf %add3A_618, %get3A_629 : vector<16xf32>
      %get3A_631 = arith.constant 46 : i32
      %get3A_632 = arith.index_cast %get3A_631 : i32 to index
      %get3A_633 = arith.constant 16 : index
      %get3A_634 = tpu.vector_load %arg6[%get3A_632, %get3A_633] {strides = array<i32>} : memref<100x32xf32, #tpu.memory_space<vmem>>, vector<1x16xf32>,
      %get3A_635 = vector.shape_cast %get3A_634 : vector<1x16xf32> to vector<16xf32>
      %add3A_636 = arith.addf %add3A_624, %get3A_635 : vector<16xf32>
      %get3A_637 = arith.constant 47 : i32
      %get3A_638 = arith.index_cast %get3A_637 : i32 to index
      %get3A_639 = arith.constant 0 : index
      %get3A_640 = tpu.vector_load %arg6[%get3A_638, %get3A_639] {strides = array<i32>} : memref<100x32xf32, #tpu.memory_space<vmem>>, vector<1x16xf32>,
      %get3A_641 = vector.shape_cast %get3A_640 : vector<1x16xf32> to vector<16xf32>
      %add3A_642 = arith.addf %add3A_630, %get3A_641 : vector<16xf32>
      %get3A_643 = arith.constant 47 : i32
      %get3A_644 = arith.index_cast %get3A_643 : i32 to index
      %get3A_645 = arith.constant 16 : index
      %get3A_646 = tpu.vector_load %arg6[%get3A_644, %get3A_645] {strides = array<i32>} : memref<100x32xf32, #tpu.memory_space<vmem>>, vector<1x16xf32>,
      %get3A_647 = vector.shape_cast %get3A_646 : vector<1x16xf32> to vector<16xf32>
      %add3A_648 = arith.addf %add3A_636, %get3A_647 : vector<16xf32>
      %get3A_649 = arith.constant 48 : i32
      %get3A_650 = arith.index_cast %get3A_649 : i32 to index
      %get3A_651 = arith.constant 0 : index
      %get3A_652 = tpu.vector_load %arg6[%get3A_650, %get3A_651] {strides = array<i32>} : memref<100x32xf32, #tpu.memory_space<vmem>>, vector<1x16xf32>,
      %get3A_653 = vector.shape_cast %get3A_652 : vector<1x16xf32> to vector<16xf32>
      %add3A_654 = arith.addf %add3A_642, %get3A_653 : vector<16xf32>
      %get3A_655 = arith.constant 48 : i32
      %get3A_656 = arith.index_cast %get3A_655 : i32 to index
      %get3A_657 = arith.constant 16 : index
      %get3A_658 = tpu.vector_load %arg6[%get3A_656, %get3A_657] {strides = array<i32>} : memref<100x32xf32, #tpu.memory_space<vmem>>, vector<1x16xf32>,
      %get3A_659 = vector.shape_cast %get3A_658 : vector<1x16xf32> to vector<16xf32>
      %add3A_660 = arith.addf %add3A_648, %get3A_659 : vector<16xf32>
      %get3A_661 = arith.constant 49 : i32
      %get3A_662 = arith.index_cast %get3A_661 : i32 to index
      %get3A_663 = arith.constant 0 : index
      %get3A_664 = tpu.vector_load %arg6[%get3A_662, %get3A_663] {strides = array<i32>} : memref<100x32xf32, #tpu.memory_space<vmem>>, vector<1x16xf32>,
      %get3A_665 = vector.shape_cast %get3A_664 : vector<1x16xf32> to vector<16xf32>
      %add3A_666 = arith.addf %add3A_654, %get3A_665 : vector<16xf32>
      %get3A_667 = arith.constant 49 : i32
      %get3A_668 = arith.index_cast %get3A_667 : i32 to index
      %get3A_669 = arith.constant 16 : index
      %get3A_670 = tpu.vector_load %arg6[%get3A_668, %get3A_669] {strides = array<i32>} : memref<100x32xf32, #tpu.memory_space<vmem>>, vector<1x16xf32>,
      %get3A_671 = vector.shape_cast %get3A_670 : vector<1x16xf32> to vector<16xf32>
      %add3A_672 = arith.addf %add3A_660, %get3A_671 : vector<16xf32>
      %add3A_673 = arith.constant 0 : i32
      %add3A_674 = arith.addi %mul3A_75, %add3A_673 : i32
      %swap3A = arith.index_cast %add3A_674 : i32 to index
      %swap3A_675 = arith.constant 0 : index
      %swap3A_676 = tpu.vector_load %arg10[%swap3A, %swap3A_675] {strides = array<i32>} : memref<512x32xf32, #tpu.memory_space<vmem>>, vector<1x16xf32>,
      %swap3A_677 = vector.shape_cast %swap3A_676 : vector<1x16xf32> to vector<16xf32>
      %swap3A_678 = vector.shape_cast %add3A_666 : vector<16xf32> to vector<1x16xf32>
      tpu.vector_store %arg10[%swap3A, %swap3A_675], %swap3A_678 {strides = array<i32>} : memref<512x32xf32, #tpu.memory_space<vmem>>, vector<1x16xf32>,
      %add3A_679 = arith.constant 0 : i32
      %add3A_680 = arith.addi %mul3A_75, %add3A_679 : i32
      %swap3A_681 = arith.index_cast %add3A_680 : i32 to index
      %swap3A_682 = arith.constant 16 : index
      %swap3A_683 = tpu.vector_load %arg10[%swap3A_681, %swap3A_682] {strides = array<i32>} : memref<512x32xf32, #tpu.memory_space<vmem>>, vector<1x16xf32>,
      %swap3A_684 = vector.shape_cast %swap3A_683 : vector<1x16xf32> to vector<16xf32>
      %swap3A_685 = vector.shape_cast %add3A_672 : vector<16xf32> to vector<1x16xf32>
      tpu.vector_store %arg10[%swap3A_681, %swap3A_682], %swap3A_685 {strides = array<i32>} : memref<512x32xf32, #tpu.memory_space<vmem>>, vector<1x16xf32>,
      %get3A_686 = arith.constant 50 : i32
      %get3A_687 = arith.index_cast %get3A_686 : i32 to index
      %get3A_688 = arith.constant 0 : index
      %get3A_689 = tpu.vector_load %arg6[%get3A_687, %get3A_688] {strides = array<i32>} : memref<100x32xf32, #tpu.memory_space<vmem>>, vector<1x16xf32>,
      %get3A_690 = vector.shape_cast %get3A_689 : vector<1x16xf32> to vector<16xf32>
      %get3A_691 = arith.constant 50 : i32
      %get3A_692 = arith.index_cast %get3A_691 : i32 to index
      %get3A_693 = arith.constant 16 : index
      %get3A_694 = tpu.vector_load %arg6[%get3A_692, %get3A_693] {strides = array<i32>} : memref<100x32xf32, #tpu.memory_space<vmem>>, vector<1x16xf32>,
      %get3A_695 = vector.shape_cast %get3A_694 : vector<1x16xf32> to vector<16xf32>
      %get3A_696 = arith.constant 51 : i32
      %get3A_697 = arith.index_cast %get3A_696 : i32 to index
      %get3A_698 = arith.constant 0 : index
      %get3A_699 = tpu.vector_load %arg6[%get3A_697, %get3A_698] {strides = array<i32>} : memref<100x32xf32, #tpu.memory_space<vmem>>, vector<1x16xf32>,
      %get3A_700 = vector.shape_cast %get3A_699 : vector<1x16xf32> to vector<16xf32>
      %add3A_701 = arith.addf %get3A_690, %get3A_700 : vector<16xf32>
      %get3A_702 = arith.constant 51 : i32
      %get3A_703 = arith.index_cast %get3A_702 : i32 to index
      %get3A_704 = arith.constant 16 : index
      %get3A_705 = tpu.vector_load %arg6[%get3A_703, %get3A_704] {strides = array<i32>} : memref<100x32xf32, #tpu.memory_space<vmem>>, vector<1x16xf32>,
      %get3A_706 = vector.shape_cast %get3A_705 : vector<1x16xf32> to vector<16xf32>
      %add3A_707 = arith.addf %get3A_695, %get3A_706 : vector<16xf32>
      %get3A_708 = arith.constant 52 : i32
      %get3A_709 = arith.index_cast %get3A_708 : i32 to index
      %get3A_710 = arith.constant 0 : index
      %get3A_711 = tpu.vector_load %arg6[%get3A_709, %get3A_710] {strides = array<i32>} : memref<100x32xf32, #tpu.memory_space<vmem>>, vector<1x16xf32>,
      %get3A_712 = vector.shape_cast %get3A_711 : vector<1x16xf32> to vector<16xf32>
      %add3A_713 = arith.addf %add3A_701, %get3A_712 : vector<16xf32>
      %get3A_714 = arith.constant 52 : i32
      %get3A_715 = arith.index_cast %get3A_714 : i32 to index
      %get3A_716 = arith.constant 16 : index
      %get3A_717 = tpu.vector_load %arg6[%get3A_715, %get3A_716] {strides = array<i32>} : memref<100x32xf32, #tpu.memory_space<vmem>>, vector<1x16xf32>,
      %get3A_718 = vector.shape_cast %get3A_717 : vector<1x16xf32> to vector<16xf32>
      %add3A_719 = arith.addf %add3A_707, %get3A_718 : vector<16xf32>
      %get3A_720 = arith.constant 53 : i32
      %get3A_721 = arith.index_cast %get3A_720 : i32 to index
      %get3A_722 = arith.constant 0 : index
      %get3A_723 = tpu.vector_load %arg6[%get3A_721, %get3A_722] {strides = array<i32>} : memref<100x32xf32, #tpu.memory_space<vmem>>, vector<1x16xf32>,
      %get3A_724 = vector.shape_cast %get3A_723 : vector<1x16xf32> to vector<16xf32>
      %add3A_725 = arith.addf %add3A_713, %get3A_724 : vector<16xf32>
      %get3A_726 = arith.constant 53 : i32
      %get3A_727 = arith.index_cast %get3A_726 : i32 to index
      %get3A_728 = arith.constant 16 : index
      %get3A_729 = tpu.vector_load %arg6[%get3A_727, %get3A_728] {strides = array<i32>} : memref<100x32xf32, #tpu.memory_space<vmem>>, vector<1x16xf32>,
      %get3A_730 = vector.shape_cast %get3A_729 : vector<1x16xf32> to vector<16xf32>
      %add3A_731 = arith.addf %add3A_719, %get3A_730 : vector<16xf32>
      %get3A_732 = arith.constant 54 : i32
      %get3A_733 = arith.index_cast %get3A_732 : i32 to index
      %get3A_734 = arith.constant 0 : index
      %get3A_735 = tpu.vector_load %arg6[%get3A_733, %get3A_734] {strides = array<i32>} : memref<100x32xf32, #tpu.memory_space<vmem>>, vector<1x16xf32>,
      %get3A_736 = vector.shape_cast %get3A_735 : vector<1x16xf32> to vector<16xf32>
      %add3A_737 = arith.addf %add3A_725, %get3A_736 : vector<16xf32>
      %get3A_738 = arith.constant 54 : i32
      %get3A_739 = arith.index_cast %get3A_738 : i32 to index
      %get3A_740 = arith.constant 16 : index
      %get3A_741 = tpu.vector_load %arg6[%get3A_739, %get3A_740] {strides = array<i32>} : memref<100x32xf32, #tpu.memory_space<vmem>>, vector<1x16xf32>,
      %get3A_742 = vector.shape_cast %get3A_741 : vector<1x16xf32> to vector<16xf32>
      %add3A_743 = arith.addf %add3A_731, %get3A_742 : vector<16xf32>
      %get3A_744 = arith.constant 55 : i32
      %get3A_745 = arith.index_cast %get3A_744 : i32 to index
      %get3A_746 = arith.constant 0 : index
      %get3A_747 = tpu.vector_load %arg6[%get3A_745, %get3A_746] {strides = array<i32>} : memref<100x32xf32, #tpu.memory_space<vmem>>, vector<1x16xf32>,
      %get3A_748 = vector.shape_cast %get3A_747 : vector<1x16xf32> to vector<16xf32>
      %add3A_749 = arith.addf %add3A_737, %get3A_748 : vector<16xf32>
      %get3A_750 = arith.constant 55 : i32
      %get3A_751 = arith.index_cast %get3A_750 : i32 to index
      %get3A_752 = arith.constant 16 : index
      %get3A_753 = tpu.vector_load %arg6[%get3A_751, %get3A_752] {strides = array<i32>} : memref<100x32xf32, #tpu.memory_space<vmem>>, vector<1x16xf32>,
      %get3A_754 = vector.shape_cast %get3A_753 : vector<1x16xf32> to vector<16xf32>
      %add3A_755 = arith.addf %add3A_743, %get3A_754 : vector<16xf32>
      %get3A_756 = arith.constant 56 : i32
      %get3A_757 = arith.index_cast %get3A_756 : i32 to index
      %get3A_758 = arith.constant 0 : index
      %get3A_759 = tpu.vector_load %arg6[%get3A_757, %get3A_758] {strides = array<i32>} : memref<100x32xf32, #tpu.memory_space<vmem>>, vector<1x16xf32>,
      %get3A_760 = vector.shape_cast %get3A_759 : vector<1x16xf32> to vector<16xf32>
      %add3A_761 = arith.addf %add3A_749, %get3A_760 : vector<16xf32>
      %get3A_762 = arith.constant 56 : i32
      %get3A_763 = arith.index_cast %get3A_762 : i32 to index
      %get3A_764 = arith.constant 16 : index
      %get3A_765 = tpu.vector_load %arg6[%get3A_763, %get3A_764] {strides = array<i32>} : memref<100x32xf32, #tpu.memory_space<vmem>>, vector<1x16xf32>,
      %get3A_766 = vector.shape_cast %get3A_765 : vector<1x16xf32> to vector<16xf32>
      %add3A_767 = arith.addf %add3A_755, %get3A_766 : vector<16xf32>
      %get3A_768 = arith.constant 57 : i32
      %get3A_769 = arith.index_cast %get3A_768 : i32 to index
      %get3A_770 = arith.constant 0 : index
      %get3A_771 = tpu.vector_load %arg6[%get3A_769, %get3A_770] {strides = array<i32>} : memref<100x32xf32, #tpu.memory_space<vmem>>, vector<1x16xf32>,
      %get3A_772 = vector.shape_cast %get3A_771 : vector<1x16xf32> to vector<16xf32>
      %add3A_773 = arith.addf %add3A_761, %get3A_772 : vector<16xf32>
      %get3A_774 = arith.constant 57 : i32
      %get3A_775 = arith.index_cast %get3A_774 : i32 to index
      %get3A_776 = arith.constant 16 : index
      %get3A_777 = tpu.vector_load %arg6[%get3A_775, %get3A_776] {strides = array<i32>} : memref<100x32xf32, #tpu.memory_space<vmem>>, vector<1x16xf32>,
      %get3A_778 = vector.shape_cast %get3A_777 : vector<1x16xf32> to vector<16xf32>
      %add3A_779 = arith.addf %add3A_767, %get3A_778 : vector<16xf32>
      %get3A_780 = arith.constant 58 : i32
      %get3A_781 = arith.index_cast %get3A_780 : i32 to index
      %get3A_782 = arith.constant 0 : index
      %get3A_783 = tpu.vector_load %arg6[%get3A_781, %get3A_782] {strides = array<i32>} : memref<100x32xf32, #tpu.memory_space<vmem>>, vector<1x16xf32>,
      %get3A_784 = vector.shape_cast %get3A_783 : vector<1x16xf32> to vector<16xf32>
      %add3A_785 = arith.addf %add3A_773, %get3A_784 : vector<16xf32>
      %get3A_786 = arith.constant 58 : i32
      %get3A_787 = arith.index_cast %get3A_786 : i32 to index
      %get3A_788 = arith.constant 16 : index
      %get3A_789 = tpu.vector_load %arg6[%get3A_787, %get3A_788] {strides = array<i32>} : memref<100x32xf32, #tpu.memory_space<vmem>>, vector<1x16xf32>,
      %get3A_790 = vector.shape_cast %get3A_789 : vector<1x16xf32> to vector<16xf32>
      %add3A_791 = arith.addf %add3A_779, %get3A_790 : vector<16xf32>
      %get3A_792 = arith.constant 59 : i32
      %get3A_793 = arith.index_cast %get3A_792 : i32 to index
      %get3A_794 = arith.constant 0 : index
      %get3A_795 = tpu.vector_load %arg6[%get3A_793, %get3A_794] {strides = array<i32>} : memref<100x32xf32, #tpu.memory_space<vmem>>, vector<1x16xf32>,
      %get3A_796 = vector.shape_cast %get3A_795 : vector<1x16xf32> to vector<16xf32>
      %add3A_797 = arith.addf %add3A_785, %get3A_796 : vector<16xf32>
      %get3A_798 = arith.constant 59 : i32
      %get3A_799 = arith.index_cast %get3A_798 : i32 to index
      %get3A_800 = arith.constant 16 : index
      %get3A_801 = tpu.vector_load %arg6[%get3A_799, %get3A_800] {strides = array<i32>} : memref<100x32xf32, #tpu.memory_space<vmem>>, vector<1x16xf32>,
      %get3A_802 = vector.shape_cast %get3A_801 : vector<1x16xf32> to vector<16xf32>
      %add3A_803 = arith.addf %add3A_791, %get3A_802 : vector<16xf32>
      %get3A_804 = arith.constant 60 : i32
      %get3A_805 = arith.index_cast %get3A_804 : i32 to index
      %get3A_806 = arith.constant 0 : index
      %get3A_807 = tpu.vector_load %arg6[%get3A_805, %get3A_806] {strides = array<i32>} : memref<100x32xf32, #tpu.memory_space<vmem>>, vector<1x16xf32>,
      %get3A_808 = vector.shape_cast %get3A_807 : vector<1x16xf32> to vector<16xf32>
      %add3A_809 = arith.addf %add3A_797, %get3A_808 : vector<16xf32>
      %get3A_810 = arith.constant 60 : i32
      %get3A_811 = arith.index_cast %get3A_810 : i32 to index
      %get3A_812 = arith.constant 16 : index
      %get3A_813 = tpu.vector_load %arg6[%get3A_811, %get3A_812] {strides = array<i32>} : memref<100x32xf32, #tpu.memory_space<vmem>>, vector<1x16xf32>,
      %get3A_814 = vector.shape_cast %get3A_813 : vector<1x16xf32> to vector<16xf32>
      %add3A_815 = arith.addf %add3A_803, %get3A_814 : vector<16xf32>
      %get3A_816 = arith.constant 61 : i32
      %get3A_817 = arith.index_cast %get3A_816 : i32 to index
      %get3A_818 = arith.constant 0 : index
      %get3A_819 = tpu.vector_load %arg6[%get3A_817, %get3A_818] {strides = array<i32>} : memref<100x32xf32, #tpu.memory_space<vmem>>, vector<1x16xf32>,
      %get3A_820 = vector.shape_cast %get3A_819 : vector<1x16xf32> to vector<16xf32>
      %add3A_821 = arith.addf %add3A_809, %get3A_820 : vector<16xf32>
      %get3A_822 = arith.constant 61 : i32
      %get3A_823 = arith.index_cast %get3A_822 : i32 to index
      %get3A_824 = arith.constant 16 : index
      %get3A_825 = tpu.vector_load %arg6[%get3A_823, %get3A_824] {strides = array<i32>} : memref<100x32xf32, #tpu.memory_space<vmem>>, vector<1x16xf32>,
      %get3A_826 = vector.shape_cast %get3A_825 : vector<1x16xf32> to vector<16xf32>
      %add3A_827 = arith.addf %add3A_815, %get3A_826 : vector<16xf32>
      %get3A_828 = arith.constant 62 : i32
      %get3A_829 = arith.index_cast %get3A_828 : i32 to index
      %get3A_830 = arith.constant 0 : index
      %get3A_831 = tpu.vector_load %arg6[%get3A_829, %get3A_830] {strides = array<i32>} : memref<100x32xf32, #tpu.memory_space<vmem>>, vector<1x16xf32>,
      %get3A_832 = vector.shape_cast %get3A_831 : vector<1x16xf32> to vector<16xf32>
      %add3A_833 = arith.addf %add3A_821, %get3A_832 : vector<16xf32>
      %get3A_834 = arith.constant 62 : i32
      %get3A_835 = arith.index_cast %get3A_834 : i32 to index
      %get3A_836 = arith.constant 16 : index
      %get3A_837 = tpu.vector_load %arg6[%get3A_835, %get3A_836] {strides = array<i32>} : memref<100x32xf32, #tpu.memory_space<vmem>>, vector<1x16xf32>,
      %get3A_838 = vector.shape_cast %get3A_837 : vector<1x16xf32> to vector<16xf32>
      %add3A_839 = arith.addf %add3A_827, %get3A_838 : vector<16xf32>
      %get3A_840 = arith.constant 63 : i32
      %get3A_841 = arith.index_cast %get3A_840 : i32 to index
      %get3A_842 = arith.constant 0 : index
      %get3A_843 = tpu.vector_load %arg6[%get3A_841, %get3A_842] {strides = array<i32>} : memref<100x32xf32, #tpu.memory_space<vmem>>, vector<1x16xf32>,
      %get3A_844 = vector.shape_cast %get3A_843 : vector<1x16xf32> to vector<16xf32>
      %add3A_845 = arith.addf %add3A_833, %get3A_844 : vector<16xf32>
      %get3A_846 = arith.constant 63 : i32
      %get3A_847 = arith.index_cast %get3A_846 : i32 to index
      %get3A_848 = arith.constant 16 : index
      %get3A_849 = tpu.vector_load %arg6[%get3A_847, %get3A_848] {strides = array<i32>} : memref<100x32xf32, #tpu.memory_space<vmem>>, vector<1x16xf32>,
      %get3A_850 = vector.shape_cast %get3A_849 : vector<1x16xf32> to vector<16xf32>
      %add3A_851 = arith.addf %add3A_839, %get3A_850 : vector<16xf32>
      %get3A_852 = arith.constant 64 : i32
      %get3A_853 = arith.index_cast %get3A_852 : i32 to index
      %get3A_854 = arith.constant 0 : index
      %get3A_855 = tpu.vector_load %arg6[%get3A_853, %get3A_854] {strides = array<i32>} : memref<100x32xf32, #tpu.memory_space<vmem>>, vector<1x16xf32>,
      %get3A_856 = vector.shape_cast %get3A_855 : vector<1x16xf32> to vector<16xf32>
      %add3A_857 = arith.addf %add3A_845, %get3A_856 : vector<16xf32>
      %get3A_858 = arith.constant 64 : i32
      %get3A_859 = arith.index_cast %get3A_858 : i32 to index
      %get3A_860 = arith.constant 16 : index
      %get3A_861 = tpu.vector_load %arg6[%get3A_859, %get3A_860] {strides = array<i32>} : memref<100x32xf32, #tpu.memory_space<vmem>>, vector<1x16xf32>,
      %get3A_862 = vector.shape_cast %get3A_861 : vector<1x16xf32> to vector<16xf32>
      %add3A_863 = arith.addf %add3A_851, %get3A_862 : vector<16xf32>
      %get3A_864 = arith.constant 65 : i32
      %get3A_865 = arith.index_cast %get3A_864 : i32 to index
      %get3A_866 = arith.constant 0 : index
      %get3A_867 = tpu.vector_load %arg6[%get3A_865, %get3A_866] {strides = array<i32>} : memref<100x32xf32, #tpu.memory_space<vmem>>, vector<1x16xf32>,
      %get3A_868 = vector.shape_cast %get3A_867 : vector<1x16xf32> to vector<16xf32>
      %add3A_869 = arith.addf %add3A_857, %get3A_868 : vector<16xf32>
      %get3A_870 = arith.constant 65 : i32
      %get3A_871 = arith.index_cast %get3A_870 : i32 to index
      %get3A_872 = arith.constant 16 : index
      %get3A_873 = tpu.vector_load %arg6[%get3A_871, %get3A_872] {strides = array<i32>} : memref<100x32xf32, #tpu.memory_space<vmem>>, vector<1x16xf32>,
      %get3A_874 = vector.shape_cast %get3A_873 : vector<1x16xf32> to vector<16xf32>
      %add3A_875 = arith.addf %add3A_863, %get3A_874 : vector<16xf32>
      %get3A_876 = arith.constant 66 : i32
      %get3A_877 = arith.index_cast %get3A_876 : i32 to index
      %get3A_878 = arith.constant 0 : index
      %get3A_879 = tpu.vector_load %arg6[%get3A_877, %get3A_878] {strides = array<i32>} : memref<100x32xf32, #tpu.memory_space<vmem>>, vector<1x16xf32>,
      %get3A_880 = vector.shape_cast %get3A_879 : vector<1x16xf32> to vector<16xf32>
      %add3A_881 = arith.addf %add3A_869, %get3A_880 : vector<16xf32>
      %get3A_882 = arith.constant 66 : i32
      %get3A_883 = arith.index_cast %get3A_882 : i32 to index
      %get3A_884 = arith.constant 16 : index
      %get3A_885 = tpu.vector_load %arg6[%get3A_883, %get3A_884] {strides = array<i32>} : memref<100x32xf32, #tpu.memory_space<vmem>>, vector<1x16xf32>,
      %get3A_886 = vector.shape_cast %get3A_885 : vector<1x16xf32> to vector<16xf32>
      %add3A_887 = arith.addf %add3A_875, %get3A_886 : vector<16xf32>
      %get3A_888 = arith.constant 67 : i32
      %get3A_889 = arith.index_cast %get3A_888 : i32 to index
      %get3A_890 = arith.constant 0 : index
      %get3A_891 = tpu.vector_load %arg6[%get3A_889, %get3A_890] {strides = array<i32>} : memref<100x32xf32, #tpu.memory_space<vmem>>, vector<1x16xf32>,
      %get3A_892 = vector.shape_cast %get3A_891 : vector<1x16xf32> to vector<16xf32>
      %add3A_893 = arith.addf %add3A_881, %get3A_892 : vector<16xf32>
      %get3A_894 = arith.constant 67 : i32
      %get3A_895 = arith.index_cast %get3A_894 : i32 to index
      %get3A_896 = arith.constant 16 : index
      %get3A_897 = tpu.vector_load %arg6[%get3A_895, %get3A_896] {strides = array<i32>} : memref<100x32xf32, #tpu.memory_space<vmem>>, vector<1x16xf32>,
      %get3A_898 = vector.shape_cast %get3A_897 : vector<1x16xf32> to vector<16xf32>
      %add3A_899 = arith.addf %add3A_887, %get3A_898 : vector<16xf32>
      %get3A_900 = arith.constant 68 : i32
      %get3A_901 = arith.index_cast %get3A_900 : i32 to index
      %get3A_902 = arith.constant 0 : index
      %get3A_903 = tpu.vector_load %arg6[%get3A_901, %get3A_902] {strides = array<i32>} : memref<100x32xf32, #tpu.memory_space<vmem>>, vector<1x16xf32>,
      %get3A_904 = vector.shape_cast %get3A_903 : vector<1x16xf32> to vector<16xf32>
      %add3A_905 = arith.addf %add3A_893, %get3A_904 : vector<16xf32>
      %get3A_906 = arith.constant 68 : i32
      %get3A_907 = arith.index_cast %get3A_906 : i32 to index
      %get3A_908 = arith.constant 16 : index
      %get3A_909 = tpu.vector_load %arg6[%get3A_907, %get3A_908] {strides = array<i32>} : memref<100x32xf32, #tpu.memory_space<vmem>>, vector<1x16xf32>,
      %get3A_910 = vector.shape_cast %get3A_909 : vector<1x16xf32> to vector<16xf32>
      %add3A_911 = arith.addf %add3A_899, %get3A_910 : vector<16xf32>
      %get3A_912 = arith.constant 69 : i32
      %get3A_913 = arith.index_cast %get3A_912 : i32 to index
      %get3A_914 = arith.constant 0 : index
      %get3A_915 = tpu.vector_load %arg6[%get3A_913, %get3A_914] {strides = array<i32>} : memref<100x32xf32, #tpu.memory_space<vmem>>, vector<1x16xf32>,
      %get3A_916 = vector.shape_cast %get3A_915 : vector<1x16xf32> to vector<16xf32>
      %add3A_917 = arith.addf %add3A_905, %get3A_916 : vector<16xf32>
      %get3A_918 = arith.constant 69 : i32
      %get3A_919 = arith.index_cast %get3A_918 : i32 to index
      %get3A_920 = arith.constant 16 : index
      %get3A_921 = tpu.vector_load %arg6[%get3A_919, %get3A_920] {strides = array<i32>} : memref<100x32xf32, #tpu.memory_space<vmem>>, vector<1x16xf32>,
      %get3A_922 = vector.shape_cast %get3A_921 : vector<1x16xf32> to vector<16xf32>
      %add3A_923 = arith.addf %add3A_911, %get3A_922 : vector<16xf32>
      %get3A_924 = arith.constant 70 : i32
      %get3A_925 = arith.index_cast %get3A_924 : i32 to index
      %get3A_926 = arith.constant 0 : index
      %get3A_927 = tpu.vector_load %arg6[%get3A_925, %get3A_926] {strides = array<i32>} : memref<100x32xf32, #tpu.memory_space<vmem>>, vector<1x16xf32>,
      %get3A_928 = vector.shape_cast %get3A_927 : vector<1x16xf32> to vector<16xf32>
      %add3A_929 = arith.addf %add3A_917, %get3A_928 : vector<16xf32>
      %get3A_930 = arith.constant 70 : i32
      %get3A_931 = arith.index_cast %get3A_930 : i32 to index
      %get3A_932 = arith.constant 16 : index
      %get3A_933 = tpu.vector_load %arg6[%get3A_931, %get3A_932] {strides = array<i32>} : memref<100x32xf32, #tpu.memory_space<vmem>>, vector<1x16xf32>,
      %get3A_934 = vector.shape_cast %get3A_933 : vector<1x16xf32> to vector<16xf32>
      %add3A_935 = arith.addf %add3A_923, %get3A_934 : vector<16xf32>
      %get3A_936 = arith.constant 71 : i32
      %get3A_937 = arith.index_cast %get3A_936 : i32 to index
      %get3A_938 = arith.constant 0 : index
      %get3A_939 = tpu.vector_load %arg6[%get3A_937, %get3A_938] {strides = array<i32>} : memref<100x32xf32, #tpu.memory_space<vmem>>, vector<1x16xf32>,
      %get3A_940 = vector.shape_cast %get3A_939 : vector<1x16xf32> to vector<16xf32>
      %add3A_941 = arith.addf %add3A_929, %get3A_940 : vector<16xf32>
      %get3A_942 = arith.constant 71 : i32
      %get3A_943 = arith.index_cast %get3A_942 : i32 to index
      %get3A_944 = arith.constant 16 : index
      %get3A_945 = tpu.vector_load %arg6[%get3A_943, %get3A_944] {strides = array<i32>} : memref<100x32xf32, #tpu.memory_space<vmem>>, vector<1x16xf32>,
      %get3A_946 = vector.shape_cast %get3A_945 : vector<1x16xf32> to vector<16xf32>
      %add3A_947 = arith.addf %add3A_935, %get3A_946 : vector<16xf32>
      %get3A_948 = arith.constant 72 : i32
      %get3A_949 = arith.index_cast %get3A_948 : i32 to index
      %get3A_950 = arith.constant 0 : index
      %get3A_951 = tpu.vector_load %arg6[%get3A_949, %get3A_950] {strides = array<i32>} : memref<100x32xf32, #tpu.memory_space<vmem>>, vector<1x16xf32>,
      %get3A_952 = vector.shape_cast %get3A_951 : vector<1x16xf32> to vector<16xf32>
      %add3A_953 = arith.addf %add3A_941, %get3A_952 : vector<16xf32>
      %get3A_954 = arith.constant 72 : i32
      %get3A_955 = arith.index_cast %get3A_954 : i32 to index
      %get3A_956 = arith.constant 16 : index
      %get3A_957 = tpu.vector_load %arg6[%get3A_955, %get3A_956] {strides = array<i32>} : memref<100x32xf32, #tpu.memory_space<vmem>>, vector<1x16xf32>,
      %get3A_958 = vector.shape_cast %get3A_957 : vector<1x16xf32> to vector<16xf32>
      %add3A_959 = arith.addf %add3A_947, %get3A_958 : vector<16xf32>
      %get3A_960 = arith.constant 73 : i32
      %get3A_961 = arith.index_cast %get3A_960 : i32 to index
      %get3A_962 = arith.constant 0 : index
      %get3A_963 = tpu.vector_load %arg6[%get3A_961, %get3A_962] {strides = array<i32>} : memref<100x32xf32, #tpu.memory_space<vmem>>, vector<1x16xf32>,
      %get3A_964 = vector.shape_cast %get3A_963 : vector<1x16xf32> to vector<16xf32>
      %add3A_965 = arith.addf %add3A_953, %get3A_964 : vector<16xf32>
      %get3A_966 = arith.constant 73 : i32
      %get3A_967 = arith.index_cast %get3A_966 : i32 to index
      %get3A_968 = arith.constant 16 : index
      %get3A_969 = tpu.vector_load %arg6[%get3A_967, %get3A_968] {strides = array<i32>} : memref<100x32xf32, #tpu.memory_space<vmem>>, vector<1x16xf32>,
      %get3A_970 = vector.shape_cast %get3A_969 : vector<1x16xf32> to vector<16xf32>
      %add3A_971 = arith.addf %add3A_959, %get3A_970 : vector<16xf32>
      %get3A_972 = arith.constant 74 : i32
      %get3A_973 = arith.index_cast %get3A_972 : i32 to index
      %get3A_974 = arith.constant 0 : index
      %get3A_975 = tpu.vector_load %arg6[%get3A_973, %get3A_974] {strides = array<i32>} : memref<100x32xf32, #tpu.memory_space<vmem>>, vector<1x16xf32>,
      %get3A_976 = vector.shape_cast %get3A_975 : vector<1x16xf32> to vector<16xf32>
      %add3A_977 = arith.addf %add3A_965, %get3A_976 : vector<16xf32>
      %get3A_978 = arith.constant 74 : i32
      %get3A_979 = arith.index_cast %get3A_978 : i32 to index
      %get3A_980 = arith.constant 16 : index
      %get3A_981 = tpu.vector_load %arg6[%get3A_979, %get3A_980] {strides = array<i32>} : memref<100x32xf32, #tpu.memory_space<vmem>>, vector<1x16xf32>,
      %get3A_982 = vector.shape_cast %get3A_981 : vector<1x16xf32> to vector<16xf32>
      %add3A_983 = arith.addf %add3A_971, %get3A_982 : vector<16xf32>
      %get3A_984 = arith.constant 75 : i32
      %get3A_985 = arith.index_cast %get3A_984 : i32 to index
      %get3A_986 = arith.constant 0 : index
      %get3A_987 = tpu.vector_load %arg6[%get3A_985, %get3A_986] {strides = array<i32>} : memref<100x32xf32, #tpu.memory_space<vmem>>, vector<1x16xf32>,
      %get3A_988 = vector.shape_cast %get3A_987 : vector<1x16xf32> to vector<16xf32>
      %add3A_989 = arith.addf %add3A_977, %get3A_988 : vector<16xf32>
      %get3A_990 = arith.constant 75 : i32
      %get3A_991 = arith.index_cast %get3A_990 : i32 to index
      %get3A_992 = arith.constant 16 : index
      %get3A_993 = tpu.vector_load %arg6[%get3A_991, %get3A_992] {strides = array<i32>} : memref<100x32xf32, #tpu.memory_space<vmem>>, vector<1x16xf32>,
      %get3A_994 = vector.shape_cast %get3A_993 : vector<1x16xf32> to vector<16xf32>
      %add3A_995 = arith.addf %add3A_983, %get3A_994 : vector<16xf32>
      %get3A_996 = arith.constant 76 : i32
      %get3A_997 = arith.index_cast %get3A_996 : i32 to index
      %get3A_998 = arith.constant 0 : index
      %get3A_999 = tpu.vector_load %arg6[%get3A_997, %get3A_998] {strides = array<i32>} : memref<100x32xf32, #tpu.memory_space<vmem>>, vector<1x16xf32>,
      %get3A_1000 = vector.shape_cast %get3A_999 : vector<1x16xf32> to vector<16xf32>
      %add3A_1001 = arith.addf %add3A_989, %get3A_1000 : vector<16xf32>
      %get3A_1002 = arith.constant 76 : i32
      %get3A_1003 = arith.index_cast %get3A_1002 : i32 to index
      %get3A_1004 = arith.constant 16 : index
      %get3A_1005 = tpu.vector_load %arg6[%get3A_1003, %get3A_1004] {strides = array<i32>} : memref<100x32xf32, #tpu.memory_space<vmem>>, vector<1x16xf32>,
      %get3A_1006 = vector.shape_cast %get3A_1005 : vector<1x16xf32> to vector<16xf32>
      %add3A_1007 = arith.addf %add3A_995, %get3A_1006 : vector<16xf32>
      %get3A_1008 = arith.constant 77 : i32
      %get3A_1009 = arith.index_cast %get3A_1008 : i32 to index
      %get3A_1010 = arith.constant 0 : index
      %get3A_1011 = tpu.vector_load %arg6[%get3A_1009, %get3A_1010] {strides = array<i32>} : memref<100x32xf32, #tpu.memory_space<vmem>>, vector<1x16xf32>,
      %get3A_1012 = vector.shape_cast %get3A_1011 : vector<1x16xf32> to vector<16xf32>
      %add3A_1013 = arith.addf %add3A_1001, %get3A_1012 : vector<16xf32>
      %get3A_1014 = arith.constant 77 : i32
      %get3A_1015 = arith.index_cast %get3A_1014 : i32 to index
      %get3A_1016 = arith.constant 16 : index
      %get3A_1017 = tpu.vector_load %arg6[%get3A_1015, %get3A_1016] {strides = array<i32>} : memref<100x32xf32, #tpu.memory_space<vmem>>, vector<1x16xf32>,
      %get3A_1018 = vector.shape_cast %get3A_1017 : vector<1x16xf32> to vector<16xf32>
      %add3A_1019 = arith.addf %add3A_1007, %get3A_1018 : vector<16xf32>
      %get3A_1020 = arith.constant 78 : i32
      %get3A_1021 = arith.index_cast %get3A_1020 : i32 to index
      %get3A_1022 = arith.constant 0 : index
      %get3A_1023 = tpu.vector_load %arg6[%get3A_1021, %get3A_1022] {strides = array<i32>} : memref<100x32xf32, #tpu.memory_space<vmem>>, vector<1x16xf32>,
      %get3A_1024 = vector.shape_cast %get3A_1023 : vector<1x16xf32> to vector<16xf32>
      %add3A_1025 = arith.addf %add3A_1013, %get3A_1024 : vector<16xf32>
      %get3A_1026 = arith.constant 78 : i32
      %get3A_1027 = arith.index_cast %get3A_1026 : i32 to index
      %get3A_1028 = arith.constant 16 : index
      %get3A_1029 = tpu.vector_load %arg6[%get3A_1027, %get3A_1028] {strides = array<i32>} : memref<100x32xf32, #tpu.memory_space<vmem>>, vector<1x16xf32>,
      %get3A_1030 = vector.shape_cast %get3A_1029 : vector<1x16xf32> to vector<16xf32>
      %add3A_1031 = arith.addf %add3A_1019, %get3A_1030 : vector<16xf32>
      %get3A_1032 = arith.constant 79 : i32
      %get3A_1033 = arith.index_cast %get3A_1032 : i32 to index
      %get3A_1034 = arith.constant 0 : index
      %get3A_1035 = tpu.vector_load %arg6[%get3A_1033, %get3A_1034] {strides = array<i32>} : memref<100x32xf32, #tpu.memory_space<vmem>>, vector<1x16xf32>,
      %get3A_1036 = vector.shape_cast %get3A_1035 : vector<1x16xf32> to vector<16xf32>
      %add3A_1037 = arith.addf %add3A_1025, %get3A_1036 : vector<16xf32>
      %get3A_1038 = arith.constant 79 : i32
      %get3A_1039 = arith.index_cast %get3A_1038 : i32 to index
      %get3A_1040 = arith.constant 16 : index
      %get3A_1041 = tpu.vector_load %arg6[%get3A_1039, %get3A_1040] {strides = array<i32>} : memref<100x32xf32, #tpu.memory_space<vmem>>, vector<1x16xf32>,
      %get3A_1042 = vector.shape_cast %get3A_1041 : vector<1x16xf32> to vector<16xf32>
      %add3A_1043 = arith.addf %add3A_1031, %get3A_1042 : vector<16xf32>
      %get3A_1044 = arith.constant 80 : i32
      %get3A_1045 = arith.index_cast %get3A_1044 : i32 to index
      %get3A_1046 = arith.constant 0 : index
      %get3A_1047 = tpu.vector_load %arg6[%get3A_1045, %get3A_1046] {strides = array<i32>} : memref<100x32xf32, #tpu.memory_space<vmem>>, vector<1x16xf32>,
      %get3A_1048 = vector.shape_cast %get3A_1047 : vector<1x16xf32> to vector<16xf32>
      %add3A_1049 = arith.addf %add3A_1037, %get3A_1048 : vector<16xf32>
      %get3A_1050 = arith.constant 80 : i32
      %get3A_1051 = arith.index_cast %get3A_1050 : i32 to index
      %get3A_1052 = arith.constant 16 : index
      %get3A_1053 = tpu.vector_load %arg6[%get3A_1051, %get3A_1052] {strides = array<i32>} : memref<100x32xf32, #tpu.memory_space<vmem>>, vector<1x16xf32>,
      %get3A_1054 = vector.shape_cast %get3A_1053 : vector<1x16xf32> to vector<16xf32>
      %add3A_1055 = arith.addf %add3A_1043, %get3A_1054 : vector<16xf32>
      %get3A_1056 = arith.constant 81 : i32
      %get3A_1057 = arith.index_cast %get3A_1056 : i32 to index
      %get3A_1058 = arith.constant 0 : index
      %get3A_1059 = tpu.vector_load %arg6[%get3A_1057, %get3A_1058] {strides = array<i32>} : memref<100x32xf32, #tpu.memory_space<vmem>>, vector<1x16xf32>,
      %get3A_1060 = vector.shape_cast %get3A_1059 : vector<1x16xf32> to vector<16xf32>
      %add3A_1061 = arith.addf %add3A_1049, %get3A_1060 : vector<16xf32>
      %get3A_1062 = arith.constant 81 : i32
      %get3A_1063 = arith.index_cast %get3A_1062 : i32 to index
      %get3A_1064 = arith.constant 16 : index
      %get3A_1065 = tpu.vector_load %arg6[%get3A_1063, %get3A_1064] {strides = array<i32>} : memref<100x32xf32, #tpu.memory_space<vmem>>, vector<1x16xf32>,
      %get3A_1066 = vector.shape_cast %get3A_1065 : vector<1x16xf32> to vector<16xf32>
      %add3A_1067 = arith.addf %add3A_1055, %get3A_1066 : vector<16xf32>
      %get3A_1068 = arith.constant 82 : i32
      %get3A_1069 = arith.index_cast %get3A_1068 : i32 to index
      %get3A_1070 = arith.constant 0 : index
      %get3A_1071 = tpu.vector_load %arg6[%get3A_1069, %get3A_1070] {strides = array<i32>} : memref<100x32xf32, #tpu.memory_space<vmem>>, vector<1x16xf32>,
      %get3A_1072 = vector.shape_cast %get3A_1071 : vector<1x16xf32> to vector<16xf32>
      %add3A_1073 = arith.addf %add3A_1061, %get3A_1072 : vector<16xf32>
      %get3A_1074 = arith.constant 82 : i32
      %get3A_1075 = arith.index_cast %get3A_1074 : i32 to index
      %get3A_1076 = arith.constant 16 : index
      %get3A_1077 = tpu.vector_load %arg6[%get3A_1075, %get3A_1076] {strides = array<i32>} : memref<100x32xf32, #tpu.memory_space<vmem>>, vector<1x16xf32>,
      %get3A_1078 = vector.shape_cast %get3A_1077 : vector<1x16xf32> to vector<16xf32>
      %add3A_1079 = arith.addf %add3A_1067, %get3A_1078 : vector<16xf32>
      %get3A_1080 = arith.constant 83 : i32
      %get3A_1081 = arith.index_cast %get3A_1080 : i32 to index
      %get3A_1082 = arith.constant 0 : index
      %get3A_1083 = tpu.vector_load %arg6[%get3A_1081, %get3A_1082] {strides = array<i32>} : memref<100x32xf32, #tpu.memory_space<vmem>>, vector<1x16xf32>,
      %get3A_1084 = vector.shape_cast %get3A_1083 : vector<1x16xf32> to vector<16xf32>
      %add3A_1085 = arith.addf %add3A_1073, %get3A_1084 : vector<16xf32>
      %get3A_1086 = arith.constant 83 : i32
      %get3A_1087 = arith.index_cast %get3A_1086 : i32 to index
      %get3A_1088 = arith.constant 16 : index
      %get3A_1089 = tpu.vector_load %arg6[%get3A_1087, %get3A_1088] {strides = array<i32>} : memref<100x32xf32, #tpu.memory_space<vmem>>, vector<1x16xf32>,
      %get3A_1090 = vector.shape_cast %get3A_1089 : vector<1x16xf32> to vector<16xf32>
      %add3A_1091 = arith.addf %add3A_1079, %get3A_1090 : vector<16xf32>
      %get3A_1092 = arith.constant 84 : i32
      %get3A_1093 = arith.index_cast %get3A_1092 : i32 to index
      %get3A_1094 = arith.constant 0 : index
      %get3A_1095 = tpu.vector_load %arg6[%get3A_1093, %get3A_1094] {strides = array<i32>} : memref<100x32xf32, #tpu.memory_space<vmem>>, vector<1x16xf32>,
      %get3A_1096 = vector.shape_cast %get3A_1095 : vector<1x16xf32> to vector<16xf32>
      %add3A_1097 = arith.addf %add3A_1085, %get3A_1096 : vector<16xf32>
      %get3A_1098 = arith.constant 84 : i32
      %get3A_1099 = arith.index_cast %get3A_1098 : i32 to index
      %get3A_1100 = arith.constant 16 : index
      %get3A_1101 = tpu.vector_load %arg6[%get3A_1099, %get3A_1100] {strides = array<i32>} : memref<100x32xf32, #tpu.memory_space<vmem>>, vector<1x16xf32>,
      %get3A_1102 = vector.shape_cast %get3A_1101 : vector<1x16xf32> to vector<16xf32>
      %add3A_1103 = arith.addf %add3A_1091, %get3A_1102 : vector<16xf32>
      %get3A_1104 = arith.constant 85 : i32
      %get3A_1105 = arith.index_cast %get3A_1104 : i32 to index
      %get3A_1106 = arith.constant 0 : index
      %get3A_1107 = tpu.vector_load %arg6[%get3A_1105, %get3A_1106] {strides = array<i32>} : memref<100x32xf32, #tpu.memory_space<vmem>>, vector<1x16xf32>,
      %get3A_1108 = vector.shape_cast %get3A_1107 : vector<1x16xf32> to vector<16xf32>
      %add3A_1109 = arith.addf %add3A_1097, %get3A_1108 : vector<16xf32>
      %get3A_1110 = arith.constant 85 : i32
      %get3A_1111 = arith.index_cast %get3A_1110 : i32 to index
      %get3A_1112 = arith.constant 16 : index
      %get3A_1113 = tpu.vector_load %arg6[%get3A_1111, %get3A_1112] {strides = array<i32>} : memref<100x32xf32, #tpu.memory_space<vmem>>, vector<1x16xf32>,
      %get3A_1114 = vector.shape_cast %get3A_1113 : vector<1x16xf32> to vector<16xf32>
      %add3A_1115 = arith.addf %add3A_1103, %get3A_1114 : vector<16xf32>
      %get3A_1116 = arith.constant 86 : i32
      %get3A_1117 = arith.index_cast %get3A_1116 : i32 to index
      %get3A_1118 = arith.constant 0 : index
      %get3A_1119 = tpu.vector_load %arg6[%get3A_1117, %get3A_1118] {strides = array<i32>} : memref<100x32xf32, #tpu.memory_space<vmem>>, vector<1x16xf32>,
      %get3A_1120 = vector.shape_cast %get3A_1119 : vector<1x16xf32> to vector<16xf32>
      %add3A_1121 = arith.addf %add3A_1109, %get3A_1120 : vector<16xf32>
      %get3A_1122 = arith.constant 86 : i32
      %get3A_1123 = arith.index_cast %get3A_1122 : i32 to index
      %get3A_1124 = arith.constant 16 : index
      %get3A_1125 = tpu.vector_load %arg6[%get3A_1123, %get3A_1124] {strides = array<i32>} : memref<100x32xf32, #tpu.memory_space<vmem>>, vector<1x16xf32>,
      %get3A_1126 = vector.shape_cast %get3A_1125 : vector<1x16xf32> to vector<16xf32>
      %add3A_1127 = arith.addf %add3A_1115, %get3A_1126 : vector<16xf32>
      %get3A_1128 = arith.constant 87 : i32
      %get3A_1129 = arith.index_cast %get3A_1128 : i32 to index
      %get3A_1130 = arith.constant 0 : index
      %get3A_1131 = tpu.vector_load %arg6[%get3A_1129, %get3A_1130] {strides = array<i32>} : memref<100x32xf32, #tpu.memory_space<vmem>>, vector<1x16xf32>,
      %get3A_1132 = vector.shape_cast %get3A_1131 : vector<1x16xf32> to vector<16xf32>
      %add3A_1133 = arith.addf %add3A_1121, %get3A_1132 : vector<16xf32>
      %get3A_1134 = arith.constant 87 : i32
      %get3A_1135 = arith.index_cast %get3A_1134 : i32 to index
      %get3A_1136 = arith.constant 16 : index
      %get3A_1137 = tpu.vector_load %arg6[%get3A_1135, %get3A_1136] {strides = array<i32>} : memref<100x32xf32, #tpu.memory_space<vmem>>, vector<1x16xf32>,
      %get3A_1138 = vector.shape_cast %get3A_1137 : vector<1x16xf32> to vector<16xf32>
      %add3A_1139 = arith.addf %add3A_1127, %get3A_1138 : vector<16xf32>
      %get3A_1140 = arith.constant 88 : i32
      %get3A_1141 = arith.index_cast %get3A_1140 : i32 to index
      %get3A_1142 = arith.constant 0 : index
      %get3A_1143 = tpu.vector_load %arg6[%get3A_1141, %get3A_1142] {strides = array<i32>} : memref<100x32xf32, #tpu.memory_space<vmem>>, vector<1x16xf32>,
      %get3A_1144 = vector.shape_cast %get3A_1143 : vector<1x16xf32> to vector<16xf32>
      %add3A_1145 = arith.addf %add3A_1133, %get3A_1144 : vector<16xf32>
      %get3A_1146 = arith.constant 88 : i32
      %get3A_1147 = arith.index_cast %get3A_1146 : i32 to index
      %get3A_1148 = arith.constant 16 : index
      %get3A_1149 = tpu.vector_load %arg6[%get3A_1147, %get3A_1148] {strides = array<i32>} : memref<100x32xf32, #tpu.memory_space<vmem>>, vector<1x16xf32>,
      %get3A_1150 = vector.shape_cast %get3A_1149 : vector<1x16xf32> to vector<16xf32>
      %add3A_1151 = arith.addf %add3A_1139, %get3A_1150 : vector<16xf32>
      %get3A_1152 = arith.constant 89 : i32
      %get3A_1153 = arith.index_cast %get3A_1152 : i32 to index
      %get3A_1154 = arith.constant 0 : index
      %get3A_1155 = tpu.vector_load %arg6[%get3A_1153, %get3A_1154] {strides = array<i32>} : memref<100x32xf32, #tpu.memory_space<vmem>>, vector<1x16xf32>,
      %get3A_1156 = vector.shape_cast %get3A_1155 : vector<1x16xf32> to vector<16xf32>
      %add3A_1157 = arith.addf %add3A_1145, %get3A_1156 : vector<16xf32>
      %get3A_1158 = arith.constant 89 : i32
      %get3A_1159 = arith.index_cast %get3A_1158 : i32 to index
      %get3A_1160 = arith.constant 16 : index
      %get3A_1161 = tpu.vector_load %arg6[%get3A_1159, %get3A_1160] {strides = array<i32>} : memref<100x32xf32, #tpu.memory_space<vmem>>, vector<1x16xf32>,
      %get3A_1162 = vector.shape_cast %get3A_1161 : vector<1x16xf32> to vector<16xf32>
      %add3A_1163 = arith.addf %add3A_1151, %get3A_1162 : vector<16xf32>
      %get3A_1164 = arith.constant 90 : i32
      %get3A_1165 = arith.index_cast %get3A_1164 : i32 to index
      %get3A_1166 = arith.constant 0 : index
      %get3A_1167 = tpu.vector_load %arg6[%get3A_1165, %get3A_1166] {strides = array<i32>} : memref<100x32xf32, #tpu.memory_space<vmem>>, vector<1x16xf32>,
      %get3A_1168 = vector.shape_cast %get3A_1167 : vector<1x16xf32> to vector<16xf32>
      %add3A_1169 = arith.addf %add3A_1157, %get3A_1168 : vector<16xf32>
      %get3A_1170 = arith.constant 90 : i32
      %get3A_1171 = arith.index_cast %get3A_1170 : i32 to index
      %get3A_1172 = arith.constant 16 : index
      %get3A_1173 = tpu.vector_load %arg6[%get3A_1171, %get3A_1172] {strides = array<i32>} : memref<100x32xf32, #tpu.memory_space<vmem>>, vector<1x16xf32>,
      %get3A_1174 = vector.shape_cast %get3A_1173 : vector<1x16xf32> to vector<16xf32>
      %add3A_1175 = arith.addf %add3A_1163, %get3A_1174 : vector<16xf32>
      %get3A_1176 = arith.constant 91 : i32
      %get3A_1177 = arith.index_cast %get3A_1176 : i32 to index
      %get3A_1178 = arith.constant 0 : index
      %get3A_1179 = tpu.vector_load %arg6[%get3A_1177, %get3A_1178] {strides = array<i32>} : memref<100x32xf32, #tpu.memory_space<vmem>>, vector<1x16xf32>,
      %get3A_1180 = vector.shape_cast %get3A_1179 : vector<1x16xf32> to vector<16xf32>
      %add3A_1181 = arith.addf %add3A_1169, %get3A_1180 : vector<16xf32>
      %get3A_1182 = arith.constant 91 : i32
      %get3A_1183 = arith.index_cast %get3A_1182 : i32 to index
      %get3A_1184 = arith.constant 16 : index
      %get3A_1185 = tpu.vector_load %arg6[%get3A_1183, %get3A_1184] {strides = array<i32>} : memref<100x32xf32, #tpu.memory_space<vmem>>, vector<1x16xf32>,
      %get3A_1186 = vector.shape_cast %get3A_1185 : vector<1x16xf32> to vector<16xf32>
      %add3A_1187 = arith.addf %add3A_1175, %get3A_1186 : vector<16xf32>
      %get3A_1188 = arith.constant 92 : i32
      %get3A_1189 = arith.index_cast %get3A_1188 : i32 to index
      %get3A_1190 = arith.constant 0 : index
      %get3A_1191 = tpu.vector_load %arg6[%get3A_1189, %get3A_1190] {strides = array<i32>} : memref<100x32xf32, #tpu.memory_space<vmem>>, vector<1x16xf32>,
      %get3A_1192 = vector.shape_cast %get3A_1191 : vector<1x16xf32> to vector<16xf32>
      %add3A_1193 = arith.addf %add3A_1181, %get3A_1192 : vector<16xf32>
      %get3A_1194 = arith.constant 92 : i32
      %get3A_1195 = arith.index_cast %get3A_1194 : i32 to index
      %get3A_1196 = arith.constant 16 : index
      %get3A_1197 = tpu.vector_load %arg6[%get3A_1195, %get3A_1196] {strides = array<i32>} : memref<100x32xf32, #tpu.memory_space<vmem>>, vector<1x16xf32>,
      %get3A_1198 = vector.shape_cast %get3A_1197 : vector<1x16xf32> to vector<16xf32>
      %add3A_1199 = arith.addf %add3A_1187, %get3A_1198 : vector<16xf32>
      %get3A_1200 = arith.constant 93 : i32
      %get3A_1201 = arith.index_cast %get3A_1200 : i32 to index
      %get3A_1202 = arith.constant 0 : index
      %get3A_1203 = tpu.vector_load %arg6[%get3A_1201, %get3A_1202] {strides = array<i32>} : memref<100x32xf32, #tpu.memory_space<vmem>>, vector<1x16xf32>,
      %get3A_1204 = vector.shape_cast %get3A_1203 : vector<1x16xf32> to vector<16xf32>
      %add3A_1205 = arith.addf %add3A_1193, %get3A_1204 : vector<16xf32>
      %get3A_1206 = arith.constant 93 : i32
      %get3A_1207 = arith.index_cast %get3A_1206 : i32 to index
      %get3A_1208 = arith.constant 16 : index
      %get3A_1209 = tpu.vector_load %arg6[%get3A_1207, %get3A_1208] {strides = array<i32>} : memref<100x32xf32, #tpu.memory_space<vmem>>, vector<1x16xf32>,
      %get3A_1210 = vector.shape_cast %get3A_1209 : vector<1x16xf32> to vector<16xf32>
      %add3A_1211 = arith.addf %add3A_1199, %get3A_1210 : vector<16xf32>
      %get3A_1212 = arith.constant 94 : i32
      %get3A_1213 = arith.index_cast %get3A_1212 : i32 to index
      %get3A_1214 = arith.constant 0 : index
      %get3A_1215 = tpu.vector_load %arg6[%get3A_1213, %get3A_1214] {strides = array<i32>} : memref<100x32xf32, #tpu.memory_space<vmem>>, vector<1x16xf32>,
      %get3A_1216 = vector.shape_cast %get3A_1215 : vector<1x16xf32> to vector<16xf32>
      %add3A_1217 = arith.addf %add3A_1205, %get3A_1216 : vector<16xf32>
      %get3A_1218 = arith.constant 94 : i32
      %get3A_1219 = arith.index_cast %get3A_1218 : i32 to index
      %get3A_1220 = arith.constant 16 : index
      %get3A_1221 = tpu.vector_load %arg6[%get3A_1219, %get3A_1220] {strides = array<i32>} : memref<100x32xf32, #tpu.memory_space<vmem>>, vector<1x16xf32>,
      %get3A_1222 = vector.shape_cast %get3A_1221 : vector<1x16xf32> to vector<16xf32>
      %add3A_1223 = arith.addf %add3A_1211, %get3A_1222 : vector<16xf32>
      %get3A_1224 = arith.constant 95 : i32
      %get3A_1225 = arith.index_cast %get3A_1224 : i32 to index
      %get3A_1226 = arith.constant 0 : index
      %get3A_1227 = tpu.vector_load %arg6[%get3A_1225, %get3A_1226] {strides = array<i32>} : memref<100x32xf32, #tpu.memory_space<vmem>>, vector<1x16xf32>,
      %get3A_1228 = vector.shape_cast %get3A_1227 : vector<1x16xf32> to vector<16xf32>
      %add3A_1229 = arith.addf %add3A_1217, %get3A_1228 : vector<16xf32>
      %get3A_1230 = arith.constant 95 : i32
      %get3A_1231 = arith.index_cast %get3A_1230 : i32 to index
      %get3A_1232 = arith.constant 16 : index
      %get3A_1233 = tpu.vector_load %arg6[%get3A_1231, %get3A_1232] {strides = array<i32>} : memref<100x32xf32, #tpu.memory_space<vmem>>, vector<1x16xf32>,
      %get3A_1234 = vector.shape_cast %get3A_1233 : vector<1x16xf32> to vector<16xf32>
      %add3A_1235 = arith.addf %add3A_1223, %get3A_1234 : vector<16xf32>
      %get3A_1236 = arith.constant 96 : i32
      %get3A_1237 = arith.index_cast %get3A_1236 : i32 to index
      %get3A_1238 = arith.constant 0 : index
      %get3A_1239 = tpu.vector_load %arg6[%get3A_1237, %get3A_1238] {strides = array<i32>} : memref<100x32xf32, #tpu.memory_space<vmem>>, vector<1x16xf32>,
      %get3A_1240 = vector.shape_cast %get3A_1239 : vector<1x16xf32> to vector<16xf32>
      %add3A_1241 = arith.addf %add3A_1229, %get3A_1240 : vector<16xf32>
      %get3A_1242 = arith.constant 96 : i32
      %get3A_1243 = arith.index_cast %get3A_1242 : i32 to index
      %get3A_1244 = arith.constant 16 : index
      %get3A_1245 = tpu.vector_load %arg6[%get3A_1243, %get3A_1244] {strides = array<i32>} : memref<100x32xf32, #tpu.memory_space<vmem>>, vector<1x16xf32>,
      %get3A_1246 = vector.shape_cast %get3A_1245 : vector<1x16xf32> to vector<16xf32>
      %add3A_1247 = arith.addf %add3A_1235, %get3A_1246 : vector<16xf32>
      %get3A_1248 = arith.constant 97 : i32
      %get3A_1249 = arith.index_cast %get3A_1248 : i32 to index
      %get3A_1250 = arith.constant 0 : index
      %get3A_1251 = tpu.vector_load %arg6[%get3A_1249, %get3A_1250] {strides = array<i32>} : memref<100x32xf32, #tpu.memory_space<vmem>>, vector<1x16xf32>,
      %get3A_1252 = vector.shape_cast %get3A_1251 : vector<1x16xf32> to vector<16xf32>
      %add3A_1253 = arith.addf %add3A_1241, %get3A_1252 : vector<16xf32>
      %get3A_1254 = arith.constant 97 : i32
      %get3A_1255 = arith.index_cast %get3A_1254 : i32 to index
      %get3A_1256 = arith.constant 16 : index
      %get3A_1257 = tpu.vector_load %arg6[%get3A_1255, %get3A_1256] {strides = array<i32>} : memref<100x32xf32, #tpu.memory_space<vmem>>, vector<1x16xf32>,
      %get3A_1258 = vector.shape_cast %get3A_1257 : vector<1x16xf32> to vector<16xf32>
      %add3A_1259 = arith.addf %add3A_1247, %get3A_1258 : vector<16xf32>
      %get3A_1260 = arith.constant 98 : i32
      %get3A_1261 = arith.index_cast %get3A_1260 : i32 to index
      %get3A_1262 = arith.constant 0 : index
      %get3A_1263 = tpu.vector_load %arg6[%get3A_1261, %get3A_1262] {strides = array<i32>} : memref<100x32xf32, #tpu.memory_space<vmem>>, vector<1x16xf32>,
      %get3A_1264 = vector.shape_cast %get3A_1263 : vector<1x16xf32> to vector<16xf32>
      %add3A_1265 = arith.addf %add3A_1253, %get3A_1264 : vector<16xf32>
      %get3A_1266 = arith.constant 98 : i32
      %get3A_1267 = arith.index_cast %get3A_1266 : i32 to index
      %get3A_1268 = arith.constant 16 : index
      %get3A_1269 = tpu.vector_load %arg6[%get3A_1267, %get3A_1268] {strides = array<i32>} : memref<100x32xf32, #tpu.memory_space<vmem>>, vector<1x16xf32>,
      %get3A_1270 = vector.shape_cast %get3A_1269 : vector<1x16xf32> to vector<16xf32>
      %add3A_1271 = arith.addf %add3A_1259, %get3A_1270 : vector<16xf32>
      %get3A_1272 = arith.constant 99 : i32
      %get3A_1273 = arith.index_cast %get3A_1272 : i32 to index
      %get3A_1274 = arith.constant 0 : index
      %get3A_1275 = tpu.vector_load %arg6[%get3A_1273, %get3A_1274] {strides = array<i32>} : memref<100x32xf32, #tpu.memory_space<vmem>>, vector<1x16xf32>,
      %get3A_1276 = vector.shape_cast %get3A_1275 : vector<1x16xf32> to vector<16xf32>
      %add3A_1277 = arith.addf %add3A_1265, %get3A_1276 : vector<16xf32>
      %get3A_1278 = arith.constant 99 : i32
      %get3A_1279 = arith.index_cast %get3A_1278 : i32 to index
      %get3A_1280 = arith.constant 16 : index
      %get3A_1281 = tpu.vector_load %arg6[%get3A_1279, %get3A_1280] {strides = array<i32>} : memref<100x32xf32, #tpu.memory_space<vmem>>, vector<1x16xf32>,
      %get3A_1282 = vector.shape_cast %get3A_1281 : vector<1x16xf32> to vector<16xf32>
      %add3A_1283 = arith.addf %add3A_1271, %get3A_1282 : vector<16xf32>
      %add3A_1284 = arith.constant 1 : i32
      %add3A_1285 = arith.addi %mul3A_75, %add3A_1284 : i32
      %swap3A_1286 = arith.index_cast %add3A_1285 : i32 to index
      %swap3A_1287 = arith.constant 0 : index
      %swap3A_1288 = tpu.vector_load %arg10[%swap3A_1286, %swap3A_1287] {strides = array<i32>} : memref<512x32xf32, #tpu.memory_space<vmem>>, vector<1x16xf32>,
      %swap3A_1289 = vector.shape_cast %swap3A_1288 : vector<1x16xf32> to vector<16xf32>
      %swap3A_1290 = vector.shape_cast %add3A_1277 : vector<16xf32> to vector<1x16xf32>
      tpu.vector_store %arg10[%swap3A_1286, %swap3A_1287], %swap3A_1290 {strides = array<i32>} : memref<512x32xf32, #tpu.memory_space<vmem>>, vector<1x16xf32>,
      %add3A_1291 = arith.constant 1 : i32
      %add3A_1292 = arith.addi %mul3A_75, %add3A_1291 : i32
      %swap3A_1293 = arith.index_cast %add3A_1292 : i32 to index
      %swap3A_1294 = arith.constant 16 : index
      %swap3A_1295 = tpu.vector_load %arg10[%swap3A_1293, %swap3A_1294] {strides = array<i32>} : memref<512x32xf32, #tpu.memory_space<vmem>>, vector<1x16xf32>,
      %swap3A_1296 = vector.shape_cast %swap3A_1295 : vector<1x16xf32> to vector<16xf32>
      %swap3A_1297 = vector.shape_cast %add3A_1283 : vector<16xf32> to vector<1x16xf32>
      tpu.vector_store %arg10[%swap3A_1293, %swap3A_1294], %swap3A_1297 {strides = array<i32>} : memref<512x32xf32, #tpu.memory_space<vmem>>, vector<1x16xf32>,
      %mul3A_1298 = arith.constant 4 : i32
      %mul3A_1299 = arith.muli %mul3A_1298, %scan3A_56 : i32
      %add3A_1300 = arith.constant 1 : i32
      %add3A_1301 = arith.addi %mul3A_1299, %add3A_1300 : i32
      %add3A_1302 = arith.constant 4 : i32
      %add3A_1303 = arith.addi %add3A_1301, %add3A_1302 : i32
      %sub3A_1304 = arith.constant 1 : i32
      %sub3A_1305 = arith.subi %add3A_1303, %sub3A_1304 : i32
      %lt3A_1306 = arith.constant 256 : i32
      %lt3A_1307 = arith.cmpi slt, %sub3A_1305, %lt3A_1306 : i32
      %convert_element_type3A_1308 = arith.extui %lt3A_1307 : i1 to i32
      %cond3A_1309 = arith.constant 0 : i32
      %cond3A_1310 = arith.cmpi ne, %convert_element_type3A_1308, %cond3A_1309 : i32
      scf.if %cond3A_1310 {
        %dma_start3A_5046 = arith.constant 0 : i32
        %dma_start3A_5047 = tpu.memref_slice %arg5[%sub3A_1305, %dma_start3A_5046] : memref<256x100xi32, #tpu.memory_space<vmem>> -> memref<1x100xi32, #tpu.memory_space<vmem>>
        %dma_start3A_5048 = tpu.memref_squeeze %dma_start3A_5047 : memref<1x100xi32, #tpu.memory_space<vmem>> -> memref<100xi32, #tpu.memory_space<vmem>>
        %dma_start3A_5049 = arith.constant 0 : i32
        %dma_start3A_5050 = arith.constant 0 : i32
        %dma_start3A_5051 = tpu.memref_slice %arg3[%dma_start3A_5049, %dma_start3A_5050] : memref<1000000x32xf32, #tpu.memory_space<hbm>> -> memref<1000000x32xf32, #tpu.memory_space<hbm>>
        tpu.enqueue_indirect_dma source(%dma_start3A_5051 : memref<1000000x32xf32, #tpu.memory_space<hbm>>) target(%arg6 : memref<100x32xf32, #tpu.memory_space<vmem>>) offsets(%dma_start3A_5048 : memref<100xi32, #tpu.memory_space<vmem>>) semaphore(%arg11 : memref<!tpu.dma_semaphore, #tpu.memory_space<semaphore_mem>>)
      } else {
      }
      %dma_wait3A_1311 = arith.constant 0 : i32
      %dma_wait3A_1312 = arith.constant 0 : i32
      %dma_wait3A_1313 = tpu.memref_slice %arg5[%dma_wait3A_1311, %dma_wait3A_1312] : memref<256x100xi32, #tpu.memory_space<vmem>> -> memref<1x100xi32, #tpu.memory_space<vmem>>
      %dma_wait3A_1314 = tpu.memref_squeeze %dma_wait3A_1313 : memref<1x100xi32, #tpu.memory_space<vmem>> -> memref<100xi32, #tpu.memory_space<vmem>>
      %dma_wait3A_1315 = arith.constant 0 : i32
      %dma_wait3A_1316 = arith.constant 0 : i32
      %dma_wait3A_1317 = tpu.memref_slice %arg3[%dma_wait3A_1315, %dma_wait3A_1316] : memref<1000000x32xf32, #tpu.memory_space<hbm>> -> memref<1000000x32xf32, #tpu.memory_space<hbm>>
      tpu.wait_indirect_dma semaphore(%arg12 : memref<!tpu.dma_semaphore, #tpu.memory_space<semaphore_mem>>) src(%dma_wait3A_1317 : memref<1000000x32xf32, #tpu.memory_space<hbm>>) dst(%arg7 : memref<100x32xf32, #tpu.memory_space<vmem>>)
      %mul3A_1318 = arith.constant 2 : i32
      %mul3A_1319 = arith.muli %mul3A_1318, %add3A_1301 : i32
      %get3A_1320 = arith.constant 0 : i32
      %get3A_1321 = arith.index_cast %get3A_1320 : i32 to index
      %get3A_1322 = arith.constant 0 : index
      %get3A_1323 = tpu.vector_load %arg7[%get3A_1321, %get3A_1322] {strides = array<i32>} : memref<100x32xf32, #tpu.memory_space<vmem>>, vector<1x16xf32>,
      %get3A_1324 = vector.shape_cast %get3A_1323 : vector<1x16xf32> to vector<16xf32>
      %get3A_1325 = arith.constant 0 : i32
      %get3A_1326 = arith.index_cast %get3A_1325 : i32 to index
      %get3A_1327 = arith.constant 16 : index
      %get3A_1328 = tpu.vector_load %arg7[%get3A_1326, %get3A_1327] {strides = array<i32>} : memref<100x32xf32, #tpu.memory_space<vmem>>, vector<1x16xf32>,
      %get3A_1329 = vector.shape_cast %get3A_1328 : vector<1x16xf32> to vector<16xf32>
      %get3A_1330 = arith.constant 1 : i32
      %get3A_1331 = arith.index_cast %get3A_1330 : i32 to index
      %get3A_1332 = arith.constant 0 : index
      %get3A_1333 = tpu.vector_load %arg7[%get3A_1331, %get3A_1332] {strides = array<i32>} : memref<100x32xf32, #tpu.memory_space<vmem>>, vector<1x16xf32>,
      %get3A_1334 = vector.shape_cast %get3A_1333 : vector<1x16xf32> to vector<16xf32>
      %add3A_1335 = arith.addf %get3A_1324, %get3A_1334 : vector<16xf32>
      %get3A_1336 = arith.constant 1 : i32
      %get3A_1337 = arith.index_cast %get3A_1336 : i32 to index
      %get3A_1338 = arith.constant 16 : index
      %get3A_1339 = tpu.vector_load %arg7[%get3A_1337, %get3A_1338] {strides = array<i32>} : memref<100x32xf32, #tpu.memory_space<vmem>>, vector<1x16xf32>,
      %get3A_1340 = vector.shape_cast %get3A_1339 : vector<1x16xf32> to vector<16xf32>
      %add3A_1341 = arith.addf %get3A_1329, %get3A_1340 : vector<16xf32>
      %get3A_1342 = arith.constant 2 : i32
      %get3A_1343 = arith.index_cast %get3A_1342 : i32 to index
      %get3A_1344 = arith.constant 0 : index
      %get3A_1345 = tpu.vector_load %arg7[%get3A_1343, %get3A_1344] {strides = array<i32>} : memref<100x32xf32, #tpu.memory_space<vmem>>, vector<1x16xf32>,
      %get3A_1346 = vector.shape_cast %get3A_1345 : vector<1x16xf32> to vector<16xf32>
      %add3A_1347 = arith.addf %add3A_1335, %get3A_1346 : vector<16xf32>
      %get3A_1348 = arith.constant 2 : i32
      %get3A_1349 = arith.index_cast %get3A_1348 : i32 to index
      %get3A_1350 = arith.constant 16 : index
      %get3A_1351 = tpu.vector_load %arg7[%get3A_1349, %get3A_1350] {strides = array<i32>} : memref<100x32xf32, #tpu.memory_space<vmem>>, vector<1x16xf32>,
      %get3A_1352 = vector.shape_cast %get3A_1351 : vector<1x16xf32> to vector<16xf32>
      %add3A_1353 = arith.addf %add3A_1341, %get3A_1352 : vector<16xf32>
      %get3A_1354 = arith.constant 3 : i32
      %get3A_1355 = arith.index_cast %get3A_1354 : i32 to index
      %get3A_1356 = arith.constant 0 : index
      %get3A_1357 = tpu.vector_load %arg7[%get3A_1355, %get3A_1356] {strides = array<i32>} : memref<100x32xf32, #tpu.memory_space<vmem>>, vector<1x16xf32>,
      %get3A_1358 = vector.shape_cast %get3A_1357 : vector<1x16xf32> to vector<16xf32>
      %add3A_1359 = arith.addf %add3A_1347, %get3A_1358 : vector<16xf32>
      %get3A_1360 = arith.constant 3 : i32
      %get3A_1361 = arith.index_cast %get3A_1360 : i32 to index
      %get3A_1362 = arith.constant 16 : index
      %get3A_1363 = tpu.vector_load %arg7[%get3A_1361, %get3A_1362] {strides = array<i32>} : memref<100x32xf32, #tpu.memory_space<vmem>>, vector<1x16xf32>,
      %get3A_1364 = vector.shape_cast %get3A_1363 : vector<1x16xf32> to vector<16xf32>
      %add3A_1365 = arith.addf %add3A_1353, %get3A_1364 : vector<16xf32>
      %get3A_1366 = arith.constant 4 : i32
      %get3A_1367 = arith.index_cast %get3A_1366 : i32 to index
      %get3A_1368 = arith.constant 0 : index
      %get3A_1369 = tpu.vector_load %arg7[%get3A_1367, %get3A_1368] {strides = array<i32>} : memref<100x32xf32, #tpu.memory_space<vmem>>, vector<1x16xf32>,
      %get3A_1370 = vector.shape_cast %get3A_1369 : vector<1x16xf32> to vector<16xf32>
      %add3A_1371 = arith.addf %add3A_1359, %get3A_1370 : vector<16xf32>
      %get3A_1372 = arith.constant 4 : i32
      %get3A_1373 = arith.index_cast %get3A_1372 : i32 to index
      %get3A_1374 = arith.constant 16 : index
      %get3A_1375 = tpu.vector_load %arg7[%get3A_1373, %get3A_1374] {strides = array<i32>} : memref<100x32xf32, #tpu.memory_space<vmem>>, vector<1x16xf32>,
      %get3A_1376 = vector.shape_cast %get3A_1375 : vector<1x16xf32> to vector<16xf32>
      %add3A_1377 = arith.addf %add3A_1365, %get3A_1376 : vector<16xf32>
      %get3A_1378 = arith.constant 5 : i32
      %get3A_1379 = arith.index_cast %get3A_1378 : i32 to index
      %get3A_1380 = arith.constant 0 : index
      %get3A_1381 = tpu.vector_load %arg7[%get3A_1379, %get3A_1380] {strides = array<i32>} : memref<100x32xf32, #tpu.memory_space<vmem>>, vector<1x16xf32>,
      %get3A_1382 = vector.shape_cast %get3A_1381 : vector<1x16xf32> to vector<16xf32>
      %add3A_1383 = arith.addf %add3A_1371, %get3A_1382 : vector<16xf32>
      %get3A_1384 = arith.constant 5 : i32
      %get3A_1385 = arith.index_cast %get3A_1384 : i32 to index
      %get3A_1386 = arith.constant 16 : index
      %get3A_1387 = tpu.vector_load %arg7[%get3A_1385, %get3A_1386] {strides = array<i32>} : memref<100x32xf32, #tpu.memory_space<vmem>>, vector<1x16xf32>,
      %get3A_1388 = vector.shape_cast %get3A_1387 : vector<1x16xf32> to vector<16xf32>
      %add3A_1389 = arith.addf %add3A_1377, %get3A_1388 : vector<16xf32>
      %get3A_1390 = arith.constant 6 : i32
      %get3A_1391 = arith.index_cast %get3A_1390 : i32 to index
      %get3A_1392 = arith.constant 0 : index
      %get3A_1393 = tpu.vector_load %arg7[%get3A_1391, %get3A_1392] {strides = array<i32>} : memref<100x32xf32, #tpu.memory_space<vmem>>, vector<1x16xf32>,
      %get3A_1394 = vector.shape_cast %get3A_1393 : vector<1x16xf32> to vector<16xf32>
      %add3A_1395 = arith.addf %add3A_1383, %get3A_1394 : vector<16xf32>
      %get3A_1396 = arith.constant 6 : i32
      %get3A_1397 = arith.index_cast %get3A_1396 : i32 to index
      %get3A_1398 = arith.constant 16 : index
      %get3A_1399 = tpu.vector_load %arg7[%get3A_1397, %get3A_1398] {strides = array<i32>} : memref<100x32xf32, #tpu.memory_space<vmem>>, vector<1x16xf32>,
      %get3A_1400 = vector.shape_cast %get3A_1399 : vector<1x16xf32> to vector<16xf32>
      %add3A_1401 = arith.addf %add3A_1389, %get3A_1400 : vector<16xf32>
      %get3A_1402 = arith.constant 7 : i32
      %get3A_1403 = arith.index_cast %get3A_1402 : i32 to index
      %get3A_1404 = arith.constant 0 : index
      %get3A_1405 = tpu.vector_load %arg7[%get3A_1403, %get3A_1404] {strides = array<i32>} : memref<100x32xf32, #tpu.memory_space<vmem>>, vector<1x16xf32>,
      %get3A_1406 = vector.shape_cast %get3A_1405 : vector<1x16xf32> to vector<16xf32>
      %add3A_1407 = arith.addf %add3A_1395, %get3A_1406 : vector<16xf32>
      %get3A_1408 = arith.constant 7 : i32
      %get3A_1409 = arith.index_cast %get3A_1408 : i32 to index
      %get3A_1410 = arith.constant 16 : index
      %get3A_1411 = tpu.vector_load %arg7[%get3A_1409, %get3A_1410] {strides = array<i32>} : memref<100x32xf32, #tpu.memory_space<vmem>>, vector<1x16xf32>,
      %get3A_1412 = vector.shape_cast %get3A_1411 : vector<1x16xf32> to vector<16xf32>
      %add3A_1413 = arith.addf %add3A_1401, %get3A_1412 : vector<16xf32>
      %get3A_1414 = arith.constant 8 : i32
      %get3A_1415 = arith.index_cast %get3A_1414 : i32 to index
      %get3A_1416 = arith.constant 0 : index
      %get3A_1417 = tpu.vector_load %arg7[%get3A_1415, %get3A_1416] {strides = array<i32>} : memref<100x32xf32, #tpu.memory_space<vmem>>, vector<1x16xf32>,
      %get3A_1418 = vector.shape_cast %get3A_1417 : vector<1x16xf32> to vector<16xf32>
      %add3A_1419 = arith.addf %add3A_1407, %get3A_1418 : vector<16xf32>
      %get3A_1420 = arith.constant 8 : i32
      %get3A_1421 = arith.index_cast %get3A_1420 : i32 to index
      %get3A_1422 = arith.constant 16 : index
      %get3A_1423 = tpu.vector_load %arg7[%get3A_1421, %get3A_1422] {strides = array<i32>} : memref<100x32xf32, #tpu.memory_space<vmem>>, vector<1x16xf32>,
      %get3A_1424 = vector.shape_cast %get3A_1423 : vector<1x16xf32> to vector<16xf32>
      %add3A_1425 = arith.addf %add3A_1413, %get3A_1424 : vector<16xf32>
      %get3A_1426 = arith.constant 9 : i32
      %get3A_1427 = arith.index_cast %get3A_1426 : i32 to index
      %get3A_1428 = arith.constant 0 : index
      %get3A_1429 = tpu.vector_load %arg7[%get3A_1427, %get3A_1428] {strides = array<i32>} : memref<100x32xf32, #tpu.memory_space<vmem>>, vector<1x16xf32>,
      %get3A_1430 = vector.shape_cast %get3A_1429 : vector<1x16xf32> to vector<16xf32>
      %add3A_1431 = arith.addf %add3A_1419, %get3A_1430 : vector<16xf32>
      %get3A_1432 = arith.constant 9 : i32
      %get3A_1433 = arith.index_cast %get3A_1432 : i32 to index
      %get3A_1434 = arith.constant 16 : index
      %get3A_1435 = tpu.vector_load %arg7[%get3A_1433, %get3A_1434] {strides = array<i32>} : memref<100x32xf32, #tpu.memory_space<vmem>>, vector<1x16xf32>,
      %get3A_1436 = vector.shape_cast %get3A_1435 : vector<1x16xf32> to vector<16xf32>
      %add3A_1437 = arith.addf %add3A_1425, %get3A_1436 : vector<16xf32>
      %get3A_1438 = arith.constant 10 : i32
      %get3A_1439 = arith.index_cast %get3A_1438 : i32 to index
      %get3A_1440 = arith.constant 0 : index
      %get3A_1441 = tpu.vector_load %arg7[%get3A_1439, %get3A_1440] {strides = array<i32>} : memref<100x32xf32, #tpu.memory_space<vmem>>, vector<1x16xf32>,
      %get3A_1442 = vector.shape_cast %get3A_1441 : vector<1x16xf32> to vector<16xf32>
      %add3A_1443 = arith.addf %add3A_1431, %get3A_1442 : vector<16xf32>
      %get3A_1444 = arith.constant 10 : i32
      %get3A_1445 = arith.index_cast %get3A_1444 : i32 to index
      %get3A_1446 = arith.constant 16 : index
      %get3A_1447 = tpu.vector_load %arg7[%get3A_1445, %get3A_1446] {strides = array<i32>} : memref<100x32xf32, #tpu.memory_space<vmem>>, vector<1x16xf32>,
      %get3A_1448 = vector.shape_cast %get3A_1447 : vector<1x16xf32> to vector<16xf32>
      %add3A_1449 = arith.addf %add3A_1437, %get3A_1448 : vector<16xf32>
      %get3A_1450 = arith.constant 11 : i32
      %get3A_1451 = arith.index_cast %get3A_1450 : i32 to index
      %get3A_1452 = arith.constant 0 : index
      %get3A_1453 = tpu.vector_load %arg7[%get3A_1451, %get3A_1452] {strides = array<i32>} : memref<100x32xf32, #tpu.memory_space<vmem>>, vector<1x16xf32>,
      %get3A_1454 = vector.shape_cast %get3A_1453 : vector<1x16xf32> to vector<16xf32>
      %add3A_1455 = arith.addf %add3A_1443, %get3A_1454 : vector<16xf32>
      %get3A_1456 = arith.constant 11 : i32
      %get3A_1457 = arith.index_cast %get3A_1456 : i32 to index
      %get3A_1458 = arith.constant 16 : index
      %get3A_1459 = tpu.vector_load %arg7[%get3A_1457, %get3A_1458] {strides = array<i32>} : memref<100x32xf32, #tpu.memory_space<vmem>>, vector<1x16xf32>,
      %get3A_1460 = vector.shape_cast %get3A_1459 : vector<1x16xf32> to vector<16xf32>
      %add3A_1461 = arith.addf %add3A_1449, %get3A_1460 : vector<16xf32>
      %get3A_1462 = arith.constant 12 : i32
      %get3A_1463 = arith.index_cast %get3A_1462 : i32 to index
      %get3A_1464 = arith.constant 0 : index
      %get3A_1465 = tpu.vector_load %arg7[%get3A_1463, %get3A_1464] {strides = array<i32>} : memref<100x32xf32, #tpu.memory_space<vmem>>, vector<1x16xf32>,
      %get3A_1466 = vector.shape_cast %get3A_1465 : vector<1x16xf32> to vector<16xf32>
      %add3A_1467 = arith.addf %add3A_1455, %get3A_1466 : vector<16xf32>
      %get3A_1468 = arith.constant 12 : i32
      %get3A_1469 = arith.index_cast %get3A_1468 : i32 to index
      %get3A_1470 = arith.constant 16 : index
      %get3A_1471 = tpu.vector_load %arg7[%get3A_1469, %get3A_1470] {strides = array<i32>} : memref<100x32xf32, #tpu.memory_space<vmem>>, vector<1x16xf32>,
      %get3A_1472 = vector.shape_cast %get3A_1471 : vector<1x16xf32> to vector<16xf32>
      %add3A_1473 = arith.addf %add3A_1461, %get3A_1472 : vector<16xf32>
      %get3A_1474 = arith.constant 13 : i32
      %get3A_1475 = arith.index_cast %get3A_1474 : i32 to index
      %get3A_1476 = arith.constant 0 : index
      %get3A_1477 = tpu.vector_load %arg7[%get3A_1475, %get3A_1476] {strides = array<i32>} : memref<100x32xf32, #tpu.memory_space<vmem>>, vector<1x16xf32>,
      %get3A_1478 = vector.shape_cast %get3A_1477 : vector<1x16xf32> to vector<16xf32>
      %add3A_1479 = arith.addf %add3A_1467, %get3A_1478 : vector<16xf32>
      %get3A_1480 = arith.constant 13 : i32
      %get3A_1481 = arith.index_cast %get3A_1480 : i32 to index
      %get3A_1482 = arith.constant 16 : index
      %get3A_1483 = tpu.vector_load %arg7[%get3A_1481, %get3A_1482] {strides = array<i32>} : memref<100x32xf32, #tpu.memory_space<vmem>>, vector<1x16xf32>,
      %get3A_1484 = vector.shape_cast %get3A_1483 : vector<1x16xf32> to vector<16xf32>
      %add3A_1485 = arith.addf %add3A_1473, %get3A_1484 : vector<16xf32>
      %get3A_1486 = arith.constant 14 : i32
      %get3A_1487 = arith.index_cast %get3A_1486 : i32 to index
      %get3A_1488 = arith.constant 0 : index
      %get3A_1489 = tpu.vector_load %arg7[%get3A_1487, %get3A_1488] {strides = array<i32>} : memref<100x32xf32, #tpu.memory_space<vmem>>, vector<1x16xf32>,
      %get3A_1490 = vector.shape_cast %get3A_1489 : vector<1x16xf32> to vector<16xf32>
      %add3A_1491 = arith.addf %add3A_1479, %get3A_1490 : vector<16xf32>
      %get3A_1492 = arith.constant 14 : i32
      %get3A_1493 = arith.index_cast %get3A_1492 : i32 to index
      %get3A_1494 = arith.constant 16 : index
      %get3A_1495 = tpu.vector_load %arg7[%get3A_1493, %get3A_1494] {strides = array<i32>} : memref<100x32xf32, #tpu.memory_space<vmem>>, vector<1x16xf32>,
      %get3A_1496 = vector.shape_cast %get3A_1495 : vector<1x16xf32> to vector<16xf32>
      %add3A_1497 = arith.addf %add3A_1485, %get3A_1496 : vector<16xf32>
      %get3A_1498 = arith.constant 15 : i32
      %get3A_1499 = arith.index_cast %get3A_1498 : i32 to index
      %get3A_1500 = arith.constant 0 : index
      %get3A_1501 = tpu.vector_load %arg7[%get3A_1499, %get3A_1500] {strides = array<i32>} : memref<100x32xf32, #tpu.memory_space<vmem>>, vector<1x16xf32>,
      %get3A_1502 = vector.shape_cast %get3A_1501 : vector<1x16xf32> to vector<16xf32>
      %add3A_1503 = arith.addf %add3A_1491, %get3A_1502 : vector<16xf32>
      %get3A_1504 = arith.constant 15 : i32
      %get3A_1505 = arith.index_cast %get3A_1504 : i32 to index
      %get3A_1506 = arith.constant 16 : index
      %get3A_1507 = tpu.vector_load %arg7[%get3A_1505, %get3A_1506] {strides = array<i32>} : memref<100x32xf32, #tpu.memory_space<vmem>>, vector<1x16xf32>,
      %get3A_1508 = vector.shape_cast %get3A_1507 : vector<1x16xf32> to vector<16xf32>
      %add3A_1509 = arith.addf %add3A_1497, %get3A_1508 : vector<16xf32>
      %get3A_1510 = arith.constant 16 : i32
      %get3A_1511 = arith.index_cast %get3A_1510 : i32 to index
      %get3A_1512 = arith.constant 0 : index
      %get3A_1513 = tpu.vector_load %arg7[%get3A_1511, %get3A_1512] {strides = array<i32>} : memref<100x32xf32, #tpu.memory_space<vmem>>, vector<1x16xf32>,
      %get3A_1514 = vector.shape_cast %get3A_1513 : vector<1x16xf32> to vector<16xf32>
      %add3A_1515 = arith.addf %add3A_1503, %get3A_1514 : vector<16xf32>
      %get3A_1516 = arith.constant 16 : i32
      %get3A_1517 = arith.index_cast %get3A_1516 : i32 to index
      %get3A_1518 = arith.constant 16 : index
      %get3A_1519 = tpu.vector_load %arg7[%get3A_1517, %get3A_1518] {strides = array<i32>} : memref<100x32xf32, #tpu.memory_space<vmem>>, vector<1x16xf32>,
      %get3A_1520 = vector.shape_cast %get3A_1519 : vector<1x16xf32> to vector<16xf32>
      %add3A_1521 = arith.addf %add3A_1509, %get3A_1520 : vector<16xf32>
      %get3A_1522 = arith.constant 17 : i32
      %get3A_1523 = arith.index_cast %get3A_1522 : i32 to index
      %get3A_1524 = arith.constant 0 : index
      %get3A_1525 = tpu.vector_load %arg7[%get3A_1523, %get3A_1524] {strides = array<i32>} : memref<100x32xf32, #tpu.memory_space<vmem>>, vector<1x16xf32>,
      %get3A_1526 = vector.shape_cast %get3A_1525 : vector<1x16xf32> to vector<16xf32>
      %add3A_1527 = arith.addf %add3A_1515, %get3A_1526 : vector<16xf32>
      %get3A_1528 = arith.constant 17 : i32
      %get3A_1529 = arith.index_cast %get3A_1528 : i32 to index
      %get3A_1530 = arith.constant 16 : index
      %get3A_1531 = tpu.vector_load %arg7[%get3A_1529, %get3A_1530] {strides = array<i32>} : memref<100x32xf32, #tpu.memory_space<vmem>>, vector<1x16xf32>,
      %get3A_1532 = vector.shape_cast %get3A_1531 : vector<1x16xf32> to vector<16xf32>
      %add3A_1533 = arith.addf %add3A_1521, %get3A_1532 : vector<16xf32>
      %get3A_1534 = arith.constant 18 : i32
      %get3A_1535 = arith.index_cast %get3A_1534 : i32 to index
      %get3A_1536 = arith.constant 0 : index
      %get3A_1537 = tpu.vector_load %arg7[%get3A_1535, %get3A_1536] {strides = array<i32>} : memref<100x32xf32, #tpu.memory_space<vmem>>, vector<1x16xf32>,
      %get3A_1538 = vector.shape_cast %get3A_1537 : vector<1x16xf32> to vector<16xf32>
      %add3A_1539 = arith.addf %add3A_1527, %get3A_1538 : vector<16xf32>
      %get3A_1540 = arith.constant 18 : i32
      %get3A_1541 = arith.index_cast %get3A_1540 : i32 to index
      %get3A_1542 = arith.constant 16 : index
      %get3A_1543 = tpu.vector_load %arg7[%get3A_1541, %get3A_1542] {strides = array<i32>} : memref<100x32xf32, #tpu.memory_space<vmem>>, vector<1x16xf32>,
      %get3A_1544 = vector.shape_cast %get3A_1543 : vector<1x16xf32> to vector<16xf32>
      %add3A_1545 = arith.addf %add3A_1533, %get3A_1544 : vector<16xf32>
      %get3A_1546 = arith.constant 19 : i32
      %get3A_1547 = arith.index_cast %get3A_1546 : i32 to index
      %get3A_1548 = arith.constant 0 : index
      %get3A_1549 = tpu.vector_load %arg7[%get3A_1547, %get3A_1548] {strides = array<i32>} : memref<100x32xf32, #tpu.memory_space<vmem>>, vector<1x16xf32>,
      %get3A_1550 = vector.shape_cast %get3A_1549 : vector<1x16xf32> to vector<16xf32>
      %add3A_1551 = arith.addf %add3A_1539, %get3A_1550 : vector<16xf32>
      %get3A_1552 = arith.constant 19 : i32
      %get3A_1553 = arith.index_cast %get3A_1552 : i32 to index
      %get3A_1554 = arith.constant 16 : index
      %get3A_1555 = tpu.vector_load %arg7[%get3A_1553, %get3A_1554] {strides = array<i32>} : memref<100x32xf32, #tpu.memory_space<vmem>>, vector<1x16xf32>,
      %get3A_1556 = vector.shape_cast %get3A_1555 : vector<1x16xf32> to vector<16xf32>
      %add3A_1557 = arith.addf %add3A_1545, %get3A_1556 : vector<16xf32>
      %get3A_1558 = arith.constant 20 : i32
      %get3A_1559 = arith.index_cast %get3A_1558 : i32 to index
      %get3A_1560 = arith.constant 0 : index
      %get3A_1561 = tpu.vector_load %arg7[%get3A_1559, %get3A_1560] {strides = array<i32>} : memref<100x32xf32, #tpu.memory_space<vmem>>, vector<1x16xf32>,
      %get3A_1562 = vector.shape_cast %get3A_1561 : vector<1x16xf32> to vector<16xf32>
      %add3A_1563 = arith.addf %add3A_1551, %get3A_1562 : vector<16xf32>
      %get3A_1564 = arith.constant 20 : i32
      %get3A_1565 = arith.index_cast %get3A_1564 : i32 to index
      %get3A_1566 = arith.constant 16 : index
      %get3A_1567 = tpu.vector_load %arg7[%get3A_1565, %get3A_1566] {strides = array<i32>} : memref<100x32xf32, #tpu.memory_space<vmem>>, vector<1x16xf32>,
      %get3A_1568 = vector.shape_cast %get3A_1567 : vector<1x16xf32> to vector<16xf32>
      %add3A_1569 = arith.addf %add3A_1557, %get3A_1568 : vector<16xf32>
      %get3A_1570 = arith.constant 21 : i32
      %get3A_1571 = arith.index_cast %get3A_1570 : i32 to index
      %get3A_1572 = arith.constant 0 : index
      %get3A_1573 = tpu.vector_load %arg7[%get3A_1571, %get3A_1572] {strides = array<i32>} : memref<100x32xf32, #tpu.memory_space<vmem>>, vector<1x16xf32>,
      %get3A_1574 = vector.shape_cast %get3A_1573 : vector<1x16xf32> to vector<16xf32>
      %add3A_1575 = arith.addf %add3A_1563, %get3A_1574 : vector<16xf32>
      %get3A_1576 = arith.constant 21 : i32
      %get3A_1577 = arith.index_cast %get3A_1576 : i32 to index
      %get3A_1578 = arith.constant 16 : index
      %get3A_1579 = tpu.vector_load %arg7[%get3A_1577, %get3A_1578] {strides = array<i32>} : memref<100x32xf32, #tpu.memory_space<vmem>>, vector<1x16xf32>,
      %get3A_1580 = vector.shape_cast %get3A_1579 : vector<1x16xf32> to vector<16xf32>
      %add3A_1581 = arith.addf %add3A_1569, %get3A_1580 : vector<16xf32>
      %get3A_1582 = arith.constant 22 : i32
      %get3A_1583 = arith.index_cast %get3A_1582 : i32 to index
      %get3A_1584 = arith.constant 0 : index
      %get3A_1585 = tpu.vector_load %arg7[%get3A_1583, %get3A_1584] {strides = array<i32>} : memref<100x32xf32, #tpu.memory_space<vmem>>, vector<1x16xf32>,
      %get3A_1586 = vector.shape_cast %get3A_1585 : vector<1x16xf32> to vector<16xf32>
      %add3A_1587 = arith.addf %add3A_1575, %get3A_1586 : vector<16xf32>
      %get3A_1588 = arith.constant 22 : i32
      %get3A_1589 = arith.index_cast %get3A_1588 : i32 to index
      %get3A_1590 = arith.constant 16 : index
      %get3A_1591 = tpu.vector_load %arg7[%get3A_1589, %get3A_1590] {strides = array<i32>} : memref<100x32xf32, #tpu.memory_space<vmem>>, vector<1x16xf32>,
      %get3A_1592 = vector.shape_cast %get3A_1591 : vector<1x16xf32> to vector<16xf32>
      %add3A_1593 = arith.addf %add3A_1581, %get3A_1592 : vector<16xf32>
      %get3A_1594 = arith.constant 23 : i32
      %get3A_1595 = arith.index_cast %get3A_1594 : i32 to index
      %get3A_1596 = arith.constant 0 : index
      %get3A_1597 = tpu.vector_load %arg7[%get3A_1595, %get3A_1596] {strides = array<i32>} : memref<100x32xf32, #tpu.memory_space<vmem>>, vector<1x16xf32>,
      %get3A_1598 = vector.shape_cast %get3A_1597 : vector<1x16xf32> to vector<16xf32>
      %add3A_1599 = arith.addf %add3A_1587, %get3A_1598 : vector<16xf32>
      %get3A_1600 = arith.constant 23 : i32
      %get3A_1601 = arith.index_cast %get3A_1600 : i32 to index
      %get3A_1602 = arith.constant 16 : index
      %get3A_1603 = tpu.vector_load %arg7[%get3A_1601, %get3A_1602] {strides = array<i32>} : memref<100x32xf32, #tpu.memory_space<vmem>>, vector<1x16xf32>,
      %get3A_1604 = vector.shape_cast %get3A_1603 : vector<1x16xf32> to vector<16xf32>
      %add3A_1605 = arith.addf %add3A_1593, %get3A_1604 : vector<16xf32>
      %get3A_1606 = arith.constant 24 : i32
      %get3A_1607 = arith.index_cast %get3A_1606 : i32 to index
      %get3A_1608 = arith.constant 0 : index
      %get3A_1609 = tpu.vector_load %arg7[%get3A_1607, %get3A_1608] {strides = array<i32>} : memref<100x32xf32, #tpu.memory_space<vmem>>, vector<1x16xf32>,
      %get3A_1610 = vector.shape_cast %get3A_1609 : vector<1x16xf32> to vector<16xf32>
      %add3A_1611 = arith.addf %add3A_1599, %get3A_1610 : vector<16xf32>
      %get3A_1612 = arith.constant 24 : i32
      %get3A_1613 = arith.index_cast %get3A_1612 : i32 to index
      %get3A_1614 = arith.constant 16 : index
      %get3A_1615 = tpu.vector_load %arg7[%get3A_1613, %get3A_1614] {strides = array<i32>} : memref<100x32xf32, #tpu.memory_space<vmem>>, vector<1x16xf32>,
      %get3A_1616 = vector.shape_cast %get3A_1615 : vector<1x16xf32> to vector<16xf32>
      %add3A_1617 = arith.addf %add3A_1605, %get3A_1616 : vector<16xf32>
      %get3A_1618 = arith.constant 25 : i32
      %get3A_1619 = arith.index_cast %get3A_1618 : i32 to index
      %get3A_1620 = arith.constant 0 : index
      %get3A_1621 = tpu.vector_load %arg7[%get3A_1619, %get3A_1620] {strides = array<i32>} : memref<100x32xf32, #tpu.memory_space<vmem>>, vector<1x16xf32>,
      %get3A_1622 = vector.shape_cast %get3A_1621 : vector<1x16xf32> to vector<16xf32>
      %add3A_1623 = arith.addf %add3A_1611, %get3A_1622 : vector<16xf32>
      %get3A_1624 = arith.constant 25 : i32
      %get3A_1625 = arith.index_cast %get3A_1624 : i32 to index
      %get3A_1626 = arith.constant 16 : index
      %get3A_1627 = tpu.vector_load %arg7[%get3A_1625, %get3A_1626] {strides = array<i32>} : memref<100x32xf32, #tpu.memory_space<vmem>>, vector<1x16xf32>,
      %get3A_1628 = vector.shape_cast %get3A_1627 : vector<1x16xf32> to vector<16xf32>
      %add3A_1629 = arith.addf %add3A_1617, %get3A_1628 : vector<16xf32>
      %get3A_1630 = arith.constant 26 : i32
      %get3A_1631 = arith.index_cast %get3A_1630 : i32 to index
      %get3A_1632 = arith.constant 0 : index
      %get3A_1633 = tpu.vector_load %arg7[%get3A_1631, %get3A_1632] {strides = array<i32>} : memref<100x32xf32, #tpu.memory_space<vmem>>, vector<1x16xf32>,
      %get3A_1634 = vector.shape_cast %get3A_1633 : vector<1x16xf32> to vector<16xf32>
      %add3A_1635 = arith.addf %add3A_1623, %get3A_1634 : vector<16xf32>
      %get3A_1636 = arith.constant 26 : i32
      %get3A_1637 = arith.index_cast %get3A_1636 : i32 to index
      %get3A_1638 = arith.constant 16 : index
      %get3A_1639 = tpu.vector_load %arg7[%get3A_1637, %get3A_1638] {strides = array<i32>} : memref<100x32xf32, #tpu.memory_space<vmem>>, vector<1x16xf32>,
      %get3A_1640 = vector.shape_cast %get3A_1639 : vector<1x16xf32> to vector<16xf32>
      %add3A_1641 = arith.addf %add3A_1629, %get3A_1640 : vector<16xf32>
      %get3A_1642 = arith.constant 27 : i32
      %get3A_1643 = arith.index_cast %get3A_1642 : i32 to index
      %get3A_1644 = arith.constant 0 : index
      %get3A_1645 = tpu.vector_load %arg7[%get3A_1643, %get3A_1644] {strides = array<i32>} : memref<100x32xf32, #tpu.memory_space<vmem>>, vector<1x16xf32>,
      %get3A_1646 = vector.shape_cast %get3A_1645 : vector<1x16xf32> to vector<16xf32>
      %add3A_1647 = arith.addf %add3A_1635, %get3A_1646 : vector<16xf32>
      %get3A_1648 = arith.constant 27 : i32
      %get3A_1649 = arith.index_cast %get3A_1648 : i32 to index
      %get3A_1650 = arith.constant 16 : index
      %get3A_1651 = tpu.vector_load %arg7[%get3A_1649, %get3A_1650] {strides = array<i32>} : memref<100x32xf32, #tpu.memory_space<vmem>>, vector<1x16xf32>,
      %get3A_1652 = vector.shape_cast %get3A_1651 : vector<1x16xf32> to vector<16xf32>
      %add3A_1653 = arith.addf %add3A_1641, %get3A_1652 : vector<16xf32>
      %get3A_1654 = arith.constant 28 : i32
      %get3A_1655 = arith.index_cast %get3A_1654 : i32 to index
      %get3A_1656 = arith.constant 0 : index
      %get3A_1657 = tpu.vector_load %arg7[%get3A_1655, %get3A_1656] {strides = array<i32>} : memref<100x32xf32, #tpu.memory_space<vmem>>, vector<1x16xf32>,
      %get3A_1658 = vector.shape_cast %get3A_1657 : vector<1x16xf32> to vector<16xf32>
      %add3A_1659 = arith.addf %add3A_1647, %get3A_1658 : vector<16xf32>
      %get3A_1660 = arith.constant 28 : i32
      %get3A_1661 = arith.index_cast %get3A_1660 : i32 to index
      %get3A_1662 = arith.constant 16 : index
      %get3A_1663 = tpu.vector_load %arg7[%get3A_1661, %get3A_1662] {strides = array<i32>} : memref<100x32xf32, #tpu.memory_space<vmem>>, vector<1x16xf32>,
      %get3A_1664 = vector.shape_cast %get3A_1663 : vector<1x16xf32> to vector<16xf32>
      %add3A_1665 = arith.addf %add3A_1653, %get3A_1664 : vector<16xf32>
      %get3A_1666 = arith.constant 29 : i32
      %get3A_1667 = arith.index_cast %get3A_1666 : i32 to index
      %get3A_1668 = arith.constant 0 : index
      %get3A_1669 = tpu.vector_load %arg7[%get3A_1667, %get3A_1668] {strides = array<i32>} : memref<100x32xf32, #tpu.memory_space<vmem>>, vector<1x16xf32>,
      %get3A_1670 = vector.shape_cast %get3A_1669 : vector<1x16xf32> to vector<16xf32>
      %add3A_1671 = arith.addf %add3A_1659, %get3A_1670 : vector<16xf32>
      %get3A_1672 = arith.constant 29 : i32
      %get3A_1673 = arith.index_cast %get3A_1672 : i32 to index
      %get3A_1674 = arith.constant 16 : index
      %get3A_1675 = tpu.vector_load %arg7[%get3A_1673, %get3A_1674] {strides = array<i32>} : memref<100x32xf32, #tpu.memory_space<vmem>>, vector<1x16xf32>,
      %get3A_1676 = vector.shape_cast %get3A_1675 : vector<1x16xf32> to vector<16xf32>
      %add3A_1677 = arith.addf %add3A_1665, %get3A_1676 : vector<16xf32>
      %get3A_1678 = arith.constant 30 : i32
      %get3A_1679 = arith.index_cast %get3A_1678 : i32 to index
      %get3A_1680 = arith.constant 0 : index
      %get3A_1681 = tpu.vector_load %arg7[%get3A_1679, %get3A_1680] {strides = array<i32>} : memref<100x32xf32, #tpu.memory_space<vmem>>, vector<1x16xf32>,
      %get3A_1682 = vector.shape_cast %get3A_1681 : vector<1x16xf32> to vector<16xf32>
      %add3A_1683 = arith.addf %add3A_1671, %get3A_1682 : vector<16xf32>
      %get3A_1684 = arith.constant 30 : i32
      %get3A_1685 = arith.index_cast %get3A_1684 : i32 to index
      %get3A_1686 = arith.constant 16 : index
      %get3A_1687 = tpu.vector_load %arg7[%get3A_1685, %get3A_1686] {strides = array<i32>} : memref<100x32xf32, #tpu.memory_space<vmem>>, vector<1x16xf32>,
      %get3A_1688 = vector.shape_cast %get3A_1687 : vector<1x16xf32> to vector<16xf32>
      %add3A_1689 = arith.addf %add3A_1677, %get3A_1688 : vector<16xf32>
      %get3A_1690 = arith.constant 31 : i32
      %get3A_1691 = arith.index_cast %get3A_1690 : i32 to index
      %get3A_1692 = arith.constant 0 : index
      %get3A_1693 = tpu.vector_load %arg7[%get3A_1691, %get3A_1692] {strides = array<i32>} : memref<100x32xf32, #tpu.memory_space<vmem>>, vector<1x16xf32>,
      %get3A_1694 = vector.shape_cast %get3A_1693 : vector<1x16xf32> to vector<16xf32>
      %add3A_1695 = arith.addf %add3A_1683, %get3A_1694 : vector<16xf32>
      %get3A_1696 = arith.constant 31 : i32
      %get3A_1697 = arith.index_cast %get3A_1696 : i32 to index
      %get3A_1698 = arith.constant 16 : index
      %get3A_1699 = tpu.vector_load %arg7[%get3A_1697, %get3A_1698] {strides = array<i32>} : memref<100x32xf32, #tpu.memory_space<vmem>>, vector<1x16xf32>,
      %get3A_1700 = vector.shape_cast %get3A_1699 : vector<1x16xf32> to vector<16xf32>
      %add3A_1701 = arith.addf %add3A_1689, %get3A_1700 : vector<16xf32>
      %get3A_1702 = arith.constant 32 : i32
      %get3A_1703 = arith.index_cast %get3A_1702 : i32 to index
      %get3A_1704 = arith.constant 0 : index
      %get3A_1705 = tpu.vector_load %arg7[%get3A_1703, %get3A_1704] {strides = array<i32>} : memref<100x32xf32, #tpu.memory_space<vmem>>, vector<1x16xf32>,
      %get3A_1706 = vector.shape_cast %get3A_1705 : vector<1x16xf32> to vector<16xf32>
      %add3A_1707 = arith.addf %add3A_1695, %get3A_1706 : vector<16xf32>
      %get3A_1708 = arith.constant 32 : i32
      %get3A_1709 = arith.index_cast %get3A_1708 : i32 to index
      %get3A_1710 = arith.constant 16 : index
      %get3A_1711 = tpu.vector_load %arg7[%get3A_1709, %get3A_1710] {strides = array<i32>} : memref<100x32xf32, #tpu.memory_space<vmem>>, vector<1x16xf32>,
      %get3A_1712 = vector.shape_cast %get3A_1711 : vector<1x16xf32> to vector<16xf32>
      %add3A_1713 = arith.addf %add3A_1701, %get3A_1712 : vector<16xf32>
      %get3A_1714 = arith.constant 33 : i32
      %get3A_1715 = arith.index_cast %get3A_1714 : i32 to index
      %get3A_1716 = arith.constant 0 : index
      %get3A_1717 = tpu.vector_load %arg7[%get3A_1715, %get3A_1716] {strides = array<i32>} : memref<100x32xf32, #tpu.memory_space<vmem>>, vector<1x16xf32>,
      %get3A_1718 = vector.shape_cast %get3A_1717 : vector<1x16xf32> to vector<16xf32>
      %add3A_1719 = arith.addf %add3A_1707, %get3A_1718 : vector<16xf32>
      %get3A_1720 = arith.constant 33 : i32
      %get3A_1721 = arith.index_cast %get3A_1720 : i32 to index
      %get3A_1722 = arith.constant 16 : index
      %get3A_1723 = tpu.vector_load %arg7[%get3A_1721, %get3A_1722] {strides = array<i32>} : memref<100x32xf32, #tpu.memory_space<vmem>>, vector<1x16xf32>,
      %get3A_1724 = vector.shape_cast %get3A_1723 : vector<1x16xf32> to vector<16xf32>
      %add3A_1725 = arith.addf %add3A_1713, %get3A_1724 : vector<16xf32>
      %get3A_1726 = arith.constant 34 : i32
      %get3A_1727 = arith.index_cast %get3A_1726 : i32 to index
      %get3A_1728 = arith.constant 0 : index
      %get3A_1729 = tpu.vector_load %arg7[%get3A_1727, %get3A_1728] {strides = array<i32>} : memref<100x32xf32, #tpu.memory_space<vmem>>, vector<1x16xf32>,
      %get3A_1730 = vector.shape_cast %get3A_1729 : vector<1x16xf32> to vector<16xf32>
      %add3A_1731 = arith.addf %add3A_1719, %get3A_1730 : vector<16xf32>
      %get3A_1732 = arith.constant 34 : i32
      %get3A_1733 = arith.index_cast %get3A_1732 : i32 to index
      %get3A_1734 = arith.constant 16 : index
      %get3A_1735 = tpu.vector_load %arg7[%get3A_1733, %get3A_1734] {strides = array<i32>} : memref<100x32xf32, #tpu.memory_space<vmem>>, vector<1x16xf32>,
      %get3A_1736 = vector.shape_cast %get3A_1735 : vector<1x16xf32> to vector<16xf32>
      %add3A_1737 = arith.addf %add3A_1725, %get3A_1736 : vector<16xf32>
      %get3A_1738 = arith.constant 35 : i32
      %get3A_1739 = arith.index_cast %get3A_1738 : i32 to index
      %get3A_1740 = arith.constant 0 : index
      %get3A_1741 = tpu.vector_load %arg7[%get3A_1739, %get3A_1740] {strides = array<i32>} : memref<100x32xf32, #tpu.memory_space<vmem>>, vector<1x16xf32>,
      %get3A_1742 = vector.shape_cast %get3A_1741 : vector<1x16xf32> to vector<16xf32>
      %add3A_1743 = arith.addf %add3A_1731, %get3A_1742 : vector<16xf32>
      %get3A_1744 = arith.constant 35 : i32
      %get3A_1745 = arith.index_cast %get3A_1744 : i32 to index
      %get3A_1746 = arith.constant 16 : index
      %get3A_1747 = tpu.vector_load %arg7[%get3A_1745, %get3A_1746] {strides = array<i32>} : memref<100x32xf32, #tpu.memory_space<vmem>>, vector<1x16xf32>,
      %get3A_1748 = vector.shape_cast %get3A_1747 : vector<1x16xf32> to vector<16xf32>
      %add3A_1749 = arith.addf %add3A_1737, %get3A_1748 : vector<16xf32>
      %get3A_1750 = arith.constant 36 : i32
      %get3A_1751 = arith.index_cast %get3A_1750 : i32 to index
      %get3A_1752 = arith.constant 0 : index
      %get3A_1753 = tpu.vector_load %arg7[%get3A_1751, %get3A_1752] {strides = array<i32>} : memref<100x32xf32, #tpu.memory_space<vmem>>, vector<1x16xf32>,
      %get3A_1754 = vector.shape_cast %get3A_1753 : vector<1x16xf32> to vector<16xf32>
      %add3A_1755 = arith.addf %add3A_1743, %get3A_1754 : vector<16xf32>
      %get3A_1756 = arith.constant 36 : i32
      %get3A_1757 = arith.index_cast %get3A_1756 : i32 to index
      %get3A_1758 = arith.constant 16 : index
      %get3A_1759 = tpu.vector_load %arg7[%get3A_1757, %get3A_1758] {strides = array<i32>} : memref<100x32xf32, #tpu.memory_space<vmem>>, vector<1x16xf32>,
      %get3A_1760 = vector.shape_cast %get3A_1759 : vector<1x16xf32> to vector<16xf32>
      %add3A_1761 = arith.addf %add3A_1749, %get3A_1760 : vector<16xf32>
      %get3A_1762 = arith.constant 37 : i32
      %get3A_1763 = arith.index_cast %get3A_1762 : i32 to index
      %get3A_1764 = arith.constant 0 : index
      %get3A_1765 = tpu.vector_load %arg7[%get3A_1763, %get3A_1764] {strides = array<i32>} : memref<100x32xf32, #tpu.memory_space<vmem>>, vector<1x16xf32>,
      %get3A_1766 = vector.shape_cast %get3A_1765 : vector<1x16xf32> to vector<16xf32>
      %add3A_1767 = arith.addf %add3A_1755, %get3A_1766 : vector<16xf32>
      %get3A_1768 = arith.constant 37 : i32
      %get3A_1769 = arith.index_cast %get3A_1768 : i32 to index
      %get3A_1770 = arith.constant 16 : index
      %get3A_1771 = tpu.vector_load %arg7[%get3A_1769, %get3A_1770] {strides = array<i32>} : memref<100x32xf32, #tpu.memory_space<vmem>>, vector<1x16xf32>,
      %get3A_1772 = vector.shape_cast %get3A_1771 : vector<1x16xf32> to vector<16xf32>
      %add3A_1773 = arith.addf %add3A_1761, %get3A_1772 : vector<16xf32>
      %get3A_1774 = arith.constant 38 : i32
      %get3A_1775 = arith.index_cast %get3A_1774 : i32 to index
      %get3A_1776 = arith.constant 0 : index
      %get3A_1777 = tpu.vector_load %arg7[%get3A_1775, %get3A_1776] {strides = array<i32>} : memref<100x32xf32, #tpu.memory_space<vmem>>, vector<1x16xf32>,
      %get3A_1778 = vector.shape_cast %get3A_1777 : vector<1x16xf32> to vector<16xf32>
      %add3A_1779 = arith.addf %add3A_1767, %get3A_1778 : vector<16xf32>
      %get3A_1780 = arith.constant 38 : i32
      %get3A_1781 = arith.index_cast %get3A_1780 : i32 to index
      %get3A_1782 = arith.constant 16 : index
      %get3A_1783 = tpu.vector_load %arg7[%get3A_1781, %get3A_1782] {strides = array<i32>} : memref<100x32xf32, #tpu.memory_space<vmem>>, vector<1x16xf32>,
      %get3A_1784 = vector.shape_cast %get3A_1783 : vector<1x16xf32> to vector<16xf32>
      %add3A_1785 = arith.addf %add3A_1773, %get3A_1784 : vector<16xf32>
      %get3A_1786 = arith.constant 39 : i32
      %get3A_1787 = arith.index_cast %get3A_1786 : i32 to index
      %get3A_1788 = arith.constant 0 : index
      %get3A_1789 = tpu.vector_load %arg7[%get3A_1787, %get3A_1788] {strides = array<i32>} : memref<100x32xf32, #tpu.memory_space<vmem>>, vector<1x16xf32>,
      %get3A_1790 = vector.shape_cast %get3A_1789 : vector<1x16xf32> to vector<16xf32>
      %add3A_1791 = arith.addf %add3A_1779, %get3A_1790 : vector<16xf32>
      %get3A_1792 = arith.constant 39 : i32
      %get3A_1793 = arith.index_cast %get3A_1792 : i32 to index
      %get3A_1794 = arith.constant 16 : index
      %get3A_1795 = tpu.vector_load %arg7[%get3A_1793, %get3A_1794] {strides = array<i32>} : memref<100x32xf32, #tpu.memory_space<vmem>>, vector<1x16xf32>,
      %get3A_1796 = vector.shape_cast %get3A_1795 : vector<1x16xf32> to vector<16xf32>
      %add3A_1797 = arith.addf %add3A_1785, %get3A_1796 : vector<16xf32>
      %get3A_1798 = arith.constant 40 : i32
      %get3A_1799 = arith.index_cast %get3A_1798 : i32 to index
      %get3A_1800 = arith.constant 0 : index
      %get3A_1801 = tpu.vector_load %arg7[%get3A_1799, %get3A_1800] {strides = array<i32>} : memref<100x32xf32, #tpu.memory_space<vmem>>, vector<1x16xf32>,
      %get3A_1802 = vector.shape_cast %get3A_1801 : vector<1x16xf32> to vector<16xf32>
      %add3A_1803 = arith.addf %add3A_1791, %get3A_1802 : vector<16xf32>
      %get3A_1804 = arith.constant 40 : i32
      %get3A_1805 = arith.index_cast %get3A_1804 : i32 to index
      %get3A_1806 = arith.constant 16 : index
      %get3A_1807 = tpu.vector_load %arg7[%get3A_1805, %get3A_1806] {strides = array<i32>} : memref<100x32xf32, #tpu.memory_space<vmem>>, vector<1x16xf32>,
      %get3A_1808 = vector.shape_cast %get3A_1807 : vector<1x16xf32> to vector<16xf32>
      %add3A_1809 = arith.addf %add3A_1797, %get3A_1808 : vector<16xf32>
      %get3A_1810 = arith.constant 41 : i32
      %get3A_1811 = arith.index_cast %get3A_1810 : i32 to index
      %get3A_1812 = arith.constant 0 : index
      %get3A_1813 = tpu.vector_load %arg7[%get3A_1811, %get3A_1812] {strides = array<i32>} : memref<100x32xf32, #tpu.memory_space<vmem>>, vector<1x16xf32>,
      %get3A_1814 = vector.shape_cast %get3A_1813 : vector<1x16xf32> to vector<16xf32>
      %add3A_1815 = arith.addf %add3A_1803, %get3A_1814 : vector<16xf32>
      %get3A_1816 = arith.constant 41 : i32
      %get3A_1817 = arith.index_cast %get3A_1816 : i32 to index
      %get3A_1818 = arith.constant 16 : index
      %get3A_1819 = tpu.vector_load %arg7[%get3A_1817, %get3A_1818] {strides = array<i32>} : memref<100x32xf32, #tpu.memory_space<vmem>>, vector<1x16xf32>,
      %get3A_1820 = vector.shape_cast %get3A_1819 : vector<1x16xf32> to vector<16xf32>
      %add3A_1821 = arith.addf %add3A_1809, %get3A_1820 : vector<16xf32>
      %get3A_1822 = arith.constant 42 : i32
      %get3A_1823 = arith.index_cast %get3A_1822 : i32 to index
      %get3A_1824 = arith.constant 0 : index
      %get3A_1825 = tpu.vector_load %arg7[%get3A_1823, %get3A_1824] {strides = array<i32>} : memref<100x32xf32, #tpu.memory_space<vmem>>, vector<1x16xf32>,
      %get3A_1826 = vector.shape_cast %get3A_1825 : vector<1x16xf32> to vector<16xf32>
      %add3A_1827 = arith.addf %add3A_1815, %get3A_1826 : vector<16xf32>
      %get3A_1828 = arith.constant 42 : i32
      %get3A_1829 = arith.index_cast %get3A_1828 : i32 to index
      %get3A_1830 = arith.constant 16 : index
      %get3A_1831 = tpu.vector_load %arg7[%get3A_1829, %get3A_1830] {strides = array<i32>} : memref<100x32xf32, #tpu.memory_space<vmem>>, vector<1x16xf32>,
      %get3A_1832 = vector.shape_cast %get3A_1831 : vector<1x16xf32> to vector<16xf32>
      %add3A_1833 = arith.addf %add3A_1821, %get3A_1832 : vector<16xf32>
      %get3A_1834 = arith.constant 43 : i32
      %get3A_1835 = arith.index_cast %get3A_1834 : i32 to index
      %get3A_1836 = arith.constant 0 : index
      %get3A_1837 = tpu.vector_load %arg7[%get3A_1835, %get3A_1836] {strides = array<i32>} : memref<100x32xf32, #tpu.memory_space<vmem>>, vector<1x16xf32>,
      %get3A_1838 = vector.shape_cast %get3A_1837 : vector<1x16xf32> to vector<16xf32>
      %add3A_1839 = arith.addf %add3A_1827, %get3A_1838 : vector<16xf32>
      %get3A_1840 = arith.constant 43 : i32
      %get3A_1841 = arith.index_cast %get3A_1840 : i32 to index
      %get3A_1842 = arith.constant 16 : index
      %get3A_1843 = tpu.vector_load %arg7[%get3A_1841, %get3A_1842] {strides = array<i32>} : memref<100x32xf32, #tpu.memory_space<vmem>>, vector<1x16xf32>,
      %get3A_1844 = vector.shape_cast %get3A_1843 : vector<1x16xf32> to vector<16xf32>
      %add3A_1845 = arith.addf %add3A_1833, %get3A_1844 : vector<16xf32>
      %get3A_1846 = arith.constant 44 : i32
      %get3A_1847 = arith.index_cast %get3A_1846 : i32 to index
      %get3A_1848 = arith.constant 0 : index
      %get3A_1849 = tpu.vector_load %arg7[%get3A_1847, %get3A_1848] {strides = array<i32>} : memref<100x32xf32, #tpu.memory_space<vmem>>, vector<1x16xf32>,
      %get3A_1850 = vector.shape_cast %get3A_1849 : vector<1x16xf32> to vector<16xf32>
      %add3A_1851 = arith.addf %add3A_1839, %get3A_1850 : vector<16xf32>
      %get3A_1852 = arith.constant 44 : i32
      %get3A_1853 = arith.index_cast %get3A_1852 : i32 to index
      %get3A_1854 = arith.constant 16 : index
      %get3A_1855 = tpu.vector_load %arg7[%get3A_1853, %get3A_1854] {strides = array<i32>} : memref<100x32xf32, #tpu.memory_space<vmem>>, vector<1x16xf32>,
      %get3A_1856 = vector.shape_cast %get3A_1855 : vector<1x16xf32> to vector<16xf32>
      %add3A_1857 = arith.addf %add3A_1845, %get3A_1856 : vector<16xf32>
      %get3A_1858 = arith.constant 45 : i32
      %get3A_1859 = arith.index_cast %get3A_1858 : i32 to index
      %get3A_1860 = arith.constant 0 : index
      %get3A_1861 = tpu.vector_load %arg7[%get3A_1859, %get3A_1860] {strides = array<i32>} : memref<100x32xf32, #tpu.memory_space<vmem>>, vector<1x16xf32>,
      %get3A_1862 = vector.shape_cast %get3A_1861 : vector<1x16xf32> to vector<16xf32>
      %add3A_1863 = arith.addf %add3A_1851, %get3A_1862 : vector<16xf32>
      %get3A_1864 = arith.constant 45 : i32
      %get3A_1865 = arith.index_cast %get3A_1864 : i32 to index
      %get3A_1866 = arith.constant 16 : index
      %get3A_1867 = tpu.vector_load %arg7[%get3A_1865, %get3A_1866] {strides = array<i32>} : memref<100x32xf32, #tpu.memory_space<vmem>>, vector<1x16xf32>,
      %get3A_1868 = vector.shape_cast %get3A_1867 : vector<1x16xf32> to vector<16xf32>
      %add3A_1869 = arith.addf %add3A_1857, %get3A_1868 : vector<16xf32>
      %get3A_1870 = arith.constant 46 : i32
      %get3A_1871 = arith.index_cast %get3A_1870 : i32 to index
      %get3A_1872 = arith.constant 0 : index
      %get3A_1873 = tpu.vector_load %arg7[%get3A_1871, %get3A_1872] {strides = array<i32>} : memref<100x32xf32, #tpu.memory_space<vmem>>, vector<1x16xf32>,
      %get3A_1874 = vector.shape_cast %get3A_1873 : vector<1x16xf32> to vector<16xf32>
      %add3A_1875 = arith.addf %add3A_1863, %get3A_1874 : vector<16xf32>
      %get3A_1876 = arith.constant 46 : i32
      %get3A_1877 = arith.index_cast %get3A_1876 : i32 to index
      %get3A_1878 = arith.constant 16 : index
      %get3A_1879 = tpu.vector_load %arg7[%get3A_1877, %get3A_1878] {strides = array<i32>} : memref<100x32xf32, #tpu.memory_space<vmem>>, vector<1x16xf32>,
      %get3A_1880 = vector.shape_cast %get3A_1879 : vector<1x16xf32> to vector<16xf32>
      %add3A_1881 = arith.addf %add3A_1869, %get3A_1880 : vector<16xf32>
      %get3A_1882 = arith.constant 47 : i32
      %get3A_1883 = arith.index_cast %get3A_1882 : i32 to index
      %get3A_1884 = arith.constant 0 : index
      %get3A_1885 = tpu.vector_load %arg7[%get3A_1883, %get3A_1884] {strides = array<i32>} : memref<100x32xf32, #tpu.memory_space<vmem>>, vector<1x16xf32>,
      %get3A_1886 = vector.shape_cast %get3A_1885 : vector<1x16xf32> to vector<16xf32>
      %add3A_1887 = arith.addf %add3A_1875, %get3A_1886 : vector<16xf32>
      %get3A_1888 = arith.constant 47 : i32
      %get3A_1889 = arith.index_cast %get3A_1888 : i32 to index
      %get3A_1890 = arith.constant 16 : index
      %get3A_1891 = tpu.vector_load %arg7[%get3A_1889, %get3A_1890] {strides = array<i32>} : memref<100x32xf32, #tpu.memory_space<vmem>>, vector<1x16xf32>,
      %get3A_1892 = vector.shape_cast %get3A_1891 : vector<1x16xf32> to vector<16xf32>
      %add3A_1893 = arith.addf %add3A_1881, %get3A_1892 : vector<16xf32>
      %get3A_1894 = arith.constant 48 : i32
      %get3A_1895 = arith.index_cast %get3A_1894 : i32 to index
      %get3A_1896 = arith.constant 0 : index
      %get3A_1897 = tpu.vector_load %arg7[%get3A_1895, %get3A_1896] {strides = array<i32>} : memref<100x32xf32, #tpu.memory_space<vmem>>, vector<1x16xf32>,
      %get3A_1898 = vector.shape_cast %get3A_1897 : vector<1x16xf32> to vector<16xf32>
      %add3A_1899 = arith.addf %add3A_1887, %get3A_1898 : vector<16xf32>
      %get3A_1900 = arith.constant 48 : i32
      %get3A_1901 = arith.index_cast %get3A_1900 : i32 to index
      %get3A_1902 = arith.constant 16 : index
      %get3A_1903 = tpu.vector_load %arg7[%get3A_1901, %get3A_1902] {strides = array<i32>} : memref<100x32xf32, #tpu.memory_space<vmem>>, vector<1x16xf32>,
      %get3A_1904 = vector.shape_cast %get3A_1903 : vector<1x16xf32> to vector<16xf32>
      %add3A_1905 = arith.addf %add3A_1893, %get3A_1904 : vector<16xf32>
      %get3A_1906 = arith.constant 49 : i32
      %get3A_1907 = arith.index_cast %get3A_1906 : i32 to index
      %get3A_1908 = arith.constant 0 : index
      %get3A_1909 = tpu.vector_load %arg7[%get3A_1907, %get3A_1908] {strides = array<i32>} : memref<100x32xf32, #tpu.memory_space<vmem>>, vector<1x16xf32>,
      %get3A_1910 = vector.shape_cast %get3A_1909 : vector<1x16xf32> to vector<16xf32>
      %add3A_1911 = arith.addf %add3A_1899, %get3A_1910 : vector<16xf32>
      %get3A_1912 = arith.constant 49 : i32
      %get3A_1913 = arith.index_cast %get3A_1912 : i32 to index
      %get3A_1914 = arith.constant 16 : index
      %get3A_1915 = tpu.vector_load %arg7[%get3A_1913, %get3A_1914] {strides = array<i32>} : memref<100x32xf32, #tpu.memory_space<vmem>>, vector<1x16xf32>,
      %get3A_1916 = vector.shape_cast %get3A_1915 : vector<1x16xf32> to vector<16xf32>
      %add3A_1917 = arith.addf %add3A_1905, %get3A_1916 : vector<16xf32>
      %add3A_1918 = arith.constant 0 : i32
      %add3A_1919 = arith.addi %mul3A_1319, %add3A_1918 : i32
      %swap3A_1920 = arith.index_cast %add3A_1919 : i32 to index
      %swap3A_1921 = arith.constant 0 : index
      %swap3A_1922 = tpu.vector_load %arg10[%swap3A_1920, %swap3A_1921] {strides = array<i32>} : memref<512x32xf32, #tpu.memory_space<vmem>>, vector<1x16xf32>,
      %swap3A_1923 = vector.shape_cast %swap3A_1922 : vector<1x16xf32> to vector<16xf32>
      %swap3A_1924 = vector.shape_cast %add3A_1911 : vector<16xf32> to vector<1x16xf32>
      tpu.vector_store %arg10[%swap3A_1920, %swap3A_1921], %swap3A_1924 {strides = array<i32>} : memref<512x32xf32, #tpu.memory_space<vmem>>, vector<1x16xf32>,
      %add3A_1925 = arith.constant 0 : i32
      %add3A_1926 = arith.addi %mul3A_1319, %add3A_1925 : i32
      %swap3A_1927 = arith.index_cast %add3A_1926 : i32 to index
      %swap3A_1928 = arith.constant 16 : index
      %swap3A_1929 = tpu.vector_load %arg10[%swap3A_1927, %swap3A_1928] {strides = array<i32>} : memref<512x32xf32, #tpu.memory_space<vmem>>, vector<1x16xf32>,
      %swap3A_1930 = vector.shape_cast %swap3A_1929 : vector<1x16xf32> to vector<16xf32>
      %swap3A_1931 = vector.shape_cast %add3A_1917 : vector<16xf32> to vector<1x16xf32>
      tpu.vector_store %arg10[%swap3A_1927, %swap3A_1928], %swap3A_1931 {strides = array<i32>} : memref<512x32xf32, #tpu.memory_space<vmem>>, vector<1x16xf32>,
      %get3A_1932 = arith.constant 50 : i32
      %get3A_1933 = arith.index_cast %get3A_1932 : i32 to index
      %get3A_1934 = arith.constant 0 : index
      %get3A_1935 = tpu.vector_load %arg7[%get3A_1933, %get3A_1934] {strides = array<i32>} : memref<100x32xf32, #tpu.memory_space<vmem>>, vector<1x16xf32>,
      %get3A_1936 = vector.shape_cast %get3A_1935 : vector<1x16xf32> to vector<16xf32>
      %get3A_1937 = arith.constant 50 : i32
      %get3A_1938 = arith.index_cast %get3A_1937 : i32 to index
      %get3A_1939 = arith.constant 16 : index
      %get3A_1940 = tpu.vector_load %arg7[%get3A_1938, %get3A_1939] {strides = array<i32>} : memref<100x32xf32, #tpu.memory_space<vmem>>, vector<1x16xf32>,
      %get3A_1941 = vector.shape_cast %get3A_1940 : vector<1x16xf32> to vector<16xf32>
      %get3A_1942 = arith.constant 51 : i32
      %get3A_1943 = arith.index_cast %get3A_1942 : i32 to index
      %get3A_1944 = arith.constant 0 : index
      %get3A_1945 = tpu.vector_load %arg7[%get3A_1943, %get3A_1944] {strides = array<i32>} : memref<100x32xf32, #tpu.memory_space<vmem>>, vector<1x16xf32>,
      %get3A_1946 = vector.shape_cast %get3A_1945 : vector<1x16xf32> to vector<16xf32>
      %add3A_1947 = arith.addf %get3A_1936, %get3A_1946 : vector<16xf32>
      %get3A_1948 = arith.constant 51 : i32
      %get3A_1949 = arith.index_cast %get3A_1948 : i32 to index
      %get3A_1950 = arith.constant 16 : index
      %get3A_1951 = tpu.vector_load %arg7[%get3A_1949, %get3A_1950] {strides = array<i32>} : memref<100x32xf32, #tpu.memory_space<vmem>>, vector<1x16xf32>,
      %get3A_1952 = vector.shape_cast %get3A_1951 : vector<1x16xf32> to vector<16xf32>
      %add3A_1953 = arith.addf %get3A_1941, %get3A_1952 : vector<16xf32>
      %get3A_1954 = arith.constant 52 : i32
      %get3A_1955 = arith.index_cast %get3A_1954 : i32 to index
      %get3A_1956 = arith.constant 0 : index
      %get3A_1957 = tpu.vector_load %arg7[%get3A_1955, %get3A_1956] {strides = array<i32>} : memref<100x32xf32, #tpu.memory_space<vmem>>, vector<1x16xf32>,
      %get3A_1958 = vector.shape_cast %get3A_1957 : vector<1x16xf32> to vector<16xf32>
      %add3A_1959 = arith.addf %add3A_1947, %get3A_1958 : vector<16xf32>
      %get3A_1960 = arith.constant 52 : i32
      %get3A_1961 = arith.index_cast %get3A_1960 : i32 to index
      %get3A_1962 = arith.constant 16 : index
      %get3A_1963 = tpu.vector_load %arg7[%get3A_1961, %get3A_1962] {strides = array<i32>} : memref<100x32xf32, #tpu.memory_space<vmem>>, vector<1x16xf32>,
      %get3A_1964 = vector.shape_cast %get3A_1963 : vector<1x16xf32> to vector<16xf32>
      %add3A_1965 = arith.addf %add3A_1953, %get3A_1964 : vector<16xf32>
      %get3A_1966 = arith.constant 53 : i32
      %get3A_1967 = arith.index_cast %get3A_1966 : i32 to index
      %get3A_1968 = arith.constant 0 : index
      %get3A_1969 = tpu.vector_load %arg7[%get3A_1967, %get3A_1968] {strides = array<i32>} : memref<100x32xf32, #tpu.memory_space<vmem>>, vector<1x16xf32>,
      %get3A_1970 = vector.shape_cast %get3A_1969 : vector<1x16xf32> to vector<16xf32>
      %add3A_1971 = arith.addf %add3A_1959, %get3A_1970 : vector<16xf32>
      %get3A_1972 = arith.constant 53 : i32
      %get3A_1973 = arith.index_cast %get3A_1972 : i32 to index
      %get3A_1974 = arith.constant 16 : index
      %get3A_1975 = tpu.vector_load %arg7[%get3A_1973, %get3A_1974] {strides = array<i32>} : memref<100x32xf32, #tpu.memory_space<vmem>>, vector<1x16xf32>,
      %get3A_1976 = vector.shape_cast %get3A_1975 : vector<1x16xf32> to vector<16xf32>
      %add3A_1977 = arith.addf %add3A_1965, %get3A_1976 : vector<16xf32>
      %get3A_1978 = arith.constant 54 : i32
      %get3A_1979 = arith.index_cast %get3A_1978 : i32 to index
      %get3A_1980 = arith.constant 0 : index
      %get3A_1981 = tpu.vector_load %arg7[%get3A_1979, %get3A_1980] {strides = array<i32>} : memref<100x32xf32, #tpu.memory_space<vmem>>, vector<1x16xf32>,
      %get3A_1982 = vector.shape_cast %get3A_1981 : vector<1x16xf32> to vector<16xf32>
      %add3A_1983 = arith.addf %add3A_1971, %get3A_1982 : vector<16xf32>
      %get3A_1984 = arith.constant 54 : i32
      %get3A_1985 = arith.index_cast %get3A_1984 : i32 to index
      %get3A_1986 = arith.constant 16 : index
      %get3A_1987 = tpu.vector_load %arg7[%get3A_1985, %get3A_1986] {strides = array<i32>} : memref<100x32xf32, #tpu.memory_space<vmem>>, vector<1x16xf32>,
      %get3A_1988 = vector.shape_cast %get3A_1987 : vector<1x16xf32> to vector<16xf32>
      %add3A_1989 = arith.addf %add3A_1977, %get3A_1988 : vector<16xf32>
      %get3A_1990 = arith.constant 55 : i32
      %get3A_1991 = arith.index_cast %get3A_1990 : i32 to index
      %get3A_1992 = arith.constant 0 : index
      %get3A_1993 = tpu.vector_load %arg7[%get3A_1991, %get3A_1992] {strides = array<i32>} : memref<100x32xf32, #tpu.memory_space<vmem>>, vector<1x16xf32>,
      %get3A_1994 = vector.shape_cast %get3A_1993 : vector<1x16xf32> to vector<16xf32>
      %add3A_1995 = arith.addf %add3A_1983, %get3A_1994 : vector<16xf32>
      %get3A_1996 = arith.constant 55 : i32
      %get3A_1997 = arith.index_cast %get3A_1996 : i32 to index
      %get3A_1998 = arith.constant 16 : index
      %get3A_1999 = tpu.vector_load %arg7[%get3A_1997, %get3A_1998] {strides = array<i32>} : memref<100x32xf32, #tpu.memory_space<vmem>>, vector<1x16xf32>,
      %get3A_2000 = vector.shape_cast %get3A_1999 : vector<1x16xf32> to vector<16xf32>
      %add3A_2001 = arith.addf %add3A_1989, %get3A_2000 : vector<16xf32>
      %get3A_2002 = arith.constant 56 : i32
      %get3A_2003 = arith.index_cast %get3A_2002 : i32 to index
      %get3A_2004 = arith.constant 0 : index
      %get3A_2005 = tpu.vector_load %arg7[%get3A_2003, %get3A_2004] {strides = array<i32>} : memref<100x32xf32, #tpu.memory_space<vmem>>, vector<1x16xf32>,
      %get3A_2006 = vector.shape_cast %get3A_2005 : vector<1x16xf32> to vector<16xf32>
      %add3A_2007 = arith.addf %add3A_1995, %get3A_2006 : vector<16xf32>
      %get3A_2008 = arith.constant 56 : i32
      %get3A_2009 = arith.index_cast %get3A_2008 : i32 to index
      %get3A_2010 = arith.constant 16 : index
      %get3A_2011 = tpu.vector_load %arg7[%get3A_2009, %get3A_2010] {strides = array<i32>} : memref<100x32xf32, #tpu.memory_space<vmem>>, vector<1x16xf32>,
      %get3A_2012 = vector.shape_cast %get3A_2011 : vector<1x16xf32> to vector<16xf32>
      %add3A_2013 = arith.addf %add3A_2001, %get3A_2012 : vector<16xf32>
      %get3A_2014 = arith.constant 57 : i32
      %get3A_2015 = arith.index_cast %get3A_2014 : i32 to index
      %get3A_2016 = arith.constant 0 : index
      %get3A_2017 = tpu.vector_load %arg7[%get3A_2015, %get3A_2016] {strides = array<i32>} : memref<100x32xf32, #tpu.memory_space<vmem>>, vector<1x16xf32>,
      %get3A_2018 = vector.shape_cast %get3A_2017 : vector<1x16xf32> to vector<16xf32>
      %add3A_2019 = arith.addf %add3A_2007, %get3A_2018 : vector<16xf32>
      %get3A_2020 = arith.constant 57 : i32
      %get3A_2021 = arith.index_cast %get3A_2020 : i32 to index
      %get3A_2022 = arith.constant 16 : index
      %get3A_2023 = tpu.vector_load %arg7[%get3A_2021, %get3A_2022] {strides = array<i32>} : memref<100x32xf32, #tpu.memory_space<vmem>>, vector<1x16xf32>,
      %get3A_2024 = vector.shape_cast %get3A_2023 : vector<1x16xf32> to vector<16xf32>
      %add3A_2025 = arith.addf %add3A_2013, %get3A_2024 : vector<16xf32>
      %get3A_2026 = arith.constant 58 : i32
      %get3A_2027 = arith.index_cast %get3A_2026 : i32 to index
      %get3A_2028 = arith.constant 0 : index
      %get3A_2029 = tpu.vector_load %arg7[%get3A_2027, %get3A_2028] {strides = array<i32>} : memref<100x32xf32, #tpu.memory_space<vmem>>, vector<1x16xf32>,
      %get3A_2030 = vector.shape_cast %get3A_2029 : vector<1x16xf32> to vector<16xf32>
      %add3A_2031 = arith.addf %add3A_2019, %get3A_2030 : vector<16xf32>
      %get3A_2032 = arith.constant 58 : i32
      %get3A_2033 = arith.index_cast %get3A_2032 : i32 to index
      %get3A_2034 = arith.constant 16 : index
      %get3A_2035 = tpu.vector_load %arg7[%get3A_2033, %get3A_2034] {strides = array<i32>} : memref<100x32xf32, #tpu.memory_space<vmem>>, vector<1x16xf32>,
      %get3A_2036 = vector.shape_cast %get3A_2035 : vector<1x16xf32> to vector<16xf32>
      %add3A_2037 = arith.addf %add3A_2025, %get3A_2036 : vector<16xf32>
      %get3A_2038 = arith.constant 59 : i32
      %get3A_2039 = arith.index_cast %get3A_2038 : i32 to index
      %get3A_2040 = arith.constant 0 : index
      %get3A_2041 = tpu.vector_load %arg7[%get3A_2039, %get3A_2040] {strides = array<i32>} : memref<100x32xf32, #tpu.memory_space<vmem>>, vector<1x16xf32>,
      %get3A_2042 = vector.shape_cast %get3A_2041 : vector<1x16xf32> to vector<16xf32>
      %add3A_2043 = arith.addf %add3A_2031, %get3A_2042 : vector<16xf32>
      %get3A_2044 = arith.constant 59 : i32
      %get3A_2045 = arith.index_cast %get3A_2044 : i32 to index
      %get3A_2046 = arith.constant 16 : index
      %get3A_2047 = tpu.vector_load %arg7[%get3A_2045, %get3A_2046] {strides = array<i32>} : memref<100x32xf32, #tpu.memory_space<vmem>>, vector<1x16xf32>,
      %get3A_2048 = vector.shape_cast %get3A_2047 : vector<1x16xf32> to vector<16xf32>
      %add3A_2049 = arith.addf %add3A_2037, %get3A_2048 : vector<16xf32>
      %get3A_2050 = arith.constant 60 : i32
      %get3A_2051 = arith.index_cast %get3A_2050 : i32 to index
      %get3A_2052 = arith.constant 0 : index
      %get3A_2053 = tpu.vector_load %arg7[%get3A_2051, %get3A_2052] {strides = array<i32>} : memref<100x32xf32, #tpu.memory_space<vmem>>, vector<1x16xf32>,
      %get3A_2054 = vector.shape_cast %get3A_2053 : vector<1x16xf32> to vector<16xf32>
      %add3A_2055 = arith.addf %add3A_2043, %get3A_2054 : vector<16xf32>
      %get3A_2056 = arith.constant 60 : i32
      %get3A_2057 = arith.index_cast %get3A_2056 : i32 to index
      %get3A_2058 = arith.constant 16 : index
      %get3A_2059 = tpu.vector_load %arg7[%get3A_2057, %get3A_2058] {strides = array<i32>} : memref<100x32xf32, #tpu.memory_space<vmem>>, vector<1x16xf32>,
      %get3A_2060 = vector.shape_cast %get3A_2059 : vector<1x16xf32> to vector<16xf32>
      %add3A_2061 = arith.addf %add3A_2049, %get3A_2060 : vector<16xf32>
      %get3A_2062 = arith.constant 61 : i32
      %get3A_2063 = arith.index_cast %get3A_2062 : i32 to index
      %get3A_2064 = arith.constant 0 : index
      %get3A_2065 = tpu.vector_load %arg7[%get3A_2063, %get3A_2064] {strides = array<i32>} : memref<100x32xf32, #tpu.memory_space<vmem>>, vector<1x16xf32>,
      %get3A_2066 = vector.shape_cast %get3A_2065 : vector<1x16xf32> to vector<16xf32>
      %add3A_2067 = arith.addf %add3A_2055, %get3A_2066 : vector<16xf32>
      %get3A_2068 = arith.constant 61 : i32
      %get3A_2069 = arith.index_cast %get3A_2068 : i32 to index
      %get3A_2070 = arith.constant 16 : index
      %get3A_2071 = tpu.vector_load %arg7[%get3A_2069, %get3A_2070] {strides = array<i32>} : memref<100x32xf32, #tpu.memory_space<vmem>>, vector<1x16xf32>,
      %get3A_2072 = vector.shape_cast %get3A_2071 : vector<1x16xf32> to vector<16xf32>
      %add3A_2073 = arith.addf %add3A_2061, %get3A_2072 : vector<16xf32>
      %get3A_2074 = arith.constant 62 : i32
      %get3A_2075 = arith.index_cast %get3A_2074 : i32 to index
      %get3A_2076 = arith.constant 0 : index
      %get3A_2077 = tpu.vector_load %arg7[%get3A_2075, %get3A_2076] {strides = array<i32>} : memref<100x32xf32, #tpu.memory_space<vmem>>, vector<1x16xf32>,
      %get3A_2078 = vector.shape_cast %get3A_2077 : vector<1x16xf32> to vector<16xf32>
      %add3A_2079 = arith.addf %add3A_2067, %get3A_2078 : vector<16xf32>
      %get3A_2080 = arith.constant 62 : i32
      %get3A_2081 = arith.index_cast %get3A_2080 : i32 to index
      %get3A_2082 = arith.constant 16 : index
      %get3A_2083 = tpu.vector_load %arg7[%get3A_2081, %get3A_2082] {strides = array<i32>} : memref<100x32xf32, #tpu.memory_space<vmem>>, vector<1x16xf32>,
      %get3A_2084 = vector.shape_cast %get3A_2083 : vector<1x16xf32> to vector<16xf32>
      %add3A_2085 = arith.addf %add3A_2073, %get3A_2084 : vector<16xf32>
      %get3A_2086 = arith.constant 63 : i32
      %get3A_2087 = arith.index_cast %get3A_2086 : i32 to index
      %get3A_2088 = arith.constant 0 : index
      %get3A_2089 = tpu.vector_load %arg7[%get3A_2087, %get3A_2088] {strides = array<i32>} : memref<100x32xf32, #tpu.memory_space<vmem>>, vector<1x16xf32>,
      %get3A_2090 = vector.shape_cast %get3A_2089 : vector<1x16xf32> to vector<16xf32>
      %add3A_2091 = arith.addf %add3A_2079, %get3A_2090 : vector<16xf32>
      %get3A_2092 = arith.constant 63 : i32
      %get3A_2093 = arith.index_cast %get3A_2092 : i32 to index
      %get3A_2094 = arith.constant 16 : index
      %get3A_2095 = tpu.vector_load %arg7[%get3A_2093, %get3A_2094] {strides = array<i32>} : memref<100x32xf32, #tpu.memory_space<vmem>>, vector<1x16xf32>,
      %get3A_2096 = vector.shape_cast %get3A_2095 : vector<1x16xf32> to vector<16xf32>
      %add3A_2097 = arith.addf %add3A_2085, %get3A_2096 : vector<16xf32>
      %get3A_2098 = arith.constant 64 : i32
      %get3A_2099 = arith.index_cast %get3A_2098 : i32 to index
      %get3A_2100 = arith.constant 0 : index
      %get3A_2101 = tpu.vector_load %arg7[%get3A_2099, %get3A_2100] {strides = array<i32>} : memref<100x32xf32, #tpu.memory_space<vmem>>, vector<1x16xf32>,
      %get3A_2102 = vector.shape_cast %get3A_2101 : vector<1x16xf32> to vector<16xf32>
      %add3A_2103 = arith.addf %add3A_2091, %get3A_2102 : vector<16xf32>
      %get3A_2104 = arith.constant 64 : i32
      %get3A_2105 = arith.index_cast %get3A_2104 : i32 to index
      %get3A_2106 = arith.constant 16 : index
      %get3A_2107 = tpu.vector_load %arg7[%get3A_2105, %get3A_2106] {strides = array<i32>} : memref<100x32xf32, #tpu.memory_space<vmem>>, vector<1x16xf32>,
      %get3A_2108 = vector.shape_cast %get3A_2107 : vector<1x16xf32> to vector<16xf32>
      %add3A_2109 = arith.addf %add3A_2097, %get3A_2108 : vector<16xf32>
      %get3A_2110 = arith.constant 65 : i32
      %get3A_2111 = arith.index_cast %get3A_2110 : i32 to index
      %get3A_2112 = arith.constant 0 : index
      %get3A_2113 = tpu.vector_load %arg7[%get3A_2111, %get3A_2112] {strides = array<i32>} : memref<100x32xf32, #tpu.memory_space<vmem>>, vector<1x16xf32>,
      %get3A_2114 = vector.shape_cast %get3A_2113 : vector<1x16xf32> to vector<16xf32>
      %add3A_2115 = arith.addf %add3A_2103, %get3A_2114 : vector<16xf32>
      %get3A_2116 = arith.constant 65 : i32
      %get3A_2117 = arith.index_cast %get3A_2116 : i32 to index
      %get3A_2118 = arith.constant 16 : index
      %get3A_2119 = tpu.vector_load %arg7[%get3A_2117, %get3A_2118] {strides = array<i32>} : memref<100x32xf32, #tpu.memory_space<vmem>>, vector<1x16xf32>,
      %get3A_2120 = vector.shape_cast %get3A_2119 : vector<1x16xf32> to vector<16xf32>
      %add3A_2121 = arith.addf %add3A_2109, %get3A_2120 : vector<16xf32>
      %get3A_2122 = arith.constant 66 : i32
      %get3A_2123 = arith.index_cast %get3A_2122 : i32 to index
      %get3A_2124 = arith.constant 0 : index
      %get3A_2125 = tpu.vector_load %arg7[%get3A_2123, %get3A_2124] {strides = array<i32>} : memref<100x32xf32, #tpu.memory_space<vmem>>, vector<1x16xf32>,
      %get3A_2126 = vector.shape_cast %get3A_2125 : vector<1x16xf32> to vector<16xf32>
      %add3A_2127 = arith.addf %add3A_2115, %get3A_2126 : vector<16xf32>
      %get3A_2128 = arith.constant 66 : i32
      %get3A_2129 = arith.index_cast %get3A_2128 : i32 to index
      %get3A_2130 = arith.constant 16 : index
      %get3A_2131 = tpu.vector_load %arg7[%get3A_2129, %get3A_2130] {strides = array<i32>} : memref<100x32xf32, #tpu.memory_space<vmem>>, vector<1x16xf32>,
      %get3A_2132 = vector.shape_cast %get3A_2131 : vector<1x16xf32> to vector<16xf32>
      %add3A_2133 = arith.addf %add3A_2121, %get3A_2132 : vector<16xf32>
      %get3A_2134 = arith.constant 67 : i32
      %get3A_2135 = arith.index_cast %get3A_2134 : i32 to index
      %get3A_2136 = arith.constant 0 : index
      %get3A_2137 = tpu.vector_load %arg7[%get3A_2135, %get3A_2136] {strides = array<i32>} : memref<100x32xf32, #tpu.memory_space<vmem>>, vector<1x16xf32>,
      %get3A_2138 = vector.shape_cast %get3A_2137 : vector<1x16xf32> to vector<16xf32>
      %add3A_2139 = arith.addf %add3A_2127, %get3A_2138 : vector<16xf32>
      %get3A_2140 = arith.constant 67 : i32
      %get3A_2141 = arith.index_cast %get3A_2140 : i32 to index
      %get3A_2142 = arith.constant 16 : index
      %get3A_2143 = tpu.vector_load %arg7[%get3A_2141, %get3A_2142] {strides = array<i32>} : memref<100x32xf32, #tpu.memory_space<vmem>>, vector<1x16xf32>,
      %get3A_2144 = vector.shape_cast %get3A_2143 : vector<1x16xf32> to vector<16xf32>
      %add3A_2145 = arith.addf %add3A_2133, %get3A_2144 : vector<16xf32>
      %get3A_2146 = arith.constant 68 : i32
      %get3A_2147 = arith.index_cast %get3A_2146 : i32 to index
      %get3A_2148 = arith.constant 0 : index
      %get3A_2149 = tpu.vector_load %arg7[%get3A_2147, %get3A_2148] {strides = array<i32>} : memref<100x32xf32, #tpu.memory_space<vmem>>, vector<1x16xf32>,
      %get3A_2150 = vector.shape_cast %get3A_2149 : vector<1x16xf32> to vector<16xf32>
      %add3A_2151 = arith.addf %add3A_2139, %get3A_2150 : vector<16xf32>
      %get3A_2152 = arith.constant 68 : i32
      %get3A_2153 = arith.index_cast %get3A_2152 : i32 to index
      %get3A_2154 = arith.constant 16 : index
      %get3A_2155 = tpu.vector_load %arg7[%get3A_2153, %get3A_2154] {strides = array<i32>} : memref<100x32xf32, #tpu.memory_space<vmem>>, vector<1x16xf32>,
      %get3A_2156 = vector.shape_cast %get3A_2155 : vector<1x16xf32> to vector<16xf32>
      %add3A_2157 = arith.addf %add3A_2145, %get3A_2156 : vector<16xf32>
      %get3A_2158 = arith.constant 69 : i32
      %get3A_2159 = arith.index_cast %get3A_2158 : i32 to index
      %get3A_2160 = arith.constant 0 : index
      %get3A_2161 = tpu.vector_load %arg7[%get3A_2159, %get3A_2160] {strides = array<i32>} : memref<100x32xf32, #tpu.memory_space<vmem>>, vector<1x16xf32>,
      %get3A_2162 = vector.shape_cast %get3A_2161 : vector<1x16xf32> to vector<16xf32>
      %add3A_2163 = arith.addf %add3A_2151, %get3A_2162 : vector<16xf32>
      %get3A_2164 = arith.constant 69 : i32
      %get3A_2165 = arith.index_cast %get3A_2164 : i32 to index
      %get3A_2166 = arith.constant 16 : index
      %get3A_2167 = tpu.vector_load %arg7[%get3A_2165, %get3A_2166] {strides = array<i32>} : memref<100x32xf32, #tpu.memory_space<vmem>>, vector<1x16xf32>,
      %get3A_2168 = vector.shape_cast %get3A_2167 : vector<1x16xf32> to vector<16xf32>
      %add3A_2169 = arith.addf %add3A_2157, %get3A_2168 : vector<16xf32>
      %get3A_2170 = arith.constant 70 : i32
      %get3A_2171 = arith.index_cast %get3A_2170 : i32 to index
      %get3A_2172 = arith.constant 0 : index
      %get3A_2173 = tpu.vector_load %arg7[%get3A_2171, %get3A_2172] {strides = array<i32>} : memref<100x32xf32, #tpu.memory_space<vmem>>, vector<1x16xf32>,
      %get3A_2174 = vector.shape_cast %get3A_2173 : vector<1x16xf32> to vector<16xf32>
      %add3A_2175 = arith.addf %add3A_2163, %get3A_2174 : vector<16xf32>
      %get3A_2176 = arith.constant 70 : i32
      %get3A_2177 = arith.index_cast %get3A_2176 : i32 to index
      %get3A_2178 = arith.constant 16 : index
      %get3A_2179 = tpu.vector_load %arg7[%get3A_2177, %get3A_2178] {strides = array<i32>} : memref<100x32xf32, #tpu.memory_space<vmem>>, vector<1x16xf32>,
      %get3A_2180 = vector.shape_cast %get3A_2179 : vector<1x16xf32> to vector<16xf32>
      %add3A_2181 = arith.addf %add3A_2169, %get3A_2180 : vector<16xf32>
      %get3A_2182 = arith.constant 71 : i32
      %get3A_2183 = arith.index_cast %get3A_2182 : i32 to index
      %get3A_2184 = arith.constant 0 : index
      %get3A_2185 = tpu.vector_load %arg7[%get3A_2183, %get3A_2184] {strides = array<i32>} : memref<100x32xf32, #tpu.memory_space<vmem>>, vector<1x16xf32>,
      %get3A_2186 = vector.shape_cast %get3A_2185 : vector<1x16xf32> to vector<16xf32>
      %add3A_2187 = arith.addf %add3A_2175, %get3A_2186 : vector<16xf32>
      %get3A_2188 = arith.constant 71 : i32
      %get3A_2189 = arith.index_cast %get3A_2188 : i32 to index
      %get3A_2190 = arith.constant 16 : index
      %get3A_2191 = tpu.vector_load %arg7[%get3A_2189, %get3A_2190] {strides = array<i32>} : memref<100x32xf32, #tpu.memory_space<vmem>>, vector<1x16xf32>,
      %get3A_2192 = vector.shape_cast %get3A_2191 : vector<1x16xf32> to vector<16xf32>
      %add3A_2193 = arith.addf %add3A_2181, %get3A_2192 : vector<16xf32>
      %get3A_2194 = arith.constant 72 : i32
      %get3A_2195 = arith.index_cast %get3A_2194 : i32 to index
      %get3A_2196 = arith.constant 0 : index
      %get3A_2197 = tpu.vector_load %arg7[%get3A_2195, %get3A_2196] {strides = array<i32>} : memref<100x32xf32, #tpu.memory_space<vmem>>, vector<1x16xf32>,
      %get3A_2198 = vector.shape_cast %get3A_2197 : vector<1x16xf32> to vector<16xf32>
      %add3A_2199 = arith.addf %add3A_2187, %get3A_2198 : vector<16xf32>
      %get3A_2200 = arith.constant 72 : i32
      %get3A_2201 = arith.index_cast %get3A_2200 : i32 to index
      %get3A_2202 = arith.constant 16 : index
      %get3A_2203 = tpu.vector_load %arg7[%get3A_2201, %get3A_2202] {strides = array<i32>} : memref<100x32xf32, #tpu.memory_space<vmem>>, vector<1x16xf32>,
      %get3A_2204 = vector.shape_cast %get3A_2203 : vector<1x16xf32> to vector<16xf32>
      %add3A_2205 = arith.addf %add3A_2193, %get3A_2204 : vector<16xf32>
      %get3A_2206 = arith.constant 73 : i32
      %get3A_2207 = arith.index_cast %get3A_2206 : i32 to index
      %get3A_2208 = arith.constant 0 : index
      %get3A_2209 = tpu.vector_load %arg7[%get3A_2207, %get3A_2208] {strides = array<i32>} : memref<100x32xf32, #tpu.memory_space<vmem>>, vector<1x16xf32>,
      %get3A_2210 = vector.shape_cast %get3A_2209 : vector<1x16xf32> to vector<16xf32>
      %add3A_2211 = arith.addf %add3A_2199, %get3A_2210 : vector<16xf32>
      %get3A_2212 = arith.constant 73 : i32
      %get3A_2213 = arith.index_cast %get3A_2212 : i32 to index
      %get3A_2214 = arith.constant 16 : index
      %get3A_2215 = tpu.vector_load %arg7[%get3A_2213, %get3A_2214] {strides = array<i32>} : memref<100x32xf32, #tpu.memory_space<vmem>>, vector<1x16xf32>,
      %get3A_2216 = vector.shape_cast %get3A_2215 : vector<1x16xf32> to vector<16xf32>
      %add3A_2217 = arith.addf %add3A_2205, %get3A_2216 : vector<16xf32>
      %get3A_2218 = arith.constant 74 : i32
      %get3A_2219 = arith.index_cast %get3A_2218 : i32 to index
      %get3A_2220 = arith.constant 0 : index
      %get3A_2221 = tpu.vector_load %arg7[%get3A_2219, %get3A_2220] {strides = array<i32>} : memref<100x32xf32, #tpu.memory_space<vmem>>, vector<1x16xf32>,
      %get3A_2222 = vector.shape_cast %get3A_2221 : vector<1x16xf32> to vector<16xf32>
      %add3A_2223 = arith.addf %add3A_2211, %get3A_2222 : vector<16xf32>
      %get3A_2224 = arith.constant 74 : i32
      %get3A_2225 = arith.index_cast %get3A_2224 : i32 to index
      %get3A_2226 = arith.constant 16 : index
      %get3A_2227 = tpu.vector_load %arg7[%get3A_2225, %get3A_2226] {strides = array<i32>} : memref<100x32xf32, #tpu.memory_space<vmem>>, vector<1x16xf32>,
      %get3A_2228 = vector.shape_cast %get3A_2227 : vector<1x16xf32> to vector<16xf32>
      %add3A_2229 = arith.addf %add3A_2217, %get3A_2228 : vector<16xf32>
      %get3A_2230 = arith.constant 75 : i32
      %get3A_2231 = arith.index_cast %get3A_2230 : i32 to index
      %get3A_2232 = arith.constant 0 : index
      %get3A_2233 = tpu.vector_load %arg7[%get3A_2231, %get3A_2232] {strides = array<i32>} : memref<100x32xf32, #tpu.memory_space<vmem>>, vector<1x16xf32>,
      %get3A_2234 = vector.shape_cast %get3A_2233 : vector<1x16xf32> to vector<16xf32>
      %add3A_2235 = arith.addf %add3A_2223, %get3A_2234 : vector<16xf32>
      %get3A_2236 = arith.constant 75 : i32
      %get3A_2237 = arith.index_cast %get3A_2236 : i32 to index
      %get3A_2238 = arith.constant 16 : index
      %get3A_2239 = tpu.vector_load %arg7[%get3A_2237, %get3A_2238] {strides = array<i32>} : memref<100x32xf32, #tpu.memory_space<vmem>>, vector<1x16xf32>,
      %get3A_2240 = vector.shape_cast %get3A_2239 : vector<1x16xf32> to vector<16xf32>
      %add3A_2241 = arith.addf %add3A_2229, %get3A_2240 : vector<16xf32>
      %get3A_2242 = arith.constant 76 : i32
      %get3A_2243 = arith.index_cast %get3A_2242 : i32 to index
      %get3A_2244 = arith.constant 0 : index
      %get3A_2245 = tpu.vector_load %arg7[%get3A_2243, %get3A_2244] {strides = array<i32>} : memref<100x32xf32, #tpu.memory_space<vmem>>, vector<1x16xf32>,
      %get3A_2246 = vector.shape_cast %get3A_2245 : vector<1x16xf32> to vector<16xf32>
      %add3A_2247 = arith.addf %add3A_2235, %get3A_2246 : vector<16xf32>
      %get3A_2248 = arith.constant 76 : i32
      %get3A_2249 = arith.index_cast %get3A_2248 : i32 to index
      %get3A_2250 = arith.constant 16 : index
      %get3A_2251 = tpu.vector_load %arg7[%get3A_2249, %get3A_2250] {strides = array<i32>} : memref<100x32xf32, #tpu.memory_space<vmem>>, vector<1x16xf32>,
      %get3A_2252 = vector.shape_cast %get3A_2251 : vector<1x16xf32> to vector<16xf32>
      %add3A_2253 = arith.addf %add3A_2241, %get3A_2252 : vector<16xf32>
      %get3A_2254 = arith.constant 77 : i32
      %get3A_2255 = arith.index_cast %get3A_2254 : i32 to index
      %get3A_2256 = arith.constant 0 : index
      %get3A_2257 = tpu.vector_load %arg7[%get3A_2255, %get3A_2256] {strides = array<i32>} : memref<100x32xf32, #tpu.memory_space<vmem>>, vector<1x16xf32>,
      %get3A_2258 = vector.shape_cast %get3A_2257 : vector<1x16xf32> to vector<16xf32>
      %add3A_2259 = arith.addf %add3A_2247, %get3A_2258 : vector<16xf32>
      %get3A_2260 = arith.constant 77 : i32
      %get3A_2261 = arith.index_cast %get3A_2260 : i32 to index
      %get3A_2262 = arith.constant 16 : index
      %get3A_2263 = tpu.vector_load %arg7[%get3A_2261, %get3A_2262] {strides = array<i32>} : memref<100x32xf32, #tpu.memory_space<vmem>>, vector<1x16xf32>,
      %get3A_2264 = vector.shape_cast %get3A_2263 : vector<1x16xf32> to vector<16xf32>
      %add3A_2265 = arith.addf %add3A_2253, %get3A_2264 : vector<16xf32>
      %get3A_2266 = arith.constant 78 : i32
      %get3A_2267 = arith.index_cast %get3A_2266 : i32 to index
      %get3A_2268 = arith.constant 0 : index
      %get3A_2269 = tpu.vector_load %arg7[%get3A_2267, %get3A_2268] {strides = array<i32>} : memref<100x32xf32, #tpu.memory_space<vmem>>, vector<1x16xf32>,
      %get3A_2270 = vector.shape_cast %get3A_2269 : vector<1x16xf32> to vector<16xf32>
      %add3A_2271 = arith.addf %add3A_2259, %get3A_2270 : vector<16xf32>
      %get3A_2272 = arith.constant 78 : i32
      %get3A_2273 = arith.index_cast %get3A_2272 : i32 to index
      %get3A_2274 = arith.constant 16 : index
      %get3A_2275 = tpu.vector_load %arg7[%get3A_2273, %get3A_2274] {strides = array<i32>} : memref<100x32xf32, #tpu.memory_space<vmem>>, vector<1x16xf32>,
      %get3A_2276 = vector.shape_cast %get3A_2275 : vector<1x16xf32> to vector<16xf32>
      %add3A_2277 = arith.addf %add3A_2265, %get3A_2276 : vector<16xf32>
      %get3A_2278 = arith.constant 79 : i32
      %get3A_2279 = arith.index_cast %get3A_2278 : i32 to index
      %get3A_2280 = arith.constant 0 : index
      %get3A_2281 = tpu.vector_load %arg7[%get3A_2279, %get3A_2280] {strides = array<i32>} : memref<100x32xf32, #tpu.memory_space<vmem>>, vector<1x16xf32>,
      %get3A_2282 = vector.shape_cast %get3A_2281 : vector<1x16xf32> to vector<16xf32>
      %add3A_2283 = arith.addf %add3A_2271, %get3A_2282 : vector<16xf32>
      %get3A_2284 = arith.constant 79 : i32
      %get3A_2285 = arith.index_cast %get3A_2284 : i32 to index
      %get3A_2286 = arith.constant 16 : index
      %get3A_2287 = tpu.vector_load %arg7[%get3A_2285, %get3A_2286] {strides = array<i32>} : memref<100x32xf32, #tpu.memory_space<vmem>>, vector<1x16xf32>,
      %get3A_2288 = vector.shape_cast %get3A_2287 : vector<1x16xf32> to vector<16xf32>
      %add3A_2289 = arith.addf %add3A_2277, %get3A_2288 : vector<16xf32>
      %get3A_2290 = arith.constant 80 : i32
      %get3A_2291 = arith.index_cast %get3A_2290 : i32 to index
      %get3A_2292 = arith.constant 0 : index
      %get3A_2293 = tpu.vector_load %arg7[%get3A_2291, %get3A_2292] {strides = array<i32>} : memref<100x32xf32, #tpu.memory_space<vmem>>, vector<1x16xf32>,
      %get3A_2294 = vector.shape_cast %get3A_2293 : vector<1x16xf32> to vector<16xf32>
      %add3A_2295 = arith.addf %add3A_2283, %get3A_2294 : vector<16xf32>
      %get3A_2296 = arith.constant 80 : i32
      %get3A_2297 = arith.index_cast %get3A_2296 : i32 to index
      %get3A_2298 = arith.constant 16 : index
      %get3A_2299 = tpu.vector_load %arg7[%get3A_2297, %get3A_2298] {strides = array<i32>} : memref<100x32xf32, #tpu.memory_space<vmem>>, vector<1x16xf32>,
      %get3A_2300 = vector.shape_cast %get3A_2299 : vector<1x16xf32> to vector<16xf32>
      %add3A_2301 = arith.addf %add3A_2289, %get3A_2300 : vector<16xf32>
      %get3A_2302 = arith.constant 81 : i32
      %get3A_2303 = arith.index_cast %get3A_2302 : i32 to index
      %get3A_2304 = arith.constant 0 : index
      %get3A_2305 = tpu.vector_load %arg7[%get3A_2303, %get3A_2304] {strides = array<i32>} : memref<100x32xf32, #tpu.memory_space<vmem>>, vector<1x16xf32>,
      %get3A_2306 = vector.shape_cast %get3A_2305 : vector<1x16xf32> to vector<16xf32>
      %add3A_2307 = arith.addf %add3A_2295, %get3A_2306 : vector<16xf32>
      %get3A_2308 = arith.constant 81 : i32
      %get3A_2309 = arith.index_cast %get3A_2308 : i32 to index
      %get3A_2310 = arith.constant 16 : index
      %get3A_2311 = tpu.vector_load %arg7[%get3A_2309, %get3A_2310] {strides = array<i32>} : memref<100x32xf32, #tpu.memory_space<vmem>>, vector<1x16xf32>,
      %get3A_2312 = vector.shape_cast %get3A_2311 : vector<1x16xf32> to vector<16xf32>
      %add3A_2313 = arith.addf %add3A_2301, %get3A_2312 : vector<16xf32>
      %get3A_2314 = arith.constant 82 : i32
      %get3A_2315 = arith.index_cast %get3A_2314 : i32 to index
      %get3A_2316 = arith.constant 0 : index
      %get3A_2317 = tpu.vector_load %arg7[%get3A_2315, %get3A_2316] {strides = array<i32>} : memref<100x32xf32, #tpu.memory_space<vmem>>, vector<1x16xf32>,
      %get3A_2318 = vector.shape_cast %get3A_2317 : vector<1x16xf32> to vector<16xf32>
      %add3A_2319 = arith.addf %add3A_2307, %get3A_2318 : vector<16xf32>
      %get3A_2320 = arith.constant 82 : i32
      %get3A_2321 = arith.index_cast %get3A_2320 : i32 to index
      %get3A_2322 = arith.constant 16 : index
      %get3A_2323 = tpu.vector_load %arg7[%get3A_2321, %get3A_2322] {strides = array<i32>} : memref<100x32xf32, #tpu.memory_space<vmem>>, vector<1x16xf32>,
      %get3A_2324 = vector.shape_cast %get3A_2323 : vector<1x16xf32> to vector<16xf32>
      %add3A_2325 = arith.addf %add3A_2313, %get3A_2324 : vector<16xf32>
      %get3A_2326 = arith.constant 83 : i32
      %get3A_2327 = arith.index_cast %get3A_2326 : i32 to index
      %get3A_2328 = arith.constant 0 : index
      %get3A_2329 = tpu.vector_load %arg7[%get3A_2327, %get3A_2328] {strides = array<i32>} : memref<100x32xf32, #tpu.memory_space<vmem>>, vector<1x16xf32>,
      %get3A_2330 = vector.shape_cast %get3A_2329 : vector<1x16xf32> to vector<16xf32>
      %add3A_2331 = arith.addf %add3A_2319, %get3A_2330 : vector<16xf32>
      %get3A_2332 = arith.constant 83 : i32
      %get3A_2333 = arith.index_cast %get3A_2332 : i32 to index
      %get3A_2334 = arith.constant 16 : index
      %get3A_2335 = tpu.vector_load %arg7[%get3A_2333, %get3A_2334] {strides = array<i32>} : memref<100x32xf32, #tpu.memory_space<vmem>>, vector<1x16xf32>,
      %get3A_2336 = vector.shape_cast %get3A_2335 : vector<1x16xf32> to vector<16xf32>
      %add3A_2337 = arith.addf %add3A_2325, %get3A_2336 : vector<16xf32>
      %get3A_2338 = arith.constant 84 : i32
      %get3A_2339 = arith.index_cast %get3A_2338 : i32 to index
      %get3A_2340 = arith.constant 0 : index
      %get3A_2341 = tpu.vector_load %arg7[%get3A_2339, %get3A_2340] {strides = array<i32>} : memref<100x32xf32, #tpu.memory_space<vmem>>, vector<1x16xf32>,
      %get3A_2342 = vector.shape_cast %get3A_2341 : vector<1x16xf32> to vector<16xf32>
      %add3A_2343 = arith.addf %add3A_2331, %get3A_2342 : vector<16xf32>
      %get3A_2344 = arith.constant 84 : i32
      %get3A_2345 = arith.index_cast %get3A_2344 : i32 to index
      %get3A_2346 = arith.constant 16 : index
      %get3A_2347 = tpu.vector_load %arg7[%get3A_2345, %get3A_2346] {strides = array<i32>} : memref<100x32xf32, #tpu.memory_space<vmem>>, vector<1x16xf32>,
      %get3A_2348 = vector.shape_cast %get3A_2347 : vector<1x16xf32> to vector<16xf32>
      %add3A_2349 = arith.addf %add3A_2337, %get3A_2348 : vector<16xf32>
      %get3A_2350 = arith.constant 85 : i32
      %get3A_2351 = arith.index_cast %get3A_2350 : i32 to index
      %get3A_2352 = arith.constant 0 : index
      %get3A_2353 = tpu.vector_load %arg7[%get3A_2351, %get3A_2352] {strides = array<i32>} : memref<100x32xf32, #tpu.memory_space<vmem>>, vector<1x16xf32>,
      %get3A_2354 = vector.shape_cast %get3A_2353 : vector<1x16xf32> to vector<16xf32>
      %add3A_2355 = arith.addf %add3A_2343, %get3A_2354 : vector<16xf32>
      %get3A_2356 = arith.constant 85 : i32
      %get3A_2357 = arith.index_cast %get3A_2356 : i32 to index
      %get3A_2358 = arith.constant 16 : index
      %get3A_2359 = tpu.vector_load %arg7[%get3A_2357, %get3A_2358] {strides = array<i32>} : memref<100x32xf32, #tpu.memory_space<vmem>>, vector<1x16xf32>,
      %get3A_2360 = vector.shape_cast %get3A_2359 : vector<1x16xf32> to vector<16xf32>
      %add3A_2361 = arith.addf %add3A_2349, %get3A_2360 : vector<16xf32>
      %get3A_2362 = arith.constant 86 : i32
      %get3A_2363 = arith.index_cast %get3A_2362 : i32 to index
      %get3A_2364 = arith.constant 0 : index
      %get3A_2365 = tpu.vector_load %arg7[%get3A_2363, %get3A_2364] {strides = array<i32>} : memref<100x32xf32, #tpu.memory_space<vmem>>, vector<1x16xf32>,
      %get3A_2366 = vector.shape_cast %get3A_2365 : vector<1x16xf32> to vector<16xf32>
      %add3A_2367 = arith.addf %add3A_2355, %get3A_2366 : vector<16xf32>
      %get3A_2368 = arith.constant 86 : i32
      %get3A_2369 = arith.index_cast %get3A_2368 : i32 to index
      %get3A_2370 = arith.constant 16 : index
      %get3A_2371 = tpu.vector_load %arg7[%get3A_2369, %get3A_2370] {strides = array<i32>} : memref<100x32xf32, #tpu.memory_space<vmem>>, vector<1x16xf32>,
      %get3A_2372 = vector.shape_cast %get3A_2371 : vector<1x16xf32> to vector<16xf32>
      %add3A_2373 = arith.addf %add3A_2361, %get3A_2372 : vector<16xf32>
      %get3A_2374 = arith.constant 87 : i32
      %get3A_2375 = arith.index_cast %get3A_2374 : i32 to index
      %get3A_2376 = arith.constant 0 : index
      %get3A_2377 = tpu.vector_load %arg7[%get3A_2375, %get3A_2376] {strides = array<i32>} : memref<100x32xf32, #tpu.memory_space<vmem>>, vector<1x16xf32>,
      %get3A_2378 = vector.shape_cast %get3A_2377 : vector<1x16xf32> to vector<16xf32>
      %add3A_2379 = arith.addf %add3A_2367, %get3A_2378 : vector<16xf32>
      %get3A_2380 = arith.constant 87 : i32
      %get3A_2381 = arith.index_cast %get3A_2380 : i32 to index
      %get3A_2382 = arith.constant 16 : index
      %get3A_2383 = tpu.vector_load %arg7[%get3A_2381, %get3A_2382] {strides = array<i32>} : memref<100x32xf32, #tpu.memory_space<vmem>>, vector<1x16xf32>,
      %get3A_2384 = vector.shape_cast %get3A_2383 : vector<1x16xf32> to vector<16xf32>
      %add3A_2385 = arith.addf %add3A_2373, %get3A_2384 : vector<16xf32>
      %get3A_2386 = arith.constant 88 : i32
      %get3A_2387 = arith.index_cast %get3A_2386 : i32 to index
      %get3A_2388 = arith.constant 0 : index
      %get3A_2389 = tpu.vector_load %arg7[%get3A_2387, %get3A_2388] {strides = array<i32>} : memref<100x32xf32, #tpu.memory_space<vmem>>, vector<1x16xf32>,
      %get3A_2390 = vector.shape_cast %get3A_2389 : vector<1x16xf32> to vector<16xf32>
      %add3A_2391 = arith.addf %add3A_2379, %get3A_2390 : vector<16xf32>
      %get3A_2392 = arith.constant 88 : i32
      %get3A_2393 = arith.index_cast %get3A_2392 : i32 to index
      %get3A_2394 = arith.constant 16 : index
      %get3A_2395 = tpu.vector_load %arg7[%get3A_2393, %get3A_2394] {strides = array<i32>} : memref<100x32xf32, #tpu.memory_space<vmem>>, vector<1x16xf32>,
      %get3A_2396 = vector.shape_cast %get3A_2395 : vector<1x16xf32> to vector<16xf32>
      %add3A_2397 = arith.addf %add3A_2385, %get3A_2396 : vector<16xf32>
      %get3A_2398 = arith.constant 89 : i32
      %get3A_2399 = arith.index_cast %get3A_2398 : i32 to index
      %get3A_2400 = arith.constant 0 : index
      %get3A_2401 = tpu.vector_load %arg7[%get3A_2399, %get3A_2400] {strides = array<i32>} : memref<100x32xf32, #tpu.memory_space<vmem>>, vector<1x16xf32>,
      %get3A_2402 = vector.shape_cast %get3A_2401 : vector<1x16xf32> to vector<16xf32>
      %add3A_2403 = arith.addf %add3A_2391, %get3A_2402 : vector<16xf32>
      %get3A_2404 = arith.constant 89 : i32
      %get3A_2405 = arith.index_cast %get3A_2404 : i32 to index
      %get3A_2406 = arith.constant 16 : index
      %get3A_2407 = tpu.vector_load %arg7[%get3A_2405, %get3A_2406] {strides = array<i32>} : memref<100x32xf32, #tpu.memory_space<vmem>>, vector<1x16xf32>,
      %get3A_2408 = vector.shape_cast %get3A_2407 : vector<1x16xf32> to vector<16xf32>
      %add3A_2409 = arith.addf %add3A_2397, %get3A_2408 : vector<16xf32>
      %get3A_2410 = arith.constant 90 : i32
      %get3A_2411 = arith.index_cast %get3A_2410 : i32 to index
      %get3A_2412 = arith.constant 0 : index
      %get3A_2413 = tpu.vector_load %arg7[%get3A_2411, %get3A_2412] {strides = array<i32>} : memref<100x32xf32, #tpu.memory_space<vmem>>, vector<1x16xf32>,
      %get3A_2414 = vector.shape_cast %get3A_2413 : vector<1x16xf32> to vector<16xf32>
      %add3A_2415 = arith.addf %add3A_2403, %get3A_2414 : vector<16xf32>
      %get3A_2416 = arith.constant 90 : i32
      %get3A_2417 = arith.index_cast %get3A_2416 : i32 to index
      %get3A_2418 = arith.constant 16 : index
      %get3A_2419 = tpu.vector_load %arg7[%get3A_2417, %get3A_2418] {strides = array<i32>} : memref<100x32xf32, #tpu.memory_space<vmem>>, vector<1x16xf32>,
      %get3A_2420 = vector.shape_cast %get3A_2419 : vector<1x16xf32> to vector<16xf32>
      %add3A_2421 = arith.addf %add3A_2409, %get3A_2420 : vector<16xf32>
      %get3A_2422 = arith.constant 91 : i32
      %get3A_2423 = arith.index_cast %get3A_2422 : i32 to index
      %get3A_2424 = arith.constant 0 : index
      %get3A_2425 = tpu.vector_load %arg7[%get3A_2423, %get3A_2424] {strides = array<i32>} : memref<100x32xf32, #tpu.memory_space<vmem>>, vector<1x16xf32>,
      %get3A_2426 = vector.shape_cast %get3A_2425 : vector<1x16xf32> to vector<16xf32>
      %add3A_2427 = arith.addf %add3A_2415, %get3A_2426 : vector<16xf32>
      %get3A_2428 = arith.constant 91 : i32
      %get3A_2429 = arith.index_cast %get3A_2428 : i32 to index
      %get3A_2430 = arith.constant 16 : index
      %get3A_2431 = tpu.vector_load %arg7[%get3A_2429, %get3A_2430] {strides = array<i32>} : memref<100x32xf32, #tpu.memory_space<vmem>>, vector<1x16xf32>,
      %get3A_2432 = vector.shape_cast %get3A_2431 : vector<1x16xf32> to vector<16xf32>
      %add3A_2433 = arith.addf %add3A_2421, %get3A_2432 : vector<16xf32>
      %get3A_2434 = arith.constant 92 : i32
      %get3A_2435 = arith.index_cast %get3A_2434 : i32 to index
      %get3A_2436 = arith.constant 0 : index
      %get3A_2437 = tpu.vector_load %arg7[%get3A_2435, %get3A_2436] {strides = array<i32>} : memref<100x32xf32, #tpu.memory_space<vmem>>, vector<1x16xf32>,
      %get3A_2438 = vector.shape_cast %get3A_2437 : vector<1x16xf32> to vector<16xf32>
      %add3A_2439 = arith.addf %add3A_2427, %get3A_2438 : vector<16xf32>
      %get3A_2440 = arith.constant 92 : i32
      %get3A_2441 = arith.index_cast %get3A_2440 : i32 to index
      %get3A_2442 = arith.constant 16 : index
      %get3A_2443 = tpu.vector_load %arg7[%get3A_2441, %get3A_2442] {strides = array<i32>} : memref<100x32xf32, #tpu.memory_space<vmem>>, vector<1x16xf32>,
      %get3A_2444 = vector.shape_cast %get3A_2443 : vector<1x16xf32> to vector<16xf32>
      %add3A_2445 = arith.addf %add3A_2433, %get3A_2444 : vector<16xf32>
      %get3A_2446 = arith.constant 93 : i32
      %get3A_2447 = arith.index_cast %get3A_2446 : i32 to index
      %get3A_2448 = arith.constant 0 : index
      %get3A_2449 = tpu.vector_load %arg7[%get3A_2447, %get3A_2448] {strides = array<i32>} : memref<100x32xf32, #tpu.memory_space<vmem>>, vector<1x16xf32>,
      %get3A_2450 = vector.shape_cast %get3A_2449 : vector<1x16xf32> to vector<16xf32>
      %add3A_2451 = arith.addf %add3A_2439, %get3A_2450 : vector<16xf32>
      %get3A_2452 = arith.constant 93 : i32
      %get3A_2453 = arith.index_cast %get3A_2452 : i32 to index
      %get3A_2454 = arith.constant 16 : index
      %get3A_2455 = tpu.vector_load %arg7[%get3A_2453, %get3A_2454] {strides = array<i32>} : memref<100x32xf32, #tpu.memory_space<vmem>>, vector<1x16xf32>,
      %get3A_2456 = vector.shape_cast %get3A_2455 : vector<1x16xf32> to vector<16xf32>
      %add3A_2457 = arith.addf %add3A_2445, %get3A_2456 : vector<16xf32>
      %get3A_2458 = arith.constant 94 : i32
      %get3A_2459 = arith.index_cast %get3A_2458 : i32 to index
      %get3A_2460 = arith.constant 0 : index
      %get3A_2461 = tpu.vector_load %arg7[%get3A_2459, %get3A_2460] {strides = array<i32>} : memref<100x32xf32, #tpu.memory_space<vmem>>, vector<1x16xf32>,
      %get3A_2462 = vector.shape_cast %get3A_2461 : vector<1x16xf32> to vector<16xf32>
      %add3A_2463 = arith.addf %add3A_2451, %get3A_2462 : vector<16xf32>
      %get3A_2464 = arith.constant 94 : i32
      %get3A_2465 = arith.index_cast %get3A_2464 : i32 to index
      %get3A_2466 = arith.constant 16 : index
      %get3A_2467 = tpu.vector_load %arg7[%get3A_2465, %get3A_2466] {strides = array<i32>} : memref<100x32xf32, #tpu.memory_space<vmem>>, vector<1x16xf32>,
      %get3A_2468 = vector.shape_cast %get3A_2467 : vector<1x16xf32> to vector<16xf32>
      %add3A_2469 = arith.addf %add3A_2457, %get3A_2468 : vector<16xf32>
      %get3A_2470 = arith.constant 95 : i32
      %get3A_2471 = arith.index_cast %get3A_2470 : i32 to index
      %get3A_2472 = arith.constant 0 : index
      %get3A_2473 = tpu.vector_load %arg7[%get3A_2471, %get3A_2472] {strides = array<i32>} : memref<100x32xf32, #tpu.memory_space<vmem>>, vector<1x16xf32>,
      %get3A_2474 = vector.shape_cast %get3A_2473 : vector<1x16xf32> to vector<16xf32>
      %add3A_2475 = arith.addf %add3A_2463, %get3A_2474 : vector<16xf32>
      %get3A_2476 = arith.constant 95 : i32
      %get3A_2477 = arith.index_cast %get3A_2476 : i32 to index
      %get3A_2478 = arith.constant 16 : index
      %get3A_2479 = tpu.vector_load %arg7[%get3A_2477, %get3A_2478] {strides = array<i32>} : memref<100x32xf32, #tpu.memory_space<vmem>>, vector<1x16xf32>,
      %get3A_2480 = vector.shape_cast %get3A_2479 : vector<1x16xf32> to vector<16xf32>
      %add3A_2481 = arith.addf %add3A_2469, %get3A_2480 : vector<16xf32>
      %get3A_2482 = arith.constant 96 : i32
      %get3A_2483 = arith.index_cast %get3A_2482 : i32 to index
      %get3A_2484 = arith.constant 0 : index
      %get3A_2485 = tpu.vector_load %arg7[%get3A_2483, %get3A_2484] {strides = array<i32>} : memref<100x32xf32, #tpu.memory_space<vmem>>, vector<1x16xf32>,
      %get3A_2486 = vector.shape_cast %get3A_2485 : vector<1x16xf32> to vector<16xf32>
      %add3A_2487 = arith.addf %add3A_2475, %get3A_2486 : vector<16xf32>
      %get3A_2488 = arith.constant 96 : i32
      %get3A_2489 = arith.index_cast %get3A_2488 : i32 to index
      %get3A_2490 = arith.constant 16 : index
      %get3A_2491 = tpu.vector_load %arg7[%get3A_2489, %get3A_2490] {strides = array<i32>} : memref<100x32xf32, #tpu.memory_space<vmem>>, vector<1x16xf32>,
      %get3A_2492 = vector.shape_cast %get3A_2491 : vector<1x16xf32> to vector<16xf32>
      %add3A_2493 = arith.addf %add3A_2481, %get3A_2492 : vector<16xf32>
      %get3A_2494 = arith.constant 97 : i32
      %get3A_2495 = arith.index_cast %get3A_2494 : i32 to index
      %get3A_2496 = arith.constant 0 : index
      %get3A_2497 = tpu.vector_load %arg7[%get3A_2495, %get3A_2496] {strides = array<i32>} : memref<100x32xf32, #tpu.memory_space<vmem>>, vector<1x16xf32>,
      %get3A_2498 = vector.shape_cast %get3A_2497 : vector<1x16xf32> to vector<16xf32>
      %add3A_2499 = arith.addf %add3A_2487, %get3A_2498 : vector<16xf32>
      %get3A_2500 = arith.constant 97 : i32
      %get3A_2501 = arith.index_cast %get3A_2500 : i32 to index
      %get3A_2502 = arith.constant 16 : index
      %get3A_2503 = tpu.vector_load %arg7[%get3A_2501, %get3A_2502] {strides = array<i32>} : memref<100x32xf32, #tpu.memory_space<vmem>>, vector<1x16xf32>,
      %get3A_2504 = vector.shape_cast %get3A_2503 : vector<1x16xf32> to vector<16xf32>
      %add3A_2505 = arith.addf %add3A_2493, %get3A_2504 : vector<16xf32>
      %get3A_2506 = arith.constant 98 : i32
      %get3A_2507 = arith.index_cast %get3A_2506 : i32 to index
      %get3A_2508 = arith.constant 0 : index
      %get3A_2509 = tpu.vector_load %arg7[%get3A_2507, %get3A_2508] {strides = array<i32>} : memref<100x32xf32, #tpu.memory_space<vmem>>, vector<1x16xf32>,
      %get3A_2510 = vector.shape_cast %get3A_2509 : vector<1x16xf32> to vector<16xf32>
      %add3A_2511 = arith.addf %add3A_2499, %get3A_2510 : vector<16xf32>
      %get3A_2512 = arith.constant 98 : i32
      %get3A_2513 = arith.index_cast %get3A_2512 : i32 to index
      %get3A_2514 = arith.constant 16 : index
      %get3A_2515 = tpu.vector_load %arg7[%get3A_2513, %get3A_2514] {strides = array<i32>} : memref<100x32xf32, #tpu.memory_space<vmem>>, vector<1x16xf32>,
      %get3A_2516 = vector.shape_cast %get3A_2515 : vector<1x16xf32> to vector<16xf32>
      %add3A_2517 = arith.addf %add3A_2505, %get3A_2516 : vector<16xf32>
      %get3A_2518 = arith.constant 99 : i32
      %get3A_2519 = arith.index_cast %get3A_2518 : i32 to index
      %get3A_2520 = arith.constant 0 : index
      %get3A_2521 = tpu.vector_load %arg7[%get3A_2519, %get3A_2520] {strides = array<i32>} : memref<100x32xf32, #tpu.memory_space<vmem>>, vector<1x16xf32>,
      %get3A_2522 = vector.shape_cast %get3A_2521 : vector<1x16xf32> to vector<16xf32>
      %add3A_2523 = arith.addf %add3A_2511, %get3A_2522 : vector<16xf32>
      %get3A_2524 = arith.constant 99 : i32
      %get3A_2525 = arith.index_cast %get3A_2524 : i32 to index
      %get3A_2526 = arith.constant 16 : index
      %get3A_2527 = tpu.vector_load %arg7[%get3A_2525, %get3A_2526] {strides = array<i32>} : memref<100x32xf32, #tpu.memory_space<vmem>>, vector<1x16xf32>,
      %get3A_2528 = vector.shape_cast %get3A_2527 : vector<1x16xf32> to vector<16xf32>
      %add3A_2529 = arith.addf %add3A_2517, %get3A_2528 : vector<16xf32>
      %add3A_2530 = arith.constant 1 : i32
      %add3A_2531 = arith.addi %mul3A_1319, %add3A_2530 : i32
      %swap3A_2532 = arith.index_cast %add3A_2531 : i32 to index
      %swap3A_2533 = arith.constant 0 : index
      %swap3A_2534 = tpu.vector_load %arg10[%swap3A_2532, %swap3A_2533] {strides = array<i32>} : memref<512x32xf32, #tpu.memory_space<vmem>>, vector<1x16xf32>,
      %swap3A_2535 = vector.shape_cast %swap3A_2534 : vector<1x16xf32> to vector<16xf32>
      %swap3A_2536 = vector.shape_cast %add3A_2523 : vector<16xf32> to vector<1x16xf32>
      tpu.vector_store %arg10[%swap3A_2532, %swap3A_2533], %swap3A_2536 {strides = array<i32>} : memref<512x32xf32, #tpu.memory_space<vmem>>, vector<1x16xf32>,
      %add3A_2537 = arith.constant 1 : i32
      %add3A_2538 = arith.addi %mul3A_1319, %add3A_2537 : i32
      %swap3A_2539 = arith.index_cast %add3A_2538 : i32 to index
      %swap3A_2540 = arith.constant 16 : index
      %swap3A_2541 = tpu.vector_load %arg10[%swap3A_2539, %swap3A_2540] {strides = array<i32>} : memref<512x32xf32, #tpu.memory_space<vmem>>, vector<1x16xf32>,
      %swap3A_2542 = vector.shape_cast %swap3A_2541 : vector<1x16xf32> to vector<16xf32>
      %swap3A_2543 = vector.shape_cast %add3A_2529 : vector<16xf32> to vector<1x16xf32>
      tpu.vector_store %arg10[%swap3A_2539, %swap3A_2540], %swap3A_2543 {strides = array<i32>} : memref<512x32xf32, #tpu.memory_space<vmem>>, vector<1x16xf32>,
      %mul3A_2544 = arith.constant 4 : i32
      %mul3A_2545 = arith.muli %mul3A_2544, %scan3A_56 : i32
      %add3A_2546 = arith.constant 2 : i32
      %add3A_2547 = arith.addi %mul3A_2545, %add3A_2546 : i32
      %add3A_2548 = arith.constant 4 : i32
      %add3A_2549 = arith.addi %add3A_2547, %add3A_2548 : i32
      %sub3A_2550 = arith.constant 1 : i32
      %sub3A_2551 = arith.subi %add3A_2549, %sub3A_2550 : i32
      %lt3A_2552 = arith.constant 256 : i32
      %lt3A_2553 = arith.cmpi slt, %sub3A_2551, %lt3A_2552 : i32
      %convert_element_type3A_2554 = arith.extui %lt3A_2553 : i1 to i32
      %cond3A_2555 = arith.constant 0 : i32
      %cond3A_2556 = arith.cmpi ne, %convert_element_type3A_2554, %cond3A_2555 : i32
      scf.if %cond3A_2556 {
        %dma_start3A_5046 = arith.constant 0 : i32
        %dma_start3A_5047 = tpu.memref_slice %arg5[%sub3A_2551, %dma_start3A_5046] : memref<256x100xi32, #tpu.memory_space<vmem>> -> memref<1x100xi32, #tpu.memory_space<vmem>>
        %dma_start3A_5048 = tpu.memref_squeeze %dma_start3A_5047 : memref<1x100xi32, #tpu.memory_space<vmem>> -> memref<100xi32, #tpu.memory_space<vmem>>
        %dma_start3A_5049 = arith.constant 0 : i32
        %dma_start3A_5050 = arith.constant 0 : i32
        %dma_start3A_5051 = tpu.memref_slice %arg3[%dma_start3A_5049, %dma_start3A_5050] : memref<1000000x32xf32, #tpu.memory_space<hbm>> -> memref<1000000x32xf32, #tpu.memory_space<hbm>>
        tpu.enqueue_indirect_dma source(%dma_start3A_5051 : memref<1000000x32xf32, #tpu.memory_space<hbm>>) target(%arg7 : memref<100x32xf32, #tpu.memory_space<vmem>>) offsets(%dma_start3A_5048 : memref<100xi32, #tpu.memory_space<vmem>>) semaphore(%arg12 : memref<!tpu.dma_semaphore, #tpu.memory_space<semaphore_mem>>)
      } else {
      }
      %dma_wait3A_2557 = arith.constant 0 : i32
      %dma_wait3A_2558 = arith.constant 0 : i32
      %dma_wait3A_2559 = tpu.memref_slice %arg5[%dma_wait3A_2557, %dma_wait3A_2558] : memref<256x100xi32, #tpu.memory_space<vmem>> -> memref<1x100xi32, #tpu.memory_space<vmem>>
      %dma_wait3A_2560 = tpu.memref_squeeze %dma_wait3A_2559 : memref<1x100xi32, #tpu.memory_space<vmem>> -> memref<100xi32, #tpu.memory_space<vmem>>
      %dma_wait3A_2561 = arith.constant 0 : i32
      %dma_wait3A_2562 = arith.constant 0 : i32
      %dma_wait3A_2563 = tpu.memref_slice %arg3[%dma_wait3A_2561, %dma_wait3A_2562] : memref<1000000x32xf32, #tpu.memory_space<hbm>> -> memref<1000000x32xf32, #tpu.memory_space<hbm>>
      tpu.wait_indirect_dma semaphore(%arg13 : memref<!tpu.dma_semaphore, #tpu.memory_space<semaphore_mem>>) src(%dma_wait3A_2563 : memref<1000000x32xf32, #tpu.memory_space<hbm>>) dst(%arg8 : memref<100x32xf32, #tpu.memory_space<vmem>>)
      %mul3A_2564 = arith.constant 2 : i32
      %mul3A_2565 = arith.muli %mul3A_2564, %add3A_2547 : i32
      %get3A_2566 = arith.constant 0 : i32
      %get3A_2567 = arith.index_cast %get3A_2566 : i32 to index
      %get3A_2568 = arith.constant 0 : index
      %get3A_2569 = tpu.vector_load %arg8[%get3A_2567, %get3A_2568] {strides = array<i32>} : memref<100x32xf32, #tpu.memory_space<vmem>>, vector<1x16xf32>,
      %get3A_2570 = vector.shape_cast %get3A_2569 : vector<1x16xf32> to vector<16xf32>
      %get3A_2571 = arith.constant 0 : i32
      %get3A_2572 = arith.index_cast %get3A_2571 : i32 to index
      %get3A_2573 = arith.constant 16 : index
      %get3A_2574 = tpu.vector_load %arg8[%get3A_2572, %get3A_2573] {strides = array<i32>} : memref<100x32xf32, #tpu.memory_space<vmem>>, vector<1x16xf32>,
      %get3A_2575 = vector.shape_cast %get3A_2574 : vector<1x16xf32> to vector<16xf32>
      %get3A_2576 = arith.constant 1 : i32
      %get3A_2577 = arith.index_cast %get3A_2576 : i32 to index
      %get3A_2578 = arith.constant 0 : index
      %get3A_2579 = tpu.vector_load %arg8[%get3A_2577, %get3A_2578] {strides = array<i32>} : memref<100x32xf32, #tpu.memory_space<vmem>>, vector<1x16xf32>,
      %get3A_2580 = vector.shape_cast %get3A_2579 : vector<1x16xf32> to vector<16xf32>
      %add3A_2581 = arith.addf %get3A_2570, %get3A_2580 : vector<16xf32>
      %get3A_2582 = arith.constant 1 : i32
      %get3A_2583 = arith.index_cast %get3A_2582 : i32 to index
      %get3A_2584 = arith.constant 16 : index
      %get3A_2585 = tpu.vector_load %arg8[%get3A_2583, %get3A_2584] {strides = array<i32>} : memref<100x32xf32, #tpu.memory_space<vmem>>, vector<1x16xf32>,
      %get3A_2586 = vector.shape_cast %get3A_2585 : vector<1x16xf32> to vector<16xf32>
      %add3A_2587 = arith.addf %get3A_2575, %get3A_2586 : vector<16xf32>
      %get3A_2588 = arith.constant 2 : i32
      %get3A_2589 = arith.index_cast %get3A_2588 : i32 to index
      %get3A_2590 = arith.constant 0 : index
      %get3A_2591 = tpu.vector_load %arg8[%get3A_2589, %get3A_2590] {strides = array<i32>} : memref<100x32xf32, #tpu.memory_space<vmem>>, vector<1x16xf32>,
      %get3A_2592 = vector.shape_cast %get3A_2591 : vector<1x16xf32> to vector<16xf32>
      %add3A_2593 = arith.addf %add3A_2581, %get3A_2592 : vector<16xf32>
      %get3A_2594 = arith.constant 2 : i32
      %get3A_2595 = arith.index_cast %get3A_2594 : i32 to index
      %get3A_2596 = arith.constant 16 : index
      %get3A_2597 = tpu.vector_load %arg8[%get3A_2595, %get3A_2596] {strides = array<i32>} : memref<100x32xf32, #tpu.memory_space<vmem>>, vector<1x16xf32>,
      %get3A_2598 = vector.shape_cast %get3A_2597 : vector<1x16xf32> to vector<16xf32>
      %add3A_2599 = arith.addf %add3A_2587, %get3A_2598 : vector<16xf32>
      %get3A_2600 = arith.constant 3 : i32
      %get3A_2601 = arith.index_cast %get3A_2600 : i32 to index
      %get3A_2602 = arith.constant 0 : index
      %get3A_2603 = tpu.vector_load %arg8[%get3A_2601, %get3A_2602] {strides = array<i32>} : memref<100x32xf32, #tpu.memory_space<vmem>>, vector<1x16xf32>,
      %get3A_2604 = vector.shape_cast %get3A_2603 : vector<1x16xf32> to vector<16xf32>
      %add3A_2605 = arith.addf %add3A_2593, %get3A_2604 : vector<16xf32>
      %get3A_2606 = arith.constant 3 : i32
      %get3A_2607 = arith.index_cast %get3A_2606 : i32 to index
      %get3A_2608 = arith.constant 16 : index
      %get3A_2609 = tpu.vector_load %arg8[%get3A_2607, %get3A_2608] {strides = array<i32>} : memref<100x32xf32, #tpu.memory_space<vmem>>, vector<1x16xf32>,
      %get3A_2610 = vector.shape_cast %get3A_2609 : vector<1x16xf32> to vector<16xf32>
      %add3A_2611 = arith.addf %add3A_2599, %get3A_2610 : vector<16xf32>
      %get3A_2612 = arith.constant 4 : i32
      %get3A_2613 = arith.index_cast %get3A_2612 : i32 to index
      %get3A_2614 = arith.constant 0 : index
      %get3A_2615 = tpu.vector_load %arg8[%get3A_2613, %get3A_2614] {strides = array<i32>} : memref<100x32xf32, #tpu.memory_space<vmem>>, vector<1x16xf32>,
      %get3A_2616 = vector.shape_cast %get3A_2615 : vector<1x16xf32> to vector<16xf32>
      %add3A_2617 = arith.addf %add3A_2605, %get3A_2616 : vector<16xf32>
      %get3A_2618 = arith.constant 4 : i32
      %get3A_2619 = arith.index_cast %get3A_2618 : i32 to index
      %get3A_2620 = arith.constant 16 : index
      %get3A_2621 = tpu.vector_load %arg8[%get3A_2619, %get3A_2620] {strides = array<i32>} : memref<100x32xf32, #tpu.memory_space<vmem>>, vector<1x16xf32>,
      %get3A_2622 = vector.shape_cast %get3A_2621 : vector<1x16xf32> to vector<16xf32>
      %add3A_2623 = arith.addf %add3A_2611, %get3A_2622 : vector<16xf32>
      %get3A_2624 = arith.constant 5 : i32
      %get3A_2625 = arith.index_cast %get3A_2624 : i32 to index
      %get3A_2626 = arith.constant 0 : index
      %get3A_2627 = tpu.vector_load %arg8[%get3A_2625, %get3A_2626] {strides = array<i32>} : memref<100x32xf32, #tpu.memory_space<vmem>>, vector<1x16xf32>,
      %get3A_2628 = vector.shape_cast %get3A_2627 : vector<1x16xf32> to vector<16xf32>
      %add3A_2629 = arith.addf %add3A_2617, %get3A_2628 : vector<16xf32>
      %get3A_2630 = arith.constant 5 : i32
      %get3A_2631 = arith.index_cast %get3A_2630 : i32 to index
      %get3A_2632 = arith.constant 16 : index
      %get3A_2633 = tpu.vector_load %arg8[%get3A_2631, %get3A_2632] {strides = array<i32>} : memref<100x32xf32, #tpu.memory_space<vmem>>, vector<1x16xf32>,
      %get3A_2634 = vector.shape_cast %get3A_2633 : vector<1x16xf32> to vector<16xf32>
      %add3A_2635 = arith.addf %add3A_2623, %get3A_2634 : vector<16xf32>
      %get3A_2636 = arith.constant 6 : i32
      %get3A_2637 = arith.index_cast %get3A_2636 : i32 to index
      %get3A_2638 = arith.constant 0 : index
      %get3A_2639 = tpu.vector_load %arg8[%get3A_2637, %get3A_2638] {strides = array<i32>} : memref<100x32xf32, #tpu.memory_space<vmem>>, vector<1x16xf32>,
      %get3A_2640 = vector.shape_cast %get3A_2639 : vector<1x16xf32> to vector<16xf32>
      %add3A_2641 = arith.addf %add3A_2629, %get3A_2640 : vector<16xf32>
      %get3A_2642 = arith.constant 6 : i32
      %get3A_2643 = arith.index_cast %get3A_2642 : i32 to index
      %get3A_2644 = arith.constant 16 : index
      %get3A_2645 = tpu.vector_load %arg8[%get3A_2643, %get3A_2644] {strides = array<i32>} : memref<100x32xf32, #tpu.memory_space<vmem>>, vector<1x16xf32>,
      %get3A_2646 = vector.shape_cast %get3A_2645 : vector<1x16xf32> to vector<16xf32>
      %add3A_2647 = arith.addf %add3A_2635, %get3A_2646 : vector<16xf32>
      %get3A_2648 = arith.constant 7 : i32
      %get3A_2649 = arith.index_cast %get3A_2648 : i32 to index
      %get3A_2650 = arith.constant 0 : index
      %get3A_2651 = tpu.vector_load %arg8[%get3A_2649, %get3A_2650] {strides = array<i32>} : memref<100x32xf32, #tpu.memory_space<vmem>>, vector<1x16xf32>,
      %get3A_2652 = vector.shape_cast %get3A_2651 : vector<1x16xf32> to vector<16xf32>
      %add3A_2653 = arith.addf %add3A_2641, %get3A_2652 : vector<16xf32>
      %get3A_2654 = arith.constant 7 : i32
      %get3A_2655 = arith.index_cast %get3A_2654 : i32 to index
      %get3A_2656 = arith.constant 16 : index
      %get3A_2657 = tpu.vector_load %arg8[%get3A_2655, %get3A_2656] {strides = array<i32>} : memref<100x32xf32, #tpu.memory_space<vmem>>, vector<1x16xf32>,
      %get3A_2658 = vector.shape_cast %get3A_2657 : vector<1x16xf32> to vector<16xf32>
      %add3A_2659 = arith.addf %add3A_2647, %get3A_2658 : vector<16xf32>
      %get3A_2660 = arith.constant 8 : i32
      %get3A_2661 = arith.index_cast %get3A_2660 : i32 to index
      %get3A_2662 = arith.constant 0 : index
      %get3A_2663 = tpu.vector_load %arg8[%get3A_2661, %get3A_2662] {strides = array<i32>} : memref<100x32xf32, #tpu.memory_space<vmem>>, vector<1x16xf32>,
      %get3A_2664 = vector.shape_cast %get3A_2663 : vector<1x16xf32> to vector<16xf32>
      %add3A_2665 = arith.addf %add3A_2653, %get3A_2664 : vector<16xf32>
      %get3A_2666 = arith.constant 8 : i32
      %get3A_2667 = arith.index_cast %get3A_2666 : i32 to index
      %get3A_2668 = arith.constant 16 : index
      %get3A_2669 = tpu.vector_load %arg8[%get3A_2667, %get3A_2668] {strides = array<i32>} : memref<100x32xf32, #tpu.memory_space<vmem>>, vector<1x16xf32>,
      %get3A_2670 = vector.shape_cast %get3A_2669 : vector<1x16xf32> to vector<16xf32>
      %add3A_2671 = arith.addf %add3A_2659, %get3A_2670 : vector<16xf32>
      %get3A_2672 = arith.constant 9 : i32
      %get3A_2673 = arith.index_cast %get3A_2672 : i32 to index
      %get3A_2674 = arith.constant 0 : index
      %get3A_2675 = tpu.vector_load %arg8[%get3A_2673, %get3A_2674] {strides = array<i32>} : memref<100x32xf32, #tpu.memory_space<vmem>>, vector<1x16xf32>,
      %get3A_2676 = vector.shape_cast %get3A_2675 : vector<1x16xf32> to vector<16xf32>
      %add3A_2677 = arith.addf %add3A_2665, %get3A_2676 : vector<16xf32>
      %get3A_2678 = arith.constant 9 : i32
      %get3A_2679 = arith.index_cast %get3A_2678 : i32 to index
      %get3A_2680 = arith.constant 16 : index
      %get3A_2681 = tpu.vector_load %arg8[%get3A_2679, %get3A_2680] {strides = array<i32>} : memref<100x32xf32, #tpu.memory_space<vmem>>, vector<1x16xf32>,
      %get3A_2682 = vector.shape_cast %get3A_2681 : vector<1x16xf32> to vector<16xf32>
      %add3A_2683 = arith.addf %add3A_2671, %get3A_2682 : vector<16xf32>
      %get3A_2684 = arith.constant 10 : i32
      %get3A_2685 = arith.index_cast %get3A_2684 : i32 to index
      %get3A_2686 = arith.constant 0 : index
      %get3A_2687 = tpu.vector_load %arg8[%get3A_2685, %get3A_2686] {strides = array<i32>} : memref<100x32xf32, #tpu.memory_space<vmem>>, vector<1x16xf32>,
      %get3A_2688 = vector.shape_cast %get3A_2687 : vector<1x16xf32> to vector<16xf32>
      %add3A_2689 = arith.addf %add3A_2677, %get3A_2688 : vector<16xf32>
      %get3A_2690 = arith.constant 10 : i32
      %get3A_2691 = arith.index_cast %get3A_2690 : i32 to index
      %get3A_2692 = arith.constant 16 : index
      %get3A_2693 = tpu.vector_load %arg8[%get3A_2691, %get3A_2692] {strides = array<i32>} : memref<100x32xf32, #tpu.memory_space<vmem>>, vector<1x16xf32>,
      %get3A_2694 = vector.shape_cast %get3A_2693 : vector<1x16xf32> to vector<16xf32>
      %add3A_2695 = arith.addf %add3A_2683, %get3A_2694 : vector<16xf32>
      %get3A_2696 = arith.constant 11 : i32
      %get3A_2697 = arith.index_cast %get3A_2696 : i32 to index
      %get3A_2698 = arith.constant 0 : index
      %get3A_2699 = tpu.vector_load %arg8[%get3A_2697, %get3A_2698] {strides = array<i32>} : memref<100x32xf32, #tpu.memory_space<vmem>>, vector<1x16xf32>,
      %get3A_2700 = vector.shape_cast %get3A_2699 : vector<1x16xf32> to vector<16xf32>
      %add3A_2701 = arith.addf %add3A_2689, %get3A_2700 : vector<16xf32>
      %get3A_2702 = arith.constant 11 : i32
      %get3A_2703 = arith.index_cast %get3A_2702 : i32 to index
      %get3A_2704 = arith.constant 16 : index
      %get3A_2705 = tpu.vector_load %arg8[%get3A_2703, %get3A_2704] {strides = array<i32>} : memref<100x32xf32, #tpu.memory_space<vmem>>, vector<1x16xf32>,
      %get3A_2706 = vector.shape_cast %get3A_2705 : vector<1x16xf32> to vector<16xf32>
      %add3A_2707 = arith.addf %add3A_2695, %get3A_2706 : vector<16xf32>
      %get3A_2708 = arith.constant 12 : i32
      %get3A_2709 = arith.index_cast %get3A_2708 : i32 to index
      %get3A_2710 = arith.constant 0 : index
      %get3A_2711 = tpu.vector_load %arg8[%get3A_2709, %get3A_2710] {strides = array<i32>} : memref<100x32xf32, #tpu.memory_space<vmem>>, vector<1x16xf32>,
      %get3A_2712 = vector.shape_cast %get3A_2711 : vector<1x16xf32> to vector<16xf32>
      %add3A_2713 = arith.addf %add3A_2701, %get3A_2712 : vector<16xf32>
      %get3A_2714 = arith.constant 12 : i32
      %get3A_2715 = arith.index_cast %get3A_2714 : i32 to index
      %get3A_2716 = arith.constant 16 : index
      %get3A_2717 = tpu.vector_load %arg8[%get3A_2715, %get3A_2716] {strides = array<i32>} : memref<100x32xf32, #tpu.memory_space<vmem>>, vector<1x16xf32>,
      %get3A_2718 = vector.shape_cast %get3A_2717 : vector<1x16xf32> to vector<16xf32>
      %add3A_2719 = arith.addf %add3A_2707, %get3A_2718 : vector<16xf32>
      %get3A_2720 = arith.constant 13 : i32
      %get3A_2721 = arith.index_cast %get3A_2720 : i32 to index
      %get3A_2722 = arith.constant 0 : index
      %get3A_2723 = tpu.vector_load %arg8[%get3A_2721, %get3A_2722] {strides = array<i32>} : memref<100x32xf32, #tpu.memory_space<vmem>>, vector<1x16xf32>,
      %get3A_2724 = vector.shape_cast %get3A_2723 : vector<1x16xf32> to vector<16xf32>
      %add3A_2725 = arith.addf %add3A_2713, %get3A_2724 : vector<16xf32>
      %get3A_2726 = arith.constant 13 : i32
      %get3A_2727 = arith.index_cast %get3A_2726 : i32 to index
      %get3A_2728 = arith.constant 16 : index
      %get3A_2729 = tpu.vector_load %arg8[%get3A_2727, %get3A_2728] {strides = array<i32>} : memref<100x32xf32, #tpu.memory_space<vmem>>, vector<1x16xf32>,
      %get3A_2730 = vector.shape_cast %get3A_2729 : vector<1x16xf32> to vector<16xf32>
      %add3A_2731 = arith.addf %add3A_2719, %get3A_2730 : vector<16xf32>
      %get3A_2732 = arith.constant 14 : i32
      %get3A_2733 = arith.index_cast %get3A_2732 : i32 to index
      %get3A_2734 = arith.constant 0 : index
      %get3A_2735 = tpu.vector_load %arg8[%get3A_2733, %get3A_2734] {strides = array<i32>} : memref<100x32xf32, #tpu.memory_space<vmem>>, vector<1x16xf32>,
      %get3A_2736 = vector.shape_cast %get3A_2735 : vector<1x16xf32> to vector<16xf32>
      %add3A_2737 = arith.addf %add3A_2725, %get3A_2736 : vector<16xf32>
      %get3A_2738 = arith.constant 14 : i32
      %get3A_2739 = arith.index_cast %get3A_2738 : i32 to index
      %get3A_2740 = arith.constant 16 : index
      %get3A_2741 = tpu.vector_load %arg8[%get3A_2739, %get3A_2740] {strides = array<i32>} : memref<100x32xf32, #tpu.memory_space<vmem>>, vector<1x16xf32>,
      %get3A_2742 = vector.shape_cast %get3A_2741 : vector<1x16xf32> to vector<16xf32>
      %add3A_2743 = arith.addf %add3A_2731, %get3A_2742 : vector<16xf32>
      %get3A_2744 = arith.constant 15 : i32
      %get3A_2745 = arith.index_cast %get3A_2744 : i32 to index
      %get3A_2746 = arith.constant 0 : index
      %get3A_2747 = tpu.vector_load %arg8[%get3A_2745, %get3A_2746] {strides = array<i32>} : memref<100x32xf32, #tpu.memory_space<vmem>>, vector<1x16xf32>,
      %get3A_2748 = vector.shape_cast %get3A_2747 : vector<1x16xf32> to vector<16xf32>
      %add3A_2749 = arith.addf %add3A_2737, %get3A_2748 : vector<16xf32>
      %get3A_2750 = arith.constant 15 : i32
      %get3A_2751 = arith.index_cast %get3A_2750 : i32 to index
      %get3A_2752 = arith.constant 16 : index
      %get3A_2753 = tpu.vector_load %arg8[%get3A_2751, %get3A_2752] {strides = array<i32>} : memref<100x32xf32, #tpu.memory_space<vmem>>, vector<1x16xf32>,
      %get3A_2754 = vector.shape_cast %get3A_2753 : vector<1x16xf32> to vector<16xf32>
      %add3A_2755 = arith.addf %add3A_2743, %get3A_2754 : vector<16xf32>
      %get3A_2756 = arith.constant 16 : i32
      %get3A_2757 = arith.index_cast %get3A_2756 : i32 to index
      %get3A_2758 = arith.constant 0 : index
      %get3A_2759 = tpu.vector_load %arg8[%get3A_2757, %get3A_2758] {strides = array<i32>} : memref<100x32xf32, #tpu.memory_space<vmem>>, vector<1x16xf32>,
      %get3A_2760 = vector.shape_cast %get3A_2759 : vector<1x16xf32> to vector<16xf32>
      %add3A_2761 = arith.addf %add3A_2749, %get3A_2760 : vector<16xf32>
      %get3A_2762 = arith.constant 16 : i32
      %get3A_2763 = arith.index_cast %get3A_2762 : i32 to index
      %get3A_2764 = arith.constant 16 : index
      %get3A_2765 = tpu.vector_load %arg8[%get3A_2763, %get3A_2764] {strides = array<i32>} : memref<100x32xf32, #tpu.memory_space<vmem>>, vector<1x16xf32>,
      %get3A_2766 = vector.shape_cast %get3A_2765 : vector<1x16xf32> to vector<16xf32>
      %add3A_2767 = arith.addf %add3A_2755, %get3A_2766 : vector<16xf32>
      %get3A_2768 = arith.constant 17 : i32
      %get3A_2769 = arith.index_cast %get3A_2768 : i32 to index
      %get3A_2770 = arith.constant 0 : index
      %get3A_2771 = tpu.vector_load %arg8[%get3A_2769, %get3A_2770] {strides = array<i32>} : memref<100x32xf32, #tpu.memory_space<vmem>>, vector<1x16xf32>,
      %get3A_2772 = vector.shape_cast %get3A_2771 : vector<1x16xf32> to vector<16xf32>
      %add3A_2773 = arith.addf %add3A_2761, %get3A_2772 : vector<16xf32>
      %get3A_2774 = arith.constant 17 : i32
      %get3A_2775 = arith.index_cast %get3A_2774 : i32 to index
      %get3A_2776 = arith.constant 16 : index
      %get3A_2777 = tpu.vector_load %arg8[%get3A_2775, %get3A_2776] {strides = array<i32>} : memref<100x32xf32, #tpu.memory_space<vmem>>, vector<1x16xf32>,
      %get3A_2778 = vector.shape_cast %get3A_2777 : vector<1x16xf32> to vector<16xf32>
      %add3A_2779 = arith.addf %add3A_2767, %get3A_2778 : vector<16xf32>
      %get3A_2780 = arith.constant 18 : i32
      %get3A_2781 = arith.index_cast %get3A_2780 : i32 to index
      %get3A_2782 = arith.constant 0 : index
      %get3A_2783 = tpu.vector_load %arg8[%get3A_2781, %get3A_2782] {strides = array<i32>} : memref<100x32xf32, #tpu.memory_space<vmem>>, vector<1x16xf32>,
      %get3A_2784 = vector.shape_cast %get3A_2783 : vector<1x16xf32> to vector<16xf32>
      %add3A_2785 = arith.addf %add3A_2773, %get3A_2784 : vector<16xf32>
      %get3A_2786 = arith.constant 18 : i32
      %get3A_2787 = arith.index_cast %get3A_2786 : i32 to index
      %get3A_2788 = arith.constant 16 : index
      %get3A_2789 = tpu.vector_load %arg8[%get3A_2787, %get3A_2788] {strides = array<i32>} : memref<100x32xf32, #tpu.memory_space<vmem>>, vector<1x16xf32>,
      %get3A_2790 = vector.shape_cast %get3A_2789 : vector<1x16xf32> to vector<16xf32>
      %add3A_2791 = arith.addf %add3A_2779, %get3A_2790 : vector<16xf32>
      %get3A_2792 = arith.constant 19 : i32
      %get3A_2793 = arith.index_cast %get3A_2792 : i32 to index
      %get3A_2794 = arith.constant 0 : index
      %get3A_2795 = tpu.vector_load %arg8[%get3A_2793, %get3A_2794] {strides = array<i32>} : memref<100x32xf32, #tpu.memory_space<vmem>>, vector<1x16xf32>,
      %get3A_2796 = vector.shape_cast %get3A_2795 : vector<1x16xf32> to vector<16xf32>
      %add3A_2797 = arith.addf %add3A_2785, %get3A_2796 : vector<16xf32>
      %get3A_2798 = arith.constant 19 : i32
      %get3A_2799 = arith.index_cast %get3A_2798 : i32 to index
      %get3A_2800 = arith.constant 16 : index
      %get3A_2801 = tpu.vector_load %arg8[%get3A_2799, %get3A_2800] {strides = array<i32>} : memref<100x32xf32, #tpu.memory_space<vmem>>, vector<1x16xf32>,
      %get3A_2802 = vector.shape_cast %get3A_2801 : vector<1x16xf32> to vector<16xf32>
      %add3A_2803 = arith.addf %add3A_2791, %get3A_2802 : vector<16xf32>
      %get3A_2804 = arith.constant 20 : i32
      %get3A_2805 = arith.index_cast %get3A_2804 : i32 to index
      %get3A_2806 = arith.constant 0 : index
      %get3A_2807 = tpu.vector_load %arg8[%get3A_2805, %get3A_2806] {strides = array<i32>} : memref<100x32xf32, #tpu.memory_space<vmem>>, vector<1x16xf32>,
      %get3A_2808 = vector.shape_cast %get3A_2807 : vector<1x16xf32> to vector<16xf32>
      %add3A_2809 = arith.addf %add3A_2797, %get3A_2808 : vector<16xf32>
      %get3A_2810 = arith.constant 20 : i32
      %get3A_2811 = arith.index_cast %get3A_2810 : i32 to index
      %get3A_2812 = arith.constant 16 : index
      %get3A_2813 = tpu.vector_load %arg8[%get3A_2811, %get3A_2812] {strides = array<i32>} : memref<100x32xf32, #tpu.memory_space<vmem>>, vector<1x16xf32>,
      %get3A_2814 = vector.shape_cast %get3A_2813 : vector<1x16xf32> to vector<16xf32>
      %add3A_2815 = arith.addf %add3A_2803, %get3A_2814 : vector<16xf32>
      %get3A_2816 = arith.constant 21 : i32
      %get3A_2817 = arith.index_cast %get3A_2816 : i32 to index
      %get3A_2818 = arith.constant 0 : index
      %get3A_2819 = tpu.vector_load %arg8[%get3A_2817, %get3A_2818] {strides = array<i32>} : memref<100x32xf32, #tpu.memory_space<vmem>>, vector<1x16xf32>,
      %get3A_2820 = vector.shape_cast %get3A_2819 : vector<1x16xf32> to vector<16xf32>
      %add3A_2821 = arith.addf %add3A_2809, %get3A_2820 : vector<16xf32>
      %get3A_2822 = arith.constant 21 : i32
      %get3A_2823 = arith.index_cast %get3A_2822 : i32 to index
      %get3A_2824 = arith.constant 16 : index
      %get3A_2825 = tpu.vector_load %arg8[%get3A_2823, %get3A_2824] {strides = array<i32>} : memref<100x32xf32, #tpu.memory_space<vmem>>, vector<1x16xf32>,
      %get3A_2826 = vector.shape_cast %get3A_2825 : vector<1x16xf32> to vector<16xf32>
      %add3A_2827 = arith.addf %add3A_2815, %get3A_2826 : vector<16xf32>
      %get3A_2828 = arith.constant 22 : i32
      %get3A_2829 = arith.index_cast %get3A_2828 : i32 to index
      %get3A_2830 = arith.constant 0 : index
      %get3A_2831 = tpu.vector_load %arg8[%get3A_2829, %get3A_2830] {strides = array<i32>} : memref<100x32xf32, #tpu.memory_space<vmem>>, vector<1x16xf32>,
      %get3A_2832 = vector.shape_cast %get3A_2831 : vector<1x16xf32> to vector<16xf32>
      %add3A_2833 = arith.addf %add3A_2821, %get3A_2832 : vector<16xf32>
      %get3A_2834 = arith.constant 22 : i32
      %get3A_2835 = arith.index_cast %get3A_2834 : i32 to index
      %get3A_2836 = arith.constant 16 : index
      %get3A_2837 = tpu.vector_load %arg8[%get3A_2835, %get3A_2836] {strides = array<i32>} : memref<100x32xf32, #tpu.memory_space<vmem>>, vector<1x16xf32>,
      %get3A_2838 = vector.shape_cast %get3A_2837 : vector<1x16xf32> to vector<16xf32>
      %add3A_2839 = arith.addf %add3A_2827, %get3A_2838 : vector<16xf32>
      %get3A_2840 = arith.constant 23 : i32
      %get3A_2841 = arith.index_cast %get3A_2840 : i32 to index
      %get3A_2842 = arith.constant 0 : index
      %get3A_2843 = tpu.vector_load %arg8[%get3A_2841, %get3A_2842] {strides = array<i32>} : memref<100x32xf32, #tpu.memory_space<vmem>>, vector<1x16xf32>,
      %get3A_2844 = vector.shape_cast %get3A_2843 : vector<1x16xf32> to vector<16xf32>
      %add3A_2845 = arith.addf %add3A_2833, %get3A_2844 : vector<16xf32>
      %get3A_2846 = arith.constant 23 : i32
      %get3A_2847 = arith.index_cast %get3A_2846 : i32 to index
      %get3A_2848 = arith.constant 16 : index
      %get3A_2849 = tpu.vector_load %arg8[%get3A_2847, %get3A_2848] {strides = array<i32>} : memref<100x32xf32, #tpu.memory_space<vmem>>, vector<1x16xf32>,
      %get3A_2850 = vector.shape_cast %get3A_2849 : vector<1x16xf32> to vector<16xf32>
      %add3A_2851 = arith.addf %add3A_2839, %get3A_2850 : vector<16xf32>
      %get3A_2852 = arith.constant 24 : i32
      %get3A_2853 = arith.index_cast %get3A_2852 : i32 to index
      %get3A_2854 = arith.constant 0 : index
      %get3A_2855 = tpu.vector_load %arg8[%get3A_2853, %get3A_2854] {strides = array<i32>} : memref<100x32xf32, #tpu.memory_space<vmem>>, vector<1x16xf32>,
      %get3A_2856 = vector.shape_cast %get3A_2855 : vector<1x16xf32> to vector<16xf32>
      %add3A_2857 = arith.addf %add3A_2845, %get3A_2856 : vector<16xf32>
      %get3A_2858 = arith.constant 24 : i32
      %get3A_2859 = arith.index_cast %get3A_2858 : i32 to index
      %get3A_2860 = arith.constant 16 : index
      %get3A_2861 = tpu.vector_load %arg8[%get3A_2859, %get3A_2860] {strides = array<i32>} : memref<100x32xf32, #tpu.memory_space<vmem>>, vector<1x16xf32>,
      %get3A_2862 = vector.shape_cast %get3A_2861 : vector<1x16xf32> to vector<16xf32>
      %add3A_2863 = arith.addf %add3A_2851, %get3A_2862 : vector<16xf32>
      %get3A_2864 = arith.constant 25 : i32
      %get3A_2865 = arith.index_cast %get3A_2864 : i32 to index
      %get3A_2866 = arith.constant 0 : index
      %get3A_2867 = tpu.vector_load %arg8[%get3A_2865, %get3A_2866] {strides = array<i32>} : memref<100x32xf32, #tpu.memory_space<vmem>>, vector<1x16xf32>,
      %get3A_2868 = vector.shape_cast %get3A_2867 : vector<1x16xf32> to vector<16xf32>
      %add3A_2869 = arith.addf %add3A_2857, %get3A_2868 : vector<16xf32>
      %get3A_2870 = arith.constant 25 : i32
      %get3A_2871 = arith.index_cast %get3A_2870 : i32 to index
      %get3A_2872 = arith.constant 16 : index
      %get3A_2873 = tpu.vector_load %arg8[%get3A_2871, %get3A_2872] {strides = array<i32>} : memref<100x32xf32, #tpu.memory_space<vmem>>, vector<1x16xf32>,
      %get3A_2874 = vector.shape_cast %get3A_2873 : vector<1x16xf32> to vector<16xf32>
      %add3A_2875 = arith.addf %add3A_2863, %get3A_2874 : vector<16xf32>
      %get3A_2876 = arith.constant 26 : i32
      %get3A_2877 = arith.index_cast %get3A_2876 : i32 to index
      %get3A_2878 = arith.constant 0 : index
      %get3A_2879 = tpu.vector_load %arg8[%get3A_2877, %get3A_2878] {strides = array<i32>} : memref<100x32xf32, #tpu.memory_space<vmem>>, vector<1x16xf32>,
      %get3A_2880 = vector.shape_cast %get3A_2879 : vector<1x16xf32> to vector<16xf32>
      %add3A_2881 = arith.addf %add3A_2869, %get3A_2880 : vector<16xf32>
      %get3A_2882 = arith.constant 26 : i32
      %get3A_2883 = arith.index_cast %get3A_2882 : i32 to index
      %get3A_2884 = arith.constant 16 : index
      %get3A_2885 = tpu.vector_load %arg8[%get3A_2883, %get3A_2884] {strides = array<i32>} : memref<100x32xf32, #tpu.memory_space<vmem>>, vector<1x16xf32>,
      %get3A_2886 = vector.shape_cast %get3A_2885 : vector<1x16xf32> to vector<16xf32>
      %add3A_2887 = arith.addf %add3A_2875, %get3A_2886 : vector<16xf32>
      %get3A_2888 = arith.constant 27 : i32
      %get3A_2889 = arith.index_cast %get3A_2888 : i32 to index
      %get3A_2890 = arith.constant 0 : index
      %get3A_2891 = tpu.vector_load %arg8[%get3A_2889, %get3A_2890] {strides = array<i32>} : memref<100x32xf32, #tpu.memory_space<vmem>>, vector<1x16xf32>,
      %get3A_2892 = vector.shape_cast %get3A_2891 : vector<1x16xf32> to vector<16xf32>
      %add3A_2893 = arith.addf %add3A_2881, %get3A_2892 : vector<16xf32>
      %get3A_2894 = arith.constant 27 : i32
      %get3A_2895 = arith.index_cast %get3A_2894 : i32 to index
      %get3A_2896 = arith.constant 16 : index
      %get3A_2897 = tpu.vector_load %arg8[%get3A_2895, %get3A_2896] {strides = array<i32>} : memref<100x32xf32, #tpu.memory_space<vmem>>, vector<1x16xf32>,
      %get3A_2898 = vector.shape_cast %get3A_2897 : vector<1x16xf32> to vector<16xf32>
      %add3A_2899 = arith.addf %add3A_2887, %get3A_2898 : vector<16xf32>
      %get3A_2900 = arith.constant 28 : i32
      %get3A_2901 = arith.index_cast %get3A_2900 : i32 to index
      %get3A_2902 = arith.constant 0 : index
      %get3A_2903 = tpu.vector_load %arg8[%get3A_2901, %get3A_2902] {strides = array<i32>} : memref<100x32xf32, #tpu.memory_space<vmem>>, vector<1x16xf32>,
      %get3A_2904 = vector.shape_cast %get3A_2903 : vector<1x16xf32> to vector<16xf32>
      %add3A_2905 = arith.addf %add3A_2893, %get3A_2904 : vector<16xf32>
      %get3A_2906 = arith.constant 28 : i32
      %get3A_2907 = arith.index_cast %get3A_2906 : i32 to index
      %get3A_2908 = arith.constant 16 : index
      %get3A_2909 = tpu.vector_load %arg8[%get3A_2907, %get3A_2908] {strides = array<i32>} : memref<100x32xf32, #tpu.memory_space<vmem>>, vector<1x16xf32>,
      %get3A_2910 = vector.shape_cast %get3A_2909 : vector<1x16xf32> to vector<16xf32>
      %add3A_2911 = arith.addf %add3A_2899, %get3A_2910 : vector<16xf32>
      %get3A_2912 = arith.constant 29 : i32
      %get3A_2913 = arith.index_cast %get3A_2912 : i32 to index
      %get3A_2914 = arith.constant 0 : index
      %get3A_2915 = tpu.vector_load %arg8[%get3A_2913, %get3A_2914] {strides = array<i32>} : memref<100x32xf32, #tpu.memory_space<vmem>>, vector<1x16xf32>,
      %get3A_2916 = vector.shape_cast %get3A_2915 : vector<1x16xf32> to vector<16xf32>
      %add3A_2917 = arith.addf %add3A_2905, %get3A_2916 : vector<16xf32>
      %get3A_2918 = arith.constant 29 : i32
      %get3A_2919 = arith.index_cast %get3A_2918 : i32 to index
      %get3A_2920 = arith.constant 16 : index
      %get3A_2921 = tpu.vector_load %arg8[%get3A_2919, %get3A_2920] {strides = array<i32>} : memref<100x32xf32, #tpu.memory_space<vmem>>, vector<1x16xf32>,
      %get3A_2922 = vector.shape_cast %get3A_2921 : vector<1x16xf32> to vector<16xf32>
      %add3A_2923 = arith.addf %add3A_2911, %get3A_2922 : vector<16xf32>
      %get3A_2924 = arith.constant 30 : i32
      %get3A_2925 = arith.index_cast %get3A_2924 : i32 to index
      %get3A_2926 = arith.constant 0 : index
      %get3A_2927 = tpu.vector_load %arg8[%get3A_2925, %get3A_2926] {strides = array<i32>} : memref<100x32xf32, #tpu.memory_space<vmem>>, vector<1x16xf32>,
      %get3A_2928 = vector.shape_cast %get3A_2927 : vector<1x16xf32> to vector<16xf32>
      %add3A_2929 = arith.addf %add3A_2917, %get3A_2928 : vector<16xf32>
      %get3A_2930 = arith.constant 30 : i32
      %get3A_2931 = arith.index_cast %get3A_2930 : i32 to index
      %get3A_2932 = arith.constant 16 : index
      %get3A_2933 = tpu.vector_load %arg8[%get3A_2931, %get3A_2932] {strides = array<i32>} : memref<100x32xf32, #tpu.memory_space<vmem>>, vector<1x16xf32>,
      %get3A_2934 = vector.shape_cast %get3A_2933 : vector<1x16xf32> to vector<16xf32>
      %add3A_2935 = arith.addf %add3A_2923, %get3A_2934 : vector<16xf32>
      %get3A_2936 = arith.constant 31 : i32
      %get3A_2937 = arith.index_cast %get3A_2936 : i32 to index
      %get3A_2938 = arith.constant 0 : index
      %get3A_2939 = tpu.vector_load %arg8[%get3A_2937, %get3A_2938] {strides = array<i32>} : memref<100x32xf32, #tpu.memory_space<vmem>>, vector<1x16xf32>,
      %get3A_2940 = vector.shape_cast %get3A_2939 : vector<1x16xf32> to vector<16xf32>
      %add3A_2941 = arith.addf %add3A_2929, %get3A_2940 : vector<16xf32>
      %get3A_2942 = arith.constant 31 : i32
      %get3A_2943 = arith.index_cast %get3A_2942 : i32 to index
      %get3A_2944 = arith.constant 16 : index
      %get3A_2945 = tpu.vector_load %arg8[%get3A_2943, %get3A_2944] {strides = array<i32>} : memref<100x32xf32, #tpu.memory_space<vmem>>, vector<1x16xf32>,
      %get3A_2946 = vector.shape_cast %get3A_2945 : vector<1x16xf32> to vector<16xf32>
      %add3A_2947 = arith.addf %add3A_2935, %get3A_2946 : vector<16xf32>
      %get3A_2948 = arith.constant 32 : i32
      %get3A_2949 = arith.index_cast %get3A_2948 : i32 to index
      %get3A_2950 = arith.constant 0 : index
      %get3A_2951 = tpu.vector_load %arg8[%get3A_2949, %get3A_2950] {strides = array<i32>} : memref<100x32xf32, #tpu.memory_space<vmem>>, vector<1x16xf32>,
      %get3A_2952 = vector.shape_cast %get3A_2951 : vector<1x16xf32> to vector<16xf32>
      %add3A_2953 = arith.addf %add3A_2941, %get3A_2952 : vector<16xf32>
      %get3A_2954 = arith.constant 32 : i32
      %get3A_2955 = arith.index_cast %get3A_2954 : i32 to index
      %get3A_2956 = arith.constant 16 : index
      %get3A_2957 = tpu.vector_load %arg8[%get3A_2955, %get3A_2956] {strides = array<i32>} : memref<100x32xf32, #tpu.memory_space<vmem>>, vector<1x16xf32>,
      %get3A_2958 = vector.shape_cast %get3A_2957 : vector<1x16xf32> to vector<16xf32>
      %add3A_2959 = arith.addf %add3A_2947, %get3A_2958 : vector<16xf32>
      %get3A_2960 = arith.constant 33 : i32
      %get3A_2961 = arith.index_cast %get3A_2960 : i32 to index
      %get3A_2962 = arith.constant 0 : index
      %get3A_2963 = tpu.vector_load %arg8[%get3A_2961, %get3A_2962] {strides = array<i32>} : memref<100x32xf32, #tpu.memory_space<vmem>>, vector<1x16xf32>,
      %get3A_2964 = vector.shape_cast %get3A_2963 : vector<1x16xf32> to vector<16xf32>
      %add3A_2965 = arith.addf %add3A_2953, %get3A_2964 : vector<16xf32>
      %get3A_2966 = arith.constant 33 : i32
      %get3A_2967 = arith.index_cast %get3A_2966 : i32 to index
      %get3A_2968 = arith.constant 16 : index
      %get3A_2969 = tpu.vector_load %arg8[%get3A_2967, %get3A_2968] {strides = array<i32>} : memref<100x32xf32, #tpu.memory_space<vmem>>, vector<1x16xf32>,
      %get3A_2970 = vector.shape_cast %get3A_2969 : vector<1x16xf32> to vector<16xf32>
      %add3A_2971 = arith.addf %add3A_2959, %get3A_2970 : vector<16xf32>
      %get3A_2972 = arith.constant 34 : i32
      %get3A_2973 = arith.index_cast %get3A_2972 : i32 to index
      %get3A_2974 = arith.constant 0 : index
      %get3A_2975 = tpu.vector_load %arg8[%get3A_2973, %get3A_2974] {strides = array<i32>} : memref<100x32xf32, #tpu.memory_space<vmem>>, vector<1x16xf32>,
      %get3A_2976 = vector.shape_cast %get3A_2975 : vector<1x16xf32> to vector<16xf32>
      %add3A_2977 = arith.addf %add3A_2965, %get3A_2976 : vector<16xf32>
      %get3A_2978 = arith.constant 34 : i32
      %get3A_2979 = arith.index_cast %get3A_2978 : i32 to index
      %get3A_2980 = arith.constant 16 : index
      %get3A_2981 = tpu.vector_load %arg8[%get3A_2979, %get3A_2980] {strides = array<i32>} : memref<100x32xf32, #tpu.memory_space<vmem>>, vector<1x16xf32>,
      %get3A_2982 = vector.shape_cast %get3A_2981 : vector<1x16xf32> to vector<16xf32>
      %add3A_2983 = arith.addf %add3A_2971, %get3A_2982 : vector<16xf32>
      %get3A_2984 = arith.constant 35 : i32
      %get3A_2985 = arith.index_cast %get3A_2984 : i32 to index
      %get3A_2986 = arith.constant 0 : index
      %get3A_2987 = tpu.vector_load %arg8[%get3A_2985, %get3A_2986] {strides = array<i32>} : memref<100x32xf32, #tpu.memory_space<vmem>>, vector<1x16xf32>,
      %get3A_2988 = vector.shape_cast %get3A_2987 : vector<1x16xf32> to vector<16xf32>
      %add3A_2989 = arith.addf %add3A_2977, %get3A_2988 : vector<16xf32>
      %get3A_2990 = arith.constant 35 : i32
      %get3A_2991 = arith.index_cast %get3A_2990 : i32 to index
      %get3A_2992 = arith.constant 16 : index
      %get3A_2993 = tpu.vector_load %arg8[%get3A_2991, %get3A_2992] {strides = array<i32>} : memref<100x32xf32, #tpu.memory_space<vmem>>, vector<1x16xf32>,
      %get3A_2994 = vector.shape_cast %get3A_2993 : vector<1x16xf32> to vector<16xf32>
      %add3A_2995 = arith.addf %add3A_2983, %get3A_2994 : vector<16xf32>
      %get3A_2996 = arith.constant 36 : i32
      %get3A_2997 = arith.index_cast %get3A_2996 : i32 to index
      %get3A_2998 = arith.constant 0 : index
      %get3A_2999 = tpu.vector_load %arg8[%get3A_2997, %get3A_2998] {strides = array<i32>} : memref<100x32xf32, #tpu.memory_space<vmem>>, vector<1x16xf32>,
      %get3A_3000 = vector.shape_cast %get3A_2999 : vector<1x16xf32> to vector<16xf32>
      %add3A_3001 = arith.addf %add3A_2989, %get3A_3000 : vector<16xf32>
      %get3A_3002 = arith.constant 36 : i32
      %get3A_3003 = arith.index_cast %get3A_3002 : i32 to index
      %get3A_3004 = arith.constant 16 : index
      %get3A_3005 = tpu.vector_load %arg8[%get3A_3003, %get3A_3004] {strides = array<i32>} : memref<100x32xf32, #tpu.memory_space<vmem>>, vector<1x16xf32>,
      %get3A_3006 = vector.shape_cast %get3A_3005 : vector<1x16xf32> to vector<16xf32>
      %add3A_3007 = arith.addf %add3A_2995, %get3A_3006 : vector<16xf32>
      %get3A_3008 = arith.constant 37 : i32
      %get3A_3009 = arith.index_cast %get3A_3008 : i32 to index
      %get3A_3010 = arith.constant 0 : index
      %get3A_3011 = tpu.vector_load %arg8[%get3A_3009, %get3A_3010] {strides = array<i32>} : memref<100x32xf32, #tpu.memory_space<vmem>>, vector<1x16xf32>,
      %get3A_3012 = vector.shape_cast %get3A_3011 : vector<1x16xf32> to vector<16xf32>
      %add3A_3013 = arith.addf %add3A_3001, %get3A_3012 : vector<16xf32>
      %get3A_3014 = arith.constant 37 : i32
      %get3A_3015 = arith.index_cast %get3A_3014 : i32 to index
      %get3A_3016 = arith.constant 16 : index
      %get3A_3017 = tpu.vector_load %arg8[%get3A_3015, %get3A_3016] {strides = array<i32>} : memref<100x32xf32, #tpu.memory_space<vmem>>, vector<1x16xf32>,
      %get3A_3018 = vector.shape_cast %get3A_3017 : vector<1x16xf32> to vector<16xf32>
      %add3A_3019 = arith.addf %add3A_3007, %get3A_3018 : vector<16xf32>
      %get3A_3020 = arith.constant 38 : i32
      %get3A_3021 = arith.index_cast %get3A_3020 : i32 to index
      %get3A_3022 = arith.constant 0 : index
      %get3A_3023 = tpu.vector_load %arg8[%get3A_3021, %get3A_3022] {strides = array<i32>} : memref<100x32xf32, #tpu.memory_space<vmem>>, vector<1x16xf32>,
      %get3A_3024 = vector.shape_cast %get3A_3023 : vector<1x16xf32> to vector<16xf32>
      %add3A_3025 = arith.addf %add3A_3013, %get3A_3024 : vector<16xf32>
      %get3A_3026 = arith.constant 38 : i32
      %get3A_3027 = arith.index_cast %get3A_3026 : i32 to index
      %get3A_3028 = arith.constant 16 : index
      %get3A_3029 = tpu.vector_load %arg8[%get3A_3027, %get3A_3028] {strides = array<i32>} : memref<100x32xf32, #tpu.memory_space<vmem>>, vector<1x16xf32>,
      %get3A_3030 = vector.shape_cast %get3A_3029 : vector<1x16xf32> to vector<16xf32>
      %add3A_3031 = arith.addf %add3A_3019, %get3A_3030 : vector<16xf32>
      %get3A_3032 = arith.constant 39 : i32
      %get3A_3033 = arith.index_cast %get3A_3032 : i32 to index
      %get3A_3034 = arith.constant 0 : index
      %get3A_3035 = tpu.vector_load %arg8[%get3A_3033, %get3A_3034] {strides = array<i32>} : memref<100x32xf32, #tpu.memory_space<vmem>>, vector<1x16xf32>,
      %get3A_3036 = vector.shape_cast %get3A_3035 : vector<1x16xf32> to vector<16xf32>
      %add3A_3037 = arith.addf %add3A_3025, %get3A_3036 : vector<16xf32>
      %get3A_3038 = arith.constant 39 : i32
      %get3A_3039 = arith.index_cast %get3A_3038 : i32 to index
      %get3A_3040 = arith.constant 16 : index
      %get3A_3041 = tpu.vector_load %arg8[%get3A_3039, %get3A_3040] {strides = array<i32>} : memref<100x32xf32, #tpu.memory_space<vmem>>, vector<1x16xf32>,
      %get3A_3042 = vector.shape_cast %get3A_3041 : vector<1x16xf32> to vector<16xf32>
      %add3A_3043 = arith.addf %add3A_3031, %get3A_3042 : vector<16xf32>
      %get3A_3044 = arith.constant 40 : i32
      %get3A_3045 = arith.index_cast %get3A_3044 : i32 to index
      %get3A_3046 = arith.constant 0 : index
      %get3A_3047 = tpu.vector_load %arg8[%get3A_3045, %get3A_3046] {strides = array<i32>} : memref<100x32xf32, #tpu.memory_space<vmem>>, vector<1x16xf32>,
      %get3A_3048 = vector.shape_cast %get3A_3047 : vector<1x16xf32> to vector<16xf32>
      %add3A_3049 = arith.addf %add3A_3037, %get3A_3048 : vector<16xf32>
      %get3A_3050 = arith.constant 40 : i32
      %get3A_3051 = arith.index_cast %get3A_3050 : i32 to index
      %get3A_3052 = arith.constant 16 : index
      %get3A_3053 = tpu.vector_load %arg8[%get3A_3051, %get3A_3052] {strides = array<i32>} : memref<100x32xf32, #tpu.memory_space<vmem>>, vector<1x16xf32>,
      %get3A_3054 = vector.shape_cast %get3A_3053 : vector<1x16xf32> to vector<16xf32>
      %add3A_3055 = arith.addf %add3A_3043, %get3A_3054 : vector<16xf32>
      %get3A_3056 = arith.constant 41 : i32
      %get3A_3057 = arith.index_cast %get3A_3056 : i32 to index
      %get3A_3058 = arith.constant 0 : index
      %get3A_3059 = tpu.vector_load %arg8[%get3A_3057, %get3A_3058] {strides = array<i32>} : memref<100x32xf32, #tpu.memory_space<vmem>>, vector<1x16xf32>,
      %get3A_3060 = vector.shape_cast %get3A_3059 : vector<1x16xf32> to vector<16xf32>
      %add3A_3061 = arith.addf %add3A_3049, %get3A_3060 : vector<16xf32>
      %get3A_3062 = arith.constant 41 : i32
      %get3A_3063 = arith.index_cast %get3A_3062 : i32 to index
      %get3A_3064 = arith.constant 16 : index
      %get3A_3065 = tpu.vector_load %arg8[%get3A_3063, %get3A_3064] {strides = array<i32>} : memref<100x32xf32, #tpu.memory_space<vmem>>, vector<1x16xf32>,
      %get3A_3066 = vector.shape_cast %get3A_3065 : vector<1x16xf32> to vector<16xf32>
      %add3A_3067 = arith.addf %add3A_3055, %get3A_3066 : vector<16xf32>
      %get3A_3068 = arith.constant 42 : i32
      %get3A_3069 = arith.index_cast %get3A_3068 : i32 to index
      %get3A_3070 = arith.constant 0 : index
      %get3A_3071 = tpu.vector_load %arg8[%get3A_3069, %get3A_3070] {strides = array<i32>} : memref<100x32xf32, #tpu.memory_space<vmem>>, vector<1x16xf32>,
      %get3A_3072 = vector.shape_cast %get3A_3071 : vector<1x16xf32> to vector<16xf32>
      %add3A_3073 = arith.addf %add3A_3061, %get3A_3072 : vector<16xf32>
      %get3A_3074 = arith.constant 42 : i32
      %get3A_3075 = arith.index_cast %get3A_3074 : i32 to index
      %get3A_3076 = arith.constant 16 : index
      %get3A_3077 = tpu.vector_load %arg8[%get3A_3075, %get3A_3076] {strides = array<i32>} : memref<100x32xf32, #tpu.memory_space<vmem>>, vector<1x16xf32>,
      %get3A_3078 = vector.shape_cast %get3A_3077 : vector<1x16xf32> to vector<16xf32>
      %add3A_3079 = arith.addf %add3A_3067, %get3A_3078 : vector<16xf32>
      %get3A_3080 = arith.constant 43 : i32
      %get3A_3081 = arith.index_cast %get3A_3080 : i32 to index
      %get3A_3082 = arith.constant 0 : index
      %get3A_3083 = tpu.vector_load %arg8[%get3A_3081, %get3A_3082] {strides = array<i32>} : memref<100x32xf32, #tpu.memory_space<vmem>>, vector<1x16xf32>,
      %get3A_3084 = vector.shape_cast %get3A_3083 : vector<1x16xf32> to vector<16xf32>
      %add3A_3085 = arith.addf %add3A_3073, %get3A_3084 : vector<16xf32>
      %get3A_3086 = arith.constant 43 : i32
      %get3A_3087 = arith.index_cast %get3A_3086 : i32 to index
      %get3A_3088 = arith.constant 16 : index
      %get3A_3089 = tpu.vector_load %arg8[%get3A_3087, %get3A_3088] {strides = array<i32>} : memref<100x32xf32, #tpu.memory_space<vmem>>, vector<1x16xf32>,
      %get3A_3090 = vector.shape_cast %get3A_3089 : vector<1x16xf32> to vector<16xf32>
      %add3A_3091 = arith.addf %add3A_3079, %get3A_3090 : vector<16xf32>
      %get3A_3092 = arith.constant 44 : i32
      %get3A_3093 = arith.index_cast %get3A_3092 : i32 to index
      %get3A_3094 = arith.constant 0 : index
      %get3A_3095 = tpu.vector_load %arg8[%get3A_3093, %get3A_3094] {strides = array<i32>} : memref<100x32xf32, #tpu.memory_space<vmem>>, vector<1x16xf32>,
      %get3A_3096 = vector.shape_cast %get3A_3095 : vector<1x16xf32> to vector<16xf32>
      %add3A_3097 = arith.addf %add3A_3085, %get3A_3096 : vector<16xf32>
      %get3A_3098 = arith.constant 44 : i32
      %get3A_3099 = arith.index_cast %get3A_3098 : i32 to index
      %get3A_3100 = arith.constant 16 : index
      %get3A_3101 = tpu.vector_load %arg8[%get3A_3099, %get3A_3100] {strides = array<i32>} : memref<100x32xf32, #tpu.memory_space<vmem>>, vector<1x16xf32>,
      %get3A_3102 = vector.shape_cast %get3A_3101 : vector<1x16xf32> to vector<16xf32>
      %add3A_3103 = arith.addf %add3A_3091, %get3A_3102 : vector<16xf32>
      %get3A_3104 = arith.constant 45 : i32
      %get3A_3105 = arith.index_cast %get3A_3104 : i32 to index
      %get3A_3106 = arith.constant 0 : index
      %get3A_3107 = tpu.vector_load %arg8[%get3A_3105, %get3A_3106] {strides = array<i32>} : memref<100x32xf32, #tpu.memory_space<vmem>>, vector<1x16xf32>,
      %get3A_3108 = vector.shape_cast %get3A_3107 : vector<1x16xf32> to vector<16xf32>
      %add3A_3109 = arith.addf %add3A_3097, %get3A_3108 : vector<16xf32>
      %get3A_3110 = arith.constant 45 : i32
      %get3A_3111 = arith.index_cast %get3A_3110 : i32 to index
      %get3A_3112 = arith.constant 16 : index
      %get3A_3113 = tpu.vector_load %arg8[%get3A_3111, %get3A_3112] {strides = array<i32>} : memref<100x32xf32, #tpu.memory_space<vmem>>, vector<1x16xf32>,
      %get3A_3114 = vector.shape_cast %get3A_3113 : vector<1x16xf32> to vector<16xf32>
      %add3A_3115 = arith.addf %add3A_3103, %get3A_3114 : vector<16xf32>
      %get3A_3116 = arith.constant 46 : i32
      %get3A_3117 = arith.index_cast %get3A_3116 : i32 to index
      %get3A_3118 = arith.constant 0 : index
      %get3A_3119 = tpu.vector_load %arg8[%get3A_3117, %get3A_3118] {strides = array<i32>} : memref<100x32xf32, #tpu.memory_space<vmem>>, vector<1x16xf32>,
      %get3A_3120 = vector.shape_cast %get3A_3119 : vector<1x16xf32> to vector<16xf32>
      %add3A_3121 = arith.addf %add3A_3109, %get3A_3120 : vector<16xf32>
      %get3A_3122 = arith.constant 46 : i32
      %get3A_3123 = arith.index_cast %get3A_3122 : i32 to index
      %get3A_3124 = arith.constant 16 : index
      %get3A_3125 = tpu.vector_load %arg8[%get3A_3123, %get3A_3124] {strides = array<i32>} : memref<100x32xf32, #tpu.memory_space<vmem>>, vector<1x16xf32>,
      %get3A_3126 = vector.shape_cast %get3A_3125 : vector<1x16xf32> to vector<16xf32>
      %add3A_3127 = arith.addf %add3A_3115, %get3A_3126 : vector<16xf32>
      %get3A_3128 = arith.constant 47 : i32
      %get3A_3129 = arith.index_cast %get3A_3128 : i32 to index
      %get3A_3130 = arith.constant 0 : index
      %get3A_3131 = tpu.vector_load %arg8[%get3A_3129, %get3A_3130] {strides = array<i32>} : memref<100x32xf32, #tpu.memory_space<vmem>>, vector<1x16xf32>,
      %get3A_3132 = vector.shape_cast %get3A_3131 : vector<1x16xf32> to vector<16xf32>
      %add3A_3133 = arith.addf %add3A_3121, %get3A_3132 : vector<16xf32>
      %get3A_3134 = arith.constant 47 : i32
      %get3A_3135 = arith.index_cast %get3A_3134 : i32 to index
      %get3A_3136 = arith.constant 16 : index
      %get3A_3137 = tpu.vector_load %arg8[%get3A_3135, %get3A_3136] {strides = array<i32>} : memref<100x32xf32, #tpu.memory_space<vmem>>, vector<1x16xf32>,
      %get3A_3138 = vector.shape_cast %get3A_3137 : vector<1x16xf32> to vector<16xf32>
      %add3A_3139 = arith.addf %add3A_3127, %get3A_3138 : vector<16xf32>
      %get3A_3140 = arith.constant 48 : i32
      %get3A_3141 = arith.index_cast %get3A_3140 : i32 to index
      %get3A_3142 = arith.constant 0 : index
      %get3A_3143 = tpu.vector_load %arg8[%get3A_3141, %get3A_3142] {strides = array<i32>} : memref<100x32xf32, #tpu.memory_space<vmem>>, vector<1x16xf32>,
      %get3A_3144 = vector.shape_cast %get3A_3143 : vector<1x16xf32> to vector<16xf32>
      %add3A_3145 = arith.addf %add3A_3133, %get3A_3144 : vector<16xf32>
      %get3A_3146 = arith.constant 48 : i32
      %get3A_3147 = arith.index_cast %get3A_3146 : i32 to index
      %get3A_3148 = arith.constant 16 : index
      %get3A_3149 = tpu.vector_load %arg8[%get3A_3147, %get3A_3148] {strides = array<i32>} : memref<100x32xf32, #tpu.memory_space<vmem>>, vector<1x16xf32>,
      %get3A_3150 = vector.shape_cast %get3A_3149 : vector<1x16xf32> to vector<16xf32>
      %add3A_3151 = arith.addf %add3A_3139, %get3A_3150 : vector<16xf32>
      %get3A_3152 = arith.constant 49 : i32
      %get3A_3153 = arith.index_cast %get3A_3152 : i32 to index
      %get3A_3154 = arith.constant 0 : index
      %get3A_3155 = tpu.vector_load %arg8[%get3A_3153, %get3A_3154] {strides = array<i32>} : memref<100x32xf32, #tpu.memory_space<vmem>>, vector<1x16xf32>,
      %get3A_3156 = vector.shape_cast %get3A_3155 : vector<1x16xf32> to vector<16xf32>
      %add3A_3157 = arith.addf %add3A_3145, %get3A_3156 : vector<16xf32>
      %get3A_3158 = arith.constant 49 : i32
      %get3A_3159 = arith.index_cast %get3A_3158 : i32 to index
      %get3A_3160 = arith.constant 16 : index
      %get3A_3161 = tpu.vector_load %arg8[%get3A_3159, %get3A_3160] {strides = array<i32>} : memref<100x32xf32, #tpu.memory_space<vmem>>, vector<1x16xf32>,
      %get3A_3162 = vector.shape_cast %get3A_3161 : vector<1x16xf32> to vector<16xf32>
      %add3A_3163 = arith.addf %add3A_3151, %get3A_3162 : vector<16xf32>
      %add3A_3164 = arith.constant 0 : i32
      %add3A_3165 = arith.addi %mul3A_2565, %add3A_3164 : i32
      %swap3A_3166 = arith.index_cast %add3A_3165 : i32 to index
      %swap3A_3167 = arith.constant 0 : index
      %swap3A_3168 = tpu.vector_load %arg10[%swap3A_3166, %swap3A_3167] {strides = array<i32>} : memref<512x32xf32, #tpu.memory_space<vmem>>, vector<1x16xf32>,
      %swap3A_3169 = vector.shape_cast %swap3A_3168 : vector<1x16xf32> to vector<16xf32>
      %swap3A_3170 = vector.shape_cast %add3A_3157 : vector<16xf32> to vector<1x16xf32>
      tpu.vector_store %arg10[%swap3A_3166, %swap3A_3167], %swap3A_3170 {strides = array<i32>} : memref<512x32xf32, #tpu.memory_space<vmem>>, vector<1x16xf32>,
      %add3A_3171 = arith.constant 0 : i32
      %add3A_3172 = arith.addi %mul3A_2565, %add3A_3171 : i32
      %swap3A_3173 = arith.index_cast %add3A_3172 : i32 to index
      %swap3A_3174 = arith.constant 16 : index
      %swap3A_3175 = tpu.vector_load %arg10[%swap3A_3173, %swap3A_3174] {strides = array<i32>} : memref<512x32xf32, #tpu.memory_space<vmem>>, vector<1x16xf32>,
      %swap3A_3176 = vector.shape_cast %swap3A_3175 : vector<1x16xf32> to vector<16xf32>
      %swap3A_3177 = vector.shape_cast %add3A_3163 : vector<16xf32> to vector<1x16xf32>
      tpu.vector_store %arg10[%swap3A_3173, %swap3A_3174], %swap3A_3177 {strides = array<i32>} : memref<512x32xf32, #tpu.memory_space<vmem>>, vector<1x16xf32>,
      %get3A_3178 = arith.constant 50 : i32
      %get3A_3179 = arith.index_cast %get3A_3178 : i32 to index
      %get3A_3180 = arith.constant 0 : index
      %get3A_3181 = tpu.vector_load %arg8[%get3A_3179, %get3A_3180] {strides = array<i32>} : memref<100x32xf32, #tpu.memory_space<vmem>>, vector<1x16xf32>,
      %get3A_3182 = vector.shape_cast %get3A_3181 : vector<1x16xf32> to vector<16xf32>
      %get3A_3183 = arith.constant 50 : i32
      %get3A_3184 = arith.index_cast %get3A_3183 : i32 to index
      %get3A_3185 = arith.constant 16 : index
      %get3A_3186 = tpu.vector_load %arg8[%get3A_3184, %get3A_3185] {strides = array<i32>} : memref<100x32xf32, #tpu.memory_space<vmem>>, vector<1x16xf32>,
      %get3A_3187 = vector.shape_cast %get3A_3186 : vector<1x16xf32> to vector<16xf32>
      %get3A_3188 = arith.constant 51 : i32
      %get3A_3189 = arith.index_cast %get3A_3188 : i32 to index
      %get3A_3190 = arith.constant 0 : index
      %get3A_3191 = tpu.vector_load %arg8[%get3A_3189, %get3A_3190] {strides = array<i32>} : memref<100x32xf32, #tpu.memory_space<vmem>>, vector<1x16xf32>,
      %get3A_3192 = vector.shape_cast %get3A_3191 : vector<1x16xf32> to vector<16xf32>
      %add3A_3193 = arith.addf %get3A_3182, %get3A_3192 : vector<16xf32>
      %get3A_3194 = arith.constant 51 : i32
      %get3A_3195 = arith.index_cast %get3A_3194 : i32 to index
      %get3A_3196 = arith.constant 16 : index
      %get3A_3197 = tpu.vector_load %arg8[%get3A_3195, %get3A_3196] {strides = array<i32>} : memref<100x32xf32, #tpu.memory_space<vmem>>, vector<1x16xf32>,
      %get3A_3198 = vector.shape_cast %get3A_3197 : vector<1x16xf32> to vector<16xf32>
      %add3A_3199 = arith.addf %get3A_3187, %get3A_3198 : vector<16xf32>
      %get3A_3200 = arith.constant 52 : i32
      %get3A_3201 = arith.index_cast %get3A_3200 : i32 to index
      %get3A_3202 = arith.constant 0 : index
      %get3A_3203 = tpu.vector_load %arg8[%get3A_3201, %get3A_3202] {strides = array<i32>} : memref<100x32xf32, #tpu.memory_space<vmem>>, vector<1x16xf32>,
      %get3A_3204 = vector.shape_cast %get3A_3203 : vector<1x16xf32> to vector<16xf32>
      %add3A_3205 = arith.addf %add3A_3193, %get3A_3204 : vector<16xf32>
      %get3A_3206 = arith.constant 52 : i32
      %get3A_3207 = arith.index_cast %get3A_3206 : i32 to index
      %get3A_3208 = arith.constant 16 : index
      %get3A_3209 = tpu.vector_load %arg8[%get3A_3207, %get3A_3208] {strides = array<i32>} : memref<100x32xf32, #tpu.memory_space<vmem>>, vector<1x16xf32>,
      %get3A_3210 = vector.shape_cast %get3A_3209 : vector<1x16xf32> to vector<16xf32>
      %add3A_3211 = arith.addf %add3A_3199, %get3A_3210 : vector<16xf32>
      %get3A_3212 = arith.constant 53 : i32
      %get3A_3213 = arith.index_cast %get3A_3212 : i32 to index
      %get3A_3214 = arith.constant 0 : index
      %get3A_3215 = tpu.vector_load %arg8[%get3A_3213, %get3A_3214] {strides = array<i32>} : memref<100x32xf32, #tpu.memory_space<vmem>>, vector<1x16xf32>,
      %get3A_3216 = vector.shape_cast %get3A_3215 : vector<1x16xf32> to vector<16xf32>
      %add3A_3217 = arith.addf %add3A_3205, %get3A_3216 : vector<16xf32>
      %get3A_3218 = arith.constant 53 : i32
      %get3A_3219 = arith.index_cast %get3A_3218 : i32 to index
      %get3A_3220 = arith.constant 16 : index
      %get3A_3221 = tpu.vector_load %arg8[%get3A_3219, %get3A_3220] {strides = array<i32>} : memref<100x32xf32, #tpu.memory_space<vmem>>, vector<1x16xf32>,
      %get3A_3222 = vector.shape_cast %get3A_3221 : vector<1x16xf32> to vector<16xf32>
      %add3A_3223 = arith.addf %add3A_3211, %get3A_3222 : vector<16xf32>
      %get3A_3224 = arith.constant 54 : i32
      %get3A_3225 = arith.index_cast %get3A_3224 : i32 to index
      %get3A_3226 = arith.constant 0 : index
      %get3A_3227 = tpu.vector_load %arg8[%get3A_3225, %get3A_3226] {strides = array<i32>} : memref<100x32xf32, #tpu.memory_space<vmem>>, vector<1x16xf32>,
      %get3A_3228 = vector.shape_cast %get3A_3227 : vector<1x16xf32> to vector<16xf32>
      %add3A_3229 = arith.addf %add3A_3217, %get3A_3228 : vector<16xf32>
      %get3A_3230 = arith.constant 54 : i32
      %get3A_3231 = arith.index_cast %get3A_3230 : i32 to index
      %get3A_3232 = arith.constant 16 : index
      %get3A_3233 = tpu.vector_load %arg8[%get3A_3231, %get3A_3232] {strides = array<i32>} : memref<100x32xf32, #tpu.memory_space<vmem>>, vector<1x16xf32>,
      %get3A_3234 = vector.shape_cast %get3A_3233 : vector<1x16xf32> to vector<16xf32>
      %add3A_3235 = arith.addf %add3A_3223, %get3A_3234 : vector<16xf32>
      %get3A_3236 = arith.constant 55 : i32
      %get3A_3237 = arith.index_cast %get3A_3236 : i32 to index
      %get3A_3238 = arith.constant 0 : index
      %get3A_3239 = tpu.vector_load %arg8[%get3A_3237, %get3A_3238] {strides = array<i32>} : memref<100x32xf32, #tpu.memory_space<vmem>>, vector<1x16xf32>,
      %get3A_3240 = vector.shape_cast %get3A_3239 : vector<1x16xf32> to vector<16xf32>
      %add3A_3241 = arith.addf %add3A_3229, %get3A_3240 : vector<16xf32>
      %get3A_3242 = arith.constant 55 : i32
      %get3A_3243 = arith.index_cast %get3A_3242 : i32 to index
      %get3A_3244 = arith.constant 16 : index
      %get3A_3245 = tpu.vector_load %arg8[%get3A_3243, %get3A_3244] {strides = array<i32>} : memref<100x32xf32, #tpu.memory_space<vmem>>, vector<1x16xf32>,
      %get3A_3246 = vector.shape_cast %get3A_3245 : vector<1x16xf32> to vector<16xf32>
      %add3A_3247 = arith.addf %add3A_3235, %get3A_3246 : vector<16xf32>
      %get3A_3248 = arith.constant 56 : i32
      %get3A_3249 = arith.index_cast %get3A_3248 : i32 to index
      %get3A_3250 = arith.constant 0 : index
      %get3A_3251 = tpu.vector_load %arg8[%get3A_3249, %get3A_3250] {strides = array<i32>} : memref<100x32xf32, #tpu.memory_space<vmem>>, vector<1x16xf32>,
      %get3A_3252 = vector.shape_cast %get3A_3251 : vector<1x16xf32> to vector<16xf32>
      %add3A_3253 = arith.addf %add3A_3241, %get3A_3252 : vector<16xf32>
      %get3A_3254 = arith.constant 56 : i32
      %get3A_3255 = arith.index_cast %get3A_3254 : i32 to index
      %get3A_3256 = arith.constant 16 : index
      %get3A_3257 = tpu.vector_load %arg8[%get3A_3255, %get3A_3256] {strides = array<i32>} : memref<100x32xf32, #tpu.memory_space<vmem>>, vector<1x16xf32>,
      %get3A_3258 = vector.shape_cast %get3A_3257 : vector<1x16xf32> to vector<16xf32>
      %add3A_3259 = arith.addf %add3A_3247, %get3A_3258 : vector<16xf32>
      %get3A_3260 = arith.constant 57 : i32
      %get3A_3261 = arith.index_cast %get3A_3260 : i32 to index
      %get3A_3262 = arith.constant 0 : index
      %get3A_3263 = tpu.vector_load %arg8[%get3A_3261, %get3A_3262] {strides = array<i32>} : memref<100x32xf32, #tpu.memory_space<vmem>>, vector<1x16xf32>,
      %get3A_3264 = vector.shape_cast %get3A_3263 : vector<1x16xf32> to vector<16xf32>
      %add3A_3265 = arith.addf %add3A_3253, %get3A_3264 : vector<16xf32>
      %get3A_3266 = arith.constant 57 : i32
      %get3A_3267 = arith.index_cast %get3A_3266 : i32 to index
      %get3A_3268 = arith.constant 16 : index
      %get3A_3269 = tpu.vector_load %arg8[%get3A_3267, %get3A_3268] {strides = array<i32>} : memref<100x32xf32, #tpu.memory_space<vmem>>, vector<1x16xf32>,
      %get3A_3270 = vector.shape_cast %get3A_3269 : vector<1x16xf32> to vector<16xf32>
      %add3A_3271 = arith.addf %add3A_3259, %get3A_3270 : vector<16xf32>
      %get3A_3272 = arith.constant 58 : i32
      %get3A_3273 = arith.index_cast %get3A_3272 : i32 to index
      %get3A_3274 = arith.constant 0 : index
      %get3A_3275 = tpu.vector_load %arg8[%get3A_3273, %get3A_3274] {strides = array<i32>} : memref<100x32xf32, #tpu.memory_space<vmem>>, vector<1x16xf32>,
      %get3A_3276 = vector.shape_cast %get3A_3275 : vector<1x16xf32> to vector<16xf32>
      %add3A_3277 = arith.addf %add3A_3265, %get3A_3276 : vector<16xf32>
      %get3A_3278 = arith.constant 58 : i32
      %get3A_3279 = arith.index_cast %get3A_3278 : i32 to index
      %get3A_3280 = arith.constant 16 : index
      %get3A_3281 = tpu.vector_load %arg8[%get3A_3279, %get3A_3280] {strides = array<i32>} : memref<100x32xf32, #tpu.memory_space<vmem>>, vector<1x16xf32>,
      %get3A_3282 = vector.shape_cast %get3A_3281 : vector<1x16xf32> to vector<16xf32>
      %add3A_3283 = arith.addf %add3A_3271, %get3A_3282 : vector<16xf32>
      %get3A_3284 = arith.constant 59 : i32
      %get3A_3285 = arith.index_cast %get3A_3284 : i32 to index
      %get3A_3286 = arith.constant 0 : index
      %get3A_3287 = tpu.vector_load %arg8[%get3A_3285, %get3A_3286] {strides = array<i32>} : memref<100x32xf32, #tpu.memory_space<vmem>>, vector<1x16xf32>,
      %get3A_3288 = vector.shape_cast %get3A_3287 : vector<1x16xf32> to vector<16xf32>
      %add3A_3289 = arith.addf %add3A_3277, %get3A_3288 : vector<16xf32>
      %get3A_3290 = arith.constant 59 : i32
      %get3A_3291 = arith.index_cast %get3A_3290 : i32 to index
      %get3A_3292 = arith.constant 16 : index
      %get3A_3293 = tpu.vector_load %arg8[%get3A_3291, %get3A_3292] {strides = array<i32>} : memref<100x32xf32, #tpu.memory_space<vmem>>, vector<1x16xf32>,
      %get3A_3294 = vector.shape_cast %get3A_3293 : vector<1x16xf32> to vector<16xf32>
      %add3A_3295 = arith.addf %add3A_3283, %get3A_3294 : vector<16xf32>
      %get3A_3296 = arith.constant 60 : i32
      %get3A_3297 = arith.index_cast %get3A_3296 : i32 to index
      %get3A_3298 = arith.constant 0 : index
      %get3A_3299 = tpu.vector_load %arg8[%get3A_3297, %get3A_3298] {strides = array<i32>} : memref<100x32xf32, #tpu.memory_space<vmem>>, vector<1x16xf32>,
      %get3A_3300 = vector.shape_cast %get3A_3299 : vector<1x16xf32> to vector<16xf32>
      %add3A_3301 = arith.addf %add3A_3289, %get3A_3300 : vector<16xf32>
      %get3A_3302 = arith.constant 60 : i32
      %get3A_3303 = arith.index_cast %get3A_3302 : i32 to index
      %get3A_3304 = arith.constant 16 : index
      %get3A_3305 = tpu.vector_load %arg8[%get3A_3303, %get3A_3304] {strides = array<i32>} : memref<100x32xf32, #tpu.memory_space<vmem>>, vector<1x16xf32>,
      %get3A_3306 = vector.shape_cast %get3A_3305 : vector<1x16xf32> to vector<16xf32>
      %add3A_3307 = arith.addf %add3A_3295, %get3A_3306 : vector<16xf32>
      %get3A_3308 = arith.constant 61 : i32
      %get3A_3309 = arith.index_cast %get3A_3308 : i32 to index
      %get3A_3310 = arith.constant 0 : index
      %get3A_3311 = tpu.vector_load %arg8[%get3A_3309, %get3A_3310] {strides = array<i32>} : memref<100x32xf32, #tpu.memory_space<vmem>>, vector<1x16xf32>,
      %get3A_3312 = vector.shape_cast %get3A_3311 : vector<1x16xf32> to vector<16xf32>
      %add3A_3313 = arith.addf %add3A_3301, %get3A_3312 : vector<16xf32>
      %get3A_3314 = arith.constant 61 : i32
      %get3A_3315 = arith.index_cast %get3A_3314 : i32 to index
      %get3A_3316 = arith.constant 16 : index
      %get3A_3317 = tpu.vector_load %arg8[%get3A_3315, %get3A_3316] {strides = array<i32>} : memref<100x32xf32, #tpu.memory_space<vmem>>, vector<1x16xf32>,
      %get3A_3318 = vector.shape_cast %get3A_3317 : vector<1x16xf32> to vector<16xf32>
      %add3A_3319 = arith.addf %add3A_3307, %get3A_3318 : vector<16xf32>
      %get3A_3320 = arith.constant 62 : i32
      %get3A_3321 = arith.index_cast %get3A_3320 : i32 to index
      %get3A_3322 = arith.constant 0 : index
      %get3A_3323 = tpu.vector_load %arg8[%get3A_3321, %get3A_3322] {strides = array<i32>} : memref<100x32xf32, #tpu.memory_space<vmem>>, vector<1x16xf32>,
      %get3A_3324 = vector.shape_cast %get3A_3323 : vector<1x16xf32> to vector<16xf32>
      %add3A_3325 = arith.addf %add3A_3313, %get3A_3324 : vector<16xf32>
      %get3A_3326 = arith.constant 62 : i32
      %get3A_3327 = arith.index_cast %get3A_3326 : i32 to index
      %get3A_3328 = arith.constant 16 : index
      %get3A_3329 = tpu.vector_load %arg8[%get3A_3327, %get3A_3328] {strides = array<i32>} : memref<100x32xf32, #tpu.memory_space<vmem>>, vector<1x16xf32>,
      %get3A_3330 = vector.shape_cast %get3A_3329 : vector<1x16xf32> to vector<16xf32>
      %add3A_3331 = arith.addf %add3A_3319, %get3A_3330 : vector<16xf32>
      %get3A_3332 = arith.constant 63 : i32
      %get3A_3333 = arith.index_cast %get3A_3332 : i32 to index
      %get3A_3334 = arith.constant 0 : index
      %get3A_3335 = tpu.vector_load %arg8[%get3A_3333, %get3A_3334] {strides = array<i32>} : memref<100x32xf32, #tpu.memory_space<vmem>>, vector<1x16xf32>,
      %get3A_3336 = vector.shape_cast %get3A_3335 : vector<1x16xf32> to vector<16xf32>
      %add3A_3337 = arith.addf %add3A_3325, %get3A_3336 : vector<16xf32>
      %get3A_3338 = arith.constant 63 : i32
      %get3A_3339 = arith.index_cast %get3A_3338 : i32 to index
      %get3A_3340 = arith.constant 16 : index
      %get3A_3341 = tpu.vector_load %arg8[%get3A_3339, %get3A_3340] {strides = array<i32>} : memref<100x32xf32, #tpu.memory_space<vmem>>, vector<1x16xf32>,
      %get3A_3342 = vector.shape_cast %get3A_3341 : vector<1x16xf32> to vector<16xf32>
      %add3A_3343 = arith.addf %add3A_3331, %get3A_3342 : vector<16xf32>
      %get3A_3344 = arith.constant 64 : i32
      %get3A_3345 = arith.index_cast %get3A_3344 : i32 to index
      %get3A_3346 = arith.constant 0 : index
      %get3A_3347 = tpu.vector_load %arg8[%get3A_3345, %get3A_3346] {strides = array<i32>} : memref<100x32xf32, #tpu.memory_space<vmem>>, vector<1x16xf32>,
      %get3A_3348 = vector.shape_cast %get3A_3347 : vector<1x16xf32> to vector<16xf32>
      %add3A_3349 = arith.addf %add3A_3337, %get3A_3348 : vector<16xf32>
      %get3A_3350 = arith.constant 64 : i32
      %get3A_3351 = arith.index_cast %get3A_3350 : i32 to index
      %get3A_3352 = arith.constant 16 : index
      %get3A_3353 = tpu.vector_load %arg8[%get3A_3351, %get3A_3352] {strides = array<i32>} : memref<100x32xf32, #tpu.memory_space<vmem>>, vector<1x16xf32>,
      %get3A_3354 = vector.shape_cast %get3A_3353 : vector<1x16xf32> to vector<16xf32>
      %add3A_3355 = arith.addf %add3A_3343, %get3A_3354 : vector<16xf32>
      %get3A_3356 = arith.constant 65 : i32
      %get3A_3357 = arith.index_cast %get3A_3356 : i32 to index
      %get3A_3358 = arith.constant 0 : index
      %get3A_3359 = tpu.vector_load %arg8[%get3A_3357, %get3A_3358] {strides = array<i32>} : memref<100x32xf32, #tpu.memory_space<vmem>>, vector<1x16xf32>,
      %get3A_3360 = vector.shape_cast %get3A_3359 : vector<1x16xf32> to vector<16xf32>
      %add3A_3361 = arith.addf %add3A_3349, %get3A_3360 : vector<16xf32>
      %get3A_3362 = arith.constant 65 : i32
      %get3A_3363 = arith.index_cast %get3A_3362 : i32 to index
      %get3A_3364 = arith.constant 16 : index
      %get3A_3365 = tpu.vector_load %arg8[%get3A_3363, %get3A_3364] {strides = array<i32>} : memref<100x32xf32, #tpu.memory_space<vmem>>, vector<1x16xf32>,
      %get3A_3366 = vector.shape_cast %get3A_3365 : vector<1x16xf32> to vector<16xf32>
      %add3A_3367 = arith.addf %add3A_3355, %get3A_3366 : vector<16xf32>
      %get3A_3368 = arith.constant 66 : i32
      %get3A_3369 = arith.index_cast %get3A_3368 : i32 to index
      %get3A_3370 = arith.constant 0 : index
      %get3A_3371 = tpu.vector_load %arg8[%get3A_3369, %get3A_3370] {strides = array<i32>} : memref<100x32xf32, #tpu.memory_space<vmem>>, vector<1x16xf32>,
      %get3A_3372 = vector.shape_cast %get3A_3371 : vector<1x16xf32> to vector<16xf32>
      %add3A_3373 = arith.addf %add3A_3361, %get3A_3372 : vector<16xf32>
      %get3A_3374 = arith.constant 66 : i32
      %get3A_3375 = arith.index_cast %get3A_3374 : i32 to index
      %get3A_3376 = arith.constant 16 : index
      %get3A_3377 = tpu.vector_load %arg8[%get3A_3375, %get3A_3376] {strides = array<i32>} : memref<100x32xf32, #tpu.memory_space<vmem>>, vector<1x16xf32>,
      %get3A_3378 = vector.shape_cast %get3A_3377 : vector<1x16xf32> to vector<16xf32>
      %add3A_3379 = arith.addf %add3A_3367, %get3A_3378 : vector<16xf32>
      %get3A_3380 = arith.constant 67 : i32
      %get3A_3381 = arith.index_cast %get3A_3380 : i32 to index
      %get3A_3382 = arith.constant 0 : index
      %get3A_3383 = tpu.vector_load %arg8[%get3A_3381, %get3A_3382] {strides = array<i32>} : memref<100x32xf32, #tpu.memory_space<vmem>>, vector<1x16xf32>,
      %get3A_3384 = vector.shape_cast %get3A_3383 : vector<1x16xf32> to vector<16xf32>
      %add3A_3385 = arith.addf %add3A_3373, %get3A_3384 : vector<16xf32>
      %get3A_3386 = arith.constant 67 : i32
      %get3A_3387 = arith.index_cast %get3A_3386 : i32 to index
      %get3A_3388 = arith.constant 16 : index
      %get3A_3389 = tpu.vector_load %arg8[%get3A_3387, %get3A_3388] {strides = array<i32>} : memref<100x32xf32, #tpu.memory_space<vmem>>, vector<1x16xf32>,
      %get3A_3390 = vector.shape_cast %get3A_3389 : vector<1x16xf32> to vector<16xf32>
      %add3A_3391 = arith.addf %add3A_3379, %get3A_3390 : vector<16xf32>
      %get3A_3392 = arith.constant 68 : i32
      %get3A_3393 = arith.index_cast %get3A_3392 : i32 to index
      %get3A_3394 = arith.constant 0 : index
      %get3A_3395 = tpu.vector_load %arg8[%get3A_3393, %get3A_3394] {strides = array<i32>} : memref<100x32xf32, #tpu.memory_space<vmem>>, vector<1x16xf32>,
      %get3A_3396 = vector.shape_cast %get3A_3395 : vector<1x16xf32> to vector<16xf32>
      %add3A_3397 = arith.addf %add3A_3385, %get3A_3396 : vector<16xf32>
      %get3A_3398 = arith.constant 68 : i32
      %get3A_3399 = arith.index_cast %get3A_3398 : i32 to index
      %get3A_3400 = arith.constant 16 : index
      %get3A_3401 = tpu.vector_load %arg8[%get3A_3399, %get3A_3400] {strides = array<i32>} : memref<100x32xf32, #tpu.memory_space<vmem>>, vector<1x16xf32>,
      %get3A_3402 = vector.shape_cast %get3A_3401 : vector<1x16xf32> to vector<16xf32>
      %add3A_3403 = arith.addf %add3A_3391, %get3A_3402 : vector<16xf32>
      %get3A_3404 = arith.constant 69 : i32
      %get3A_3405 = arith.index_cast %get3A_3404 : i32 to index
      %get3A_3406 = arith.constant 0 : index
      %get3A_3407 = tpu.vector_load %arg8[%get3A_3405, %get3A_3406] {strides = array<i32>} : memref<100x32xf32, #tpu.memory_space<vmem>>, vector<1x16xf32>,
      %get3A_3408 = vector.shape_cast %get3A_3407 : vector<1x16xf32> to vector<16xf32>
      %add3A_3409 = arith.addf %add3A_3397, %get3A_3408 : vector<16xf32>
      %get3A_3410 = arith.constant 69 : i32
      %get3A_3411 = arith.index_cast %get3A_3410 : i32 to index
      %get3A_3412 = arith.constant 16 : index
      %get3A_3413 = tpu.vector_load %arg8[%get3A_3411, %get3A_3412] {strides = array<i32>} : memref<100x32xf32, #tpu.memory_space<vmem>>, vector<1x16xf32>,
      %get3A_3414 = vector.shape_cast %get3A_3413 : vector<1x16xf32> to vector<16xf32>
      %add3A_3415 = arith.addf %add3A_3403, %get3A_3414 : vector<16xf32>
      %get3A_3416 = arith.constant 70 : i32
      %get3A_3417 = arith.index_cast %get3A_3416 : i32 to index
      %get3A_3418 = arith.constant 0 : index
      %get3A_3419 = tpu.vector_load %arg8[%get3A_3417, %get3A_3418] {strides = array<i32>} : memref<100x32xf32, #tpu.memory_space<vmem>>, vector<1x16xf32>,
      %get3A_3420 = vector.shape_cast %get3A_3419 : vector<1x16xf32> to vector<16xf32>
      %add3A_3421 = arith.addf %add3A_3409, %get3A_3420 : vector<16xf32>
      %get3A_3422 = arith.constant 70 : i32
      %get3A_3423 = arith.index_cast %get3A_3422 : i32 to index
      %get3A_3424 = arith.constant 16 : index
      %get3A_3425 = tpu.vector_load %arg8[%get3A_3423, %get3A_3424] {strides = array<i32>} : memref<100x32xf32, #tpu.memory_space<vmem>>, vector<1x16xf32>,
      %get3A_3426 = vector.shape_cast %get3A_3425 : vector<1x16xf32> to vector<16xf32>
      %add3A_3427 = arith.addf %add3A_3415, %get3A_3426 : vector<16xf32>
      %get3A_3428 = arith.constant 71 : i32
      %get3A_3429 = arith.index_cast %get3A_3428 : i32 to index
      %get3A_3430 = arith.constant 0 : index
      %get3A_3431 = tpu.vector_load %arg8[%get3A_3429, %get3A_3430] {strides = array<i32>} : memref<100x32xf32, #tpu.memory_space<vmem>>, vector<1x16xf32>,
      %get3A_3432 = vector.shape_cast %get3A_3431 : vector<1x16xf32> to vector<16xf32>
      %add3A_3433 = arith.addf %add3A_3421, %get3A_3432 : vector<16xf32>
      %get3A_3434 = arith.constant 71 : i32
      %get3A_3435 = arith.index_cast %get3A_3434 : i32 to index
      %get3A_3436 = arith.constant 16 : index
      %get3A_3437 = tpu.vector_load %arg8[%get3A_3435, %get3A_3436] {strides = array<i32>} : memref<100x32xf32, #tpu.memory_space<vmem>>, vector<1x16xf32>,
      %get3A_3438 = vector.shape_cast %get3A_3437 : vector<1x16xf32> to vector<16xf32>
      %add3A_3439 = arith.addf %add3A_3427, %get3A_3438 : vector<16xf32>
      %get3A_3440 = arith.constant 72 : i32
      %get3A_3441 = arith.index_cast %get3A_3440 : i32 to index
      %get3A_3442 = arith.constant 0 : index
      %get3A_3443 = tpu.vector_load %arg8[%get3A_3441, %get3A_3442] {strides = array<i32>} : memref<100x32xf32, #tpu.memory_space<vmem>>, vector<1x16xf32>,
      %get3A_3444 = vector.shape_cast %get3A_3443 : vector<1x16xf32> to vector<16xf32>
      %add3A_3445 = arith.addf %add3A_3433, %get3A_3444 : vector<16xf32>
      %get3A_3446 = arith.constant 72 : i32
      %get3A_3447 = arith.index_cast %get3A_3446 : i32 to index
      %get3A_3448 = arith.constant 16 : index
      %get3A_3449 = tpu.vector_load %arg8[%get3A_3447, %get3A_3448] {strides = array<i32>} : memref<100x32xf32, #tpu.memory_space<vmem>>, vector<1x16xf32>,
      %get3A_3450 = vector.shape_cast %get3A_3449 : vector<1x16xf32> to vector<16xf32>
      %add3A_3451 = arith.addf %add3A_3439, %get3A_3450 : vector<16xf32>
      %get3A_3452 = arith.constant 73 : i32
      %get3A_3453 = arith.index_cast %get3A_3452 : i32 to index
      %get3A_3454 = arith.constant 0 : index
      %get3A_3455 = tpu.vector_load %arg8[%get3A_3453, %get3A_3454] {strides = array<i32>} : memref<100x32xf32, #tpu.memory_space<vmem>>, vector<1x16xf32>,
      %get3A_3456 = vector.shape_cast %get3A_3455 : vector<1x16xf32> to vector<16xf32>
      %add3A_3457 = arith.addf %add3A_3445, %get3A_3456 : vector<16xf32>
      %get3A_3458 = arith.constant 73 : i32
      %get3A_3459 = arith.index_cast %get3A_3458 : i32 to index
      %get3A_3460 = arith.constant 16 : index
      %get3A_3461 = tpu.vector_load %arg8[%get3A_3459, %get3A_3460] {strides = array<i32>} : memref<100x32xf32, #tpu.memory_space<vmem>>, vector<1x16xf32>,
      %get3A_3462 = vector.shape_cast %get3A_3461 : vector<1x16xf32> to vector<16xf32>
      %add3A_3463 = arith.addf %add3A_3451, %get3A_3462 : vector<16xf32>
      %get3A_3464 = arith.constant 74 : i32
      %get3A_3465 = arith.index_cast %get3A_3464 : i32 to index
      %get3A_3466 = arith.constant 0 : index
      %get3A_3467 = tpu.vector_load %arg8[%get3A_3465, %get3A_3466] {strides = array<i32>} : memref<100x32xf32, #tpu.memory_space<vmem>>, vector<1x16xf32>,
      %get3A_3468 = vector.shape_cast %get3A_3467 : vector<1x16xf32> to vector<16xf32>
      %add3A_3469 = arith.addf %add3A_3457, %get3A_3468 : vector<16xf32>
      %get3A_3470 = arith.constant 74 : i32
      %get3A_3471 = arith.index_cast %get3A_3470 : i32 to index
      %get3A_3472 = arith.constant 16 : index
      %get3A_3473 = tpu.vector_load %arg8[%get3A_3471, %get3A_3472] {strides = array<i32>} : memref<100x32xf32, #tpu.memory_space<vmem>>, vector<1x16xf32>,
      %get3A_3474 = vector.shape_cast %get3A_3473 : vector<1x16xf32> to vector<16xf32>
      %add3A_3475 = arith.addf %add3A_3463, %get3A_3474 : vector<16xf32>
      %get3A_3476 = arith.constant 75 : i32
      %get3A_3477 = arith.index_cast %get3A_3476 : i32 to index
      %get3A_3478 = arith.constant 0 : index
      %get3A_3479 = tpu.vector_load %arg8[%get3A_3477, %get3A_3478] {strides = array<i32>} : memref<100x32xf32, #tpu.memory_space<vmem>>, vector<1x16xf32>,
      %get3A_3480 = vector.shape_cast %get3A_3479 : vector<1x16xf32> to vector<16xf32>
      %add3A_3481 = arith.addf %add3A_3469, %get3A_3480 : vector<16xf32>
      %get3A_3482 = arith.constant 75 : i32
      %get3A_3483 = arith.index_cast %get3A_3482 : i32 to index
      %get3A_3484 = arith.constant 16 : index
      %get3A_3485 = tpu.vector_load %arg8[%get3A_3483, %get3A_3484] {strides = array<i32>} : memref<100x32xf32, #tpu.memory_space<vmem>>, vector<1x16xf32>,
      %get3A_3486 = vector.shape_cast %get3A_3485 : vector<1x16xf32> to vector<16xf32>
      %add3A_3487 = arith.addf %add3A_3475, %get3A_3486 : vector<16xf32>
      %get3A_3488 = arith.constant 76 : i32
      %get3A_3489 = arith.index_cast %get3A_3488 : i32 to index
      %get3A_3490 = arith.constant 0 : index
      %get3A_3491 = tpu.vector_load %arg8[%get3A_3489, %get3A_3490] {strides = array<i32>} : memref<100x32xf32, #tpu.memory_space<vmem>>, vector<1x16xf32>,
      %get3A_3492 = vector.shape_cast %get3A_3491 : vector<1x16xf32> to vector<16xf32>
      %add3A_3493 = arith.addf %add3A_3481, %get3A_3492 : vector<16xf32>
      %get3A_3494 = arith.constant 76 : i32
      %get3A_3495 = arith.index_cast %get3A_3494 : i32 to index
      %get3A_3496 = arith.constant 16 : index
      %get3A_3497 = tpu.vector_load %arg8[%get3A_3495, %get3A_3496] {strides = array<i32>} : memref<100x32xf32, #tpu.memory_space<vmem>>, vector<1x16xf32>,
      %get3A_3498 = vector.shape_cast %get3A_3497 : vector<1x16xf32> to vector<16xf32>
      %add3A_3499 = arith.addf %add3A_3487, %get3A_3498 : vector<16xf32>
      %get3A_3500 = arith.constant 77 : i32
      %get3A_3501 = arith.index_cast %get3A_3500 : i32 to index
      %get3A_3502 = arith.constant 0 : index
      %get3A_3503 = tpu.vector_load %arg8[%get3A_3501, %get3A_3502] {strides = array<i32>} : memref<100x32xf32, #tpu.memory_space<vmem>>, vector<1x16xf32>,
      %get3A_3504 = vector.shape_cast %get3A_3503 : vector<1x16xf32> to vector<16xf32>
      %add3A_3505 = arith.addf %add3A_3493, %get3A_3504 : vector<16xf32>
      %get3A_3506 = arith.constant 77 : i32
      %get3A_3507 = arith.index_cast %get3A_3506 : i32 to index
      %get3A_3508 = arith.constant 16 : index
      %get3A_3509 = tpu.vector_load %arg8[%get3A_3507, %get3A_3508] {strides = array<i32>} : memref<100x32xf32, #tpu.memory_space<vmem>>, vector<1x16xf32>,
      %get3A_3510 = vector.shape_cast %get3A_3509 : vector<1x16xf32> to vector<16xf32>
      %add3A_3511 = arith.addf %add3A_3499, %get3A_3510 : vector<16xf32>
      %get3A_3512 = arith.constant 78 : i32
      %get3A_3513 = arith.index_cast %get3A_3512 : i32 to index
      %get3A_3514 = arith.constant 0 : index
      %get3A_3515 = tpu.vector_load %arg8[%get3A_3513, %get3A_3514] {strides = array<i32>} : memref<100x32xf32, #tpu.memory_space<vmem>>, vector<1x16xf32>,
      %get3A_3516 = vector.shape_cast %get3A_3515 : vector<1x16xf32> to vector<16xf32>
      %add3A_3517 = arith.addf %add3A_3505, %get3A_3516 : vector<16xf32>
      %get3A_3518 = arith.constant 78 : i32
      %get3A_3519 = arith.index_cast %get3A_3518 : i32 to index
      %get3A_3520 = arith.constant 16 : index
      %get3A_3521 = tpu.vector_load %arg8[%get3A_3519, %get3A_3520] {strides = array<i32>} : memref<100x32xf32, #tpu.memory_space<vmem>>, vector<1x16xf32>,
      %get3A_3522 = vector.shape_cast %get3A_3521 : vector<1x16xf32> to vector<16xf32>
      %add3A_3523 = arith.addf %add3A_3511, %get3A_3522 : vector<16xf32>
      %get3A_3524 = arith.constant 79 : i32
      %get3A_3525 = arith.index_cast %get3A_3524 : i32 to index
      %get3A_3526 = arith.constant 0 : index
      %get3A_3527 = tpu.vector_load %arg8[%get3A_3525, %get3A_3526] {strides = array<i32>} : memref<100x32xf32, #tpu.memory_space<vmem>>, vector<1x16xf32>,
      %get3A_3528 = vector.shape_cast %get3A_3527 : vector<1x16xf32> to vector<16xf32>
      %add3A_3529 = arith.addf %add3A_3517, %get3A_3528 : vector<16xf32>
      %get3A_3530 = arith.constant 79 : i32
      %get3A_3531 = arith.index_cast %get3A_3530 : i32 to index
      %get3A_3532 = arith.constant 16 : index
      %get3A_3533 = tpu.vector_load %arg8[%get3A_3531, %get3A_3532] {strides = array<i32>} : memref<100x32xf32, #tpu.memory_space<vmem>>, vector<1x16xf32>,
      %get3A_3534 = vector.shape_cast %get3A_3533 : vector<1x16xf32> to vector<16xf32>
      %add3A_3535 = arith.addf %add3A_3523, %get3A_3534 : vector<16xf32>
      %get3A_3536 = arith.constant 80 : i32
      %get3A_3537 = arith.index_cast %get3A_3536 : i32 to index
      %get3A_3538 = arith.constant 0 : index
      %get3A_3539 = tpu.vector_load %arg8[%get3A_3537, %get3A_3538] {strides = array<i32>} : memref<100x32xf32, #tpu.memory_space<vmem>>, vector<1x16xf32>,
      %get3A_3540 = vector.shape_cast %get3A_3539 : vector<1x16xf32> to vector<16xf32>
      %add3A_3541 = arith.addf %add3A_3529, %get3A_3540 : vector<16xf32>
      %get3A_3542 = arith.constant 80 : i32
      %get3A_3543 = arith.index_cast %get3A_3542 : i32 to index
      %get3A_3544 = arith.constant 16 : index
      %get3A_3545 = tpu.vector_load %arg8[%get3A_3543, %get3A_3544] {strides = array<i32>} : memref<100x32xf32, #tpu.memory_space<vmem>>, vector<1x16xf32>,
      %get3A_3546 = vector.shape_cast %get3A_3545 : vector<1x16xf32> to vector<16xf32>
      %add3A_3547 = arith.addf %add3A_3535, %get3A_3546 : vector<16xf32>
      %get3A_3548 = arith.constant 81 : i32
      %get3A_3549 = arith.index_cast %get3A_3548 : i32 to index
      %get3A_3550 = arith.constant 0 : index
      %get3A_3551 = tpu.vector_load %arg8[%get3A_3549, %get3A_3550] {strides = array<i32>} : memref<100x32xf32, #tpu.memory_space<vmem>>, vector<1x16xf32>,
      %get3A_3552 = vector.shape_cast %get3A_3551 : vector<1x16xf32> to vector<16xf32>
      %add3A_3553 = arith.addf %add3A_3541, %get3A_3552 : vector<16xf32>
      %get3A_3554 = arith.constant 81 : i32
      %get3A_3555 = arith.index_cast %get3A_3554 : i32 to index
      %get3A_3556 = arith.constant 16 : index
      %get3A_3557 = tpu.vector_load %arg8[%get3A_3555, %get3A_3556] {strides = array<i32>} : memref<100x32xf32, #tpu.memory_space<vmem>>, vector<1x16xf32>,
      %get3A_3558 = vector.shape_cast %get3A_3557 : vector<1x16xf32> to vector<16xf32>
      %add3A_3559 = arith.addf %add3A_3547, %get3A_3558 : vector<16xf32>
      %get3A_3560 = arith.constant 82 : i32
      %get3A_3561 = arith.index_cast %get3A_3560 : i32 to index
      %get3A_3562 = arith.constant 0 : index
      %get3A_3563 = tpu.vector_load %arg8[%get3A_3561, %get3A_3562] {strides = array<i32>} : memref<100x32xf32, #tpu.memory_space<vmem>>, vector<1x16xf32>,
      %get3A_3564 = vector.shape_cast %get3A_3563 : vector<1x16xf32> to vector<16xf32>
      %add3A_3565 = arith.addf %add3A_3553, %get3A_3564 : vector<16xf32>
      %get3A_3566 = arith.constant 82 : i32
      %get3A_3567 = arith.index_cast %get3A_3566 : i32 to index
      %get3A_3568 = arith.constant 16 : index
      %get3A_3569 = tpu.vector_load %arg8[%get3A_3567, %get3A_3568] {strides = array<i32>} : memref<100x32xf32, #tpu.memory_space<vmem>>, vector<1x16xf32>,
      %get3A_3570 = vector.shape_cast %get3A_3569 : vector<1x16xf32> to vector<16xf32>
      %add3A_3571 = arith.addf %add3A_3559, %get3A_3570 : vector<16xf32>
      %get3A_3572 = arith.constant 83 : i32
      %get3A_3573 = arith.index_cast %get3A_3572 : i32 to index
      %get3A_3574 = arith.constant 0 : index
      %get3A_3575 = tpu.vector_load %arg8[%get3A_3573, %get3A_3574] {strides = array<i32>} : memref<100x32xf32, #tpu.memory_space<vmem>>, vector<1x16xf32>,
      %get3A_3576 = vector.shape_cast %get3A_3575 : vector<1x16xf32> to vector<16xf32>
      %add3A_3577 = arith.addf %add3A_3565, %get3A_3576 : vector<16xf32>
      %get3A_3578 = arith.constant 83 : i32
      %get3A_3579 = arith.index_cast %get3A_3578 : i32 to index
      %get3A_3580 = arith.constant 16 : index
      %get3A_3581 = tpu.vector_load %arg8[%get3A_3579, %get3A_3580] {strides = array<i32>} : memref<100x32xf32, #tpu.memory_space<vmem>>, vector<1x16xf32>,
      %get3A_3582 = vector.shape_cast %get3A_3581 : vector<1x16xf32> to vector<16xf32>
      %add3A_3583 = arith.addf %add3A_3571, %get3A_3582 : vector<16xf32>
      %get3A_3584 = arith.constant 84 : i32
      %get3A_3585 = arith.index_cast %get3A_3584 : i32 to index
      %get3A_3586 = arith.constant 0 : index
      %get3A_3587 = tpu.vector_load %arg8[%get3A_3585, %get3A_3586] {strides = array<i32>} : memref<100x32xf32, #tpu.memory_space<vmem>>, vector<1x16xf32>,
      %get3A_3588 = vector.shape_cast %get3A_3587 : vector<1x16xf32> to vector<16xf32>
      %add3A_3589 = arith.addf %add3A_3577, %get3A_3588 : vector<16xf32>
      %get3A_3590 = arith.constant 84 : i32
      %get3A_3591 = arith.index_cast %get3A_3590 : i32 to index
      %get3A_3592 = arith.constant 16 : index
      %get3A_3593 = tpu.vector_load %arg8[%get3A_3591, %get3A_3592] {strides = array<i32>} : memref<100x32xf32, #tpu.memory_space<vmem>>, vector<1x16xf32>,
      %get3A_3594 = vector.shape_cast %get3A_3593 : vector<1x16xf32> to vector<16xf32>
      %add3A_3595 = arith.addf %add3A_3583, %get3A_3594 : vector<16xf32>
      %get3A_3596 = arith.constant 85 : i32
      %get3A_3597 = arith.index_cast %get3A_3596 : i32 to index
      %get3A_3598 = arith.constant 0 : index
      %get3A_3599 = tpu.vector_load %arg8[%get3A_3597, %get3A_3598] {strides = array<i32>} : memref<100x32xf32, #tpu.memory_space<vmem>>, vector<1x16xf32>,
      %get3A_3600 = vector.shape_cast %get3A_3599 : vector<1x16xf32> to vector<16xf32>
      %add3A_3601 = arith.addf %add3A_3589, %get3A_3600 : vector<16xf32>
      %get3A_3602 = arith.constant 85 : i32
      %get3A_3603 = arith.index_cast %get3A_3602 : i32 to index
      %get3A_3604 = arith.constant 16 : index
      %get3A_3605 = tpu.vector_load %arg8[%get3A_3603, %get3A_3604] {strides = array<i32>} : memref<100x32xf32, #tpu.memory_space<vmem>>, vector<1x16xf32>,
      %get3A_3606 = vector.shape_cast %get3A_3605 : vector<1x16xf32> to vector<16xf32>
      %add3A_3607 = arith.addf %add3A_3595, %get3A_3606 : vector<16xf32>
      %get3A_3608 = arith.constant 86 : i32
      %get3A_3609 = arith.index_cast %get3A_3608 : i32 to index
      %get3A_3610 = arith.constant 0 : index
      %get3A_3611 = tpu.vector_load %arg8[%get3A_3609, %get3A_3610] {strides = array<i32>} : memref<100x32xf32, #tpu.memory_space<vmem>>, vector<1x16xf32>,
      %get3A_3612 = vector.shape_cast %get3A_3611 : vector<1x16xf32> to vector<16xf32>
      %add3A_3613 = arith.addf %add3A_3601, %get3A_3612 : vector<16xf32>
      %get3A_3614 = arith.constant 86 : i32
      %get3A_3615 = arith.index_cast %get3A_3614 : i32 to index
      %get3A_3616 = arith.constant 16 : index
      %get3A_3617 = tpu.vector_load %arg8[%get3A_3615, %get3A_3616] {strides = array<i32>} : memref<100x32xf32, #tpu.memory_space<vmem>>, vector<1x16xf32>,
      %get3A_3618 = vector.shape_cast %get3A_3617 : vector<1x16xf32> to vector<16xf32>
      %add3A_3619 = arith.addf %add3A_3607, %get3A_3618 : vector<16xf32>
      %get3A_3620 = arith.constant 87 : i32
      %get3A_3621 = arith.index_cast %get3A_3620 : i32 to index
      %get3A_3622 = arith.constant 0 : index
      %get3A_3623 = tpu.vector_load %arg8[%get3A_3621, %get3A_3622] {strides = array<i32>} : memref<100x32xf32, #tpu.memory_space<vmem>>, vector<1x16xf32>,
      %get3A_3624 = vector.shape_cast %get3A_3623 : vector<1x16xf32> to vector<16xf32>
      %add3A_3625 = arith.addf %add3A_3613, %get3A_3624 : vector<16xf32>
      %get3A_3626 = arith.constant 87 : i32
      %get3A_3627 = arith.index_cast %get3A_3626 : i32 to index
      %get3A_3628 = arith.constant 16 : index
      %get3A_3629 = tpu.vector_load %arg8[%get3A_3627, %get3A_3628] {strides = array<i32>} : memref<100x32xf32, #tpu.memory_space<vmem>>, vector<1x16xf32>,
      %get3A_3630 = vector.shape_cast %get3A_3629 : vector<1x16xf32> to vector<16xf32>
      %add3A_3631 = arith.addf %add3A_3619, %get3A_3630 : vector<16xf32>
      %get3A_3632 = arith.constant 88 : i32
      %get3A_3633 = arith.index_cast %get3A_3632 : i32 to index
      %get3A_3634 = arith.constant 0 : index
      %get3A_3635 = tpu.vector_load %arg8[%get3A_3633, %get3A_3634] {strides = array<i32>} : memref<100x32xf32, #tpu.memory_space<vmem>>, vector<1x16xf32>,
      %get3A_3636 = vector.shape_cast %get3A_3635 : vector<1x16xf32> to vector<16xf32>
      %add3A_3637 = arith.addf %add3A_3625, %get3A_3636 : vector<16xf32>
      %get3A_3638 = arith.constant 88 : i32
      %get3A_3639 = arith.index_cast %get3A_3638 : i32 to index
      %get3A_3640 = arith.constant 16 : index
      %get3A_3641 = tpu.vector_load %arg8[%get3A_3639, %get3A_3640] {strides = array<i32>} : memref<100x32xf32, #tpu.memory_space<vmem>>, vector<1x16xf32>,
      %get3A_3642 = vector.shape_cast %get3A_3641 : vector<1x16xf32> to vector<16xf32>
      %add3A_3643 = arith.addf %add3A_3631, %get3A_3642 : vector<16xf32>
      %get3A_3644 = arith.constant 89 : i32
      %get3A_3645 = arith.index_cast %get3A_3644 : i32 to index
      %get3A_3646 = arith.constant 0 : index
      %get3A_3647 = tpu.vector_load %arg8[%get3A_3645, %get3A_3646] {strides = array<i32>} : memref<100x32xf32, #tpu.memory_space<vmem>>, vector<1x16xf32>,
      %get3A_3648 = vector.shape_cast %get3A_3647 : vector<1x16xf32> to vector<16xf32>
      %add3A_3649 = arith.addf %add3A_3637, %get3A_3648 : vector<16xf32>
      %get3A_3650 = arith.constant 89 : i32
      %get3A_3651 = arith.index_cast %get3A_3650 : i32 to index
      %get3A_3652 = arith.constant 16 : index
      %get3A_3653 = tpu.vector_load %arg8[%get3A_3651, %get3A_3652] {strides = array<i32>} : memref<100x32xf32, #tpu.memory_space<vmem>>, vector<1x16xf32>,
      %get3A_3654 = vector.shape_cast %get3A_3653 : vector<1x16xf32> to vector<16xf32>
      %add3A_3655 = arith.addf %add3A_3643, %get3A_3654 : vector<16xf32>
      %get3A_3656 = arith.constant 90 : i32
      %get3A_3657 = arith.index_cast %get3A_3656 : i32 to index
      %get3A_3658 = arith.constant 0 : index
      %get3A_3659 = tpu.vector_load %arg8[%get3A_3657, %get3A_3658] {strides = array<i32>} : memref<100x32xf32, #tpu.memory_space<vmem>>, vector<1x16xf32>,
      %get3A_3660 = vector.shape_cast %get3A_3659 : vector<1x16xf32> to vector<16xf32>
      %add3A_3661 = arith.addf %add3A_3649, %get3A_3660 : vector<16xf32>
      %get3A_3662 = arith.constant 90 : i32
      %get3A_3663 = arith.index_cast %get3A_3662 : i32 to index
      %get3A_3664 = arith.constant 16 : index
      %get3A_3665 = tpu.vector_load %arg8[%get3A_3663, %get3A_3664] {strides = array<i32>} : memref<100x32xf32, #tpu.memory_space<vmem>>, vector<1x16xf32>,
      %get3A_3666 = vector.shape_cast %get3A_3665 : vector<1x16xf32> to vector<16xf32>
      %add3A_3667 = arith.addf %add3A_3655, %get3A_3666 : vector<16xf32>
      %get3A_3668 = arith.constant 91 : i32
      %get3A_3669 = arith.index_cast %get3A_3668 : i32 to index
      %get3A_3670 = arith.constant 0 : index
      %get3A_3671 = tpu.vector_load %arg8[%get3A_3669, %get3A_3670] {strides = array<i32>} : memref<100x32xf32, #tpu.memory_space<vmem>>, vector<1x16xf32>,
      %get3A_3672 = vector.shape_cast %get3A_3671 : vector<1x16xf32> to vector<16xf32>
      %add3A_3673 = arith.addf %add3A_3661, %get3A_3672 : vector<16xf32>
      %get3A_3674 = arith.constant 91 : i32
      %get3A_3675 = arith.index_cast %get3A_3674 : i32 to index
      %get3A_3676 = arith.constant 16 : index
      %get3A_3677 = tpu.vector_load %arg8[%get3A_3675, %get3A_3676] {strides = array<i32>} : memref<100x32xf32, #tpu.memory_space<vmem>>, vector<1x16xf32>,
      %get3A_3678 = vector.shape_cast %get3A_3677 : vector<1x16xf32> to vector<16xf32>
      %add3A_3679 = arith.addf %add3A_3667, %get3A_3678 : vector<16xf32>
      %get3A_3680 = arith.constant 92 : i32
      %get3A_3681 = arith.index_cast %get3A_3680 : i32 to index
      %get3A_3682 = arith.constant 0 : index
      %get3A_3683 = tpu.vector_load %arg8[%get3A_3681, %get3A_3682] {strides = array<i32>} : memref<100x32xf32, #tpu.memory_space<vmem>>, vector<1x16xf32>,
      %get3A_3684 = vector.shape_cast %get3A_3683 : vector<1x16xf32> to vector<16xf32>
      %add3A_3685 = arith.addf %add3A_3673, %get3A_3684 : vector<16xf32>
      %get3A_3686 = arith.constant 92 : i32
      %get3A_3687 = arith.index_cast %get3A_3686 : i32 to index
      %get3A_3688 = arith.constant 16 : index
      %get3A_3689 = tpu.vector_load %arg8[%get3A_3687, %get3A_3688] {strides = array<i32>} : memref<100x32xf32, #tpu.memory_space<vmem>>, vector<1x16xf32>,
      %get3A_3690 = vector.shape_cast %get3A_3689 : vector<1x16xf32> to vector<16xf32>
      %add3A_3691 = arith.addf %add3A_3679, %get3A_3690 : vector<16xf32>
      %get3A_3692 = arith.constant 93 : i32
      %get3A_3693 = arith.index_cast %get3A_3692 : i32 to index
      %get3A_3694 = arith.constant 0 : index
      %get3A_3695 = tpu.vector_load %arg8[%get3A_3693, %get3A_3694] {strides = array<i32>} : memref<100x32xf32, #tpu.memory_space<vmem>>, vector<1x16xf32>,
      %get3A_3696 = vector.shape_cast %get3A_3695 : vector<1x16xf32> to vector<16xf32>
      %add3A_3697 = arith.addf %add3A_3685, %get3A_3696 : vector<16xf32>
      %get3A_3698 = arith.constant 93 : i32
      %get3A_3699 = arith.index_cast %get3A_3698 : i32 to index
      %get3A_3700 = arith.constant 16 : index
      %get3A_3701 = tpu.vector_load %arg8[%get3A_3699, %get3A_3700] {strides = array<i32>} : memref<100x32xf32, #tpu.memory_space<vmem>>, vector<1x16xf32>,
      %get3A_3702 = vector.shape_cast %get3A_3701 : vector<1x16xf32> to vector<16xf32>
      %add3A_3703 = arith.addf %add3A_3691, %get3A_3702 : vector<16xf32>
      %get3A_3704 = arith.constant 94 : i32
      %get3A_3705 = arith.index_cast %get3A_3704 : i32 to index
      %get3A_3706 = arith.constant 0 : index
      %get3A_3707 = tpu.vector_load %arg8[%get3A_3705, %get3A_3706] {strides = array<i32>} : memref<100x32xf32, #tpu.memory_space<vmem>>, vector<1x16xf32>,
      %get3A_3708 = vector.shape_cast %get3A_3707 : vector<1x16xf32> to vector<16xf32>
      %add3A_3709 = arith.addf %add3A_3697, %get3A_3708 : vector<16xf32>
      %get3A_3710 = arith.constant 94 : i32
      %get3A_3711 = arith.index_cast %get3A_3710 : i32 to index
      %get3A_3712 = arith.constant 16 : index
      %get3A_3713 = tpu.vector_load %arg8[%get3A_3711, %get3A_3712] {strides = array<i32>} : memref<100x32xf32, #tpu.memory_space<vmem>>, vector<1x16xf32>,
      %get3A_3714 = vector.shape_cast %get3A_3713 : vector<1x16xf32> to vector<16xf32>
      %add3A_3715 = arith.addf %add3A_3703, %get3A_3714 : vector<16xf32>
      %get3A_3716 = arith.constant 95 : i32
      %get3A_3717 = arith.index_cast %get3A_3716 : i32 to index
      %get3A_3718 = arith.constant 0 : index
      %get3A_3719 = tpu.vector_load %arg8[%get3A_3717, %get3A_3718] {strides = array<i32>} : memref<100x32xf32, #tpu.memory_space<vmem>>, vector<1x16xf32>,
      %get3A_3720 = vector.shape_cast %get3A_3719 : vector<1x16xf32> to vector<16xf32>
      %add3A_3721 = arith.addf %add3A_3709, %get3A_3720 : vector<16xf32>
      %get3A_3722 = arith.constant 95 : i32
      %get3A_3723 = arith.index_cast %get3A_3722 : i32 to index
      %get3A_3724 = arith.constant 16 : index
      %get3A_3725 = tpu.vector_load %arg8[%get3A_3723, %get3A_3724] {strides = array<i32>} : memref<100x32xf32, #tpu.memory_space<vmem>>, vector<1x16xf32>,
      %get3A_3726 = vector.shape_cast %get3A_3725 : vector<1x16xf32> to vector<16xf32>
      %add3A_3727 = arith.addf %add3A_3715, %get3A_3726 : vector<16xf32>
      %get3A_3728 = arith.constant 96 : i32
      %get3A_3729 = arith.index_cast %get3A_3728 : i32 to index
      %get3A_3730 = arith.constant 0 : index
      %get3A_3731 = tpu.vector_load %arg8[%get3A_3729, %get3A_3730] {strides = array<i32>} : memref<100x32xf32, #tpu.memory_space<vmem>>, vector<1x16xf32>,
      %get3A_3732 = vector.shape_cast %get3A_3731 : vector<1x16xf32> to vector<16xf32>
      %add3A_3733 = arith.addf %add3A_3721, %get3A_3732 : vector<16xf32>
      %get3A_3734 = arith.constant 96 : i32
      %get3A_3735 = arith.index_cast %get3A_3734 : i32 to index
      %get3A_3736 = arith.constant 16 : index
      %get3A_3737 = tpu.vector_load %arg8[%get3A_3735, %get3A_3736] {strides = array<i32>} : memref<100x32xf32, #tpu.memory_space<vmem>>, vector<1x16xf32>,
      %get3A_3738 = vector.shape_cast %get3A_3737 : vector<1x16xf32> to vector<16xf32>
      %add3A_3739 = arith.addf %add3A_3727, %get3A_3738 : vector<16xf32>
      %get3A_3740 = arith.constant 97 : i32
      %get3A_3741 = arith.index_cast %get3A_3740 : i32 to index
      %get3A_3742 = arith.constant 0 : index
      %get3A_3743 = tpu.vector_load %arg8[%get3A_3741, %get3A_3742] {strides = array<i32>} : memref<100x32xf32, #tpu.memory_space<vmem>>, vector<1x16xf32>,
      %get3A_3744 = vector.shape_cast %get3A_3743 : vector<1x16xf32> to vector<16xf32>
      %add3A_3745 = arith.addf %add3A_3733, %get3A_3744 : vector<16xf32>
      %get3A_3746 = arith.constant 97 : i32
      %get3A_3747 = arith.index_cast %get3A_3746 : i32 to index
      %get3A_3748 = arith.constant 16 : index
      %get3A_3749 = tpu.vector_load %arg8[%get3A_3747, %get3A_3748] {strides = array<i32>} : memref<100x32xf32, #tpu.memory_space<vmem>>, vector<1x16xf32>,
      %get3A_3750 = vector.shape_cast %get3A_3749 : vector<1x16xf32> to vector<16xf32>
      %add3A_3751 = arith.addf %add3A_3739, %get3A_3750 : vector<16xf32>
      %get3A_3752 = arith.constant 98 : i32
      %get3A_3753 = arith.index_cast %get3A_3752 : i32 to index
      %get3A_3754 = arith.constant 0 : index
      %get3A_3755 = tpu.vector_load %arg8[%get3A_3753, %get3A_3754] {strides = array<i32>} : memref<100x32xf32, #tpu.memory_space<vmem>>, vector<1x16xf32>,
      %get3A_3756 = vector.shape_cast %get3A_3755 : vector<1x16xf32> to vector<16xf32>
      %add3A_3757 = arith.addf %add3A_3745, %get3A_3756 : vector<16xf32>
      %get3A_3758 = arith.constant 98 : i32
      %get3A_3759 = arith.index_cast %get3A_3758 : i32 to index
      %get3A_3760 = arith.constant 16 : index
      %get3A_3761 = tpu.vector_load %arg8[%get3A_3759, %get3A_3760] {strides = array<i32>} : memref<100x32xf32, #tpu.memory_space<vmem>>, vector<1x16xf32>,
      %get3A_3762 = vector.shape_cast %get3A_3761 : vector<1x16xf32> to vector<16xf32>
      %add3A_3763 = arith.addf %add3A_3751, %get3A_3762 : vector<16xf32>
      %get3A_3764 = arith.constant 99 : i32
      %get3A_3765 = arith.index_cast %get3A_3764 : i32 to index
      %get3A_3766 = arith.constant 0 : index
      %get3A_3767 = tpu.vector_load %arg8[%get3A_3765, %get3A_3766] {strides = array<i32>} : memref<100x32xf32, #tpu.memory_space<vmem>>, vector<1x16xf32>,
      %get3A_3768 = vector.shape_cast %get3A_3767 : vector<1x16xf32> to vector<16xf32>
      %add3A_3769 = arith.addf %add3A_3757, %get3A_3768 : vector<16xf32>
      %get3A_3770 = arith.constant 99 : i32
      %get3A_3771 = arith.index_cast %get3A_3770 : i32 to index
      %get3A_3772 = arith.constant 16 : index
      %get3A_3773 = tpu.vector_load %arg8[%get3A_3771, %get3A_3772] {strides = array<i32>} : memref<100x32xf32, #tpu.memory_space<vmem>>, vector<1x16xf32>,
      %get3A_3774 = vector.shape_cast %get3A_3773 : vector<1x16xf32> to vector<16xf32>
      %add3A_3775 = arith.addf %add3A_3763, %get3A_3774 : vector<16xf32>
      %add3A_3776 = arith.constant 1 : i32
      %add3A_3777 = arith.addi %mul3A_2565, %add3A_3776 : i32
      %swap3A_3778 = arith.index_cast %add3A_3777 : i32 to index
      %swap3A_3779 = arith.constant 0 : index
      %swap3A_3780 = tpu.vector_load %arg10[%swap3A_3778, %swap3A_3779] {strides = array<i32>} : memref<512x32xf32, #tpu.memory_space<vmem>>, vector<1x16xf32>,
      %swap3A_3781 = vector.shape_cast %swap3A_3780 : vector<1x16xf32> to vector<16xf32>
      %swap3A_3782 = vector.shape_cast %add3A_3769 : vector<16xf32> to vector<1x16xf32>
      tpu.vector_store %arg10[%swap3A_3778, %swap3A_3779], %swap3A_3782 {strides = array<i32>} : memref<512x32xf32, #tpu.memory_space<vmem>>, vector<1x16xf32>,
      %add3A_3783 = arith.constant 1 : i32
      %add3A_3784 = arith.addi %mul3A_2565, %add3A_3783 : i32
      %swap3A_3785 = arith.index_cast %add3A_3784 : i32 to index
      %swap3A_3786 = arith.constant 16 : index
      %swap3A_3787 = tpu.vector_load %arg10[%swap3A_3785, %swap3A_3786] {strides = array<i32>} : memref<512x32xf32, #tpu.memory_space<vmem>>, vector<1x16xf32>,
      %swap3A_3788 = vector.shape_cast %swap3A_3787 : vector<1x16xf32> to vector<16xf32>
      %swap3A_3789 = vector.shape_cast %add3A_3775 : vector<16xf32> to vector<1x16xf32>
      tpu.vector_store %arg10[%swap3A_3785, %swap3A_3786], %swap3A_3789 {strides = array<i32>} : memref<512x32xf32, #tpu.memory_space<vmem>>, vector<1x16xf32>,
      %mul3A_3790 = arith.constant 4 : i32
      %mul3A_3791 = arith.muli %mul3A_3790, %scan3A_56 : i32
      %add3A_3792 = arith.constant 3 : i32
      %add3A_3793 = arith.addi %mul3A_3791, %add3A_3792 : i32
      %add3A_3794 = arith.constant 4 : i32
      %add3A_3795 = arith.addi %add3A_3793, %add3A_3794 : i32
      %sub3A_3796 = arith.constant 1 : i32
      %sub3A_3797 = arith.subi %add3A_3795, %sub3A_3796 : i32
      %lt3A_3798 = arith.constant 256 : i32
      %lt3A_3799 = arith.cmpi slt, %sub3A_3797, %lt3A_3798 : i32
      %convert_element_type3A_3800 = arith.extui %lt3A_3799 : i1 to i32
      %cond3A_3801 = arith.constant 0 : i32
      %cond3A_3802 = arith.cmpi ne, %convert_element_type3A_3800, %cond3A_3801 : i32
      scf.if %cond3A_3802 {
        %dma_start3A_5046 = arith.constant 0 : i32
        %dma_start3A_5047 = tpu.memref_slice %arg5[%sub3A_3797, %dma_start3A_5046] : memref<256x100xi32, #tpu.memory_space<vmem>> -> memref<1x100xi32, #tpu.memory_space<vmem>>
        %dma_start3A_5048 = tpu.memref_squeeze %dma_start3A_5047 : memref<1x100xi32, #tpu.memory_space<vmem>> -> memref<100xi32, #tpu.memory_space<vmem>>
        %dma_start3A_5049 = arith.constant 0 : i32
        %dma_start3A_5050 = arith.constant 0 : i32
        %dma_start3A_5051 = tpu.memref_slice %arg3[%dma_start3A_5049, %dma_start3A_5050] : memref<1000000x32xf32, #tpu.memory_space<hbm>> -> memref<1000000x32xf32, #tpu.memory_space<hbm>>
        tpu.enqueue_indirect_dma source(%dma_start3A_5051 : memref<1000000x32xf32, #tpu.memory_space<hbm>>) target(%arg8 : memref<100x32xf32, #tpu.memory_space<vmem>>) offsets(%dma_start3A_5048 : memref<100xi32, #tpu.memory_space<vmem>>) semaphore(%arg13 : memref<!tpu.dma_semaphore, #tpu.memory_space<semaphore_mem>>)
      } else {
      }
      %dma_wait3A_3803 = arith.constant 0 : i32
      %dma_wait3A_3804 = arith.constant 0 : i32
      %dma_wait3A_3805 = tpu.memref_slice %arg5[%dma_wait3A_3803, %dma_wait3A_3804] : memref<256x100xi32, #tpu.memory_space<vmem>> -> memref<1x100xi32, #tpu.memory_space<vmem>>
      %dma_wait3A_3806 = tpu.memref_squeeze %dma_wait3A_3805 : memref<1x100xi32, #tpu.memory_space<vmem>> -> memref<100xi32, #tpu.memory_space<vmem>>
      %dma_wait3A_3807 = arith.constant 0 : i32
      %dma_wait3A_3808 = arith.constant 0 : i32
      %dma_wait3A_3809 = tpu.memref_slice %arg3[%dma_wait3A_3807, %dma_wait3A_3808] : memref<1000000x32xf32, #tpu.memory_space<hbm>> -> memref<1000000x32xf32, #tpu.memory_space<hbm>>
      tpu.wait_indirect_dma semaphore(%arg14 : memref<!tpu.dma_semaphore, #tpu.memory_space<semaphore_mem>>) src(%dma_wait3A_3809 : memref<1000000x32xf32, #tpu.memory_space<hbm>>) dst(%arg9 : memref<100x32xf32, #tpu.memory_space<vmem>>)
      %mul3A_3810 = arith.constant 2 : i32
      %mul3A_3811 = arith.muli %mul3A_3810, %add3A_3793 : i32
      %get3A_3812 = arith.constant 0 : i32
      %get3A_3813 = arith.index_cast %get3A_3812 : i32 to index
      %get3A_3814 = arith.constant 0 : index
      %get3A_3815 = tpu.vector_load %arg9[%get3A_3813, %get3A_3814] {strides = array<i32>} : memref<100x32xf32, #tpu.memory_space<vmem>>, vector<1x16xf32>,
      %get3A_3816 = vector.shape_cast %get3A_3815 : vector<1x16xf32> to vector<16xf32>
      %get3A_3817 = arith.constant 0 : i32
      %get3A_3818 = arith.index_cast %get3A_3817 : i32 to index
      %get3A_3819 = arith.constant 16 : index
      %get3A_3820 = tpu.vector_load %arg9[%get3A_3818, %get3A_3819] {strides = array<i32>} : memref<100x32xf32, #tpu.memory_space<vmem>>, vector<1x16xf32>,
      %get3A_3821 = vector.shape_cast %get3A_3820 : vector<1x16xf32> to vector<16xf32>
      %get3A_3822 = arith.constant 1 : i32
      %get3A_3823 = arith.index_cast %get3A_3822 : i32 to index
      %get3A_3824 = arith.constant 0 : index
      %get3A_3825 = tpu.vector_load %arg9[%get3A_3823, %get3A_3824] {strides = array<i32>} : memref<100x32xf32, #tpu.memory_space<vmem>>, vector<1x16xf32>,
      %get3A_3826 = vector.shape_cast %get3A_3825 : vector<1x16xf32> to vector<16xf32>
      %add3A_3827 = arith.addf %get3A_3816, %get3A_3826 : vector<16xf32>
      %get3A_3828 = arith.constant 1 : i32
      %get3A_3829 = arith.index_cast %get3A_3828 : i32 to index
      %get3A_3830 = arith.constant 16 : index
      %get3A_3831 = tpu.vector_load %arg9[%get3A_3829, %get3A_3830] {strides = array<i32>} : memref<100x32xf32, #tpu.memory_space<vmem>>, vector<1x16xf32>,
      %get3A_3832 = vector.shape_cast %get3A_3831 : vector<1x16xf32> to vector<16xf32>
      %add3A_3833 = arith.addf %get3A_3821, %get3A_3832 : vector<16xf32>
      %get3A_3834 = arith.constant 2 : i32
      %get3A_3835 = arith.index_cast %get3A_3834 : i32 to index
      %get3A_3836 = arith.constant 0 : index
      %get3A_3837 = tpu.vector_load %arg9[%get3A_3835, %get3A_3836] {strides = array<i32>} : memref<100x32xf32, #tpu.memory_space<vmem>>, vector<1x16xf32>,
      %get3A_3838 = vector.shape_cast %get3A_3837 : vector<1x16xf32> to vector<16xf32>
      %add3A_3839 = arith.addf %add3A_3827, %get3A_3838 : vector<16xf32>
      %get3A_3840 = arith.constant 2 : i32
      %get3A_3841 = arith.index_cast %get3A_3840 : i32 to index
      %get3A_3842 = arith.constant 16 : index
      %get3A_3843 = tpu.vector_load %arg9[%get3A_3841, %get3A_3842] {strides = array<i32>} : memref<100x32xf32, #tpu.memory_space<vmem>>, vector<1x16xf32>,
      %get3A_3844 = vector.shape_cast %get3A_3843 : vector<1x16xf32> to vector<16xf32>
      %add3A_3845 = arith.addf %add3A_3833, %get3A_3844 : vector<16xf32>
      %get3A_3846 = arith.constant 3 : i32
      %get3A_3847 = arith.index_cast %get3A_3846 : i32 to index
      %get3A_3848 = arith.constant 0 : index
      %get3A_3849 = tpu.vector_load %arg9[%get3A_3847, %get3A_3848] {strides = array<i32>} : memref<100x32xf32, #tpu.memory_space<vmem>>, vector<1x16xf32>,
      %get3A_3850 = vector.shape_cast %get3A_3849 : vector<1x16xf32> to vector<16xf32>
      %add3A_3851 = arith.addf %add3A_3839, %get3A_3850 : vector<16xf32>
      %get3A_3852 = arith.constant 3 : i32
      %get3A_3853 = arith.index_cast %get3A_3852 : i32 to index
      %get3A_3854 = arith.constant 16 : index
      %get3A_3855 = tpu.vector_load %arg9[%get3A_3853, %get3A_3854] {strides = array<i32>} : memref<100x32xf32, #tpu.memory_space<vmem>>, vector<1x16xf32>,
      %get3A_3856 = vector.shape_cast %get3A_3855 : vector<1x16xf32> to vector<16xf32>
      %add3A_3857 = arith.addf %add3A_3845, %get3A_3856 : vector<16xf32>
      %get3A_3858 = arith.constant 4 : i32
      %get3A_3859 = arith.index_cast %get3A_3858 : i32 to index
      %get3A_3860 = arith.constant 0 : index
      %get3A_3861 = tpu.vector_load %arg9[%get3A_3859, %get3A_3860] {strides = array<i32>} : memref<100x32xf32, #tpu.memory_space<vmem>>, vector<1x16xf32>,
      %get3A_3862 = vector.shape_cast %get3A_3861 : vector<1x16xf32> to vector<16xf32>
      %add3A_3863 = arith.addf %add3A_3851, %get3A_3862 : vector<16xf32>
      %get3A_3864 = arith.constant 4 : i32
      %get3A_3865 = arith.index_cast %get3A_3864 : i32 to index
      %get3A_3866 = arith.constant 16 : index
      %get3A_3867 = tpu.vector_load %arg9[%get3A_3865, %get3A_3866] {strides = array<i32>} : memref<100x32xf32, #tpu.memory_space<vmem>>, vector<1x16xf32>,
      %get3A_3868 = vector.shape_cast %get3A_3867 : vector<1x16xf32> to vector<16xf32>
      %add3A_3869 = arith.addf %add3A_3857, %get3A_3868 : vector<16xf32>
      %get3A_3870 = arith.constant 5 : i32
      %get3A_3871 = arith.index_cast %get3A_3870 : i32 to index
      %get3A_3872 = arith.constant 0 : index
      %get3A_3873 = tpu.vector_load %arg9[%get3A_3871, %get3A_3872] {strides = array<i32>} : memref<100x32xf32, #tpu.memory_space<vmem>>, vector<1x16xf32>,
      %get3A_3874 = vector.shape_cast %get3A_3873 : vector<1x16xf32> to vector<16xf32>
      %add3A_3875 = arith.addf %add3A_3863, %get3A_3874 : vector<16xf32>
      %get3A_3876 = arith.constant 5 : i32
      %get3A_3877 = arith.index_cast %get3A_3876 : i32 to index
      %get3A_3878 = arith.constant 16 : index
      %get3A_3879 = tpu.vector_load %arg9[%get3A_3877, %get3A_3878] {strides = array<i32>} : memref<100x32xf32, #tpu.memory_space<vmem>>, vector<1x16xf32>,
      %get3A_3880 = vector.shape_cast %get3A_3879 : vector<1x16xf32> to vector<16xf32>
      %add3A_3881 = arith.addf %add3A_3869, %get3A_3880 : vector<16xf32>
      %get3A_3882 = arith.constant 6 : i32
      %get3A_3883 = arith.index_cast %get3A_3882 : i32 to index
      %get3A_3884 = arith.constant 0 : index
      %get3A_3885 = tpu.vector_load %arg9[%get3A_3883, %get3A_3884] {strides = array<i32>} : memref<100x32xf32, #tpu.memory_space<vmem>>, vector<1x16xf32>,
      %get3A_3886 = vector.shape_cast %get3A_3885 : vector<1x16xf32> to vector<16xf32>
      %add3A_3887 = arith.addf %add3A_3875, %get3A_3886 : vector<16xf32>
      %get3A_3888 = arith.constant 6 : i32
      %get3A_3889 = arith.index_cast %get3A_3888 : i32 to index
      %get3A_3890 = arith.constant 16 : index
      %get3A_3891 = tpu.vector_load %arg9[%get3A_3889, %get3A_3890] {strides = array<i32>} : memref<100x32xf32, #tpu.memory_space<vmem>>, vector<1x16xf32>,
      %get3A_3892 = vector.shape_cast %get3A_3891 : vector<1x16xf32> to vector<16xf32>
      %add3A_3893 = arith.addf %add3A_3881, %get3A_3892 : vector<16xf32>
      %get3A_3894 = arith.constant 7 : i32
      %get3A_3895 = arith.index_cast %get3A_3894 : i32 to index
      %get3A_3896 = arith.constant 0 : index
      %get3A_3897 = tpu.vector_load %arg9[%get3A_3895, %get3A_3896] {strides = array<i32>} : memref<100x32xf32, #tpu.memory_space<vmem>>, vector<1x16xf32>,
      %get3A_3898 = vector.shape_cast %get3A_3897 : vector<1x16xf32> to vector<16xf32>
      %add3A_3899 = arith.addf %add3A_3887, %get3A_3898 : vector<16xf32>
      %get3A_3900 = arith.constant 7 : i32
      %get3A_3901 = arith.index_cast %get3A_3900 : i32 to index
      %get3A_3902 = arith.constant 16 : index
      %get3A_3903 = tpu.vector_load %arg9[%get3A_3901, %get3A_3902] {strides = array<i32>} : memref<100x32xf32, #tpu.memory_space<vmem>>, vector<1x16xf32>,
      %get3A_3904 = vector.shape_cast %get3A_3903 : vector<1x16xf32> to vector<16xf32>
      %add3A_3905 = arith.addf %add3A_3893, %get3A_3904 : vector<16xf32>
      %get3A_3906 = arith.constant 8 : i32
      %get3A_3907 = arith.index_cast %get3A_3906 : i32 to index
      %get3A_3908 = arith.constant 0 : index
      %get3A_3909 = tpu.vector_load %arg9[%get3A_3907, %get3A_3908] {strides = array<i32>} : memref<100x32xf32, #tpu.memory_space<vmem>>, vector<1x16xf32>,
      %get3A_3910 = vector.shape_cast %get3A_3909 : vector<1x16xf32> to vector<16xf32>
      %add3A_3911 = arith.addf %add3A_3899, %get3A_3910 : vector<16xf32>
      %get3A_3912 = arith.constant 8 : i32
      %get3A_3913 = arith.index_cast %get3A_3912 : i32 to index
      %get3A_3914 = arith.constant 16 : index
      %get3A_3915 = tpu.vector_load %arg9[%get3A_3913, %get3A_3914] {strides = array<i32>} : memref<100x32xf32, #tpu.memory_space<vmem>>, vector<1x16xf32>,
      %get3A_3916 = vector.shape_cast %get3A_3915 : vector<1x16xf32> to vector<16xf32>
      %add3A_3917 = arith.addf %add3A_3905, %get3A_3916 : vector<16xf32>
      %get3A_3918 = arith.constant 9 : i32
      %get3A_3919 = arith.index_cast %get3A_3918 : i32 to index
      %get3A_3920 = arith.constant 0 : index
      %get3A_3921 = tpu.vector_load %arg9[%get3A_3919, %get3A_3920] {strides = array<i32>} : memref<100x32xf32, #tpu.memory_space<vmem>>, vector<1x16xf32>,
      %get3A_3922 = vector.shape_cast %get3A_3921 : vector<1x16xf32> to vector<16xf32>
      %add3A_3923 = arith.addf %add3A_3911, %get3A_3922 : vector<16xf32>
      %get3A_3924 = arith.constant 9 : i32
      %get3A_3925 = arith.index_cast %get3A_3924 : i32 to index
      %get3A_3926 = arith.constant 16 : index
      %get3A_3927 = tpu.vector_load %arg9[%get3A_3925, %get3A_3926] {strides = array<i32>} : memref<100x32xf32, #tpu.memory_space<vmem>>, vector<1x16xf32>,
      %get3A_3928 = vector.shape_cast %get3A_3927 : vector<1x16xf32> to vector<16xf32>
      %add3A_3929 = arith.addf %add3A_3917, %get3A_3928 : vector<16xf32>
      %get3A_3930 = arith.constant 10 : i32
      %get3A_3931 = arith.index_cast %get3A_3930 : i32 to index
      %get3A_3932 = arith.constant 0 : index
      %get3A_3933 = tpu.vector_load %arg9[%get3A_3931, %get3A_3932] {strides = array<i32>} : memref<100x32xf32, #tpu.memory_space<vmem>>, vector<1x16xf32>,
      %get3A_3934 = vector.shape_cast %get3A_3933 : vector<1x16xf32> to vector<16xf32>
      %add3A_3935 = arith.addf %add3A_3923, %get3A_3934 : vector<16xf32>
      %get3A_3936 = arith.constant 10 : i32
      %get3A_3937 = arith.index_cast %get3A_3936 : i32 to index
      %get3A_3938 = arith.constant 16 : index
      %get3A_3939 = tpu.vector_load %arg9[%get3A_3937, %get3A_3938] {strides = array<i32>} : memref<100x32xf32, #tpu.memory_space<vmem>>, vector<1x16xf32>,
      %get3A_3940 = vector.shape_cast %get3A_3939 : vector<1x16xf32> to vector<16xf32>
      %add3A_3941 = arith.addf %add3A_3929, %get3A_3940 : vector<16xf32>
      %get3A_3942 = arith.constant 11 : i32
      %get3A_3943 = arith.index_cast %get3A_3942 : i32 to index
      %get3A_3944 = arith.constant 0 : index
      %get3A_3945 = tpu.vector_load %arg9[%get3A_3943, %get3A_3944] {strides = array<i32>} : memref<100x32xf32, #tpu.memory_space<vmem>>, vector<1x16xf32>,
      %get3A_3946 = vector.shape_cast %get3A_3945 : vector<1x16xf32> to vector<16xf32>
      %add3A_3947 = arith.addf %add3A_3935, %get3A_3946 : vector<16xf32>
      %get3A_3948 = arith.constant 11 : i32
      %get3A_3949 = arith.index_cast %get3A_3948 : i32 to index
      %get3A_3950 = arith.constant 16 : index
      %get3A_3951 = tpu.vector_load %arg9[%get3A_3949, %get3A_3950] {strides = array<i32>} : memref<100x32xf32, #tpu.memory_space<vmem>>, vector<1x16xf32>,
      %get3A_3952 = vector.shape_cast %get3A_3951 : vector<1x16xf32> to vector<16xf32>
      %add3A_3953 = arith.addf %add3A_3941, %get3A_3952 : vector<16xf32>
      %get3A_3954 = arith.constant 12 : i32
      %get3A_3955 = arith.index_cast %get3A_3954 : i32 to index
      %get3A_3956 = arith.constant 0 : index
      %get3A_3957 = tpu.vector_load %arg9[%get3A_3955, %get3A_3956] {strides = array<i32>} : memref<100x32xf32, #tpu.memory_space<vmem>>, vector<1x16xf32>,
      %get3A_3958 = vector.shape_cast %get3A_3957 : vector<1x16xf32> to vector<16xf32>
      %add3A_3959 = arith.addf %add3A_3947, %get3A_3958 : vector<16xf32>
      %get3A_3960 = arith.constant 12 : i32
      %get3A_3961 = arith.index_cast %get3A_3960 : i32 to index
      %get3A_3962 = arith.constant 16 : index
      %get3A_3963 = tpu.vector_load %arg9[%get3A_3961, %get3A_3962] {strides = array<i32>} : memref<100x32xf32, #tpu.memory_space<vmem>>, vector<1x16xf32>,
      %get3A_3964 = vector.shape_cast %get3A_3963 : vector<1x16xf32> to vector<16xf32>
      %add3A_3965 = arith.addf %add3A_3953, %get3A_3964 : vector<16xf32>
      %get3A_3966 = arith.constant 13 : i32
      %get3A_3967 = arith.index_cast %get3A_3966 : i32 to index
      %get3A_3968 = arith.constant 0 : index
      %get3A_3969 = tpu.vector_load %arg9[%get3A_3967, %get3A_3968] {strides = array<i32>} : memref<100x32xf32, #tpu.memory_space<vmem>>, vector<1x16xf32>,
      %get3A_3970 = vector.shape_cast %get3A_3969 : vector<1x16xf32> to vector<16xf32>
      %add3A_3971 = arith.addf %add3A_3959, %get3A_3970 : vector<16xf32>
      %get3A_3972 = arith.constant 13 : i32
      %get3A_3973 = arith.index_cast %get3A_3972 : i32 to index
      %get3A_3974 = arith.constant 16 : index
      %get3A_3975 = tpu.vector_load %arg9[%get3A_3973, %get3A_3974] {strides = array<i32>} : memref<100x32xf32, #tpu.memory_space<vmem>>, vector<1x16xf32>,
      %get3A_3976 = vector.shape_cast %get3A_3975 : vector<1x16xf32> to vector<16xf32>
      %add3A_3977 = arith.addf %add3A_3965, %get3A_3976 : vector<16xf32>
      %get3A_3978 = arith.constant 14 : i32
      %get3A_3979 = arith.index_cast %get3A_3978 : i32 to index
      %get3A_3980 = arith.constant 0 : index
      %get3A_3981 = tpu.vector_load %arg9[%get3A_3979, %get3A_3980] {strides = array<i32>} : memref<100x32xf32, #tpu.memory_space<vmem>>, vector<1x16xf32>,
      %get3A_3982 = vector.shape_cast %get3A_3981 : vector<1x16xf32> to vector<16xf32>
      %add3A_3983 = arith.addf %add3A_3971, %get3A_3982 : vector<16xf32>
      %get3A_3984 = arith.constant 14 : i32
      %get3A_3985 = arith.index_cast %get3A_3984 : i32 to index
      %get3A_3986 = arith.constant 16 : index
      %get3A_3987 = tpu.vector_load %arg9[%get3A_3985, %get3A_3986] {strides = array<i32>} : memref<100x32xf32, #tpu.memory_space<vmem>>, vector<1x16xf32>,
      %get3A_3988 = vector.shape_cast %get3A_3987 : vector<1x16xf32> to vector<16xf32>
      %add3A_3989 = arith.addf %add3A_3977, %get3A_3988 : vector<16xf32>
      %get3A_3990 = arith.constant 15 : i32
      %get3A_3991 = arith.index_cast %get3A_3990 : i32 to index
      %get3A_3992 = arith.constant 0 : index
      %get3A_3993 = tpu.vector_load %arg9[%get3A_3991, %get3A_3992] {strides = array<i32>} : memref<100x32xf32, #tpu.memory_space<vmem>>, vector<1x16xf32>,
      %get3A_3994 = vector.shape_cast %get3A_3993 : vector<1x16xf32> to vector<16xf32>
      %add3A_3995 = arith.addf %add3A_3983, %get3A_3994 : vector<16xf32>
      %get3A_3996 = arith.constant 15 : i32
      %get3A_3997 = arith.index_cast %get3A_3996 : i32 to index
      %get3A_3998 = arith.constant 16 : index
      %get3A_3999 = tpu.vector_load %arg9[%get3A_3997, %get3A_3998] {strides = array<i32>} : memref<100x32xf32, #tpu.memory_space<vmem>>, vector<1x16xf32>,
      %get3A_4000 = vector.shape_cast %get3A_3999 : vector<1x16xf32> to vector<16xf32>
      %add3A_4001 = arith.addf %add3A_3989, %get3A_4000 : vector<16xf32>
      %get3A_4002 = arith.constant 16 : i32
      %get3A_4003 = arith.index_cast %get3A_4002 : i32 to index
      %get3A_4004 = arith.constant 0 : index
      %get3A_4005 = tpu.vector_load %arg9[%get3A_4003, %get3A_4004] {strides = array<i32>} : memref<100x32xf32, #tpu.memory_space<vmem>>, vector<1x16xf32>,
      %get3A_4006 = vector.shape_cast %get3A_4005 : vector<1x16xf32> to vector<16xf32>
      %add3A_4007 = arith.addf %add3A_3995, %get3A_4006 : vector<16xf32>
      %get3A_4008 = arith.constant 16 : i32
      %get3A_4009 = arith.index_cast %get3A_4008 : i32 to index
      %get3A_4010 = arith.constant 16 : index
      %get3A_4011 = tpu.vector_load %arg9[%get3A_4009, %get3A_4010] {strides = array<i32>} : memref<100x32xf32, #tpu.memory_space<vmem>>, vector<1x16xf32>,
      %get3A_4012 = vector.shape_cast %get3A_4011 : vector<1x16xf32> to vector<16xf32>
      %add3A_4013 = arith.addf %add3A_4001, %get3A_4012 : vector<16xf32>
      %get3A_4014 = arith.constant 17 : i32
      %get3A_4015 = arith.index_cast %get3A_4014 : i32 to index
      %get3A_4016 = arith.constant 0 : index
      %get3A_4017 = tpu.vector_load %arg9[%get3A_4015, %get3A_4016] {strides = array<i32>} : memref<100x32xf32, #tpu.memory_space<vmem>>, vector<1x16xf32>,
      %get3A_4018 = vector.shape_cast %get3A_4017 : vector<1x16xf32> to vector<16xf32>
      %add3A_4019 = arith.addf %add3A_4007, %get3A_4018 : vector<16xf32>
      %get3A_4020 = arith.constant 17 : i32
      %get3A_4021 = arith.index_cast %get3A_4020 : i32 to index
      %get3A_4022 = arith.constant 16 : index
      %get3A_4023 = tpu.vector_load %arg9[%get3A_4021, %get3A_4022] {strides = array<i32>} : memref<100x32xf32, #tpu.memory_space<vmem>>, vector<1x16xf32>,
      %get3A_4024 = vector.shape_cast %get3A_4023 : vector<1x16xf32> to vector<16xf32>
      %add3A_4025 = arith.addf %add3A_4013, %get3A_4024 : vector<16xf32>
      %get3A_4026 = arith.constant 18 : i32
      %get3A_4027 = arith.index_cast %get3A_4026 : i32 to index
      %get3A_4028 = arith.constant 0 : index
      %get3A_4029 = tpu.vector_load %arg9[%get3A_4027, %get3A_4028] {strides = array<i32>} : memref<100x32xf32, #tpu.memory_space<vmem>>, vector<1x16xf32>,
      %get3A_4030 = vector.shape_cast %get3A_4029 : vector<1x16xf32> to vector<16xf32>
      %add3A_4031 = arith.addf %add3A_4019, %get3A_4030 : vector<16xf32>
      %get3A_4032 = arith.constant 18 : i32
      %get3A_4033 = arith.index_cast %get3A_4032 : i32 to index
      %get3A_4034 = arith.constant 16 : index
      %get3A_4035 = tpu.vector_load %arg9[%get3A_4033, %get3A_4034] {strides = array<i32>} : memref<100x32xf32, #tpu.memory_space<vmem>>, vector<1x16xf32>,
      %get3A_4036 = vector.shape_cast %get3A_4035 : vector<1x16xf32> to vector<16xf32>
      %add3A_4037 = arith.addf %add3A_4025, %get3A_4036 : vector<16xf32>
      %get3A_4038 = arith.constant 19 : i32
      %get3A_4039 = arith.index_cast %get3A_4038 : i32 to index
      %get3A_4040 = arith.constant 0 : index
      %get3A_4041 = tpu.vector_load %arg9[%get3A_4039, %get3A_4040] {strides = array<i32>} : memref<100x32xf32, #tpu.memory_space<vmem>>, vector<1x16xf32>,
      %get3A_4042 = vector.shape_cast %get3A_4041 : vector<1x16xf32> to vector<16xf32>
      %add3A_4043 = arith.addf %add3A_4031, %get3A_4042 : vector<16xf32>
      %get3A_4044 = arith.constant 19 : i32
      %get3A_4045 = arith.index_cast %get3A_4044 : i32 to index
      %get3A_4046 = arith.constant 16 : index
      %get3A_4047 = tpu.vector_load %arg9[%get3A_4045, %get3A_4046] {strides = array<i32>} : memref<100x32xf32, #tpu.memory_space<vmem>>, vector<1x16xf32>,
      %get3A_4048 = vector.shape_cast %get3A_4047 : vector<1x16xf32> to vector<16xf32>
      %add3A_4049 = arith.addf %add3A_4037, %get3A_4048 : vector<16xf32>
      %get3A_4050 = arith.constant 20 : i32
      %get3A_4051 = arith.index_cast %get3A_4050 : i32 to index
      %get3A_4052 = arith.constant 0 : index
      %get3A_4053 = tpu.vector_load %arg9[%get3A_4051, %get3A_4052] {strides = array<i32>} : memref<100x32xf32, #tpu.memory_space<vmem>>, vector<1x16xf32>,
      %get3A_4054 = vector.shape_cast %get3A_4053 : vector<1x16xf32> to vector<16xf32>
      %add3A_4055 = arith.addf %add3A_4043, %get3A_4054 : vector<16xf32>
      %get3A_4056 = arith.constant 20 : i32
      %get3A_4057 = arith.index_cast %get3A_4056 : i32 to index
      %get3A_4058 = arith.constant 16 : index
      %get3A_4059 = tpu.vector_load %arg9[%get3A_4057, %get3A_4058] {strides = array<i32>} : memref<100x32xf32, #tpu.memory_space<vmem>>, vector<1x16xf32>,
      %get3A_4060 = vector.shape_cast %get3A_4059 : vector<1x16xf32> to vector<16xf32>
      %add3A_4061 = arith.addf %add3A_4049, %get3A_4060 : vector<16xf32>
      %get3A_4062 = arith.constant 21 : i32
      %get3A_4063 = arith.index_cast %get3A_4062 : i32 to index
      %get3A_4064 = arith.constant 0 : index
      %get3A_4065 = tpu.vector_load %arg9[%get3A_4063, %get3A_4064] {strides = array<i32>} : memref<100x32xf32, #tpu.memory_space<vmem>>, vector<1x16xf32>,
      %get3A_4066 = vector.shape_cast %get3A_4065 : vector<1x16xf32> to vector<16xf32>
      %add3A_4067 = arith.addf %add3A_4055, %get3A_4066 : vector<16xf32>
      %get3A_4068 = arith.constant 21 : i32
      %get3A_4069 = arith.index_cast %get3A_4068 : i32 to index
      %get3A_4070 = arith.constant 16 : index
      %get3A_4071 = tpu.vector_load %arg9[%get3A_4069, %get3A_4070] {strides = array<i32>} : memref<100x32xf32, #tpu.memory_space<vmem>>, vector<1x16xf32>,
      %get3A_4072 = vector.shape_cast %get3A_4071 : vector<1x16xf32> to vector<16xf32>
      %add3A_4073 = arith.addf %add3A_4061, %get3A_4072 : vector<16xf32>
      %get3A_4074 = arith.constant 22 : i32
      %get3A_4075 = arith.index_cast %get3A_4074 : i32 to index
      %get3A_4076 = arith.constant 0 : index
      %get3A_4077 = tpu.vector_load %arg9[%get3A_4075, %get3A_4076] {strides = array<i32>} : memref<100x32xf32, #tpu.memory_space<vmem>>, vector<1x16xf32>,
      %get3A_4078 = vector.shape_cast %get3A_4077 : vector<1x16xf32> to vector<16xf32>
      %add3A_4079 = arith.addf %add3A_4067, %get3A_4078 : vector<16xf32>
      %get3A_4080 = arith.constant 22 : i32
      %get3A_4081 = arith.index_cast %get3A_4080 : i32 to index
      %get3A_4082 = arith.constant 16 : index
      %get3A_4083 = tpu.vector_load %arg9[%get3A_4081, %get3A_4082] {strides = array<i32>} : memref<100x32xf32, #tpu.memory_space<vmem>>, vector<1x16xf32>,
      %get3A_4084 = vector.shape_cast %get3A_4083 : vector<1x16xf32> to vector<16xf32>
      %add3A_4085 = arith.addf %add3A_4073, %get3A_4084 : vector<16xf32>
      %get3A_4086 = arith.constant 23 : i32
      %get3A_4087 = arith.index_cast %get3A_4086 : i32 to index
      %get3A_4088 = arith.constant 0 : index
      %get3A_4089 = tpu.vector_load %arg9[%get3A_4087, %get3A_4088] {strides = array<i32>} : memref<100x32xf32, #tpu.memory_space<vmem>>, vector<1x16xf32>,
      %get3A_4090 = vector.shape_cast %get3A_4089 : vector<1x16xf32> to vector<16xf32>
      %add3A_4091 = arith.addf %add3A_4079, %get3A_4090 : vector<16xf32>
      %get3A_4092 = arith.constant 23 : i32
      %get3A_4093 = arith.index_cast %get3A_4092 : i32 to index
      %get3A_4094 = arith.constant 16 : index
      %get3A_4095 = tpu.vector_load %arg9[%get3A_4093, %get3A_4094] {strides = array<i32>} : memref<100x32xf32, #tpu.memory_space<vmem>>, vector<1x16xf32>,
      %get3A_4096 = vector.shape_cast %get3A_4095 : vector<1x16xf32> to vector<16xf32>
      %add3A_4097 = arith.addf %add3A_4085, %get3A_4096 : vector<16xf32>
      %get3A_4098 = arith.constant 24 : i32
      %get3A_4099 = arith.index_cast %get3A_4098 : i32 to index
      %get3A_4100 = arith.constant 0 : index
      %get3A_4101 = tpu.vector_load %arg9[%get3A_4099, %get3A_4100] {strides = array<i32>} : memref<100x32xf32, #tpu.memory_space<vmem>>, vector<1x16xf32>,
      %get3A_4102 = vector.shape_cast %get3A_4101 : vector<1x16xf32> to vector<16xf32>
      %add3A_4103 = arith.addf %add3A_4091, %get3A_4102 : vector<16xf32>
      %get3A_4104 = arith.constant 24 : i32
      %get3A_4105 = arith.index_cast %get3A_4104 : i32 to index
      %get3A_4106 = arith.constant 16 : index
      %get3A_4107 = tpu.vector_load %arg9[%get3A_4105, %get3A_4106] {strides = array<i32>} : memref<100x32xf32, #tpu.memory_space<vmem>>, vector<1x16xf32>,
      %get3A_4108 = vector.shape_cast %get3A_4107 : vector<1x16xf32> to vector<16xf32>
      %add3A_4109 = arith.addf %add3A_4097, %get3A_4108 : vector<16xf32>
      %get3A_4110 = arith.constant 25 : i32
      %get3A_4111 = arith.index_cast %get3A_4110 : i32 to index
      %get3A_4112 = arith.constant 0 : index
      %get3A_4113 = tpu.vector_load %arg9[%get3A_4111, %get3A_4112] {strides = array<i32>} : memref<100x32xf32, #tpu.memory_space<vmem>>, vector<1x16xf32>,
      %get3A_4114 = vector.shape_cast %get3A_4113 : vector<1x16xf32> to vector<16xf32>
      %add3A_4115 = arith.addf %add3A_4103, %get3A_4114 : vector<16xf32>
      %get3A_4116 = arith.constant 25 : i32
      %get3A_4117 = arith.index_cast %get3A_4116 : i32 to index
      %get3A_4118 = arith.constant 16 : index
      %get3A_4119 = tpu.vector_load %arg9[%get3A_4117, %get3A_4118] {strides = array<i32>} : memref<100x32xf32, #tpu.memory_space<vmem>>, vector<1x16xf32>,
      %get3A_4120 = vector.shape_cast %get3A_4119 : vector<1x16xf32> to vector<16xf32>
      %add3A_4121 = arith.addf %add3A_4109, %get3A_4120 : vector<16xf32>
      %get3A_4122 = arith.constant 26 : i32
      %get3A_4123 = arith.index_cast %get3A_4122 : i32 to index
      %get3A_4124 = arith.constant 0 : index
      %get3A_4125 = tpu.vector_load %arg9[%get3A_4123, %get3A_4124] {strides = array<i32>} : memref<100x32xf32, #tpu.memory_space<vmem>>, vector<1x16xf32>,
      %get3A_4126 = vector.shape_cast %get3A_4125 : vector<1x16xf32> to vector<16xf32>
      %add3A_4127 = arith.addf %add3A_4115, %get3A_4126 : vector<16xf32>
      %get3A_4128 = arith.constant 26 : i32
      %get3A_4129 = arith.index_cast %get3A_4128 : i32 to index
      %get3A_4130 = arith.constant 16 : index
      %get3A_4131 = tpu.vector_load %arg9[%get3A_4129, %get3A_4130] {strides = array<i32>} : memref<100x32xf32, #tpu.memory_space<vmem>>, vector<1x16xf32>,
      %get3A_4132 = vector.shape_cast %get3A_4131 : vector<1x16xf32> to vector<16xf32>
      %add3A_4133 = arith.addf %add3A_4121, %get3A_4132 : vector<16xf32>
      %get3A_4134 = arith.constant 27 : i32
      %get3A_4135 = arith.index_cast %get3A_4134 : i32 to index
      %get3A_4136 = arith.constant 0 : index
      %get3A_4137 = tpu.vector_load %arg9[%get3A_4135, %get3A_4136] {strides = array<i32>} : memref<100x32xf32, #tpu.memory_space<vmem>>, vector<1x16xf32>,
      %get3A_4138 = vector.shape_cast %get3A_4137 : vector<1x16xf32> to vector<16xf32>
      %add3A_4139 = arith.addf %add3A_4127, %get3A_4138 : vector<16xf32>
      %get3A_4140 = arith.constant 27 : i32
      %get3A_4141 = arith.index_cast %get3A_4140 : i32 to index
      %get3A_4142 = arith.constant 16 : index
      %get3A_4143 = tpu.vector_load %arg9[%get3A_4141, %get3A_4142] {strides = array<i32>} : memref<100x32xf32, #tpu.memory_space<vmem>>, vector<1x16xf32>,
      %get3A_4144 = vector.shape_cast %get3A_4143 : vector<1x16xf32> to vector<16xf32>
      %add3A_4145 = arith.addf %add3A_4133, %get3A_4144 : vector<16xf32>
      %get3A_4146 = arith.constant 28 : i32
      %get3A_4147 = arith.index_cast %get3A_4146 : i32 to index
      %get3A_4148 = arith.constant 0 : index
      %get3A_4149 = tpu.vector_load %arg9[%get3A_4147, %get3A_4148] {strides = array<i32>} : memref<100x32xf32, #tpu.memory_space<vmem>>, vector<1x16xf32>,
      %get3A_4150 = vector.shape_cast %get3A_4149 : vector<1x16xf32> to vector<16xf32>
      %add3A_4151 = arith.addf %add3A_4139, %get3A_4150 : vector<16xf32>
      %get3A_4152 = arith.constant 28 : i32
      %get3A_4153 = arith.index_cast %get3A_4152 : i32 to index
      %get3A_4154 = arith.constant 16 : index
      %get3A_4155 = tpu.vector_load %arg9[%get3A_4153, %get3A_4154] {strides = array<i32>} : memref<100x32xf32, #tpu.memory_space<vmem>>, vector<1x16xf32>,
      %get3A_4156 = vector.shape_cast %get3A_4155 : vector<1x16xf32> to vector<16xf32>
      %add3A_4157 = arith.addf %add3A_4145, %get3A_4156 : vector<16xf32>
      %get3A_4158 = arith.constant 29 : i32
      %get3A_4159 = arith.index_cast %get3A_4158 : i32 to index
      %get3A_4160 = arith.constant 0 : index
      %get3A_4161 = tpu.vector_load %arg9[%get3A_4159, %get3A_4160] {strides = array<i32>} : memref<100x32xf32, #tpu.memory_space<vmem>>, vector<1x16xf32>,
      %get3A_4162 = vector.shape_cast %get3A_4161 : vector<1x16xf32> to vector<16xf32>
      %add3A_4163 = arith.addf %add3A_4151, %get3A_4162 : vector<16xf32>
      %get3A_4164 = arith.constant 29 : i32
      %get3A_4165 = arith.index_cast %get3A_4164 : i32 to index
      %get3A_4166 = arith.constant 16 : index
      %get3A_4167 = tpu.vector_load %arg9[%get3A_4165, %get3A_4166] {strides = array<i32>} : memref<100x32xf32, #tpu.memory_space<vmem>>, vector<1x16xf32>,
      %get3A_4168 = vector.shape_cast %get3A_4167 : vector<1x16xf32> to vector<16xf32>
      %add3A_4169 = arith.addf %add3A_4157, %get3A_4168 : vector<16xf32>
      %get3A_4170 = arith.constant 30 : i32
      %get3A_4171 = arith.index_cast %get3A_4170 : i32 to index
      %get3A_4172 = arith.constant 0 : index
      %get3A_4173 = tpu.vector_load %arg9[%get3A_4171, %get3A_4172] {strides = array<i32>} : memref<100x32xf32, #tpu.memory_space<vmem>>, vector<1x16xf32>,
      %get3A_4174 = vector.shape_cast %get3A_4173 : vector<1x16xf32> to vector<16xf32>
      %add3A_4175 = arith.addf %add3A_4163, %get3A_4174 : vector<16xf32>
      %get3A_4176 = arith.constant 30 : i32
      %get3A_4177 = arith.index_cast %get3A_4176 : i32 to index
      %get3A_4178 = arith.constant 16 : index
      %get3A_4179 = tpu.vector_load %arg9[%get3A_4177, %get3A_4178] {strides = array<i32>} : memref<100x32xf32, #tpu.memory_space<vmem>>, vector<1x16xf32>,
      %get3A_4180 = vector.shape_cast %get3A_4179 : vector<1x16xf32> to vector<16xf32>
      %add3A_4181 = arith.addf %add3A_4169, %get3A_4180 : vector<16xf32>
      %get3A_4182 = arith.constant 31 : i32
      %get3A_4183 = arith.index_cast %get3A_4182 : i32 to index
      %get3A_4184 = arith.constant 0 : index
      %get3A_4185 = tpu.vector_load %arg9[%get3A_4183, %get3A_4184] {strides = array<i32>} : memref<100x32xf32, #tpu.memory_space<vmem>>, vector<1x16xf32>,
      %get3A_4186 = vector.shape_cast %get3A_4185 : vector<1x16xf32> to vector<16xf32>
      %add3A_4187 = arith.addf %add3A_4175, %get3A_4186 : vector<16xf32>
      %get3A_4188 = arith.constant 31 : i32
      %get3A_4189 = arith.index_cast %get3A_4188 : i32 to index
      %get3A_4190 = arith.constant 16 : index
      %get3A_4191 = tpu.vector_load %arg9[%get3A_4189, %get3A_4190] {strides = array<i32>} : memref<100x32xf32, #tpu.memory_space<vmem>>, vector<1x16xf32>,
      %get3A_4192 = vector.shape_cast %get3A_4191 : vector<1x16xf32> to vector<16xf32>
      %add3A_4193 = arith.addf %add3A_4181, %get3A_4192 : vector<16xf32>
      %get3A_4194 = arith.constant 32 : i32
      %get3A_4195 = arith.index_cast %get3A_4194 : i32 to index
      %get3A_4196 = arith.constant 0 : index
      %get3A_4197 = tpu.vector_load %arg9[%get3A_4195, %get3A_4196] {strides = array<i32>} : memref<100x32xf32, #tpu.memory_space<vmem>>, vector<1x16xf32>,
      %get3A_4198 = vector.shape_cast %get3A_4197 : vector<1x16xf32> to vector<16xf32>
      %add3A_4199 = arith.addf %add3A_4187, %get3A_4198 : vector<16xf32>
      %get3A_4200 = arith.constant 32 : i32
      %get3A_4201 = arith.index_cast %get3A_4200 : i32 to index
      %get3A_4202 = arith.constant 16 : index
      %get3A_4203 = tpu.vector_load %arg9[%get3A_4201, %get3A_4202] {strides = array<i32>} : memref<100x32xf32, #tpu.memory_space<vmem>>, vector<1x16xf32>,
      %get3A_4204 = vector.shape_cast %get3A_4203 : vector<1x16xf32> to vector<16xf32>
      %add3A_4205 = arith.addf %add3A_4193, %get3A_4204 : vector<16xf32>
      %get3A_4206 = arith.constant 33 : i32
      %get3A_4207 = arith.index_cast %get3A_4206 : i32 to index
      %get3A_4208 = arith.constant 0 : index
      %get3A_4209 = tpu.vector_load %arg9[%get3A_4207, %get3A_4208] {strides = array<i32>} : memref<100x32xf32, #tpu.memory_space<vmem>>, vector<1x16xf32>,
      %get3A_4210 = vector.shape_cast %get3A_4209 : vector<1x16xf32> to vector<16xf32>
      %add3A_4211 = arith.addf %add3A_4199, %get3A_4210 : vector<16xf32>
      %get3A_4212 = arith.constant 33 : i32
      %get3A_4213 = arith.index_cast %get3A_4212 : i32 to index
      %get3A_4214 = arith.constant 16 : index
      %get3A_4215 = tpu.vector_load %arg9[%get3A_4213, %get3A_4214] {strides = array<i32>} : memref<100x32xf32, #tpu.memory_space<vmem>>, vector<1x16xf32>,
      %get3A_4216 = vector.shape_cast %get3A_4215 : vector<1x16xf32> to vector<16xf32>
      %add3A_4217 = arith.addf %add3A_4205, %get3A_4216 : vector<16xf32>
      %get3A_4218 = arith.constant 34 : i32
      %get3A_4219 = arith.index_cast %get3A_4218 : i32 to index
      %get3A_4220 = arith.constant 0 : index
      %get3A_4221 = tpu.vector_load %arg9[%get3A_4219, %get3A_4220] {strides = array<i32>} : memref<100x32xf32, #tpu.memory_space<vmem>>, vector<1x16xf32>,
      %get3A_4222 = vector.shape_cast %get3A_4221 : vector<1x16xf32> to vector<16xf32>
      %add3A_4223 = arith.addf %add3A_4211, %get3A_4222 : vector<16xf32>
      %get3A_4224 = arith.constant 34 : i32
      %get3A_4225 = arith.index_cast %get3A_4224 : i32 to index
      %get3A_4226 = arith.constant 16 : index
      %get3A_4227 = tpu.vector_load %arg9[%get3A_4225, %get3A_4226] {strides = array<i32>} : memref<100x32xf32, #tpu.memory_space<vmem>>, vector<1x16xf32>,
      %get3A_4228 = vector.shape_cast %get3A_4227 : vector<1x16xf32> to vector<16xf32>
      %add3A_4229 = arith.addf %add3A_4217, %get3A_4228 : vector<16xf32>
      %get3A_4230 = arith.constant 35 : i32
      %get3A_4231 = arith.index_cast %get3A_4230 : i32 to index
      %get3A_4232 = arith.constant 0 : index
      %get3A_4233 = tpu.vector_load %arg9[%get3A_4231, %get3A_4232] {strides = array<i32>} : memref<100x32xf32, #tpu.memory_space<vmem>>, vector<1x16xf32>,
      %get3A_4234 = vector.shape_cast %get3A_4233 : vector<1x16xf32> to vector<16xf32>
      %add3A_4235 = arith.addf %add3A_4223, %get3A_4234 : vector<16xf32>
      %get3A_4236 = arith.constant 35 : i32
      %get3A_4237 = arith.index_cast %get3A_4236 : i32 to index
      %get3A_4238 = arith.constant 16 : index
      %get3A_4239 = tpu.vector_load %arg9[%get3A_4237, %get3A_4238] {strides = array<i32>} : memref<100x32xf32, #tpu.memory_space<vmem>>, vector<1x16xf32>,
      %get3A_4240 = vector.shape_cast %get3A_4239 : vector<1x16xf32> to vector<16xf32>
      %add3A_4241 = arith.addf %add3A_4229, %get3A_4240 : vector<16xf32>
      %get3A_4242 = arith.constant 36 : i32
      %get3A_4243 = arith.index_cast %get3A_4242 : i32 to index
      %get3A_4244 = arith.constant 0 : index
      %get3A_4245 = tpu.vector_load %arg9[%get3A_4243, %get3A_4244] {strides = array<i32>} : memref<100x32xf32, #tpu.memory_space<vmem>>, vector<1x16xf32>,
      %get3A_4246 = vector.shape_cast %get3A_4245 : vector<1x16xf32> to vector<16xf32>
      %add3A_4247 = arith.addf %add3A_4235, %get3A_4246 : vector<16xf32>
      %get3A_4248 = arith.constant 36 : i32
      %get3A_4249 = arith.index_cast %get3A_4248 : i32 to index
      %get3A_4250 = arith.constant 16 : index
      %get3A_4251 = tpu.vector_load %arg9[%get3A_4249, %get3A_4250] {strides = array<i32>} : memref<100x32xf32, #tpu.memory_space<vmem>>, vector<1x16xf32>,
      %get3A_4252 = vector.shape_cast %get3A_4251 : vector<1x16xf32> to vector<16xf32>
      %add3A_4253 = arith.addf %add3A_4241, %get3A_4252 : vector<16xf32>
      %get3A_4254 = arith.constant 37 : i32
      %get3A_4255 = arith.index_cast %get3A_4254 : i32 to index
      %get3A_4256 = arith.constant 0 : index
      %get3A_4257 = tpu.vector_load %arg9[%get3A_4255, %get3A_4256] {strides = array<i32>} : memref<100x32xf32, #tpu.memory_space<vmem>>, vector<1x16xf32>,
      %get3A_4258 = vector.shape_cast %get3A_4257 : vector<1x16xf32> to vector<16xf32>
      %add3A_4259 = arith.addf %add3A_4247, %get3A_4258 : vector<16xf32>
      %get3A_4260 = arith.constant 37 : i32
      %get3A_4261 = arith.index_cast %get3A_4260 : i32 to index
      %get3A_4262 = arith.constant 16 : index
      %get3A_4263 = tpu.vector_load %arg9[%get3A_4261, %get3A_4262] {strides = array<i32>} : memref<100x32xf32, #tpu.memory_space<vmem>>, vector<1x16xf32>,
      %get3A_4264 = vector.shape_cast %get3A_4263 : vector<1x16xf32> to vector<16xf32>
      %add3A_4265 = arith.addf %add3A_4253, %get3A_4264 : vector<16xf32>
      %get3A_4266 = arith.constant 38 : i32
      %get3A_4267 = arith.index_cast %get3A_4266 : i32 to index
      %get3A_4268 = arith.constant 0 : index
      %get3A_4269 = tpu.vector_load %arg9[%get3A_4267, %get3A_4268] {strides = array<i32>} : memref<100x32xf32, #tpu.memory_space<vmem>>, vector<1x16xf32>,
      %get3A_4270 = vector.shape_cast %get3A_4269 : vector<1x16xf32> to vector<16xf32>
      %add3A_4271 = arith.addf %add3A_4259, %get3A_4270 : vector<16xf32>
      %get3A_4272 = arith.constant 38 : i32
      %get3A_4273 = arith.index_cast %get3A_4272 : i32 to index
      %get3A_4274 = arith.constant 16 : index
      %get3A_4275 = tpu.vector_load %arg9[%get3A_4273, %get3A_4274] {strides = array<i32>} : memref<100x32xf32, #tpu.memory_space<vmem>>, vector<1x16xf32>,
      %get3A_4276 = vector.shape_cast %get3A_4275 : vector<1x16xf32> to vector<16xf32>
      %add3A_4277 = arith.addf %add3A_4265, %get3A_4276 : vector<16xf32>
      %get3A_4278 = arith.constant 39 : i32
      %get3A_4279 = arith.index_cast %get3A_4278 : i32 to index
      %get3A_4280 = arith.constant 0 : index
      %get3A_4281 = tpu.vector_load %arg9[%get3A_4279, %get3A_4280] {strides = array<i32>} : memref<100x32xf32, #tpu.memory_space<vmem>>, vector<1x16xf32>,
      %get3A_4282 = vector.shape_cast %get3A_4281 : vector<1x16xf32> to vector<16xf32>
      %add3A_4283 = arith.addf %add3A_4271, %get3A_4282 : vector<16xf32>
      %get3A_4284 = arith.constant 39 : i32
      %get3A_4285 = arith.index_cast %get3A_4284 : i32 to index
      %get3A_4286 = arith.constant 16 : index
      %get3A_4287 = tpu.vector_load %arg9[%get3A_4285, %get3A_4286] {strides = array<i32>} : memref<100x32xf32, #tpu.memory_space<vmem>>, vector<1x16xf32>,
      %get3A_4288 = vector.shape_cast %get3A_4287 : vector<1x16xf32> to vector<16xf32>
      %add3A_4289 = arith.addf %add3A_4277, %get3A_4288 : vector<16xf32>
      %get3A_4290 = arith.constant 40 : i32
      %get3A_4291 = arith.index_cast %get3A_4290 : i32 to index
      %get3A_4292 = arith.constant 0 : index
      %get3A_4293 = tpu.vector_load %arg9[%get3A_4291, %get3A_4292] {strides = array<i32>} : memref<100x32xf32, #tpu.memory_space<vmem>>, vector<1x16xf32>,
      %get3A_4294 = vector.shape_cast %get3A_4293 : vector<1x16xf32> to vector<16xf32>
      %add3A_4295 = arith.addf %add3A_4283, %get3A_4294 : vector<16xf32>
      %get3A_4296 = arith.constant 40 : i32
      %get3A_4297 = arith.index_cast %get3A_4296 : i32 to index
      %get3A_4298 = arith.constant 16 : index
      %get3A_4299 = tpu.vector_load %arg9[%get3A_4297, %get3A_4298] {strides = array<i32>} : memref<100x32xf32, #tpu.memory_space<vmem>>, vector<1x16xf32>,
      %get3A_4300 = vector.shape_cast %get3A_4299 : vector<1x16xf32> to vector<16xf32>
      %add3A_4301 = arith.addf %add3A_4289, %get3A_4300 : vector<16xf32>
      %get3A_4302 = arith.constant 41 : i32
      %get3A_4303 = arith.index_cast %get3A_4302 : i32 to index
      %get3A_4304 = arith.constant 0 : index
      %get3A_4305 = tpu.vector_load %arg9[%get3A_4303, %get3A_4304] {strides = array<i32>} : memref<100x32xf32, #tpu.memory_space<vmem>>, vector<1x16xf32>,
      %get3A_4306 = vector.shape_cast %get3A_4305 : vector<1x16xf32> to vector<16xf32>
      %add3A_4307 = arith.addf %add3A_4295, %get3A_4306 : vector<16xf32>
      %get3A_4308 = arith.constant 41 : i32
      %get3A_4309 = arith.index_cast %get3A_4308 : i32 to index
      %get3A_4310 = arith.constant 16 : index
      %get3A_4311 = tpu.vector_load %arg9[%get3A_4309, %get3A_4310] {strides = array<i32>} : memref<100x32xf32, #tpu.memory_space<vmem>>, vector<1x16xf32>,
      %get3A_4312 = vector.shape_cast %get3A_4311 : vector<1x16xf32> to vector<16xf32>
      %add3A_4313 = arith.addf %add3A_4301, %get3A_4312 : vector<16xf32>
      %get3A_4314 = arith.constant 42 : i32
      %get3A_4315 = arith.index_cast %get3A_4314 : i32 to index
      %get3A_4316 = arith.constant 0 : index
      %get3A_4317 = tpu.vector_load %arg9[%get3A_4315, %get3A_4316] {strides = array<i32>} : memref<100x32xf32, #tpu.memory_space<vmem>>, vector<1x16xf32>,
      %get3A_4318 = vector.shape_cast %get3A_4317 : vector<1x16xf32> to vector<16xf32>
      %add3A_4319 = arith.addf %add3A_4307, %get3A_4318 : vector<16xf32>
      %get3A_4320 = arith.constant 42 : i32
      %get3A_4321 = arith.index_cast %get3A_4320 : i32 to index
      %get3A_4322 = arith.constant 16 : index
      %get3A_4323 = tpu.vector_load %arg9[%get3A_4321, %get3A_4322] {strides = array<i32>} : memref<100x32xf32, #tpu.memory_space<vmem>>, vector<1x16xf32>,
      %get3A_4324 = vector.shape_cast %get3A_4323 : vector<1x16xf32> to vector<16xf32>
      %add3A_4325 = arith.addf %add3A_4313, %get3A_4324 : vector<16xf32>
      %get3A_4326 = arith.constant 43 : i32
      %get3A_4327 = arith.index_cast %get3A_4326 : i32 to index
      %get3A_4328 = arith.constant 0 : index
      %get3A_4329 = tpu.vector_load %arg9[%get3A_4327, %get3A_4328] {strides = array<i32>} : memref<100x32xf32, #tpu.memory_space<vmem>>, vector<1x16xf32>,
      %get3A_4330 = vector.shape_cast %get3A_4329 : vector<1x16xf32> to vector<16xf32>
      %add3A_4331 = arith.addf %add3A_4319, %get3A_4330 : vector<16xf32>
      %get3A_4332 = arith.constant 43 : i32
      %get3A_4333 = arith.index_cast %get3A_4332 : i32 to index
      %get3A_4334 = arith.constant 16 : index
      %get3A_4335 = tpu.vector_load %arg9[%get3A_4333, %get3A_4334] {strides = array<i32>} : memref<100x32xf32, #tpu.memory_space<vmem>>, vector<1x16xf32>,
      %get3A_4336 = vector.shape_cast %get3A_4335 : vector<1x16xf32> to vector<16xf32>
      %add3A_4337 = arith.addf %add3A_4325, %get3A_4336 : vector<16xf32>
      %get3A_4338 = arith.constant 44 : i32
      %get3A_4339 = arith.index_cast %get3A_4338 : i32 to index
      %get3A_4340 = arith.constant 0 : index
      %get3A_4341 = tpu.vector_load %arg9[%get3A_4339, %get3A_4340] {strides = array<i32>} : memref<100x32xf32, #tpu.memory_space<vmem>>, vector<1x16xf32>,
      %get3A_4342 = vector.shape_cast %get3A_4341 : vector<1x16xf32> to vector<16xf32>
      %add3A_4343 = arith.addf %add3A_4331, %get3A_4342 : vector<16xf32>
      %get3A_4344 = arith.constant 44 : i32
      %get3A_4345 = arith.index_cast %get3A_4344 : i32 to index
      %get3A_4346 = arith.constant 16 : index
      %get3A_4347 = tpu.vector_load %arg9[%get3A_4345, %get3A_4346] {strides = array<i32>} : memref<100x32xf32, #tpu.memory_space<vmem>>, vector<1x16xf32>,
      %get3A_4348 = vector.shape_cast %get3A_4347 : vector<1x16xf32> to vector<16xf32>
      %add3A_4349 = arith.addf %add3A_4337, %get3A_4348 : vector<16xf32>
      %get3A_4350 = arith.constant 45 : i32
      %get3A_4351 = arith.index_cast %get3A_4350 : i32 to index
      %get3A_4352 = arith.constant 0 : index
      %get3A_4353 = tpu.vector_load %arg9[%get3A_4351, %get3A_4352] {strides = array<i32>} : memref<100x32xf32, #tpu.memory_space<vmem>>, vector<1x16xf32>,
      %get3A_4354 = vector.shape_cast %get3A_4353 : vector<1x16xf32> to vector<16xf32>
      %add3A_4355 = arith.addf %add3A_4343, %get3A_4354 : vector<16xf32>
      %get3A_4356 = arith.constant 45 : i32
      %get3A_4357 = arith.index_cast %get3A_4356 : i32 to index
      %get3A_4358 = arith.constant 16 : index
      %get3A_4359 = tpu.vector_load %arg9[%get3A_4357, %get3A_4358] {strides = array<i32>} : memref<100x32xf32, #tpu.memory_space<vmem>>, vector<1x16xf32>,
      %get3A_4360 = vector.shape_cast %get3A_4359 : vector<1x16xf32> to vector<16xf32>
      %add3A_4361 = arith.addf %add3A_4349, %get3A_4360 : vector<16xf32>
      %get3A_4362 = arith.constant 46 : i32
      %get3A_4363 = arith.index_cast %get3A_4362 : i32 to index
      %get3A_4364 = arith.constant 0 : index
      %get3A_4365 = tpu.vector_load %arg9[%get3A_4363, %get3A_4364] {strides = array<i32>} : memref<100x32xf32, #tpu.memory_space<vmem>>, vector<1x16xf32>,
      %get3A_4366 = vector.shape_cast %get3A_4365 : vector<1x16xf32> to vector<16xf32>
      %add3A_4367 = arith.addf %add3A_4355, %get3A_4366 : vector<16xf32>
      %get3A_4368 = arith.constant 46 : i32
      %get3A_4369 = arith.index_cast %get3A_4368 : i32 to index
      %get3A_4370 = arith.constant 16 : index
      %get3A_4371 = tpu.vector_load %arg9[%get3A_4369, %get3A_4370] {strides = array<i32>} : memref<100x32xf32, #tpu.memory_space<vmem>>, vector<1x16xf32>,
      %get3A_4372 = vector.shape_cast %get3A_4371 : vector<1x16xf32> to vector<16xf32>
      %add3A_4373 = arith.addf %add3A_4361, %get3A_4372 : vector<16xf32>
      %get3A_4374 = arith.constant 47 : i32
      %get3A_4375 = arith.index_cast %get3A_4374 : i32 to index
      %get3A_4376 = arith.constant 0 : index
      %get3A_4377 = tpu.vector_load %arg9[%get3A_4375, %get3A_4376] {strides = array<i32>} : memref<100x32xf32, #tpu.memory_space<vmem>>, vector<1x16xf32>,
      %get3A_4378 = vector.shape_cast %get3A_4377 : vector<1x16xf32> to vector<16xf32>
      %add3A_4379 = arith.addf %add3A_4367, %get3A_4378 : vector<16xf32>
      %get3A_4380 = arith.constant 47 : i32
      %get3A_4381 = arith.index_cast %get3A_4380 : i32 to index
      %get3A_4382 = arith.constant 16 : index
      %get3A_4383 = tpu.vector_load %arg9[%get3A_4381, %get3A_4382] {strides = array<i32>} : memref<100x32xf32, #tpu.memory_space<vmem>>, vector<1x16xf32>,
      %get3A_4384 = vector.shape_cast %get3A_4383 : vector<1x16xf32> to vector<16xf32>
      %add3A_4385 = arith.addf %add3A_4373, %get3A_4384 : vector<16xf32>
      %get3A_4386 = arith.constant 48 : i32
      %get3A_4387 = arith.index_cast %get3A_4386 : i32 to index
      %get3A_4388 = arith.constant 0 : index
      %get3A_4389 = tpu.vector_load %arg9[%get3A_4387, %get3A_4388] {strides = array<i32>} : memref<100x32xf32, #tpu.memory_space<vmem>>, vector<1x16xf32>,
      %get3A_4390 = vector.shape_cast %get3A_4389 : vector<1x16xf32> to vector<16xf32>
      %add3A_4391 = arith.addf %add3A_4379, %get3A_4390 : vector<16xf32>
      %get3A_4392 = arith.constant 48 : i32
      %get3A_4393 = arith.index_cast %get3A_4392 : i32 to index
      %get3A_4394 = arith.constant 16 : index
      %get3A_4395 = tpu.vector_load %arg9[%get3A_4393, %get3A_4394] {strides = array<i32>} : memref<100x32xf32, #tpu.memory_space<vmem>>, vector<1x16xf32>,
      %get3A_4396 = vector.shape_cast %get3A_4395 : vector<1x16xf32> to vector<16xf32>
      %add3A_4397 = arith.addf %add3A_4385, %get3A_4396 : vector<16xf32>
      %get3A_4398 = arith.constant 49 : i32
      %get3A_4399 = arith.index_cast %get3A_4398 : i32 to index
      %get3A_4400 = arith.constant 0 : index
      %get3A_4401 = tpu.vector_load %arg9[%get3A_4399, %get3A_4400] {strides = array<i32>} : memref<100x32xf32, #tpu.memory_space<vmem>>, vector<1x16xf32>,
      %get3A_4402 = vector.shape_cast %get3A_4401 : vector<1x16xf32> to vector<16xf32>
      %add3A_4403 = arith.addf %add3A_4391, %get3A_4402 : vector<16xf32>
      %get3A_4404 = arith.constant 49 : i32
      %get3A_4405 = arith.index_cast %get3A_4404 : i32 to index
      %get3A_4406 = arith.constant 16 : index
      %get3A_4407 = tpu.vector_load %arg9[%get3A_4405, %get3A_4406] {strides = array<i32>} : memref<100x32xf32, #tpu.memory_space<vmem>>, vector<1x16xf32>,
      %get3A_4408 = vector.shape_cast %get3A_4407 : vector<1x16xf32> to vector<16xf32>
      %add3A_4409 = arith.addf %add3A_4397, %get3A_4408 : vector<16xf32>
      %add3A_4410 = arith.constant 0 : i32
      %add3A_4411 = arith.addi %mul3A_3811, %add3A_4410 : i32
      %swap3A_4412 = arith.index_cast %add3A_4411 : i32 to index
      %swap3A_4413 = arith.constant 0 : index
      %swap3A_4414 = tpu.vector_load %arg10[%swap3A_4412, %swap3A_4413] {strides = array<i32>} : memref<512x32xf32, #tpu.memory_space<vmem>>, vector<1x16xf32>,
      %swap3A_4415 = vector.shape_cast %swap3A_4414 : vector<1x16xf32> to vector<16xf32>
      %swap3A_4416 = vector.shape_cast %add3A_4403 : vector<16xf32> to vector<1x16xf32>
      tpu.vector_store %arg10[%swap3A_4412, %swap3A_4413], %swap3A_4416 {strides = array<i32>} : memref<512x32xf32, #tpu.memory_space<vmem>>, vector<1x16xf32>,
      %add3A_4417 = arith.constant 0 : i32
      %add3A_4418 = arith.addi %mul3A_3811, %add3A_4417 : i32
      %swap3A_4419 = arith.index_cast %add3A_4418 : i32 to index
      %swap3A_4420 = arith.constant 16 : index
      %swap3A_4421 = tpu.vector_load %arg10[%swap3A_4419, %swap3A_4420] {strides = array<i32>} : memref<512x32xf32, #tpu.memory_space<vmem>>, vector<1x16xf32>,
      %swap3A_4422 = vector.shape_cast %swap3A_4421 : vector<1x16xf32> to vector<16xf32>
      %swap3A_4423 = vector.shape_cast %add3A_4409 : vector<16xf32> to vector<1x16xf32>
      tpu.vector_store %arg10[%swap3A_4419, %swap3A_4420], %swap3A_4423 {strides = array<i32>} : memref<512x32xf32, #tpu.memory_space<vmem>>, vector<1x16xf32>,
      %get3A_4424 = arith.constant 50 : i32
      %get3A_4425 = arith.index_cast %get3A_4424 : i32 to index
      %get3A_4426 = arith.constant 0 : index
      %get3A_4427 = tpu.vector_load %arg9[%get3A_4425, %get3A_4426] {strides = array<i32>} : memref<100x32xf32, #tpu.memory_space<vmem>>, vector<1x16xf32>,
      %get3A_4428 = vector.shape_cast %get3A_4427 : vector<1x16xf32> to vector<16xf32>
      %get3A_4429 = arith.constant 50 : i32
      %get3A_4430 = arith.index_cast %get3A_4429 : i32 to index
      %get3A_4431 = arith.constant 16 : index
      %get3A_4432 = tpu.vector_load %arg9[%get3A_4430, %get3A_4431] {strides = array<i32>} : memref<100x32xf32, #tpu.memory_space<vmem>>, vector<1x16xf32>,
      %get3A_4433 = vector.shape_cast %get3A_4432 : vector<1x16xf32> to vector<16xf32>
      %get3A_4434 = arith.constant 51 : i32
      %get3A_4435 = arith.index_cast %get3A_4434 : i32 to index
      %get3A_4436 = arith.constant 0 : index
      %get3A_4437 = tpu.vector_load %arg9[%get3A_4435, %get3A_4436] {strides = array<i32>} : memref<100x32xf32, #tpu.memory_space<vmem>>, vector<1x16xf32>,
      %get3A_4438 = vector.shape_cast %get3A_4437 : vector<1x16xf32> to vector<16xf32>
      %add3A_4439 = arith.addf %get3A_4428, %get3A_4438 : vector<16xf32>
      %get3A_4440 = arith.constant 51 : i32
      %get3A_4441 = arith.index_cast %get3A_4440 : i32 to index
      %get3A_4442 = arith.constant 16 : index
      %get3A_4443 = tpu.vector_load %arg9[%get3A_4441, %get3A_4442] {strides = array<i32>} : memref<100x32xf32, #tpu.memory_space<vmem>>, vector<1x16xf32>,
      %get3A_4444 = vector.shape_cast %get3A_4443 : vector<1x16xf32> to vector<16xf32>
      %add3A_4445 = arith.addf %get3A_4433, %get3A_4444 : vector<16xf32>
      %get3A_4446 = arith.constant 52 : i32
      %get3A_4447 = arith.index_cast %get3A_4446 : i32 to index
      %get3A_4448 = arith.constant 0 : index
      %get3A_4449 = tpu.vector_load %arg9[%get3A_4447, %get3A_4448] {strides = array<i32>} : memref<100x32xf32, #tpu.memory_space<vmem>>, vector<1x16xf32>,
      %get3A_4450 = vector.shape_cast %get3A_4449 : vector<1x16xf32> to vector<16xf32>
      %add3A_4451 = arith.addf %add3A_4439, %get3A_4450 : vector<16xf32>
      %get3A_4452 = arith.constant 52 : i32
      %get3A_4453 = arith.index_cast %get3A_4452 : i32 to index
      %get3A_4454 = arith.constant 16 : index
      %get3A_4455 = tpu.vector_load %arg9[%get3A_4453, %get3A_4454] {strides = array<i32>} : memref<100x32xf32, #tpu.memory_space<vmem>>, vector<1x16xf32>,
      %get3A_4456 = vector.shape_cast %get3A_4455 : vector<1x16xf32> to vector<16xf32>
      %add3A_4457 = arith.addf %add3A_4445, %get3A_4456 : vector<16xf32>
      %get3A_4458 = arith.constant 53 : i32
      %get3A_4459 = arith.index_cast %get3A_4458 : i32 to index
      %get3A_4460 = arith.constant 0 : index
      %get3A_4461 = tpu.vector_load %arg9[%get3A_4459, %get3A_4460] {strides = array<i32>} : memref<100x32xf32, #tpu.memory_space<vmem>>, vector<1x16xf32>,
      %get3A_4462 = vector.shape_cast %get3A_4461 : vector<1x16xf32> to vector<16xf32>
      %add3A_4463 = arith.addf %add3A_4451, %get3A_4462 : vector<16xf32>
      %get3A_4464 = arith.constant 53 : i32
      %get3A_4465 = arith.index_cast %get3A_4464 : i32 to index
      %get3A_4466 = arith.constant 16 : index
      %get3A_4467 = tpu.vector_load %arg9[%get3A_4465, %get3A_4466] {strides = array<i32>} : memref<100x32xf32, #tpu.memory_space<vmem>>, vector<1x16xf32>,
      %get3A_4468 = vector.shape_cast %get3A_4467 : vector<1x16xf32> to vector<16xf32>
      %add3A_4469 = arith.addf %add3A_4457, %get3A_4468 : vector<16xf32>
      %get3A_4470 = arith.constant 54 : i32
      %get3A_4471 = arith.index_cast %get3A_4470 : i32 to index
      %get3A_4472 = arith.constant 0 : index
      %get3A_4473 = tpu.vector_load %arg9[%get3A_4471, %get3A_4472] {strides = array<i32>} : memref<100x32xf32, #tpu.memory_space<vmem>>, vector<1x16xf32>,
      %get3A_4474 = vector.shape_cast %get3A_4473 : vector<1x16xf32> to vector<16xf32>
      %add3A_4475 = arith.addf %add3A_4463, %get3A_4474 : vector<16xf32>
      %get3A_4476 = arith.constant 54 : i32
      %get3A_4477 = arith.index_cast %get3A_4476 : i32 to index
      %get3A_4478 = arith.constant 16 : index
      %get3A_4479 = tpu.vector_load %arg9[%get3A_4477, %get3A_4478] {strides = array<i32>} : memref<100x32xf32, #tpu.memory_space<vmem>>, vector<1x16xf32>,
      %get3A_4480 = vector.shape_cast %get3A_4479 : vector<1x16xf32> to vector<16xf32>
      %add3A_4481 = arith.addf %add3A_4469, %get3A_4480 : vector<16xf32>
      %get3A_4482 = arith.constant 55 : i32
      %get3A_4483 = arith.index_cast %get3A_4482 : i32 to index
      %get3A_4484 = arith.constant 0 : index
      %get3A_4485 = tpu.vector_load %arg9[%get3A_4483, %get3A_4484] {strides = array<i32>} : memref<100x32xf32, #tpu.memory_space<vmem>>, vector<1x16xf32>,
      %get3A_4486 = vector.shape_cast %get3A_4485 : vector<1x16xf32> to vector<16xf32>
      %add3A_4487 = arith.addf %add3A_4475, %get3A_4486 : vector<16xf32>
      %get3A_4488 = arith.constant 55 : i32
      %get3A_4489 = arith.index_cast %get3A_4488 : i32 to index
      %get3A_4490 = arith.constant 16 : index
      %get3A_4491 = tpu.vector_load %arg9[%get3A_4489, %get3A_4490] {strides = array<i32>} : memref<100x32xf32, #tpu.memory_space<vmem>>, vector<1x16xf32>,
      %get3A_4492 = vector.shape_cast %get3A_4491 : vector<1x16xf32> to vector<16xf32>
      %add3A_4493 = arith.addf %add3A_4481, %get3A_4492 : vector<16xf32>
      %get3A_4494 = arith.constant 56 : i32
      %get3A_4495 = arith.index_cast %get3A_4494 : i32 to index
      %get3A_4496 = arith.constant 0 : index
      %get3A_4497 = tpu.vector_load %arg9[%get3A_4495, %get3A_4496] {strides = array<i32>} : memref<100x32xf32, #tpu.memory_space<vmem>>, vector<1x16xf32>,
      %get3A_4498 = vector.shape_cast %get3A_4497 : vector<1x16xf32> to vector<16xf32>
      %add3A_4499 = arith.addf %add3A_4487, %get3A_4498 : vector<16xf32>
      %get3A_4500 = arith.constant 56 : i32
      %get3A_4501 = arith.index_cast %get3A_4500 : i32 to index
      %get3A_4502 = arith.constant 16 : index
      %get3A_4503 = tpu.vector_load %arg9[%get3A_4501, %get3A_4502] {strides = array<i32>} : memref<100x32xf32, #tpu.memory_space<vmem>>, vector<1x16xf32>,
      %get3A_4504 = vector.shape_cast %get3A_4503 : vector<1x16xf32> to vector<16xf32>
      %add3A_4505 = arith.addf %add3A_4493, %get3A_4504 : vector<16xf32>
      %get3A_4506 = arith.constant 57 : i32
      %get3A_4507 = arith.index_cast %get3A_4506 : i32 to index
      %get3A_4508 = arith.constant 0 : index
      %get3A_4509 = tpu.vector_load %arg9[%get3A_4507, %get3A_4508] {strides = array<i32>} : memref<100x32xf32, #tpu.memory_space<vmem>>, vector<1x16xf32>,
      %get3A_4510 = vector.shape_cast %get3A_4509 : vector<1x16xf32> to vector<16xf32>
      %add3A_4511 = arith.addf %add3A_4499, %get3A_4510 : vector<16xf32>
      %get3A_4512 = arith.constant 57 : i32
      %get3A_4513 = arith.index_cast %get3A_4512 : i32 to index
      %get3A_4514 = arith.constant 16 : index
      %get3A_4515 = tpu.vector_load %arg9[%get3A_4513, %get3A_4514] {strides = array<i32>} : memref<100x32xf32, #tpu.memory_space<vmem>>, vector<1x16xf32>,
      %get3A_4516 = vector.shape_cast %get3A_4515 : vector<1x16xf32> to vector<16xf32>
      %add3A_4517 = arith.addf %add3A_4505, %get3A_4516 : vector<16xf32>
      %get3A_4518 = arith.constant 58 : i32
      %get3A_4519 = arith.index_cast %get3A_4518 : i32 to index
      %get3A_4520 = arith.constant 0 : index
      %get3A_4521 = tpu.vector_load %arg9[%get3A_4519, %get3A_4520] {strides = array<i32>} : memref<100x32xf32, #tpu.memory_space<vmem>>, vector<1x16xf32>,
      %get3A_4522 = vector.shape_cast %get3A_4521 : vector<1x16xf32> to vector<16xf32>
      %add3A_4523 = arith.addf %add3A_4511, %get3A_4522 : vector<16xf32>
      %get3A_4524 = arith.constant 58 : i32
      %get3A_4525 = arith.index_cast %get3A_4524 : i32 to index
      %get3A_4526 = arith.constant 16 : index
      %get3A_4527 = tpu.vector_load %arg9[%get3A_4525, %get3A_4526] {strides = array<i32>} : memref<100x32xf32, #tpu.memory_space<vmem>>, vector<1x16xf32>,
      %get3A_4528 = vector.shape_cast %get3A_4527 : vector<1x16xf32> to vector<16xf32>
      %add3A_4529 = arith.addf %add3A_4517, %get3A_4528 : vector<16xf32>
      %get3A_4530 = arith.constant 59 : i32
      %get3A_4531 = arith.index_cast %get3A_4530 : i32 to index
      %get3A_4532 = arith.constant 0 : index
      %get3A_4533 = tpu.vector_load %arg9[%get3A_4531, %get3A_4532] {strides = array<i32>} : memref<100x32xf32, #tpu.memory_space<vmem>>, vector<1x16xf32>,
      %get3A_4534 = vector.shape_cast %get3A_4533 : vector<1x16xf32> to vector<16xf32>
      %add3A_4535 = arith.addf %add3A_4523, %get3A_4534 : vector<16xf32>
      %get3A_4536 = arith.constant 59 : i32
      %get3A_4537 = arith.index_cast %get3A_4536 : i32 to index
      %get3A_4538 = arith.constant 16 : index
      %get3A_4539 = tpu.vector_load %arg9[%get3A_4537, %get3A_4538] {strides = array<i32>} : memref<100x32xf32, #tpu.memory_space<vmem>>, vector<1x16xf32>,
      %get3A_4540 = vector.shape_cast %get3A_4539 : vector<1x16xf32> to vector<16xf32>
      %add3A_4541 = arith.addf %add3A_4529, %get3A_4540 : vector<16xf32>
      %get3A_4542 = arith.constant 60 : i32
      %get3A_4543 = arith.index_cast %get3A_4542 : i32 to index
      %get3A_4544 = arith.constant 0 : index
      %get3A_4545 = tpu.vector_load %arg9[%get3A_4543, %get3A_4544] {strides = array<i32>} : memref<100x32xf32, #tpu.memory_space<vmem>>, vector<1x16xf32>,
      %get3A_4546 = vector.shape_cast %get3A_4545 : vector<1x16xf32> to vector<16xf32>
      %add3A_4547 = arith.addf %add3A_4535, %get3A_4546 : vector<16xf32>
      %get3A_4548 = arith.constant 60 : i32
      %get3A_4549 = arith.index_cast %get3A_4548 : i32 to index
      %get3A_4550 = arith.constant 16 : index
      %get3A_4551 = tpu.vector_load %arg9[%get3A_4549, %get3A_4550] {strides = array<i32>} : memref<100x32xf32, #tpu.memory_space<vmem>>, vector<1x16xf32>,
      %get3A_4552 = vector.shape_cast %get3A_4551 : vector<1x16xf32> to vector<16xf32>
      %add3A_4553 = arith.addf %add3A_4541, %get3A_4552 : vector<16xf32>
      %get3A_4554 = arith.constant 61 : i32
      %get3A_4555 = arith.index_cast %get3A_4554 : i32 to index
      %get3A_4556 = arith.constant 0 : index
      %get3A_4557 = tpu.vector_load %arg9[%get3A_4555, %get3A_4556] {strides = array<i32>} : memref<100x32xf32, #tpu.memory_space<vmem>>, vector<1x16xf32>,
      %get3A_4558 = vector.shape_cast %get3A_4557 : vector<1x16xf32> to vector<16xf32>
      %add3A_4559 = arith.addf %add3A_4547, %get3A_4558 : vector<16xf32>
      %get3A_4560 = arith.constant 61 : i32
      %get3A_4561 = arith.index_cast %get3A_4560 : i32 to index
      %get3A_4562 = arith.constant 16 : index
      %get3A_4563 = tpu.vector_load %arg9[%get3A_4561, %get3A_4562] {strides = array<i32>} : memref<100x32xf32, #tpu.memory_space<vmem>>, vector<1x16xf32>,
      %get3A_4564 = vector.shape_cast %get3A_4563 : vector<1x16xf32> to vector<16xf32>
      %add3A_4565 = arith.addf %add3A_4553, %get3A_4564 : vector<16xf32>
      %get3A_4566 = arith.constant 62 : i32
      %get3A_4567 = arith.index_cast %get3A_4566 : i32 to index
      %get3A_4568 = arith.constant 0 : index
      %get3A_4569 = tpu.vector_load %arg9[%get3A_4567, %get3A_4568] {strides = array<i32>} : memref<100x32xf32, #tpu.memory_space<vmem>>, vector<1x16xf32>,
      %get3A_4570 = vector.shape_cast %get3A_4569 : vector<1x16xf32> to vector<16xf32>
      %add3A_4571 = arith.addf %add3A_4559, %get3A_4570 : vector<16xf32>
      %get3A_4572 = arith.constant 62 : i32
      %get3A_4573 = arith.index_cast %get3A_4572 : i32 to index
      %get3A_4574 = arith.constant 16 : index
      %get3A_4575 = tpu.vector_load %arg9[%get3A_4573, %get3A_4574] {strides = array<i32>} : memref<100x32xf32, #tpu.memory_space<vmem>>, vector<1x16xf32>,
      %get3A_4576 = vector.shape_cast %get3A_4575 : vector<1x16xf32> to vector<16xf32>
      %add3A_4577 = arith.addf %add3A_4565, %get3A_4576 : vector<16xf32>
      %get3A_4578 = arith.constant 63 : i32
      %get3A_4579 = arith.index_cast %get3A_4578 : i32 to index
      %get3A_4580 = arith.constant 0 : index
      %get3A_4581 = tpu.vector_load %arg9[%get3A_4579, %get3A_4580] {strides = array<i32>} : memref<100x32xf32, #tpu.memory_space<vmem>>, vector<1x16xf32>,
      %get3A_4582 = vector.shape_cast %get3A_4581 : vector<1x16xf32> to vector<16xf32>
      %add3A_4583 = arith.addf %add3A_4571, %get3A_4582 : vector<16xf32>
      %get3A_4584 = arith.constant 63 : i32
      %get3A_4585 = arith.index_cast %get3A_4584 : i32 to index
      %get3A_4586 = arith.constant 16 : index
      %get3A_4587 = tpu.vector_load %arg9[%get3A_4585, %get3A_4586] {strides = array<i32>} : memref<100x32xf32, #tpu.memory_space<vmem>>, vector<1x16xf32>,
      %get3A_4588 = vector.shape_cast %get3A_4587 : vector<1x16xf32> to vector<16xf32>
      %add3A_4589 = arith.addf %add3A_4577, %get3A_4588 : vector<16xf32>
      %get3A_4590 = arith.constant 64 : i32
      %get3A_4591 = arith.index_cast %get3A_4590 : i32 to index
      %get3A_4592 = arith.constant 0 : index
      %get3A_4593 = tpu.vector_load %arg9[%get3A_4591, %get3A_4592] {strides = array<i32>} : memref<100x32xf32, #tpu.memory_space<vmem>>, vector<1x16xf32>,
      %get3A_4594 = vector.shape_cast %get3A_4593 : vector<1x16xf32> to vector<16xf32>
      %add3A_4595 = arith.addf %add3A_4583, %get3A_4594 : vector<16xf32>
      %get3A_4596 = arith.constant 64 : i32
      %get3A_4597 = arith.index_cast %get3A_4596 : i32 to index
      %get3A_4598 = arith.constant 16 : index
      %get3A_4599 = tpu.vector_load %arg9[%get3A_4597, %get3A_4598] {strides = array<i32>} : memref<100x32xf32, #tpu.memory_space<vmem>>, vector<1x16xf32>,
      %get3A_4600 = vector.shape_cast %get3A_4599 : vector<1x16xf32> to vector<16xf32>
      %add3A_4601 = arith.addf %add3A_4589, %get3A_4600 : vector<16xf32>
      %get3A_4602 = arith.constant 65 : i32
      %get3A_4603 = arith.index_cast %get3A_4602 : i32 to index
      %get3A_4604 = arith.constant 0 : index
      %get3A_4605 = tpu.vector_load %arg9[%get3A_4603, %get3A_4604] {strides = array<i32>} : memref<100x32xf32, #tpu.memory_space<vmem>>, vector<1x16xf32>,
      %get3A_4606 = vector.shape_cast %get3A_4605 : vector<1x16xf32> to vector<16xf32>
      %add3A_4607 = arith.addf %add3A_4595, %get3A_4606 : vector<16xf32>
      %get3A_4608 = arith.constant 65 : i32
      %get3A_4609 = arith.index_cast %get3A_4608 : i32 to index
      %get3A_4610 = arith.constant 16 : index
      %get3A_4611 = tpu.vector_load %arg9[%get3A_4609, %get3A_4610] {strides = array<i32>} : memref<100x32xf32, #tpu.memory_space<vmem>>, vector<1x16xf32>,
      %get3A_4612 = vector.shape_cast %get3A_4611 : vector<1x16xf32> to vector<16xf32>
      %add3A_4613 = arith.addf %add3A_4601, %get3A_4612 : vector<16xf32>
      %get3A_4614 = arith.constant 66 : i32
      %get3A_4615 = arith.index_cast %get3A_4614 : i32 to index
      %get3A_4616 = arith.constant 0 : index
      %get3A_4617 = tpu.vector_load %arg9[%get3A_4615, %get3A_4616] {strides = array<i32>} : memref<100x32xf32, #tpu.memory_space<vmem>>, vector<1x16xf32>,
      %get3A_4618 = vector.shape_cast %get3A_4617 : vector<1x16xf32> to vector<16xf32>
      %add3A_4619 = arith.addf %add3A_4607, %get3A_4618 : vector<16xf32>
      %get3A_4620 = arith.constant 66 : i32
      %get3A_4621 = arith.index_cast %get3A_4620 : i32 to index
      %get3A_4622 = arith.constant 16 : index
      %get3A_4623 = tpu.vector_load %arg9[%get3A_4621, %get3A_4622] {strides = array<i32>} : memref<100x32xf32, #tpu.memory_space<vmem>>, vector<1x16xf32>,
      %get3A_4624 = vector.shape_cast %get3A_4623 : vector<1x16xf32> to vector<16xf32>
      %add3A_4625 = arith.addf %add3A_4613, %get3A_4624 : vector<16xf32>
      %get3A_4626 = arith.constant 67 : i32
      %get3A_4627 = arith.index_cast %get3A_4626 : i32 to index
      %get3A_4628 = arith.constant 0 : index
      %get3A_4629 = tpu.vector_load %arg9[%get3A_4627, %get3A_4628] {strides = array<i32>} : memref<100x32xf32, #tpu.memory_space<vmem>>, vector<1x16xf32>,
      %get3A_4630 = vector.shape_cast %get3A_4629 : vector<1x16xf32> to vector<16xf32>
      %add3A_4631 = arith.addf %add3A_4619, %get3A_4630 : vector<16xf32>
      %get3A_4632 = arith.constant 67 : i32
      %get3A_4633 = arith.index_cast %get3A_4632 : i32 to index
      %get3A_4634 = arith.constant 16 : index
      %get3A_4635 = tpu.vector_load %arg9[%get3A_4633, %get3A_4634] {strides = array<i32>} : memref<100x32xf32, #tpu.memory_space<vmem>>, vector<1x16xf32>,
      %get3A_4636 = vector.shape_cast %get3A_4635 : vector<1x16xf32> to vector<16xf32>
      %add3A_4637 = arith.addf %add3A_4625, %get3A_4636 : vector<16xf32>
      %get3A_4638 = arith.constant 68 : i32
      %get3A_4639 = arith.index_cast %get3A_4638 : i32 to index
      %get3A_4640 = arith.constant 0 : index
      %get3A_4641 = tpu.vector_load %arg9[%get3A_4639, %get3A_4640] {strides = array<i32>} : memref<100x32xf32, #tpu.memory_space<vmem>>, vector<1x16xf32>,
      %get3A_4642 = vector.shape_cast %get3A_4641 : vector<1x16xf32> to vector<16xf32>
      %add3A_4643 = arith.addf %add3A_4631, %get3A_4642 : vector<16xf32>
      %get3A_4644 = arith.constant 68 : i32
      %get3A_4645 = arith.index_cast %get3A_4644 : i32 to index
      %get3A_4646 = arith.constant 16 : index
      %get3A_4647 = tpu.vector_load %arg9[%get3A_4645, %get3A_4646] {strides = array<i32>} : memref<100x32xf32, #tpu.memory_space<vmem>>, vector<1x16xf32>,
      %get3A_4648 = vector.shape_cast %get3A_4647 : vector<1x16xf32> to vector<16xf32>
      %add3A_4649 = arith.addf %add3A_4637, %get3A_4648 : vector<16xf32>
      %get3A_4650 = arith.constant 69 : i32
      %get3A_4651 = arith.index_cast %get3A_4650 : i32 to index
      %get3A_4652 = arith.constant 0 : index
      %get3A_4653 = tpu.vector_load %arg9[%get3A_4651, %get3A_4652] {strides = array<i32>} : memref<100x32xf32, #tpu.memory_space<vmem>>, vector<1x16xf32>,
      %get3A_4654 = vector.shape_cast %get3A_4653 : vector<1x16xf32> to vector<16xf32>
      %add3A_4655 = arith.addf %add3A_4643, %get3A_4654 : vector<16xf32>
      %get3A_4656 = arith.constant 69 : i32
      %get3A_4657 = arith.index_cast %get3A_4656 : i32 to index
      %get3A_4658 = arith.constant 16 : index
      %get3A_4659 = tpu.vector_load %arg9[%get3A_4657, %get3A_4658] {strides = array<i32>} : memref<100x32xf32, #tpu.memory_space<vmem>>, vector<1x16xf32>,
      %get3A_4660 = vector.shape_cast %get3A_4659 : vector<1x16xf32> to vector<16xf32>
      %add3A_4661 = arith.addf %add3A_4649, %get3A_4660 : vector<16xf32>
      %get3A_4662 = arith.constant 70 : i32
      %get3A_4663 = arith.index_cast %get3A_4662 : i32 to index
      %get3A_4664 = arith.constant 0 : index
      %get3A_4665 = tpu.vector_load %arg9[%get3A_4663, %get3A_4664] {strides = array<i32>} : memref<100x32xf32, #tpu.memory_space<vmem>>, vector<1x16xf32>,
      %get3A_4666 = vector.shape_cast %get3A_4665 : vector<1x16xf32> to vector<16xf32>
      %add3A_4667 = arith.addf %add3A_4655, %get3A_4666 : vector<16xf32>
      %get3A_4668 = arith.constant 70 : i32
      %get3A_4669 = arith.index_cast %get3A_4668 : i32 to index
      %get3A_4670 = arith.constant 16 : index
      %get3A_4671 = tpu.vector_load %arg9[%get3A_4669, %get3A_4670] {strides = array<i32>} : memref<100x32xf32, #tpu.memory_space<vmem>>, vector<1x16xf32>,
      %get3A_4672 = vector.shape_cast %get3A_4671 : vector<1x16xf32> to vector<16xf32>
      %add3A_4673 = arith.addf %add3A_4661, %get3A_4672 : vector<16xf32>
      %get3A_4674 = arith.constant 71 : i32
      %get3A_4675 = arith.index_cast %get3A_4674 : i32 to index
      %get3A_4676 = arith.constant 0 : index
      %get3A_4677 = tpu.vector_load %arg9[%get3A_4675, %get3A_4676] {strides = array<i32>} : memref<100x32xf32, #tpu.memory_space<vmem>>, vector<1x16xf32>,
      %get3A_4678 = vector.shape_cast %get3A_4677 : vector<1x16xf32> to vector<16xf32>
      %add3A_4679 = arith.addf %add3A_4667, %get3A_4678 : vector<16xf32>
      %get3A_4680 = arith.constant 71 : i32
      %get3A_4681 = arith.index_cast %get3A_4680 : i32 to index
      %get3A_4682 = arith.constant 16 : index
      %get3A_4683 = tpu.vector_load %arg9[%get3A_4681, %get3A_4682] {strides = array<i32>} : memref<100x32xf32, #tpu.memory_space<vmem>>, vector<1x16xf32>,
      %get3A_4684 = vector.shape_cast %get3A_4683 : vector<1x16xf32> to vector<16xf32>
      %add3A_4685 = arith.addf %add3A_4673, %get3A_4684 : vector<16xf32>
      %get3A_4686 = arith.constant 72 : i32
      %get3A_4687 = arith.index_cast %get3A_4686 : i32 to index
      %get3A_4688 = arith.constant 0 : index
      %get3A_4689 = tpu.vector_load %arg9[%get3A_4687, %get3A_4688] {strides = array<i32>} : memref<100x32xf32, #tpu.memory_space<vmem>>, vector<1x16xf32>,
      %get3A_4690 = vector.shape_cast %get3A_4689 : vector<1x16xf32> to vector<16xf32>
      %add3A_4691 = arith.addf %add3A_4679, %get3A_4690 : vector<16xf32>
      %get3A_4692 = arith.constant 72 : i32
      %get3A_4693 = arith.index_cast %get3A_4692 : i32 to index
      %get3A_4694 = arith.constant 16 : index
      %get3A_4695 = tpu.vector_load %arg9[%get3A_4693, %get3A_4694] {strides = array<i32>} : memref<100x32xf32, #tpu.memory_space<vmem>>, vector<1x16xf32>,
      %get3A_4696 = vector.shape_cast %get3A_4695 : vector<1x16xf32> to vector<16xf32>
      %add3A_4697 = arith.addf %add3A_4685, %get3A_4696 : vector<16xf32>
      %get3A_4698 = arith.constant 73 : i32
      %get3A_4699 = arith.index_cast %get3A_4698 : i32 to index
      %get3A_4700 = arith.constant 0 : index
      %get3A_4701 = tpu.vector_load %arg9[%get3A_4699, %get3A_4700] {strides = array<i32>} : memref<100x32xf32, #tpu.memory_space<vmem>>, vector<1x16xf32>,
      %get3A_4702 = vector.shape_cast %get3A_4701 : vector<1x16xf32> to vector<16xf32>
      %add3A_4703 = arith.addf %add3A_4691, %get3A_4702 : vector<16xf32>
      %get3A_4704 = arith.constant 73 : i32
      %get3A_4705 = arith.index_cast %get3A_4704 : i32 to index
      %get3A_4706 = arith.constant 16 : index
      %get3A_4707 = tpu.vector_load %arg9[%get3A_4705, %get3A_4706] {strides = array<i32>} : memref<100x32xf32, #tpu.memory_space<vmem>>, vector<1x16xf32>,
      %get3A_4708 = vector.shape_cast %get3A_4707 : vector<1x16xf32> to vector<16xf32>
      %add3A_4709 = arith.addf %add3A_4697, %get3A_4708 : vector<16xf32>
      %get3A_4710 = arith.constant 74 : i32
      %get3A_4711 = arith.index_cast %get3A_4710 : i32 to index
      %get3A_4712 = arith.constant 0 : index
      %get3A_4713 = tpu.vector_load %arg9[%get3A_4711, %get3A_4712] {strides = array<i32>} : memref<100x32xf32, #tpu.memory_space<vmem>>, vector<1x16xf32>,
      %get3A_4714 = vector.shape_cast %get3A_4713 : vector<1x16xf32> to vector<16xf32>
      %add3A_4715 = arith.addf %add3A_4703, %get3A_4714 : vector<16xf32>
      %get3A_4716 = arith.constant 74 : i32
      %get3A_4717 = arith.index_cast %get3A_4716 : i32 to index
      %get3A_4718 = arith.constant 16 : index
      %get3A_4719 = tpu.vector_load %arg9[%get3A_4717, %get3A_4718] {strides = array<i32>} : memref<100x32xf32, #tpu.memory_space<vmem>>, vector<1x16xf32>,
      %get3A_4720 = vector.shape_cast %get3A_4719 : vector<1x16xf32> to vector<16xf32>
      %add3A_4721 = arith.addf %add3A_4709, %get3A_4720 : vector<16xf32>
      %get3A_4722 = arith.constant 75 : i32
      %get3A_4723 = arith.index_cast %get3A_4722 : i32 to index
      %get3A_4724 = arith.constant 0 : index
      %get3A_4725 = tpu.vector_load %arg9[%get3A_4723, %get3A_4724] {strides = array<i32>} : memref<100x32xf32, #tpu.memory_space<vmem>>, vector<1x16xf32>,
      %get3A_4726 = vector.shape_cast %get3A_4725 : vector<1x16xf32> to vector<16xf32>
      %add3A_4727 = arith.addf %add3A_4715, %get3A_4726 : vector<16xf32>
      %get3A_4728 = arith.constant 75 : i32
      %get3A_4729 = arith.index_cast %get3A_4728 : i32 to index
      %get3A_4730 = arith.constant 16 : index
      %get3A_4731 = tpu.vector_load %arg9[%get3A_4729, %get3A_4730] {strides = array<i32>} : memref<100x32xf32, #tpu.memory_space<vmem>>, vector<1x16xf32>,
      %get3A_4732 = vector.shape_cast %get3A_4731 : vector<1x16xf32> to vector<16xf32>
      %add3A_4733 = arith.addf %add3A_4721, %get3A_4732 : vector<16xf32>
      %get3A_4734 = arith.constant 76 : i32
      %get3A_4735 = arith.index_cast %get3A_4734 : i32 to index
      %get3A_4736 = arith.constant 0 : index
      %get3A_4737 = tpu.vector_load %arg9[%get3A_4735, %get3A_4736] {strides = array<i32>} : memref<100x32xf32, #tpu.memory_space<vmem>>, vector<1x16xf32>,
      %get3A_4738 = vector.shape_cast %get3A_4737 : vector<1x16xf32> to vector<16xf32>
      %add3A_4739 = arith.addf %add3A_4727, %get3A_4738 : vector<16xf32>
      %get3A_4740 = arith.constant 76 : i32
      %get3A_4741 = arith.index_cast %get3A_4740 : i32 to index
      %get3A_4742 = arith.constant 16 : index
      %get3A_4743 = tpu.vector_load %arg9[%get3A_4741, %get3A_4742] {strides = array<i32>} : memref<100x32xf32, #tpu.memory_space<vmem>>, vector<1x16xf32>,
      %get3A_4744 = vector.shape_cast %get3A_4743 : vector<1x16xf32> to vector<16xf32>
      %add3A_4745 = arith.addf %add3A_4733, %get3A_4744 : vector<16xf32>
      %get3A_4746 = arith.constant 77 : i32
      %get3A_4747 = arith.index_cast %get3A_4746 : i32 to index
      %get3A_4748 = arith.constant 0 : index
      %get3A_4749 = tpu.vector_load %arg9[%get3A_4747, %get3A_4748] {strides = array<i32>} : memref<100x32xf32, #tpu.memory_space<vmem>>, vector<1x16xf32>,
      %get3A_4750 = vector.shape_cast %get3A_4749 : vector<1x16xf32> to vector<16xf32>
      %add3A_4751 = arith.addf %add3A_4739, %get3A_4750 : vector<16xf32>
      %get3A_4752 = arith.constant 77 : i32
      %get3A_4753 = arith.index_cast %get3A_4752 : i32 to index
      %get3A_4754 = arith.constant 16 : index
      %get3A_4755 = tpu.vector_load %arg9[%get3A_4753, %get3A_4754] {strides = array<i32>} : memref<100x32xf32, #tpu.memory_space<vmem>>, vector<1x16xf32>,
      %get3A_4756 = vector.shape_cast %get3A_4755 : vector<1x16xf32> to vector<16xf32>
      %add3A_4757 = arith.addf %add3A_4745, %get3A_4756 : vector<16xf32>
      %get3A_4758 = arith.constant 78 : i32
      %get3A_4759 = arith.index_cast %get3A_4758 : i32 to index
      %get3A_4760 = arith.constant 0 : index
      %get3A_4761 = tpu.vector_load %arg9[%get3A_4759, %get3A_4760] {strides = array<i32>} : memref<100x32xf32, #tpu.memory_space<vmem>>, vector<1x16xf32>,
      %get3A_4762 = vector.shape_cast %get3A_4761 : vector<1x16xf32> to vector<16xf32>
      %add3A_4763 = arith.addf %add3A_4751, %get3A_4762 : vector<16xf32>
      %get3A_4764 = arith.constant 78 : i32
      %get3A_4765 = arith.index_cast %get3A_4764 : i32 to index
      %get3A_4766 = arith.constant 16 : index
      %get3A_4767 = tpu.vector_load %arg9[%get3A_4765, %get3A_4766] {strides = array<i32>} : memref<100x32xf32, #tpu.memory_space<vmem>>, vector<1x16xf32>,
      %get3A_4768 = vector.shape_cast %get3A_4767 : vector<1x16xf32> to vector<16xf32>
      %add3A_4769 = arith.addf %add3A_4757, %get3A_4768 : vector<16xf32>
      %get3A_4770 = arith.constant 79 : i32
      %get3A_4771 = arith.index_cast %get3A_4770 : i32 to index
      %get3A_4772 = arith.constant 0 : index
      %get3A_4773 = tpu.vector_load %arg9[%get3A_4771, %get3A_4772] {strides = array<i32>} : memref<100x32xf32, #tpu.memory_space<vmem>>, vector<1x16xf32>,
      %get3A_4774 = vector.shape_cast %get3A_4773 : vector<1x16xf32> to vector<16xf32>
      %add3A_4775 = arith.addf %add3A_4763, %get3A_4774 : vector<16xf32>
      %get3A_4776 = arith.constant 79 : i32
      %get3A_4777 = arith.index_cast %get3A_4776 : i32 to index
      %get3A_4778 = arith.constant 16 : index
      %get3A_4779 = tpu.vector_load %arg9[%get3A_4777, %get3A_4778] {strides = array<i32>} : memref<100x32xf32, #tpu.memory_space<vmem>>, vector<1x16xf32>,
      %get3A_4780 = vector.shape_cast %get3A_4779 : vector<1x16xf32> to vector<16xf32>
      %add3A_4781 = arith.addf %add3A_4769, %get3A_4780 : vector<16xf32>
      %get3A_4782 = arith.constant 80 : i32
      %get3A_4783 = arith.index_cast %get3A_4782 : i32 to index
      %get3A_4784 = arith.constant 0 : index
      %get3A_4785 = tpu.vector_load %arg9[%get3A_4783, %get3A_4784] {strides = array<i32>} : memref<100x32xf32, #tpu.memory_space<vmem>>, vector<1x16xf32>,
      %get3A_4786 = vector.shape_cast %get3A_4785 : vector<1x16xf32> to vector<16xf32>
      %add3A_4787 = arith.addf %add3A_4775, %get3A_4786 : vector<16xf32>
      %get3A_4788 = arith.constant 80 : i32
      %get3A_4789 = arith.index_cast %get3A_4788 : i32 to index
      %get3A_4790 = arith.constant 16 : index
      %get3A_4791 = tpu.vector_load %arg9[%get3A_4789, %get3A_4790] {strides = array<i32>} : memref<100x32xf32, #tpu.memory_space<vmem>>, vector<1x16xf32>,
      %get3A_4792 = vector.shape_cast %get3A_4791 : vector<1x16xf32> to vector<16xf32>
      %add3A_4793 = arith.addf %add3A_4781, %get3A_4792 : vector<16xf32>
      %get3A_4794 = arith.constant 81 : i32
      %get3A_4795 = arith.index_cast %get3A_4794 : i32 to index
      %get3A_4796 = arith.constant 0 : index
      %get3A_4797 = tpu.vector_load %arg9[%get3A_4795, %get3A_4796] {strides = array<i32>} : memref<100x32xf32, #tpu.memory_space<vmem>>, vector<1x16xf32>,
      %get3A_4798 = vector.shape_cast %get3A_4797 : vector<1x16xf32> to vector<16xf32>
      %add3A_4799 = arith.addf %add3A_4787, %get3A_4798 : vector<16xf32>
      %get3A_4800 = arith.constant 81 : i32
      %get3A_4801 = arith.index_cast %get3A_4800 : i32 to index
      %get3A_4802 = arith.constant 16 : index
      %get3A_4803 = tpu.vector_load %arg9[%get3A_4801, %get3A_4802] {strides = array<i32>} : memref<100x32xf32, #tpu.memory_space<vmem>>, vector<1x16xf32>,
      %get3A_4804 = vector.shape_cast %get3A_4803 : vector<1x16xf32> to vector<16xf32>
      %add3A_4805 = arith.addf %add3A_4793, %get3A_4804 : vector<16xf32>
      %get3A_4806 = arith.constant 82 : i32
      %get3A_4807 = arith.index_cast %get3A_4806 : i32 to index
      %get3A_4808 = arith.constant 0 : index
      %get3A_4809 = tpu.vector_load %arg9[%get3A_4807, %get3A_4808] {strides = array<i32>} : memref<100x32xf32, #tpu.memory_space<vmem>>, vector<1x16xf32>,
      %get3A_4810 = vector.shape_cast %get3A_4809 : vector<1x16xf32> to vector<16xf32>
      %add3A_4811 = arith.addf %add3A_4799, %get3A_4810 : vector<16xf32>
      %get3A_4812 = arith.constant 82 : i32
      %get3A_4813 = arith.index_cast %get3A_4812 : i32 to index
      %get3A_4814 = arith.constant 16 : index
      %get3A_4815 = tpu.vector_load %arg9[%get3A_4813, %get3A_4814] {strides = array<i32>} : memref<100x32xf32, #tpu.memory_space<vmem>>, vector<1x16xf32>,
      %get3A_4816 = vector.shape_cast %get3A_4815 : vector<1x16xf32> to vector<16xf32>
      %add3A_4817 = arith.addf %add3A_4805, %get3A_4816 : vector<16xf32>
      %get3A_4818 = arith.constant 83 : i32
      %get3A_4819 = arith.index_cast %get3A_4818 : i32 to index
      %get3A_4820 = arith.constant 0 : index
      %get3A_4821 = tpu.vector_load %arg9[%get3A_4819, %get3A_4820] {strides = array<i32>} : memref<100x32xf32, #tpu.memory_space<vmem>>, vector<1x16xf32>,
      %get3A_4822 = vector.shape_cast %get3A_4821 : vector<1x16xf32> to vector<16xf32>
      %add3A_4823 = arith.addf %add3A_4811, %get3A_4822 : vector<16xf32>
      %get3A_4824 = arith.constant 83 : i32
      %get3A_4825 = arith.index_cast %get3A_4824 : i32 to index
      %get3A_4826 = arith.constant 16 : index
      %get3A_4827 = tpu.vector_load %arg9[%get3A_4825, %get3A_4826] {strides = array<i32>} : memref<100x32xf32, #tpu.memory_space<vmem>>, vector<1x16xf32>,
      %get3A_4828 = vector.shape_cast %get3A_4827 : vector<1x16xf32> to vector<16xf32>
      %add3A_4829 = arith.addf %add3A_4817, %get3A_4828 : vector<16xf32>
      %get3A_4830 = arith.constant 84 : i32
      %get3A_4831 = arith.index_cast %get3A_4830 : i32 to index
      %get3A_4832 = arith.constant 0 : index
      %get3A_4833 = tpu.vector_load %arg9[%get3A_4831, %get3A_4832] {strides = array<i32>} : memref<100x32xf32, #tpu.memory_space<vmem>>, vector<1x16xf32>,
      %get3A_4834 = vector.shape_cast %get3A_4833 : vector<1x16xf32> to vector<16xf32>
      %add3A_4835 = arith.addf %add3A_4823, %get3A_4834 : vector<16xf32>
      %get3A_4836 = arith.constant 84 : i32
      %get3A_4837 = arith.index_cast %get3A_4836 : i32 to index
      %get3A_4838 = arith.constant 16 : index
      %get3A_4839 = tpu.vector_load %arg9[%get3A_4837, %get3A_4838] {strides = array<i32>} : memref<100x32xf32, #tpu.memory_space<vmem>>, vector<1x16xf32>,
      %get3A_4840 = vector.shape_cast %get3A_4839 : vector<1x16xf32> to vector<16xf32>
      %add3A_4841 = arith.addf %add3A_4829, %get3A_4840 : vector<16xf32>
      %get3A_4842 = arith.constant 85 : i32
      %get3A_4843 = arith.index_cast %get3A_4842 : i32 to index
      %get3A_4844 = arith.constant 0 : index
      %get3A_4845 = tpu.vector_load %arg9[%get3A_4843, %get3A_4844] {strides = array<i32>} : memref<100x32xf32, #tpu.memory_space<vmem>>, vector<1x16xf32>,
      %get3A_4846 = vector.shape_cast %get3A_4845 : vector<1x16xf32> to vector<16xf32>
      %add3A_4847 = arith.addf %add3A_4835, %get3A_4846 : vector<16xf32>
      %get3A_4848 = arith.constant 85 : i32
      %get3A_4849 = arith.index_cast %get3A_4848 : i32 to index
      %get3A_4850 = arith.constant 16 : index
      %get3A_4851 = tpu.vector_load %arg9[%get3A_4849, %get3A_4850] {strides = array<i32>} : memref<100x32xf32, #tpu.memory_space<vmem>>, vector<1x16xf32>,
      %get3A_4852 = vector.shape_cast %get3A_4851 : vector<1x16xf32> to vector<16xf32>
      %add3A_4853 = arith.addf %add3A_4841, %get3A_4852 : vector<16xf32>
      %get3A_4854 = arith.constant 86 : i32
      %get3A_4855 = arith.index_cast %get3A_4854 : i32 to index
      %get3A_4856 = arith.constant 0 : index
      %get3A_4857 = tpu.vector_load %arg9[%get3A_4855, %get3A_4856] {strides = array<i32>} : memref<100x32xf32, #tpu.memory_space<vmem>>, vector<1x16xf32>,
      %get3A_4858 = vector.shape_cast %get3A_4857 : vector<1x16xf32> to vector<16xf32>
      %add3A_4859 = arith.addf %add3A_4847, %get3A_4858 : vector<16xf32>
      %get3A_4860 = arith.constant 86 : i32
      %get3A_4861 = arith.index_cast %get3A_4860 : i32 to index
      %get3A_4862 = arith.constant 16 : index
      %get3A_4863 = tpu.vector_load %arg9[%get3A_4861, %get3A_4862] {strides = array<i32>} : memref<100x32xf32, #tpu.memory_space<vmem>>, vector<1x16xf32>,
      %get3A_4864 = vector.shape_cast %get3A_4863 : vector<1x16xf32> to vector<16xf32>
      %add3A_4865 = arith.addf %add3A_4853, %get3A_4864 : vector<16xf32>
      %get3A_4866 = arith.constant 87 : i32
      %get3A_4867 = arith.index_cast %get3A_4866 : i32 to index
      %get3A_4868 = arith.constant 0 : index
      %get3A_4869 = tpu.vector_load %arg9[%get3A_4867, %get3A_4868] {strides = array<i32>} : memref<100x32xf32, #tpu.memory_space<vmem>>, vector<1x16xf32>,
      %get3A_4870 = vector.shape_cast %get3A_4869 : vector<1x16xf32> to vector<16xf32>
      %add3A_4871 = arith.addf %add3A_4859, %get3A_4870 : vector<16xf32>
      %get3A_4872 = arith.constant 87 : i32
      %get3A_4873 = arith.index_cast %get3A_4872 : i32 to index
      %get3A_4874 = arith.constant 16 : index
      %get3A_4875 = tpu.vector_load %arg9[%get3A_4873, %get3A_4874] {strides = array<i32>} : memref<100x32xf32, #tpu.memory_space<vmem>>, vector<1x16xf32>,
      %get3A_4876 = vector.shape_cast %get3A_4875 : vector<1x16xf32> to vector<16xf32>
      %add3A_4877 = arith.addf %add3A_4865, %get3A_4876 : vector<16xf32>
      %get3A_4878 = arith.constant 88 : i32
      %get3A_4879 = arith.index_cast %get3A_4878 : i32 to index
      %get3A_4880 = arith.constant 0 : index
      %get3A_4881 = tpu.vector_load %arg9[%get3A_4879, %get3A_4880] {strides = array<i32>} : memref<100x32xf32, #tpu.memory_space<vmem>>, vector<1x16xf32>,
      %get3A_4882 = vector.shape_cast %get3A_4881 : vector<1x16xf32> to vector<16xf32>
      %add3A_4883 = arith.addf %add3A_4871, %get3A_4882 : vector<16xf32>
      %get3A_4884 = arith.constant 88 : i32
      %get3A_4885 = arith.index_cast %get3A_4884 : i32 to index
      %get3A_4886 = arith.constant 16 : index
      %get3A_4887 = tpu.vector_load %arg9[%get3A_4885, %get3A_4886] {strides = array<i32>} : memref<100x32xf32, #tpu.memory_space<vmem>>, vector<1x16xf32>,
      %get3A_4888 = vector.shape_cast %get3A_4887 : vector<1x16xf32> to vector<16xf32>
      %add3A_4889 = arith.addf %add3A_4877, %get3A_4888 : vector<16xf32>
      %get3A_4890 = arith.constant 89 : i32
      %get3A_4891 = arith.index_cast %get3A_4890 : i32 to index
      %get3A_4892 = arith.constant 0 : index
      %get3A_4893 = tpu.vector_load %arg9[%get3A_4891, %get3A_4892] {strides = array<i32>} : memref<100x32xf32, #tpu.memory_space<vmem>>, vector<1x16xf32>,
      %get3A_4894 = vector.shape_cast %get3A_4893 : vector<1x16xf32> to vector<16xf32>
      %add3A_4895 = arith.addf %add3A_4883, %get3A_4894 : vector<16xf32>
      %get3A_4896 = arith.constant 89 : i32
      %get3A_4897 = arith.index_cast %get3A_4896 : i32 to index
      %get3A_4898 = arith.constant 16 : index
      %get3A_4899 = tpu.vector_load %arg9[%get3A_4897, %get3A_4898] {strides = array<i32>} : memref<100x32xf32, #tpu.memory_space<vmem>>, vector<1x16xf32>,
      %get3A_4900 = vector.shape_cast %get3A_4899 : vector<1x16xf32> to vector<16xf32>
      %add3A_4901 = arith.addf %add3A_4889, %get3A_4900 : vector<16xf32>
      %get3A_4902 = arith.constant 90 : i32
      %get3A_4903 = arith.index_cast %get3A_4902 : i32 to index
      %get3A_4904 = arith.constant 0 : index
      %get3A_4905 = tpu.vector_load %arg9[%get3A_4903, %get3A_4904] {strides = array<i32>} : memref<100x32xf32, #tpu.memory_space<vmem>>, vector<1x16xf32>,
      %get3A_4906 = vector.shape_cast %get3A_4905 : vector<1x16xf32> to vector<16xf32>
      %add3A_4907 = arith.addf %add3A_4895, %get3A_4906 : vector<16xf32>
      %get3A_4908 = arith.constant 90 : i32
      %get3A_4909 = arith.index_cast %get3A_4908 : i32 to index
      %get3A_4910 = arith.constant 16 : index
      %get3A_4911 = tpu.vector_load %arg9[%get3A_4909, %get3A_4910] {strides = array<i32>} : memref<100x32xf32, #tpu.memory_space<vmem>>, vector<1x16xf32>,
      %get3A_4912 = vector.shape_cast %get3A_4911 : vector<1x16xf32> to vector<16xf32>
      %add3A_4913 = arith.addf %add3A_4901, %get3A_4912 : vector<16xf32>
      %get3A_4914 = arith.constant 91 : i32
      %get3A_4915 = arith.index_cast %get3A_4914 : i32 to index
      %get3A_4916 = arith.constant 0 : index
      %get3A_4917 = tpu.vector_load %arg9[%get3A_4915, %get3A_4916] {strides = array<i32>} : memref<100x32xf32, #tpu.memory_space<vmem>>, vector<1x16xf32>,
      %get3A_4918 = vector.shape_cast %get3A_4917 : vector<1x16xf32> to vector<16xf32>
      %add3A_4919 = arith.addf %add3A_4907, %get3A_4918 : vector<16xf32>
      %get3A_4920 = arith.constant 91 : i32
      %get3A_4921 = arith.index_cast %get3A_4920 : i32 to index
      %get3A_4922 = arith.constant 16 : index
      %get3A_4923 = tpu.vector_load %arg9[%get3A_4921, %get3A_4922] {strides = array<i32>} : memref<100x32xf32, #tpu.memory_space<vmem>>, vector<1x16xf32>,
      %get3A_4924 = vector.shape_cast %get3A_4923 : vector<1x16xf32> to vector<16xf32>
      %add3A_4925 = arith.addf %add3A_4913, %get3A_4924 : vector<16xf32>
      %get3A_4926 = arith.constant 92 : i32
      %get3A_4927 = arith.index_cast %get3A_4926 : i32 to index
      %get3A_4928 = arith.constant 0 : index
      %get3A_4929 = tpu.vector_load %arg9[%get3A_4927, %get3A_4928] {strides = array<i32>} : memref<100x32xf32, #tpu.memory_space<vmem>>, vector<1x16xf32>,
      %get3A_4930 = vector.shape_cast %get3A_4929 : vector<1x16xf32> to vector<16xf32>
      %add3A_4931 = arith.addf %add3A_4919, %get3A_4930 : vector<16xf32>
      %get3A_4932 = arith.constant 92 : i32
      %get3A_4933 = arith.index_cast %get3A_4932 : i32 to index
      %get3A_4934 = arith.constant 16 : index
      %get3A_4935 = tpu.vector_load %arg9[%get3A_4933, %get3A_4934] {strides = array<i32>} : memref<100x32xf32, #tpu.memory_space<vmem>>, vector<1x16xf32>,
      %get3A_4936 = vector.shape_cast %get3A_4935 : vector<1x16xf32> to vector<16xf32>
      %add3A_4937 = arith.addf %add3A_4925, %get3A_4936 : vector<16xf32>
      %get3A_4938 = arith.constant 93 : i32
      %get3A_4939 = arith.index_cast %get3A_4938 : i32 to index
      %get3A_4940 = arith.constant 0 : index
      %get3A_4941 = tpu.vector_load %arg9[%get3A_4939, %get3A_4940] {strides = array<i32>} : memref<100x32xf32, #tpu.memory_space<vmem>>, vector<1x16xf32>,
      %get3A_4942 = vector.shape_cast %get3A_4941 : vector<1x16xf32> to vector<16xf32>
      %add3A_4943 = arith.addf %add3A_4931, %get3A_4942 : vector<16xf32>
      %get3A_4944 = arith.constant 93 : i32
      %get3A_4945 = arith.index_cast %get3A_4944 : i32 to index
      %get3A_4946 = arith.constant 16 : index
      %get3A_4947 = tpu.vector_load %arg9[%get3A_4945, %get3A_4946] {strides = array<i32>} : memref<100x32xf32, #tpu.memory_space<vmem>>, vector<1x16xf32>,
      %get3A_4948 = vector.shape_cast %get3A_4947 : vector<1x16xf32> to vector<16xf32>
      %add3A_4949 = arith.addf %add3A_4937, %get3A_4948 : vector<16xf32>
      %get3A_4950 = arith.constant 94 : i32
      %get3A_4951 = arith.index_cast %get3A_4950 : i32 to index
      %get3A_4952 = arith.constant 0 : index
      %get3A_4953 = tpu.vector_load %arg9[%get3A_4951, %get3A_4952] {strides = array<i32>} : memref<100x32xf32, #tpu.memory_space<vmem>>, vector<1x16xf32>,
      %get3A_4954 = vector.shape_cast %get3A_4953 : vector<1x16xf32> to vector<16xf32>
      %add3A_4955 = arith.addf %add3A_4943, %get3A_4954 : vector<16xf32>
      %get3A_4956 = arith.constant 94 : i32
      %get3A_4957 = arith.index_cast %get3A_4956 : i32 to index
      %get3A_4958 = arith.constant 16 : index
      %get3A_4959 = tpu.vector_load %arg9[%get3A_4957, %get3A_4958] {strides = array<i32>} : memref<100x32xf32, #tpu.memory_space<vmem>>, vector<1x16xf32>,
      %get3A_4960 = vector.shape_cast %get3A_4959 : vector<1x16xf32> to vector<16xf32>
      %add3A_4961 = arith.addf %add3A_4949, %get3A_4960 : vector<16xf32>
      %get3A_4962 = arith.constant 95 : i32
      %get3A_4963 = arith.index_cast %get3A_4962 : i32 to index
      %get3A_4964 = arith.constant 0 : index
      %get3A_4965 = tpu.vector_load %arg9[%get3A_4963, %get3A_4964] {strides = array<i32>} : memref<100x32xf32, #tpu.memory_space<vmem>>, vector<1x16xf32>,
      %get3A_4966 = vector.shape_cast %get3A_4965 : vector<1x16xf32> to vector<16xf32>
      %add3A_4967 = arith.addf %add3A_4955, %get3A_4966 : vector<16xf32>
      %get3A_4968 = arith.constant 95 : i32
      %get3A_4969 = arith.index_cast %get3A_4968 : i32 to index
      %get3A_4970 = arith.constant 16 : index
      %get3A_4971 = tpu.vector_load %arg9[%get3A_4969, %get3A_4970] {strides = array<i32>} : memref<100x32xf32, #tpu.memory_space<vmem>>, vector<1x16xf32>,
      %get3A_4972 = vector.shape_cast %get3A_4971 : vector<1x16xf32> to vector<16xf32>
      %add3A_4973 = arith.addf %add3A_4961, %get3A_4972 : vector<16xf32>
      %get3A_4974 = arith.constant 96 : i32
      %get3A_4975 = arith.index_cast %get3A_4974 : i32 to index
      %get3A_4976 = arith.constant 0 : index
      %get3A_4977 = tpu.vector_load %arg9[%get3A_4975, %get3A_4976] {strides = array<i32>} : memref<100x32xf32, #tpu.memory_space<vmem>>, vector<1x16xf32>,
      %get3A_4978 = vector.shape_cast %get3A_4977 : vector<1x16xf32> to vector<16xf32>
      %add3A_4979 = arith.addf %add3A_4967, %get3A_4978 : vector<16xf32>
      %get3A_4980 = arith.constant 96 : i32
      %get3A_4981 = arith.index_cast %get3A_4980 : i32 to index
      %get3A_4982 = arith.constant 16 : index
      %get3A_4983 = tpu.vector_load %arg9[%get3A_4981, %get3A_4982] {strides = array<i32>} : memref<100x32xf32, #tpu.memory_space<vmem>>, vector<1x16xf32>,
      %get3A_4984 = vector.shape_cast %get3A_4983 : vector<1x16xf32> to vector<16xf32>
      %add3A_4985 = arith.addf %add3A_4973, %get3A_4984 : vector<16xf32>
      %get3A_4986 = arith.constant 97 : i32
      %get3A_4987 = arith.index_cast %get3A_4986 : i32 to index
      %get3A_4988 = arith.constant 0 : index
      %get3A_4989 = tpu.vector_load %arg9[%get3A_4987, %get3A_4988] {strides = array<i32>} : memref<100x32xf32, #tpu.memory_space<vmem>>, vector<1x16xf32>,
      %get3A_4990 = vector.shape_cast %get3A_4989 : vector<1x16xf32> to vector<16xf32>
      %add3A_4991 = arith.addf %add3A_4979, %get3A_4990 : vector<16xf32>
      %get3A_4992 = arith.constant 97 : i32
      %get3A_4993 = arith.index_cast %get3A_4992 : i32 to index
      %get3A_4994 = arith.constant 16 : index
      %get3A_4995 = tpu.vector_load %arg9[%get3A_4993, %get3A_4994] {strides = array<i32>} : memref<100x32xf32, #tpu.memory_space<vmem>>, vector<1x16xf32>,
      %get3A_4996 = vector.shape_cast %get3A_4995 : vector<1x16xf32> to vector<16xf32>
      %add3A_4997 = arith.addf %add3A_4985, %get3A_4996 : vector<16xf32>
      %get3A_4998 = arith.constant 98 : i32
      %get3A_4999 = arith.index_cast %get3A_4998 : i32 to index
      %get3A_5000 = arith.constant 0 : index
      %get3A_5001 = tpu.vector_load %arg9[%get3A_4999, %get3A_5000] {strides = array<i32>} : memref<100x32xf32, #tpu.memory_space<vmem>>, vector<1x16xf32>,
      %get3A_5002 = vector.shape_cast %get3A_5001 : vector<1x16xf32> to vector<16xf32>
      %add3A_5003 = arith.addf %add3A_4991, %get3A_5002 : vector<16xf32>
      %get3A_5004 = arith.constant 98 : i32
      %get3A_5005 = arith.index_cast %get3A_5004 : i32 to index
      %get3A_5006 = arith.constant 16 : index
      %get3A_5007 = tpu.vector_load %arg9[%get3A_5005, %get3A_5006] {strides = array<i32>} : memref<100x32xf32, #tpu.memory_space<vmem>>, vector<1x16xf32>,
      %get3A_5008 = vector.shape_cast %get3A_5007 : vector<1x16xf32> to vector<16xf32>
      %add3A_5009 = arith.addf %add3A_4997, %get3A_5008 : vector<16xf32>
      %get3A_5010 = arith.constant 99 : i32
      %get3A_5011 = arith.index_cast %get3A_5010 : i32 to index
      %get3A_5012 = arith.constant 0 : index
      %get3A_5013 = tpu.vector_load %arg9[%get3A_5011, %get3A_5012] {strides = array<i32>} : memref<100x32xf32, #tpu.memory_space<vmem>>, vector<1x16xf32>,
      %get3A_5014 = vector.shape_cast %get3A_5013 : vector<1x16xf32> to vector<16xf32>
      %add3A_5015 = arith.addf %add3A_5003, %get3A_5014 : vector<16xf32>
      %get3A_5016 = arith.constant 99 : i32
      %get3A_5017 = arith.index_cast %get3A_5016 : i32 to index
      %get3A_5018 = arith.constant 16 : index
      %get3A_5019 = tpu.vector_load %arg9[%get3A_5017, %get3A_5018] {strides = array<i32>} : memref<100x32xf32, #tpu.memory_space<vmem>>, vector<1x16xf32>,
      %get3A_5020 = vector.shape_cast %get3A_5019 : vector<1x16xf32> to vector<16xf32>
      %add3A_5021 = arith.addf %add3A_5009, %get3A_5020 : vector<16xf32>
      %add3A_5022 = arith.constant 1 : i32
      %add3A_5023 = arith.addi %mul3A_3811, %add3A_5022 : i32
      %swap3A_5024 = arith.index_cast %add3A_5023 : i32 to index
      %swap3A_5025 = arith.constant 0 : index
      %swap3A_5026 = tpu.vector_load %arg10[%swap3A_5024, %swap3A_5025] {strides = array<i32>} : memref<512x32xf32, #tpu.memory_space<vmem>>, vector<1x16xf32>,
      %swap3A_5027 = vector.shape_cast %swap3A_5026 : vector<1x16xf32> to vector<16xf32>
      %swap3A_5028 = vector.shape_cast %add3A_5015 : vector<16xf32> to vector<1x16xf32>
      tpu.vector_store %arg10[%swap3A_5024, %swap3A_5025], %swap3A_5028 {strides = array<i32>} : memref<512x32xf32, #tpu.memory_space<vmem>>, vector<1x16xf32>,
      %add3A_5029 = arith.constant 1 : i32
      %add3A_5030 = arith.addi %mul3A_3811, %add3A_5029 : i32
      %swap3A_5031 = arith.index_cast %add3A_5030 : i32 to index
      %swap3A_5032 = arith.constant 16 : index
      %swap3A_5033 = tpu.vector_load %arg10[%swap3A_5031, %swap3A_5032] {strides = array<i32>} : memref<512x32xf32, #tpu.memory_space<vmem>>, vector<1x16xf32>,
      %swap3A_5034 = vector.shape_cast %swap3A_5033 : vector<1x16xf32> to vector<16xf32>
      %swap3A_5035 = vector.shape_cast %add3A_5021 : vector<16xf32> to vector<1x16xf32>
      tpu.vector_store %arg10[%swap3A_5031, %swap3A_5032], %swap3A_5035 {strides = array<i32>} : memref<512x32xf32, #tpu.memory_space<vmem>>, vector<1x16xf32>,
      %eq3A = arith.constant 6 : i32
      %eq3A_5036 = arith.cmpi eq, %scan3A_56, %eq3A : i32
      %convert_element_type3A_5037 = arith.extui %eq3A_5036 : i1 to i32
      %cond3A_5038 = arith.constant 0 : i32
      %cond3A_5039 = arith.cmpi ne, %convert_element_type3A_5037, %cond3A_5038 : i32
      scf.if %cond3A_5039 {
        %dma_wait3A_5046 = arith.constant 32 : i32
        %dma_wait3A_5047 = arith.constant 0 : i32
        %dma_wait3A_5048 = tpu.memref_slice %arg5[%dma_wait3A_5046, %dma_wait3A_5047] : memref<256x100xi32, #tpu.memory_space<vmem>> -> memref<224x100xi32, #tpu.memory_space<vmem>>
        %dma_wait3A_5049 = arith.constant 32 : i32
        %dma_wait3A_5050 = arith.constant 0 : i32
        %dma_wait3A_5051 = tpu.memref_slice %arg2[%add3A, %dma_wait3A_5049, %dma_wait3A_5050] : memref<32x256x100xi32, #tpu.memory_space<hbm>> -> memref<1x224x100xi32, #tpu.memory_space<hbm>>
        %dma_wait3A_5052 = tpu.memref_squeeze %dma_wait3A_5051 : memref<1x224x100xi32, #tpu.memory_space<hbm>> -> memref<224x100xi32, #tpu.memory_space<hbm>>
        %dma_wait3A_5053 = arith.constant 32 : i32
        %dma_wait3A_5054 = arith.constant 0 : i32
        %dma_wait3A_5055 = tpu.memref_slice %arg5[%dma_wait3A_5053, %dma_wait3A_5054] : memref<256x100xi32, #tpu.memory_space<vmem>> -> memref<224x100xi32, #tpu.memory_space<vmem>>
        %dma_wait3A_5056 = arith.constant 32 : i32
        %dma_wait3A_5057 = arith.constant 0 : i32
        %dma_wait3A_5058 = tpu.memref_slice %arg2[%add3A, %dma_wait3A_5056, %dma_wait3A_5057] : memref<32x256x100xi32, #tpu.memory_space<hbm>> -> memref<1x224x100xi32, #tpu.memory_space<hbm>>
        %dma_wait3A_5059 = tpu.memref_squeeze %dma_wait3A_5058 : memref<1x224x100xi32, #tpu.memory_space<hbm>> -> memref<224x100xi32, #tpu.memory_space<hbm>>
        tpu.wait_dma2 semaphore(%arg15 : memref<!tpu.dma_semaphore, #tpu.memory_space<semaphore_mem>>) src(%dma_wait3A_5059 : memref<224x100xi32, #tpu.memory_space<hbm>>) dst(%dma_wait3A_5055 : memref<224x100xi32, #tpu.memory_space<vmem>>)
      } else {
      }
      %eq3A_5040 = arith.constant 32 : i32
      %eq3A_5041 = arith.cmpi eq, %scan3A_56, %eq3A_5040 : i32
      %convert_element_type3A_5042 = arith.extui %eq3A_5041 : i1 to i32
      %cond3A_5043 = arith.constant 0 : i32
      %cond3A_5044 = arith.cmpi ne, %convert_element_type3A_5042, %cond3A_5043 : i32
      scf.if %cond3A_5044 {
        %mul3A_5046 = arith.constant 512 : i32
        %mul3A_5047 = arith.muli %add3A, %mul3A_5046 : i32
        %dma_start3A_5048 = arith.constant 0 : i32
        %dma_start3A_5049 = arith.constant 0 : i32
        %dma_start3A_5050 = tpu.memref_slice %arg10[%dma_start3A_5048, %dma_start3A_5049] : memref<512x32xf32, #tpu.memory_space<vmem>> -> memref<256x32xf32, #tpu.memory_space<vmem>>
        %dma_start3A_5051 = arith.constant 0 : i32
        %dma_start3A_5052 = tpu.memref_slice %arg4[%mul3A_5047, %dma_start3A_5051] : memref<16384x32xf32, #tpu.memory_space<hbm>> -> memref<256x32xf32, #tpu.memory_space<hbm>>
        %dma_start3A_5053 = arith.constant 0 : i32
        %dma_start3A_5054 = tpu.memref_slice %arg4[%mul3A_5047, %dma_start3A_5053] : memref<16384x32xf32, #tpu.memory_space<hbm>> -> memref<256x32xf32, #tpu.memory_space<hbm>>
        %dma_start3A_5055 = arith.constant 0 : i32
        %dma_start3A_5056 = arith.constant 0 : i32
        %dma_start3A_5057 = tpu.memref_slice %arg10[%dma_start3A_5055, %dma_start3A_5056] : memref<512x32xf32, #tpu.memory_space<vmem>> -> memref<256x32xf32, #tpu.memory_space<vmem>>
        tpu.enqueue_dma source(%dma_start3A_5057 : memref<256x32xf32, #tpu.memory_space<vmem>>) target(%dma_start3A_5054 : memref<256x32xf32, #tpu.memory_space<hbm>>) target_semaphore(%arg16 : memref<!tpu.dma_semaphore, #tpu.memory_space<semaphore_mem>>)
      } else {
      }
      %scan3A_5045 = arith.constant 0 : i32
      scf.yield %scan3A_5045 : i32
    }
    %scan3A_40 = arith.constant 64 : i32
    %mul3A_41 = arith.constant 512 : i32
    %mul3A_42 = arith.muli %add3A, %mul3A_41 : i32
    %add3A_43 = arith.constant 256 : i32
    %add3A_44 = arith.addi %mul3A_42, %add3A_43 : i32
    "tpu.region"() ({
      %run_scoped3A = tpu.sem_alloc : memref<!tpu.dma_semaphore, #tpu.memory_space<semaphore_mem>>
      %dma_start3A_56 = arith.constant 256 : i32
      %dma_start3A_57 = arith.constant 0 : i32
      %dma_start3A_58 = tpu.memref_slice %arg10[%dma_start3A_56, %dma_start3A_57] : memref<512x32xf32, #tpu.memory_space<vmem>> -> memref<256x32xf32, #tpu.memory_space<vmem>>
      %dma_start3A_59 = arith.constant 0 : i32
      %dma_start3A_60 = tpu.memref_slice %arg4[%add3A_44, %dma_start3A_59] : memref<16384x32xf32, #tpu.memory_space<hbm>> -> memref<256x32xf32, #tpu.memory_space<hbm>>
      %dma_start3A_61 = arith.constant 0 : i32
      %dma_start3A_62 = tpu.memref_slice %arg4[%add3A_44, %dma_start3A_61] : memref<16384x32xf32, #tpu.memory_space<hbm>> -> memref<256x32xf32, #tpu.memory_space<hbm>>
      %dma_start3A_63 = arith.constant 256 : i32
      %dma_start3A_64 = arith.constant 0 : i32
      %dma_start3A_65 = tpu.memref_slice %arg10[%dma_start3A_63, %dma_start3A_64] : memref<512x32xf32, #tpu.memory_space<vmem>> -> memref<256x32xf32, #tpu.memory_space<vmem>>
      tpu.enqueue_dma source(%dma_start3A_65 : memref<256x32xf32, #tpu.memory_space<vmem>>) target(%dma_start3A_62 : memref<256x32xf32, #tpu.memory_space<hbm>>) target_semaphore(%run_scoped3A : memref<!tpu.dma_semaphore, #tpu.memory_space<semaphore_mem>>)
      %dma_wait3A_66 = arith.constant 256 : i32
      %dma_wait3A_67 = arith.constant 0 : i32
      %dma_wait3A_68 = tpu.memref_slice %arg10[%dma_wait3A_66, %dma_wait3A_67] : memref<512x32xf32, #tpu.memory_space<vmem>> -> memref<256x32xf32, #tpu.memory_space<vmem>>
      %dma_wait3A_69 = arith.constant 0 : i32
      %dma_wait3A_70 = tpu.memref_slice %arg4[%add3A_44, %dma_wait3A_69] : memref<16384x32xf32, #tpu.memory_space<hbm>> -> memref<256x32xf32, #tpu.memory_space<hbm>>
      %dma_wait3A_71 = arith.constant 0 : i32
      %dma_wait3A_72 = tpu.memref_slice %arg4[%add3A_44, %dma_wait3A_71] : memref<16384x32xf32, #tpu.memory_space<hbm>> -> memref<256x32xf32, #tpu.memory_space<hbm>>
      %dma_wait3A_73 = arith.constant 256 : i32
      %dma_wait3A_74 = arith.constant 0 : i32
      %dma_wait3A_75 = tpu.memref_slice %arg10[%dma_wait3A_73, %dma_wait3A_74] : memref<512x32xf32, #tpu.memory_space<vmem>> -> memref<256x32xf32, #tpu.memory_space<vmem>>
      tpu.wait_dma2 semaphore(%run_scoped3A : memref<!tpu.dma_semaphore, #tpu.memory_space<semaphore_mem>>) src(%dma_wait3A_75 : memref<256x32xf32, #tpu.memory_space<vmem>>) dst(%dma_wait3A_72 : memref<256x32xf32, #tpu.memory_space<hbm>>)
      tpu.yield
    }) : () -> ()
    %mul3A_45 = arith.constant 512 : i32
    %mul3A_46 = arith.muli %add3A, %mul3A_45 : i32
    %dma_wait3A = arith.constant 0 : i32
    %dma_wait3A_47 = arith.constant 0 : i32
    %dma_wait3A_48 = tpu.memref_slice %arg10[%dma_wait3A, %dma_wait3A_47] : memref<512x32xf32, #tpu.memory_space<vmem>> -> memref<256x32xf32, #tpu.memory_space<vmem>>
    %dma_wait3A_49 = arith.constant 0 : i32
    %dma_wait3A_50 = tpu.memref_slice %arg4[%mul3A_46, %dma_wait3A_49] : memref<16384x32xf32, #tpu.memory_space<hbm>> -> memref<256x32xf32, #tpu.memory_space<hbm>>
    %dma_wait3A_51 = arith.constant 0 : i32
    %dma_wait3A_52 = tpu.memref_slice %arg4[%mul3A_46, %dma_wait3A_51] : memref<16384x32xf32, #tpu.memory_space<hbm>> -> memref<256x32xf32, #tpu.memory_space<hbm>>
    %dma_wait3A_53 = arith.constant 0 : i32
    %dma_wait3A_54 = arith.constant 0 : i32
    %dma_wait3A_55 = tpu.memref_slice %arg10[%dma_wait3A_53, %dma_wait3A_54] : memref<512x32xf32, #tpu.memory_space<vmem>> -> memref<256x32xf32, #tpu.memory_space<vmem>>
    tpu.wait_dma2 semaphore(%arg16 : memref<!tpu.dma_semaphore, #tpu.memory_space<semaphore_mem>>) src(%dma_wait3A_55 : memref<256x32xf32, #tpu.memory_space<vmem>>) dst(%dma_wait3A_52 : memref<256x32xf32, #tpu.memory_space<hbm>>)
    return
  }
}

</mosaic_0001>

<sc_bundles>
// kernel: kernel.3.cloned.1.call-start
scs
__scs_entry_jumppad:
0x0: {  	(pc) =	sbr.rel $0x88, $3  }
0x1: {  	(tag) =	ssettag $0x0;
	lr =	simm.s32 $0x1  }
0x2: {  	[smem:$0x3F9F] =	sst lr;
	_ =	strace $0xD0000000  }
0x3: {  	_ = 	snop  }
0x4: {  	_ = 	snop  }
0x5: {  	_ = 	snop  }
0x6: {  	_ = 	snop  }
0x7: {  	_ = 	snop  }
__scs_overlays_trampoline_lowered:
0x8: {  	[smem:$0x3FAE] =	sst s0  }
0x9: {  	[smem:$0x3FAF] =	sst s1  }
0xa: {  	[smem:$0x3FB0] =	sst s2  }
0xb: {  	[smem:$0x3FB1] =	sst s3  }
0xc: {  	[smem:$0x3FB2] =	sst s4  }
0xd: {  	[smem:$0x3FB3] =	sst s5  }
0xe: {  	[smem:$0x3FB4] =	sst s6  }
0xf: {  	[smem:$0x3FB5] =	sst s7  }
0x10: {  	[smem:$0x3FB6] =	sst s8  }
0x11: {  	[smem:$0x3FB7] =	sst s9;
	s0 =	simm.s32 @!p0 $0x0  }
0x12: {  	s1 =	sld [smem:$0x3F9D];
	s0 =	simm.s32 @p0 $0x1  }
0x13: {  	[smem:$0x3FB8] =	sst s0;
	s0 =	simm.s32 @!p1 $0x0  }
0x14: {  	s2 =	sld [smem:$0x3F9C];
	s0 =	simm.s32 @p1 $0x1  }
0x15: {  	[smem:$0x3FB9] =	sst s0;
	s0 =	simm.s32 @!p2 $0x0  }
0x16: {  	s3 =	sld [smem:$0x3FDB];
	s0 =	simm.s32 @p2 $0x1  }
0x17: {  	s4 =	simm.s32 $0x1BF5;
	[smem:$0x3FBB] =	sst s0  }
0x18: {  	s0 =	sld [smem:$0x3F9E];
	_ =	swait.ge [sflag:s4], $0x0  }
0x19: {  	s7 =	sld [smem:$0x3F9F]  }
0x1a: {  	s8 =	sadd.s32 $0xFFFFE003, lr  }
0x1b: {  	s9 =	sadd.s32 $0xFFFFFEF7, lr;
	s5 =	simm.s32 $0xFFFFFFFF;
	p2 =	slt.u32 s8, $0xFFFFF086  }
0x1c: {  	p1 =	slt.u32 s9, $0xF7A;
	s5 =	simm.s32 @!p2 $0x0  }
0x1d: {  	s5 =	simm.s32 @p1 $0x1;
	p0 =	seq.s32 s7, s2  }
0x1e: {  	s7 =	smul.u32 @!p0 $0xF7A, s2;
	p2 =	seq.s32 @!p0 s5, $0x0  }
0x1f: {  	s9 =	smul.u32 $0xF7A, s1;
	s8 =	simm.s32 @!p0 $0x1BF5;
	p2 =	por !p2, p0  }
0x20: {  	[sflag:s8] =	ssyncset.s32 @!p0 $0xFFFFF086;
	s6 =	sadd.s32 @!p0 s3, s7;
	s7 =	simm.s32 @!p0 $0x108  }
0x21: {  	s3 =	sadd.s32 s3, s9;
	s6 =	sadd.s32 @!p0 $0x88, s6;
	s7 =	simm.s32 @p2 $0x1082  }
0x22: {  	[simem:s7], [sflag:s8] =	dma.local @!p0 [hbm:s6], $0xF7A  }
0x23: {  	s9 =	sor.u32 $0xD0000000, s2;
	s6 =	simm.s32 $0x108;
	_ =	swait.ge @!p0 [sflag:s8], $0x0  }
0x24: {  	s3 =	sadd.s32 $0x88, s3;
	s6 =	simm.s32 @!p1 $0x1082;
	[sflag:s4] =	ssyncset.s32 $0xFFFFF086  }
0x25: {  	[simem:s6], [sflag:s4] =	dma.local [hbm:s3], $0xF7A  }
0x26: {  	[smem:$0x3F9F] =	sst s1;
	(tag) =	ssettag s2;
	_ =	strace s9  }
0x27: {  	s1 =	sld [smem:$0x3FAF]  }
0x28: {  	s2 =	sld [smem:$0x3FB0]  }
0x29: {  	s4 =	sld [smem:$0x3FB2]  }
0x2a: {  	p0 =	seq.s32 s5, $0x0;
	s5 =	sld [smem:$0x3FB3]  }
0x2b: {  	s6 =	sld [smem:$0x3FB4]  }
0x2c: {  	s7 =	sld [smem:$0x3FB5]  }
0x2d: {  	s3 =	simm.s32 $0x108;
	s8 =	sld [smem:$0x3FB6]  }
0x2e: {  	s3 =	simm.s32 @!p0 $0x1082;
	s9 =	sld [smem:$0x3FB7]  }
0x2f: {  	lr =	sadd.s32 s0, s3;
	s0 =	sld [smem:$0x3FAE]  }
0x30: {  	s3 =	sld [smem:$0x3FB1]  }
0x31: {  	[smem:$0x3FBA] =	sst s10  }
0x32: {  	s10 =	sld [smem:$0x3FB8];
	_ =	sdelay $0x3  }
0x33: {  	p0 =	seq.s32 s10, $0x1;
	s10 =	sld [smem:$0x3FBA];
	_ =	sdelay $0x3  }
0x34: {  	[smem:$0x3FBA] =	sst s10  }
0x35: {  	s10 =	sld [smem:$0x3FB9];
	_ =	sdelay $0x3  }
0x36: {  	p1 =	seq.s32 s10, $0x1;
	s10 =	sld [smem:$0x3FBA];
	_ =	sdelay $0x3  }
0x37: {  	[smem:$0x3FBA] =	sst s10  }
0x38: {  	s10 =	sld [smem:$0x3FBB]  }
0x39: {  	_ = 	snop;
	(pc) =	sbr.ind lr, $3  }
0x3a: {  	_ = 	snop  }
0x3b: {  	_ = 	snop  }
0x3c: {  	p2 =	seq.s32 s10, $0x1;
	s10 =	sld [smem:$0x3FBA]  }
0x3d: {  	_ =	shalt  }
0x3e: {  	_ =	shalt  }
0x3f: {  	_ =	shalt  }
0x40: {  	_ =	shalt  }
0x41: {  	_ =	shalt  }
0x42: {  	_ =	shalt  }
0x43: {  	_ =	shalt  }
0x44: {  	_ =	shalt  }
0x45: {  	_ =	shalt  }
0x46: {  	_ =	shalt  }
0x47: {  	_ =	shalt  }
0x48: {  	_ =	shalt  }
0x49: {  	_ =	shalt  }
0x4a: {  	_ =	shalt  }
0x4b: {  	_ =	shalt  }
0x4c: {  	_ =	shalt  }
0x4d: {  	_ =	shalt  }
0x4e: {  	_ =	shalt  }
0x4f: {  	_ =	shalt  }
0x50: {  	_ =	shalt  }
0x51: {  	_ =	shalt  }
0x52: {  	_ =	shalt  }
0x53: {  	_ =	shalt  }
0x54: {  	_ =	shalt  }
0x55: {  	_ =	shalt  }
0x56: {  	_ =	shalt  }
0x57: {  	_ =	shalt  }
0x58: {  	_ =	shalt  }
0x59: {  	_ =	shalt  }
0x5a: {  	_ =	shalt  }
0x5b: {  	_ =	shalt  }
0x5c: {  	_ =	shalt  }
0x5d: {  	_ =	shalt  }
0x5e: {  	_ =	shalt  }
0x5f: {  	_ =	shalt  }
0x60: {  	_ =	shalt  }
0x61: {  	_ =	shalt  }
0x62: {  	_ =	shalt  }
0x63: {  	_ =	shalt  }
0x64: {  	_ =	shalt  }
0x65: {  	_ =	shalt  }
0x66: {  	_ =	shalt  }
0x67: {  	_ =	shalt  }
0x68: {  	_ =	shalt  }
0x69: {  	_ =	shalt  }
0x6a: {  	_ =	shalt  }
0x6b: {  	_ =	shalt  }
0x6c: {  	_ =	shalt  }
0x6d: {  	_ =	shalt  }
0x6e: {  	_ =	shalt  }
0x6f: {  	_ =	shalt  }
0x70: {  	_ =	shalt  }
0x71: {  	_ =	shalt  }
0x72: {  	_ =	shalt  }
0x73: {  	_ =	shalt  }
0x74: {  	_ =	shalt  }
0x75: {  	_ =	shalt  }
0x76: {  	_ =	shalt  }
0x77: {  	_ =	shalt  }
0x78: {  	_ =	shalt  }
0x79: {  	_ =	shalt  }
0x7a: {  	_ =	shalt  }
0x7b: {  	_ =	shalt  }
0x7c: {  	_ =	shalt  }
0x7d: {  	_ =	shalt  }
0x7e: {  	_ =	shalt  }
0x7f: {  	_ =	shalt  }
0x80: {  	_ =	shalt  }
0x81: {  	_ =	shalt  }
0x82: {  	_ =	shalt  }
0x83: {  	_ =	shalt  }
0x84: {  	_ =	shalt  }
0x85: {  	_ =	shalt  }
0x86: {  	_ =	shalt  }
0x87: {  	_ =	shalt  }
.Lfunc_end0:
.L_simem_size_0:
called_computation_lowered:
.L_overlay_start_0:
0x88: {  	s2 =	sld [smem:$0x3FD9]  }
0x89: {  	s3 =	sld [smem:$0x3FFE];
	_ =	sdelay $0x1  }
0x8a: {  	s1 =	srdreg.scid  }
0x8b: {  	s0 =	sand.u32 $0x1, s1  }
0x8c: {  	s17 =	sshll.u32 s0, $0xA;
	s2 =	sadd.s32 s3, s2  }
0x8d: {  	s2 =	sadd.s32 s2, s17  }
0x8e: {  	[smem:$0x3FC6] =	sst s2  }
0x8f: {  	_ = 	snop  }
0x90: {  	s2 =	sld [smem:$0x3FD0];
	(tm) =	ssettm $0x1  }
0x91: {  	s18 =	sld [smem:$0x3FFB];
	_ =	sdelay $0x3  }
0x92: {  	_ =	strace s18  }
0x93: {  	s3 =	sld [smem:$0x3FFC];
	_ =	sdelay $0x3  }
0x94: {  	_ =	strace s3  }
0x95: {  	s3 =	sld [smem:$0x3FFD];
	_ =	sdelay $0x3  }
0x96: {  	_ =	strace s3  }
0x97: {  	_ =	strace $0x8FFFFFFF  }
0x98: {  	s19 =	sld [smem:$0x3FDB];
	_ =	sdelay $0x1  }
0x99: {  	s4 =	simm.s32 $_scs_section_size  }
0x9a: {  	s5 =	simm.s32 $_size__tile_overlayer_lowered;
	s6 =	simm.s32 $_tile_overlayer_lowered  }
0x9b: {  	s22 =	simm.s32 $0x1BFF;
	s21 =	sshll.u32 s6, $0x1;
	s3 =	sadd.s32 s4, s19  }
0x9c: {  	s7 =	simm.s32 $0x0;
	s20 =	sshll.u32 s5, $0x1;
	s5 =	sadd.s32 s21, s3  }
0x9d: {  	[timem:s7], [sflag:s22] =	dma.local [hbm:s5], s20  }
0x9e: {  	_ =	swait.ge [sflag:s22], s20  }
0x9f: {  	s4 =	ssub.s32 $0x0, s20;
	[sflag:s22] =	ssyncset.done $0x0  }
0xa0: {  	[sflag:s22] =	ssyncadd.s32 s4;
	_ =	sdelay $0x1  }
0xa1: {  	s23 =	simm.s32 $0x1B8B  }
0xa2: {  	_ =	swait.ge [sflag:s23], $0x1  }
0xa3: {  	[sflag:s23] =	ssyncset.done $0x0  }
0xa4: {  	s25 =	simm.s32 $0x1B8E;
	s24 =	sld [smem:$0x3FFE];
	[sflag:s23] =	ssyncadd.s32 $0xFFFFFFFF  }
0xa5: {  	s26 =	simm.s32 $execute0_lowered;
	[smem:$0x3FD2] =	sst s25  }
0xa6: {  	s5 =	sshll.u32 s26, $0x1;
	_ =	strace $0x80000046;
	[dreg:$0x1] =	wrdreg $0xFFFFFFFF  }
0xa7: {  	s28 =	simm.s32 $_size_execute0_lowered;
	s3 =	sadd.s32 s3, s5;
	[dreg:$0x0] =	wrdreg $0x0  }
0xa8: {  	s5 =	sshll.u32 s28, $0x1;
	[dreg:$0x2] =	wrdreg s3  }
0xa9: {  	[dreg:$0x3] =	wrdreg s5  }
0xaa: {  	[dreg:$0x4] =	wrdreg $0xC0  }
0xab: {  	_ =	task [dreg:s7], $0x5FFFF  }
0xac: {  	[dreg:$0x1] =	wrdreg $0xFFFFFFFF  }
0xad: {  	[dreg:$0x0] =	wrdreg $0x60  }
0xae: {  	[dreg:$0x2] =	wrdreg s24  }
0xaf: {  	[dreg:$0x3] =	wrdreg s2  }
0xb0: {  	[dreg:$0x4] =	wrdreg $0x9  }
0xb1: {  	_ =	task.clear_ibuf [dreg:s7], $0x5FFFF;
	_ =	strace $0x90000046  }
0xb2: {  	s29 =	simm.s32 $0x9;
	_ =	strace $0x80000048  }
0xb3: {  	_ =	swait.ge [sflag:s29], $0x1  }
0xb4: {  	[sflag:s29] =	ssyncadd.s32 $0xFFFFFFFF  }
0xb5: {  	_ =	strace $0x90000048  }
0xb6: {  	_ =	sfence  }
0xb7: {  	s30 =	sld [smem:$0x0];
	_ =	sdelay $0x2  }
0xb8: {  	s31 =	sshll.u32 s1, $0xD;
	s1 =	sshrl.u32 s1, $0x2  }
0xb9: {  	s3 =	sand.u32 $0x4000, s31;
	s1 =	sadd.s32 s1, s30  }
0xba: {  	s0 =	sor.u32 s3, s0;
	s1 =	sshll.u32 s1, $0x11  }
0xbb: {  	s0 =	sor.u32 s1, s0  }
0xbc: {  	s0 =	sadd.s32 $0x8F2B, s0  }
0xbd: {  	[sflag:s0] =	ssyncadd.remote.s32 $0x1  }
0xbe: {  	_ =	sfence.sel $0xFFFF  }
0xbf: {  	[dreg:$0x0] =	wrdreg $0xFFFFFFFF;
	(pc) =	sbr.abs _section_cstart, $3  }
0xc0: {  	[dreg:$0x1] =	wrdreg $0xFFFFFFFF  }
0xc1: {  	_ =	task.clear_ibuf [dreg:s7], $0x2FFFF;
	_ =	strace $0x9FFFFFFF  }
0xc2: {  	(tm) =	ssettm $0x7FFFFFFF  }
0xc3: {  	_ =	shalt  }
tec
execute0_lowered:
.L_overlay_start_1:
0x0: {  	(tag) =	ssettag $0x1  }
0x1: {  	s1 =	srdreg.scid  }
0x2: {  	s0 =	stileid.u32;
	s4 =	rddreg [dreg:$0x0]  }
0x3: {  	s6 =	rddreg [dreg:$0x1];
	s2 =	simm.s32 $0x0;
	s10 =	simm.s32 $0xD00  }
0x4: {  	s11 =	simm.s32 $0x64;
	s12 =	simm.s32 $0x6800;
	s13 =	simm.s32 $0x68  }
0x5: {  	s14 =	simm.s32 $0x7480;
	s15 =	simm.s32 $0xD0;
	s16 =	simm.s32 $0x8100  }
0x6: {  	s17 =	simm.s32 $0x8D80;
	s18 =	simm.s32 $0x1;
	s19 =	simm.s32 $0x2  }
0x7: {  	s20 =	simm.s32 $0x3;
	s21 =	simm.s32 $0x4;
	s22 =	simm.s32 $0xBA00  }
0x8: {  	s23 =	simm.s32 $0x6;
	s3 =	sand.u32 $0x1, s1;
	s30 =	sshll.u32 s0, $0x1  }
0x9: {  	s24 =	simm.s32 $0x0;
	[smem:$0x7FF] =	sst s2;
	s5 =	sor.u32 s3, s30  }
0xa: {  	s8 =	ssub.s32 $0x2, s3;
	_ =	strace $0x80000047;
	s7 =	smul.u32 $0x6800, s5  }
0xb: {  	s3 =	sadd.s32 $0xF42A00, s4;
	s9 =	sshrl.u32 s8, $0x1;
	s31 =	sshll.u32 s5, $0xB  }
0xc: {  	s8 =	ssub.s32 s8, s9;
	s6 =	sadd.s32 s6, s31;
	s7 =	sshrl.u32 s7, $0x3  }
0xd: {  	s9 =	simm.s32 $0x7;
	s8 =	smax.u32 s8, $0x1;
	s7 =	sadd.s32 s7, s4  }
0xe: {  	s4 =	sadd.s32 $0x600, s7;
	s5 =	sadd.s32 $0x7A0, s7;
	s7 =	sadd.s32 $0x400, s6  }
.LBB2_1:
0xf: {  	[tilespmem:s2], [sflag:$0x7] =	stream.linear.gather [hbm4b:s4+s2], $0xD00, $0x38;
	[tilespmem:$0xDA00] =	vst v63  }
0x10: {  	_ =	swait.ge [sflag:s9], $0xD00  }
0x11: {  	[sflag:s9] =	ssyncset.done $0x0  }
0x12: {  	[sflag:s9] =	ssyncadd.s32 $0xFFFFF300  }
0x13: {  	[tilespmem:s10], [sflag:$0x5] =	stream.linear.gather [hbm4b:s5+s2], $0x5B00, $0x38;
	[tilespmem:$0xDA00] =	vst v63  }
0x14: {  	_ = 	snop  }
0x15: {  	[tilespmem:s12], [sflag:$0x1] =	stream.indirect.gather [hbm4b:s3+s11], $0x20, s2, s11, $0xb8;
	[tilespmem:$0xDA00] =	vst v63  }
0x16: {  	_ = 	snop  }
0x17: {  	[tilespmem:s14], [sflag:$0x2] =	stream.indirect.gather [hbm4b:s3+s11], $0x20, s13, s11, $0xb8;
	[tilespmem:$0xDA00] =	vst v63  }
0x18: {  	s25 =	simm.s32 $0x9A80;
	s26 =	simm.s32 $0x0;
	s28 =	simm.s32 $0x0  }
0x19: {  	[tilespmem:s16], [sflag:$0x3] =	stream.indirect.gather [hbm4b:s3+s11], $0x20, s15, s11, $0xb8;
	[tilespmem:$0xDA00] =	vst v63  }
.LBB2_2:
0x1a: {  	s29 =	sshra.s32 s26, $0x2  }
0x1b: {  	s29 =	sadd.s32 $0x138, s29  }
0x1c: {  	[tilespmem:s17], [sflag:$0x4] =	stream.indirect.gather [hbm4b:s3+s11], $0x20, s29, s11, $0xb8;
	[tilespmem:$0xDA00] =	vst v63  }
0x1d: {  	_ =	swait.ge [sflag:s18], $0xC80  }
0x1e: {  	[sflag:s18] =	ssyncset.done $0x0  }
0x1f: {  	[sflag:s18] =	ssyncadd.s32 $0xFFFFF380  }
0x20: {  	v0 =	vld [tilespmem:$0x6800]  }
0x21: {  	v1 =	vld [tilespmem:$0x6810]  }
0x22: {  	v2 =	vld [tilespmem:$0x6820]  }
0x23: {  	v3 =	vld [tilespmem:$0x6830]  }
0x24: {  	v4 =	vld [tilespmem:$0x6840]  }
0x25: {  	v5 =	vld [tilespmem:$0x6850]  }
0x26: {  	v6 =	vld [tilespmem:$0x6860]  }
0x27: {  	v50 =	vld [tilespmem:$0x6870];
	v0 =	vadd.f32 v2, v0  }
0x28: {  	v51 =	vld [tilespmem:$0x6880];
	v1 =	vadd.f32 v3, v1  }
0x29: {  	v52 =	vld [tilespmem:$0x6890];
	v0 =	vadd.f32 v4, v0  }
0x2a: {  	v53 =	vld [tilespmem:$0x68A0];
	v1 =	vadd.f32 v5, v1  }
0x2b: {  	v54 =	vld [tilespmem:$0x68B0];
	v0 =	vadd.f32 v6, v0  }
0x2c: {  	v55 =	vld [tilespmem:$0x68C0];
	v1 =	vadd.f32 v50, v1  }
0x2d: {  	v56 =	vld [tilespmem:$0x68D0];
	v0 =	vadd.f32 v51, v0  }
0x2e: {  	v57 =	vld [tilespmem:$0x68E0];
	v1 =	vadd.f32 v52, v1  }
0x2f: {  	v58 =	vld [tilespmem:$0x68F0];
	v0 =	vadd.f32 v53, v0  }
0x30: {  	v59 =	vld [tilespmem:$0x6900];
	v1 =	vadd.f32 v54, v1  }
0x31: {  	v60 =	vld [tilespmem:$0x6910];
	v0 =	vadd.f32 v55, v0  }
0x32: {  	v61 =	vld [tilespmem:$0x6920];
	v1 =	vadd.f32 v56, v1  }
0x33: {  	v62 =	vld [tilespmem:$0x6930];
	v0 =	vadd.f32 v57, v0  }
0x34: {  	v63 =	vld [tilespmem:$0x6940];
	v1 =	vadd.f32 v58, v1  }
0x35: {  	v9 =	vld [tilespmem:$0x6950];
	v0 =	vadd.f32 v59, v0  }
0x36: {  	v10 =	vld [tilespmem:$0x6960];
	v1 =	vadd.f32 v60, v1  }
0x37: {  	v11 =	vld [tilespmem:$0x6970];
	v0 =	vadd.f32 v61, v0  }
0x38: {  	v12 =	vld [tilespmem:$0x6980];
	v1 =	vadd.f32 v62, v1  }
0x39: {  	v13 =	vld [tilespmem:$0x6990];
	v0 =	vadd.f32 v63, v0  }
0x3a: {  	v14 =	vld [tilespmem:$0x69A0];
	v1 =	vadd.f32 v9, v1  }
0x3b: {  	v15 =	vld [tilespmem:$0x69B0];
	v0 =	vadd.f32 v10, v0  }
0x3c: {  	v16 =	vld [tilespmem:$0x69C0];
	v1 =	vadd.f32 v11, v1  }
0x3d: {  	v17 =	vld [tilespmem:$0x69D0];
	v0 =	vadd.f32 v12, v0  }
0x3e: {  	v18 =	vld [tilespmem:$0x69E0];
	v1 =	vadd.f32 v13, v1  }
0x3f: {  	v19 =	vld [tilespmem:$0x69F0];
	v0 =	vadd.f32 v14, v0  }
0x40: {  	v20 =	vld [tilespmem:$0x6A00];
	v1 =	vadd.f32 v15, v1  }
0x41: {  	v21 =	vld [tilespmem:$0x6A10];
	v0 =	vadd.f32 v16, v0  }
0x42: {  	v22 =	vld [tilespmem:$0x6A20];
	v1 =	vadd.f32 v17, v1  }
0x43: {  	v23 =	vld [tilespmem:$0x6A30];
	v0 =	vadd.f32 v18, v0  }
0x44: {  	v24 =	vld [tilespmem:$0x6A40];
	v1 =	vadd.f32 v19, v1  }
0x45: {  	v25 =	vld [tilespmem:$0x6A50];
	v0 =	vadd.f32 v20, v0  }
0x46: {  	v26 =	vld [tilespmem:$0x6A60];
	v1 =	vadd.f32 v21, v1  }
0x47: {  	v27 =	vld [tilespmem:$0x6A70];
	v0 =	vadd.f32 v22, v0  }
0x48: {  	v28 =	vld [tilespmem:$0x6A80];
	v1 =	vadd.f32 v23, v1  }
0x49: {  	v29 =	vld [tilespmem:$0x6A90];
	v0 =	vadd.f32 v24, v0  }
0x4a: {  	v30 =	vld [tilespmem:$0x6AA0];
	v1 =	vadd.f32 v25, v1  }
0x4b: {  	v31 =	vld [tilespmem:$0x6AB0];
	v0 =	vadd.f32 v26, v0  }
0x4c: {  	v32 =	vld [tilespmem:$0x6AC0];
	v1 =	vadd.f32 v27, v1  }
0x4d: {  	v33 =	vld [tilespmem:$0x6AD0];
	v0 =	vadd.f32 v28, v0  }
0x4e: {  	v34 =	vld [tilespmem:$0x6AE0];
	v1 =	vadd.f32 v29, v1  }
0x4f: {  	v35 =	vld [tilespmem:$0x6AF0];
	v0 =	vadd.f32 v30, v0  }
0x50: {  	v36 =	vld [tilespmem:$0x6B00];
	v1 =	vadd.f32 v31, v1  }
0x51: {  	v37 =	vld [tilespmem:$0x6B10];
	v0 =	vadd.f32 v32, v0  }
0x52: {  	v38 =	vld [tilespmem:$0x6B20];
	v1 =	vadd.f32 v33, v1  }
0x53: {  	v39 =	vld [tilespmem:$0x6B30];
	v0 =	vadd.f32 v34, v0  }
0x54: {  	v40 =	vld [tilespmem:$0x6B40];
	v1 =	vadd.f32 v35, v1  }
0x55: {  	v41 =	vld [tilespmem:$0x6B50];
	v0 =	vadd.f32 v36, v0  }
0x56: {  	v42 =	vld [tilespmem:$0x6B60];
	v1 =	vadd.f32 v37, v1  }
0x57: {  	v43 =	vld [tilespmem:$0x6B70];
	v0 =	vadd.f32 v38, v0  }
0x58: {  	v44 =	vld [tilespmem:$0x6B80];
	v1 =	vadd.f32 v39, v1  }
0x59: {  	v45 =	vld [tilespmem:$0x6B90];
	v0 =	vadd.f32 v40, v0  }
0x5a: {  	v46 =	vld [tilespmem:$0x6BA0];
	v1 =	vadd.f32 v41, v1  }
0x5b: {  	v47 =	vld [tilespmem:$0x6BB0];
	v0 =	vadd.f32 v42, v0  }
0x5c: {  	v48 =	vld [tilespmem:$0x6BC0];
	v1 =	vadd.f32 v43, v1  }
0x5d: {  	v49 =	vld [tilespmem:$0x6BD0];
	v0 =	vadd.f32 v44, v0  }
0x5e: {  	v50 =	vld [tilespmem:$0x6BE0];
	v1 =	vadd.f32 v45, v1  }
0x5f: {  	v51 =	vld [tilespmem:$0x6BF0];
	v0 =	vadd.f32 v46, v0  }
0x60: {  	v52 =	vld [tilespmem:$0x6C00];
	v1 =	vadd.f32 v47, v1  }
0x61: {  	v53 =	vld [tilespmem:$0x6C10];
	v0 =	vadd.f32 v48, v0  }
0x62: {  	v54 =	vld [tilespmem:$0x6C20];
	v1 =	vadd.f32 v49, v1  }
0x63: {  	v55 =	vld [tilespmem:$0x6C30];
	v0 =	vadd.f32 v50, v0  }
0x64: {  	v56 =	vld [tilespmem:$0x6C40];
	v1 =	vadd.f32 v51, v1  }
0x65: {  	v57 =	vld [tilespmem:$0x6C50];
	v0 =	vadd.f32 v52, v0  }
0x66: {  	v58 =	vld [tilespmem:$0x6C60];
	v1 =	vadd.f32 v53, v1  }
0x67: {  	v59 =	vld [tilespmem:$0x6C70];
	v0 =	vadd.f32 v54, v0  }
0x68: {  	v60 =	vld [tilespmem:$0x6C80];
	v1 =	vadd.f32 v55, v1  }
0x69: {  	v61 =	vld [tilespmem:$0x6C90];
	v0 =	vadd.f32 v56, v0  }
0x6a: {  	v62 =	vld [tilespmem:$0x6CA0];
	v1 =	vadd.f32 v57, v1  }
0x6b: {  	v63 =	vld [tilespmem:$0x6CB0];
	v0 =	vadd.f32 v58, v0  }
0x6c: {  	v9 =	vld [tilespmem:$0x6CC0];
	v1 =	vadd.f32 v59, v1  }
0x6d: {  	v10 =	vld [tilespmem:$0x6CD0];
	v0 =	vadd.f32 v60, v0  }
0x6e: {  	v11 =	vld [tilespmem:$0x6CE0];
	v1 =	vadd.f32 v61, v1  }
0x6f: {  	v12 =	vld [tilespmem:$0x6CF0];
	v0 =	vadd.f32 v62, v0  }
0x70: {  	v13 =	vld [tilespmem:$0x6D00];
	v1 =	vadd.f32 v63, v1  }
0x71: {  	v14 =	vld [tilespmem:$0x6D10];
	v0 =	vadd.f32 v9, v0  }
0x72: {  	v15 =	vld [tilespmem:$0x6D20];
	v1 =	vadd.f32 v10, v1  }
0x73: {  	v16 =	vld [tilespmem:$0x6D30];
	v0 =	vadd.f32 v11, v0  }
0x74: {  	v17 =	vld [tilespmem:$0x6D40];
	v1 =	vadd.f32 v12, v1  }
0x75: {  	v18 =	vld [tilespmem:$0x6D50];
	v0 =	vadd.f32 v13, v0  }
0x76: {  	v19 =	vld [tilespmem:$0x6D60];
	v1 =	vadd.f32 v14, v1  }
0x77: {  	v20 =	vld [tilespmem:$0x6D70];
	v0 =	vadd.f32 v15, v0  }
0x78: {  	v21 =	vld [tilespmem:$0x6D80];
	v1 =	vadd.f32 v16, v1  }
0x79: {  	v22 =	vld [tilespmem:$0x6D90];
	v0 =	vadd.f32 v17, v0  }
0x7a: {  	v23 =	vld [tilespmem:$0x6DA0];
	v1 =	vadd.f32 v18, v1  }
0x7b: {  	v24 =	vld [tilespmem:$0x6DB0];
	v0 =	vadd.f32 v19, v0  }
0x7c: {  	v25 =	vld [tilespmem:$0x6DC0];
	v1 =	vadd.f32 v20, v1  }
0x7d: {  	v26 =	vld [tilespmem:$0x6DD0];
	v0 =	vadd.f32 v21, v0  }
0x7e: {  	v27 =	vld [tilespmem:$0x6DE0];
	v1 =	vadd.f32 v22, v1  }
0x7f: {  	v28 =	vld [tilespmem:$0x6DF0];
	v0 =	vadd.f32 v23, v0  }
0x80: {  	v29 =	vld [tilespmem:$0x6E00];
	v1 =	vadd.f32 v24, v1  }
0x81: {  	v30 =	vld [tilespmem:$0x6E10];
	v0 =	vadd.f32 v25, v0  }
0x82: {  	v31 =	vld [tilespmem:$0x6E20];
	v1 =	vadd.f32 v26, v1  }
0x83: {  	v32 =	vld [tilespmem:$0x6E30];
	v0 =	vadd.f32 v27, v0  }
0x84: {  	v1 =	vadd.f32 v28, v1  }
0x85: {  	v0 =	vadd.f32 v29, v0  }
0x86: {  	v1 =	vadd.f32 v30, v1  }
0x87: {  	v0 =	vadd.f32 v31, v0  }
0x88: {  	v1 =	vadd.f32 v32, v1  }
0x89: {  	[tilespmem:s25+$0xFFFFFF80] =	vst v0  }
0x8a: {  	[tilespmem:s25+$0xFFFFFF90] =	vst v1  }
0x8b: {  	v0 =	vld [tilespmem:$0x6E40]  }
0x8c: {  	v1 =	vld [tilespmem:$0x6E50]  }
0x8d: {  	v33 =	vld [tilespmem:$0x6E60]  }
0x8e: {  	v34 =	vld [tilespmem:$0x6E70]  }
0x8f: {  	v35 =	vld [tilespmem:$0x6E80]  }
0x90: {  	v36 =	vld [tilespmem:$0x6E90]  }
0x91: {  	v37 =	vld [tilespmem:$0x6EA0]  }
0x92: {  	v38 =	vld [tilespmem:$0x6EB0];
	v0 =	vadd.f32 v33, v0  }
0x93: {  	v39 =	vld [tilespmem:$0x6EC0];
	v1 =	vadd.f32 v34, v1  }
0x94: {  	v40 =	vld [tilespmem:$0x6ED0];
	v0 =	vadd.f32 v35, v0  }
0x95: {  	v41 =	vld [tilespmem:$0x6EE0];
	v1 =	vadd.f32 v36, v1  }
0x96: {  	v42 =	vld [tilespmem:$0x6EF0];
	v0 =	vadd.f32 v37, v0  }
0x97: {  	v43 =	vld [tilespmem:$0x6F00];
	v1 =	vadd.f32 v38, v1  }
0x98: {  	v44 =	vld [tilespmem:$0x6F10];
	v0 =	vadd.f32 v39, v0  }
0x99: {  	v45 =	vld [tilespmem:$0x6F20];
	v1 =	vadd.f32 v40, v1  }
0x9a: {  	v46 =	vld [tilespmem:$0x6F30];
	v0 =	vadd.f32 v41, v0  }
0x9b: {  	v47 =	vld [tilespmem:$0x6F40];
	v1 =	vadd.f32 v42, v1  }
0x9c: {  	v48 =	vld [tilespmem:$0x6F50];
	v0 =	vadd.f32 v43, v0  }
0x9d: {  	v49 =	vld [tilespmem:$0x6F60];
	v1 =	vadd.f32 v44, v1  }
0x9e: {  	v50 =	vld [tilespmem:$0x6F70];
	v0 =	vadd.f32 v45, v0  }
0x9f: {  	v51 =	vld [tilespmem:$0x6F80];
	v1 =	vadd.f32 v46, v1  }
0xa0: {  	v52 =	vld [tilespmem:$0x6F90];
	v0 =	vadd.f32 v47, v0  }
0xa1: {  	v53 =	vld [tilespmem:$0x6FA0];
	v1 =	vadd.f32 v48, v1  }
0xa2: {  	v54 =	vld [tilespmem:$0x6FB0];
	v0 =	vadd.f32 v49, v0  }
0xa3: {  	v55 =	vld [tilespmem:$0x6FC0];
	v1 =	vadd.f32 v50, v1  }
0xa4: {  	v56 =	vld [tilespmem:$0x6FD0];
	v0 =	vadd.f32 v51, v0  }
0xa5: {  	v57 =	vld [tilespmem:$0x6FE0];
	v1 =	vadd.f32 v52, v1  }
0xa6: {  	v58 =	vld [tilespmem:$0x6FF0];
	v0 =	vadd.f32 v53, v0  }
0xa7: {  	v59 =	vld [tilespmem:$0x7000];
	v1 =	vadd.f32 v54, v1  }
0xa8: {  	v60 =	vld [tilespmem:$0x7010];
	v0 =	vadd.f32 v55, v0  }
0xa9: {  	v61 =	vld [tilespmem:$0x7020];
	v1 =	vadd.f32 v56, v1  }
0xaa: {  	v62 =	vld [tilespmem:$0x7030];
	v0 =	vadd.f32 v57, v0  }
0xab: {  	v63 =	vld [tilespmem:$0x7040];
	v1 =	vadd.f32 v58, v1  }
0xac: {  	v9 =	vld [tilespmem:$0x7050];
	v0 =	vadd.f32 v59, v0  }
0xad: {  	v10 =	vld [tilespmem:$0x7060];
	v1 =	vadd.f32 v60, v1  }
0xae: {  	v11 =	vld [tilespmem:$0x7070];
	v0 =	vadd.f32 v61, v0  }
0xaf: {  	v12 =	vld [tilespmem:$0x7080];
	v1 =	vadd.f32 v62, v1  }
0xb0: {  	v13 =	vld [tilespmem:$0x7090];
	v0 =	vadd.f32 v63, v0  }
0xb1: {  	v14 =	vld [tilespmem:$0x70A0];
	v1 =	vadd.f32 v9, v1  }
0xb2: {  	v15 =	vld [tilespmem:$0x70B0];
	v0 =	vadd.f32 v10, v0  }
0xb3: {  	v16 =	vld [tilespmem:$0x70C0];
	v1 =	vadd.f32 v11, v1  }
0xb4: {  	v17 =	vld [tilespmem:$0x70D0];
	v0 =	vadd.f32 v12, v0  }
0xb5: {  	v18 =	vld [tilespmem:$0x70E0];
	v1 =	vadd.f32 v13, v1  }
0xb6: {  	v19 =	vld [tilespmem:$0x70F0];
	v0 =	vadd.f32 v14, v0  }
0xb7: {  	v20 =	vld [tilespmem:$0x7100];
	v1 =	vadd.f32 v15, v1  }
0xb8: {  	v21 =	vld [tilespmem:$0x7110];
	v0 =	vadd.f32 v16, v0  }
0xb9: {  	v22 =	vld [tilespmem:$0x7120];
	v1 =	vadd.f32 v17, v1  }
0xba: {  	v23 =	vld [tilespmem:$0x7130];
	v0 =	vadd.f32 v18, v0  }
0xbb: {  	v24 =	vld [tilespmem:$0x7140];
	v1 =	vadd.f32 v19, v1  }
0xbc: {  	v25 =	vld [tilespmem:$0x7150];
	v0 =	vadd.f32 v20, v0  }
0xbd: {  	v26 =	vld [tilespmem:$0x7160];
	v1 =	vadd.f32 v21, v1  }
0xbe: {  	v27 =	vld [tilespmem:$0x7170];
	v0 =	vadd.f32 v22, v0  }
0xbf: {  	v28 =	vld [tilespmem:$0x7180];
	v1 =	vadd.f32 v23, v1  }
0xc0: {  	v29 =	vld [tilespmem:$0x7190];
	v0 =	vadd.f32 v24, v0  }
0xc1: {  	v30 =	vld [tilespmem:$0x71A0];
	v1 =	vadd.f32 v25, v1  }
0xc2: {  	v31 =	vld [tilespmem:$0x71B0];
	v0 =	vadd.f32 v26, v0  }
0xc3: {  	v32 =	vld [tilespmem:$0x71C0];
	v1 =	vadd.f32 v27, v1  }
0xc4: {  	v33 =	vld [tilespmem:$0x71D0];
	v0 =	vadd.f32 v28, v0  }
0xc5: {  	v34 =	vld [tilespmem:$0x71E0];
	v1 =	vadd.f32 v29, v1  }
0xc6: {  	v35 =	vld [tilespmem:$0x71F0];
	v0 =	vadd.f32 v30, v0  }
0xc7: {  	v36 =	vld [tilespmem:$0x7200];
	v1 =	vadd.f32 v31, v1  }
0xc8: {  	v37 =	vld [tilespmem:$0x7210];
	v0 =	vadd.f32 v32, v0  }
0xc9: {  	v38 =	vld [tilespmem:$0x7220];
	v1 =	vadd.f32 v33, v1  }
0xca: {  	v39 =	vld [tilespmem:$0x7230];
	v0 =	vadd.f32 v34, v0  }
0xcb: {  	v40 =	vld [tilespmem:$0x7240];
	v1 =	vadd.f32 v35, v1  }
0xcc: {  	v41 =	vld [tilespmem:$0x7250];
	v0 =	vadd.f32 v36, v0  }
0xcd: {  	v42 =	vld [tilespmem:$0x7260];
	v1 =	vadd.f32 v37, v1  }
0xce: {  	v43 =	vld [tilespmem:$0x7270];
	v0 =	vadd.f32 v38, v0  }
0xcf: {  	v44 =	vld [tilespmem:$0x7280];
	v1 =	vadd.f32 v39, v1  }
0xd0: {  	v45 =	vld [tilespmem:$0x7290];
	v0 =	vadd.f32 v40, v0  }
0xd1: {  	v46 =	vld [tilespmem:$0x72A0];
	v1 =	vadd.f32 v41, v1  }
0xd2: {  	v47 =	vld [tilespmem:$0x72B0];
	v0 =	vadd.f32 v42, v0  }
0xd3: {  	v48 =	vld [tilespmem:$0x72C0];
	v1 =	vadd.f32 v43, v1  }
0xd4: {  	v49 =	vld [tilespmem:$0x72D0];
	v0 =	vadd.f32 v44, v0  }
0xd5: {  	v50 =	vld [tilespmem:$0x72E0];
	v1 =	vadd.f32 v45, v1  }
0xd6: {  	v51 =	vld [tilespmem:$0x72F0];
	v0 =	vadd.f32 v46, v0  }
0xd7: {  	v52 =	vld [tilespmem:$0x7300];
	v1 =	vadd.f32 v47, v1  }
0xd8: {  	v53 =	vld [tilespmem:$0x7310];
	v0 =	vadd.f32 v48, v0  }
0xd9: {  	v54 =	vld [tilespmem:$0x7320];
	v1 =	vadd.f32 v49, v1  }
0xda: {  	v55 =	vld [tilespmem:$0x7330];
	v0 =	vadd.f32 v50, v0  }
0xdb: {  	v56 =	vld [tilespmem:$0x7340];
	v1 =	vadd.f32 v51, v1  }
0xdc: {  	v57 =	vld [tilespmem:$0x7350];
	v0 =	vadd.f32 v52, v0  }
0xdd: {  	v58 =	vld [tilespmem:$0x7360];
	v1 =	vadd.f32 v53, v1  }
0xde: {  	v59 =	vld [tilespmem:$0x7370];
	v0 =	vadd.f32 v54, v0  }
0xdf: {  	v60 =	vld [tilespmem:$0x7380];
	v1 =	vadd.f32 v55, v1  }
0xe0: {  	v61 =	vld [tilespmem:$0x7390];
	v0 =	vadd.f32 v56, v0  }
0xe1: {  	v62 =	vld [tilespmem:$0x73A0];
	v1 =	vadd.f32 v57, v1  }
0xe2: {  	v63 =	vld [tilespmem:$0x73B0];
	v0 =	vadd.f32 v58, v0  }
0xe3: {  	v9 =	vld [tilespmem:$0x73C0];
	v1 =	vadd.f32 v59, v1  }
0xe4: {  	v10 =	vld [tilespmem:$0x73D0];
	v0 =	vadd.f32 v60, v0  }
0xe5: {  	v11 =	vld [tilespmem:$0x73E0];
	v1 =	vadd.f32 v61, v1  }
0xe6: {  	v12 =	vld [tilespmem:$0x73F0];
	v0 =	vadd.f32 v62, v0  }
0xe7: {  	v13 =	vld [tilespmem:$0x7400];
	v1 =	vadd.f32 v63, v1  }
0xe8: {  	v14 =	vld [tilespmem:$0x7410];
	v0 =	vadd.f32 v9, v0  }
0xe9: {  	v15 =	vld [tilespmem:$0x7420];
	v1 =	vadd.f32 v10, v1  }
0xea: {  	v16 =	vld [tilespmem:$0x7430];
	v0 =	vadd.f32 v11, v0  }
0xeb: {  	v17 =	vld [tilespmem:$0x7440];
	v1 =	vadd.f32 v12, v1  }
0xec: {  	v18 =	vld [tilespmem:$0x7450];
	v0 =	vadd.f32 v13, v0  }
0xed: {  	v19 =	vld [tilespmem:$0x7460];
	v1 =	vadd.f32 v14, v1  }
0xee: {  	v20 =	vld [tilespmem:$0x7470];
	v0 =	vadd.f32 v15, v0  }
0xef: {  	v1 =	vadd.f32 v16, v1  }
0xf0: {  	v0 =	vadd.f32 v17, v0  }
0xf1: {  	v1 =	vadd.f32 v18, v1  }
0xf2: {  	v0 =	vadd.f32 v19, v0  }
0xf3: {  	p0 =	seq.s32 s26, $0x19980;
	v1 =	vadd.f32 v20, v1  }
0xf4: {  	s29 =	sshra.s32 @!p0 s26, $0x2;
	[tilespmem:s25+$0xFFFFFFA0] =	vst v0  }
0xf5: {  	s30 =	simm.s32 @!p0 $0x64;
	s1 =	simm.s32 @!p0 $0x6800;
	s31 =	sadd.s32 @!p0 $0x1A0, s29;
	[tilespmem:s25+$0xFFFFFFB0] =	vst v1  }
0xf6: {  	[tilespmem:s1], [sflag:$0x1] =	stream.indirect.gather @!p0 [hbm4b:s3+s30], $0x20, s31, s30, $0xb8;
	[tilespmem:$0xDA00] =	vst v63  }
0xf7: {  	_ =	swait.ge [sflag:s19], $0xC80  }
0xf8: {  	[sflag:s19] =	ssyncset.done $0x0  }
0xf9: {  	[sflag:s19] =	ssyncadd.s32 $0xFFFFF380  }
0xfa: {  	v21 =	vld [tilespmem:$0x7480]  }
0xfb: {  	v22 =	vld [tilespmem:$0x7490]  }
0xfc: {  	v23 =	vld [tilespmem:$0x74A0]  }
0xfd: {  	v24 =	vld [tilespmem:$0x74B0]  }
0xfe: {  	v25 =	vld [tilespmem:$0x74C0]  }
0xff: {  	v26 =	vld [tilespmem:$0x74D0]  }
0x100: {  	v27 =	vld [tilespmem:$0x74E0]  }
0x101: {  	v28 =	vld [tilespmem:$0x74F0];
	v0 =	vadd.f32 v23, v21  }
0x102: {  	v29 =	vld [tilespmem:$0x7500];
	v1 =	vadd.f32 v24, v22  }
0x103: {  	v30 =	vld [tilespmem:$0x7510];
	v0 =	vadd.f32 v25, v0  }
0x104: {  	v31 =	vld [tilespmem:$0x7520];
	v1 =	vadd.f32 v26, v1  }
0x105: {  	v32 =	vld [tilespmem:$0x7530];
	v0 =	vadd.f32 v27, v0  }
0x106: {  	v33 =	vld [tilespmem:$0x7540];
	v1 =	vadd.f32 v28, v1  }
0x107: {  	v34 =	vld [tilespmem:$0x7550];
	v0 =	vadd.f32 v29, v0  }
0x108: {  	v35 =	vld [tilespmem:$0x7560];
	v1 =	vadd.f32 v30, v1  }
0x109: {  	v36 =	vld [tilespmem:$0x7570];
	v0 =	vadd.f32 v31, v0  }
0x10a: {  	v37 =	vld [tilespmem:$0x7580];
	v1 =	vadd.f32 v32, v1  }
0x10b: {  	v38 =	vld [tilespmem:$0x7590];
	v0 =	vadd.f32 v33, v0  }
0x10c: {  	v39 =	vld [tilespmem:$0x75A0];
	v1 =	vadd.f32 v34, v1  }
0x10d: {  	v40 =	vld [tilespmem:$0x75B0];
	v0 =	vadd.f32 v35, v0  }
0x10e: {  	v41 =	vld [tilespmem:$0x75C0];
	v1 =	vadd.f32 v36, v1  }
0x10f: {  	v42 =	vld [tilespmem:$0x75D0];
	v0 =	vadd.f32 v37, v0  }
0x110: {  	v43 =	vld [tilespmem:$0x75E0];
	v1 =	vadd.f32 v38, v1  }
0x111: {  	v44 =	vld [tilespmem:$0x75F0];
	v0 =	vadd.f32 v39, v0  }
0x112: {  	v45 =	vld [tilespmem:$0x7600];
	v1 =	vadd.f32 v40, v1  }
0x113: {  	v46 =	vld [tilespmem:$0x7610];
	v0 =	vadd.f32 v41, v0  }
0x114: {  	v47 =	vld [tilespmem:$0x7620];
	v1 =	vadd.f32 v42, v1  }
0x115: {  	v48 =	vld [tilespmem:$0x7630];
	v0 =	vadd.f32 v43, v0  }
0x116: {  	v49 =	vld [tilespmem:$0x7640];
	v1 =	vadd.f32 v44, v1  }
0x117: {  	v50 =	vld [tilespmem:$0x7650];
	v0 =	vadd.f32 v45, v0  }
0x118: {  	v51 =	vld [tilespmem:$0x7660];
	v1 =	vadd.f32 v46, v1  }
0x119: {  	v52 =	vld [tilespmem:$0x7670];
	v0 =	vadd.f32 v47, v0  }
0x11a: {  	v53 =	vld [tilespmem:$0x7680];
	v1 =	vadd.f32 v48, v1  }
0x11b: {  	v54 =	vld [tilespmem:$0x7690];
	v0 =	vadd.f32 v49, v0  }
0x11c: {  	v55 =	vld [tilespmem:$0x76A0];
	v1 =	vadd.f32 v50, v1  }
0x11d: {  	v56 =	vld [tilespmem:$0x76B0];
	v0 =	vadd.f32 v51, v0  }
0x11e: {  	v57 =	vld [tilespmem:$0x76C0];
	v1 =	vadd.f32 v52, v1  }
0x11f: {  	v58 =	vld [tilespmem:$0x76D0];
	v0 =	vadd.f32 v53, v0  }
0x120: {  	v59 =	vld [tilespmem:$0x76E0];
	v1 =	vadd.f32 v54, v1  }
0x121: {  	v60 =	vld [tilespmem:$0x76F0];
	v0 =	vadd.f32 v55, v0  }
0x122: {  	v61 =	vld [tilespmem:$0x7700];
	v1 =	vadd.f32 v56, v1  }
0x123: {  	v62 =	vld [tilespmem:$0x7710];
	v0 =	vadd.f32 v57, v0  }
0x124: {  	v63 =	vld [tilespmem:$0x7720];
	v1 =	vadd.f32 v58, v1  }
0x125: {  	v9 =	vld [tilespmem:$0x7730];
	v0 =	vadd.f32 v59, v0  }
0x126: {  	v10 =	vld [tilespmem:$0x7740];
	v1 =	vadd.f32 v60, v1  }
0x127: {  	v11 =	vld [tilespmem:$0x7750];
	v0 =	vadd.f32 v61, v0  }
0x128: {  	v12 =	vld [tilespmem:$0x7760];
	v1 =	vadd.f32 v62, v1  }
0x129: {  	v13 =	vld [tilespmem:$0x7770];
	v0 =	vadd.f32 v63, v0  }
0x12a: {  	v14 =	vld [tilespmem:$0x7780];
	v1 =	vadd.f32 v9, v1  }
0x12b: {  	v15 =	vld [tilespmem:$0x7790];
	v0 =	vadd.f32 v10, v0  }
0x12c: {  	v16 =	vld [tilespmem:$0x77A0];
	v1 =	vadd.f32 v11, v1  }
0x12d: {  	v17 =	vld [tilespmem:$0x77B0];
	v0 =	vadd.f32 v12, v0  }
0x12e: {  	v18 =	vld [tilespmem:$0x77C0];
	v1 =	vadd.f32 v13, v1  }
0x12f: {  	v19 =	vld [tilespmem:$0x77D0];
	v0 =	vadd.f32 v14, v0  }
0x130: {  	v20 =	vld [tilespmem:$0x77E0];
	v1 =	vadd.f32 v15, v1  }
0x131: {  	v21 =	vld [tilespmem:$0x77F0];
	v0 =	vadd.f32 v16, v0  }
0x132: {  	v22 =	vld [tilespmem:$0x7800];
	v1 =	vadd.f32 v17, v1  }
0x133: {  	v23 =	vld [tilespmem:$0x7810];
	v0 =	vadd.f32 v18, v0  }
0x134: {  	v24 =	vld [tilespmem:$0x7820];
	v1 =	vadd.f32 v19, v1  }
0x135: {  	v25 =	vld [tilespmem:$0x7830];
	v0 =	vadd.f32 v20, v0  }
0x136: {  	v26 =	vld [tilespmem:$0x7840];
	v1 =	vadd.f32 v21, v1  }
0x137: {  	v27 =	vld [tilespmem:$0x7850];
	v0 =	vadd.f32 v22, v0  }
0x138: {  	v28 =	vld [tilespmem:$0x7860];
	v1 =	vadd.f32 v23, v1  }
0x139: {  	v29 =	vld [tilespmem:$0x7870];
	v0 =	vadd.f32 v24, v0  }
0x13a: {  	v30 =	vld [tilespmem:$0x7880];
	v1 =	vadd.f32 v25, v1  }
0x13b: {  	v31 =	vld [tilespmem:$0x7890];
	v0 =	vadd.f32 v26, v0  }
0x13c: {  	v32 =	vld [tilespmem:$0x78A0];
	v1 =	vadd.f32 v27, v1  }
0x13d: {  	v33 =	vld [tilespmem:$0x78B0];
	v0 =	vadd.f32 v28, v0  }
0x13e: {  	v34 =	vld [tilespmem:$0x78C0];
	v1 =	vadd.f32 v29, v1  }
0x13f: {  	v35 =	vld [tilespmem:$0x78D0];
	v0 =	vadd.f32 v30, v0  }
0x140: {  	v36 =	vld [tilespmem:$0x78E0];
	v1 =	vadd.f32 v31, v1  }
0x141: {  	v37 =	vld [tilespmem:$0x78F0];
	v0 =	vadd.f32 v32, v0  }
0x142: {  	v38 =	vld [tilespmem:$0x7900];
	v1 =	vadd.f32 v33, v1  }
0x143: {  	v39 =	vld [tilespmem:$0x7910];
	v0 =	vadd.f32 v34, v0  }
0x144: {  	v40 =	vld [tilespmem:$0x7920];
	v1 =	vadd.f32 v35, v1  }
0x145: {  	v41 =	vld [tilespmem:$0x7930];
	v0 =	vadd.f32 v36, v0  }
0x146: {  	v42 =	vld [tilespmem:$0x7940];
	v1 =	vadd.f32 v37, v1  }
0x147: {  	v43 =	vld [tilespmem:$0x7950];
	v0 =	vadd.f32 v38, v0  }
0x148: {  	v44 =	vld [tilespmem:$0x7960];
	v1 =	vadd.f32 v39, v1  }
0x149: {  	v45 =	vld [tilespmem:$0x7970];
	v0 =	vadd.f32 v40, v0  }
0x14a: {  	v46 =	vld [tilespmem:$0x7980];
	v1 =	vadd.f32 v41, v1  }
0x14b: {  	v47 =	vld [tilespmem:$0x7990];
	v0 =	vadd.f32 v42, v0  }
0x14c: {  	v48 =	vld [tilespmem:$0x79A0];
	v1 =	vadd.f32 v43, v1  }
0x14d: {  	v49 =	vld [tilespmem:$0x79B0];
	v0 =	vadd.f32 v44, v0  }
0x14e: {  	v50 =	vld [tilespmem:$0x79C0];
	v1 =	vadd.f32 v45, v1  }
0x14f: {  	v51 =	vld [tilespmem:$0x79D0];
	v0 =	vadd.f32 v46, v0  }
0x150: {  	v52 =	vld [tilespmem:$0x79E0];
	v1 =	vadd.f32 v47, v1  }
0x151: {  	v53 =	vld [tilespmem:$0x79F0];
	v0 =	vadd.f32 v48, v0  }
0x152: {  	v54 =	vld [tilespmem:$0x7A00];
	v1 =	vadd.f32 v49, v1  }
0x153: {  	v55 =	vld [tilespmem:$0x7A10];
	v0 =	vadd.f32 v50, v0  }
0x154: {  	v56 =	vld [tilespmem:$0x7A20];
	v1 =	vadd.f32 v51, v1  }
0x155: {  	v57 =	vld [tilespmem:$0x7A30];
	v0 =	vadd.f32 v52, v0  }
0x156: {  	v58 =	vld [tilespmem:$0x7A40];
	v1 =	vadd.f32 v53, v1  }
0x157: {  	v59 =	vld [tilespmem:$0x7A50];
	v0 =	vadd.f32 v54, v0  }
0x158: {  	v60 =	vld [tilespmem:$0x7A60];
	v1 =	vadd.f32 v55, v1  }
0x159: {  	v61 =	vld [tilespmem:$0x7A70];
	v0 =	vadd.f32 v56, v0  }
0x15a: {  	v62 =	vld [tilespmem:$0x7A80];
	v1 =	vadd.f32 v57, v1  }
0x15b: {  	v63 =	vld [tilespmem:$0x7A90];
	v0 =	vadd.f32 v58, v0  }
0x15c: {  	v8 =	vld [tilespmem:$0x7AA0];
	v1 =	vadd.f32 v59, v1  }
0x15d: {  	v9 =	vld [tilespmem:$0x7AB0];
	v0 =	vadd.f32 v60, v0  }
0x15e: {  	v1 =	vadd.f32 v61, v1  }
0x15f: {  	v0 =	vadd.f32 v62, v0  }
0x160: {  	v1 =	vadd.f32 v63, v1  }
0x161: {  	v0 =	vadd.f32 v8, v0  }
0x162: {  	v1 =	vadd.f32 v9, v1  }
0x163: {  	[tilespmem:s25+$0xFFFFFFC0] =	vst v0  }
0x164: {  	[tilespmem:s25+$0xFFFFFFD0] =	vst v1  }
0x165: {  	v0 =	vld [tilespmem:$0x7AC0]  }
0x166: {  	v1 =	vld [tilespmem:$0x7AD0]  }
0x167: {  	v10 =	vld [tilespmem:$0x7AE0]  }
0x168: {  	v11 =	vld [tilespmem:$0x7AF0]  }
0x169: {  	v12 =	vld [tilespmem:$0x7B00]  }
0x16a: {  	v13 =	vld [tilespmem:$0x7B10]  }
0x16b: {  	v14 =	vld [tilespmem:$0x7B20]  }
0x16c: {  	v15 =	vld [tilespmem:$0x7B30];
	v0 =	vadd.f32 v10, v0  }
0x16d: {  	v16 =	vld [tilespmem:$0x7B40];
	v1 =	vadd.f32 v11, v1  }
0x16e: {  	v17 =	vld [tilespmem:$0x7B50];
	v0 =	vadd.f32 v12, v0  }
0x16f: {  	v18 =	vld [tilespmem:$0x7B60];
	v1 =	vadd.f32 v13, v1  }
0x170: {  	v19 =	vld [tilespmem:$0x7B70];
	v0 =	vadd.f32 v14, v0  }
0x171: {  	v20 =	vld [tilespmem:$0x7B80];
	v1 =	vadd.f32 v15, v1  }
0x172: {  	v21 =	vld [tilespmem:$0x7B90];
	v0 =	vadd.f32 v16, v0  }
0x173: {  	v22 =	vld [tilespmem:$0x7BA0];
	v1 =	vadd.f32 v17, v1  }
0x174: {  	v23 =	vld [tilespmem:$0x7BB0];
	v0 =	vadd.f32 v18, v0  }
0x175: {  	v24 =	vld [tilespmem:$0x7BC0];
	v1 =	vadd.f32 v19, v1  }
0x176: {  	v25 =	vld [tilespmem:$0x7BD0];
	v0 =	vadd.f32 v20, v0  }
0x177: {  	v26 =	vld [tilespmem:$0x7BE0];
	v1 =	vadd.f32 v21, v1  }
0x178: {  	v27 =	vld [tilespmem:$0x7BF0];
	v0 =	vadd.f32 v22, v0  }
0x179: {  	v28 =	vld [tilespmem:$0x7C00];
	v1 =	vadd.f32 v23, v1  }
0x17a: {  	v29 =	vld [tilespmem:$0x7C10];
	v0 =	vadd.f32 v24, v0  }
0x17b: {  	v30 =	vld [tilespmem:$0x7C20];
	v1 =	vadd.f32 v25, v1  }
0x17c: {  	v31 =	vld [tilespmem:$0x7C30];
	v0 =	vadd.f32 v26, v0  }
0x17d: {  	v32 =	vld [tilespmem:$0x7C40];
	v1 =	vadd.f32 v27, v1  }
0x17e: {  	v33 =	vld [tilespmem:$0x7C50];
	v0 =	vadd.f32 v28, v0  }
0x17f: {  	v34 =	vld [tilespmem:$0x7C60];
	v1 =	vadd.f32 v29, v1  }
0x180: {  	v35 =	vld [tilespmem:$0x7C70];
	v0 =	vadd.f32 v30, v0  }
0x181: {  	v36 =	vld [tilespmem:$0x7C80];
	v1 =	vadd.f32 v31, v1  }
0x182: {  	v37 =	vld [tilespmem:$0x7C90];
	v0 =	vadd.f32 v32, v0  }
0x183: {  	v38 =	vld [tilespmem:$0x7CA0];
	v1 =	vadd.f32 v33, v1  }
0x184: {  	v39 =	vld [tilespmem:$0x7CB0];
	v0 =	vadd.f32 v34, v0  }
0x185: {  	v40 =	vld [tilespmem:$0x7CC0];
	v1 =	vadd.f32 v35, v1  }
0x186: {  	v41 =	vld [tilespmem:$0x7CD0];
	v0 =	vadd.f32 v36, v0  }
0x187: {  	v42 =	vld [tilespmem:$0x7CE0];
	v1 =	vadd.f32 v37, v1  }
0x188: {  	v43 =	vld [tilespmem:$0x7CF0];
	v0 =	vadd.f32 v38, v0  }
0x189: {  	v44 =	vld [tilespmem:$0x7D00];
	v1 =	vadd.f32 v39, v1  }
0x18a: {  	v45 =	vld [tilespmem:$0x7D10];
	v0 =	vadd.f32 v40, v0  }
0x18b: {  	v46 =	vld [tilespmem:$0x7D20];
	v1 =	vadd.f32 v41, v1  }
0x18c: {  	v47 =	vld [tilespmem:$0x7D30];
	v0 =	vadd.f32 v42, v0  }
0x18d: {  	v48 =	vld [tilespmem:$0x7D40];
	v1 =	vadd.f32 v43, v1  }
0x18e: {  	v49 =	vld [tilespmem:$0x7D50];
	v0 =	vadd.f32 v44, v0  }
0x18f: {  	v50 =	vld [tilespmem:$0x7D60];
	v1 =	vadd.f32 v45, v1  }
0x190: {  	v51 =	vld [tilespmem:$0x7D70];
	v0 =	vadd.f32 v46, v0  }
0x191: {  	v52 =	vld [tilespmem:$0x7D80];
	v1 =	vadd.f32 v47, v1  }
0x192: {  	v53 =	vld [tilespmem:$0x7D90];
	v0 =	vadd.f32 v48, v0  }
0x193: {  	v54 =	vld [tilespmem:$0x7DA0];
	v1 =	vadd.f32 v49, v1  }
0x194: {  	v55 =	vld [tilespmem:$0x7DB0];
	v0 =	vadd.f32 v50, v0  }
0x195: {  	v56 =	vld [tilespmem:$0x7DC0];
	v1 =	vadd.f32 v51, v1  }
0x196: {  	v57 =	vld [tilespmem:$0x7DD0];
	v0 =	vadd.f32 v52, v0  }
0x197: {  	v58 =	vld [tilespmem:$0x7DE0];
	v1 =	vadd.f32 v53, v1  }
0x198: {  	v59 =	vld [tilespmem:$0x7DF0];
	v0 =	vadd.f32 v54, v0  }
0x199: {  	v60 =	vld [tilespmem:$0x7E00];
	v1 =	vadd.f32 v55, v1  }
0x19a: {  	v61 =	vld [tilespmem:$0x7E10];
	v0 =	vadd.f32 v56, v0  }
0x19b: {  	v62 =	vld [tilespmem:$0x7E20];
	v1 =	vadd.f32 v57, v1  }
0x19c: {  	v63 =	vld [tilespmem:$0x7E30];
	v0 =	vadd.f32 v58, v0  }
0x19d: {  	v9 =	vld [tilespmem:$0x7E40];
	v1 =	vadd.f32 v59, v1  }
0x19e: {  	v10 =	vld [tilespmem:$0x7E50];
	v0 =	vadd.f32 v60, v0  }
0x19f: {  	v11 =	vld [tilespmem:$0x7E60];
	v1 =	vadd.f32 v61, v1  }
0x1a0: {  	v12 =	vld [tilespmem:$0x7E70];
	v0 =	vadd.f32 v62, v0  }
0x1a1: {  	v13 =	vld [tilespmem:$0x7E80];
	v1 =	vadd.f32 v63, v1  }
0x1a2: {  	v14 =	vld [tilespmem:$0x7E90];
	v0 =	vadd.f32 v9, v0  }
0x1a3: {  	v15 =	vld [tilespmem:$0x7EA0];
	v1 =	vadd.f32 v10, v1  }
0x1a4: {  	v16 =	vld [tilespmem:$0x7EB0];
	v0 =	vadd.f32 v11, v0  }
0x1a5: {  	v17 =	vld [tilespmem:$0x7EC0];
	v1 =	vadd.f32 v12, v1  }
0x1a6: {  	v18 =	vld [tilespmem:$0x7ED0];
	v0 =	vadd.f32 v13, v0  }
0x1a7: {  	v19 =	vld [tilespmem:$0x7EE0];
	v1 =	vadd.f32 v14, v1  }
0x1a8: {  	v20 =	vld [tilespmem:$0x7EF0];
	v0 =	vadd.f32 v15, v0  }
0x1a9: {  	v21 =	vld [tilespmem:$0x7F00];
	v1 =	vadd.f32 v16, v1  }
0x1aa: {  	v22 =	vld [tilespmem:$0x7F10];
	v0 =	vadd.f32 v17, v0  }
0x1ab: {  	v23 =	vld [tilespmem:$0x7F20];
	v1 =	vadd.f32 v18, v1  }
0x1ac: {  	v24 =	vld [tilespmem:$0x7F30];
	v0 =	vadd.f32 v19, v0  }
0x1ad: {  	v25 =	vld [tilespmem:$0x7F40];
	v1 =	vadd.f32 v20, v1  }
0x1ae: {  	v26 =	vld [tilespmem:$0x7F50];
	v0 =	vadd.f32 v21, v0  }
0x1af: {  	v27 =	vld [tilespmem:$0x7F60];
	v1 =	vadd.f32 v22, v1  }
0x1b0: {  	v28 =	vld [tilespmem:$0x7F70];
	v0 =	vadd.f32 v23, v0  }
0x1b1: {  	v29 =	vld [tilespmem:$0x7F80];
	v1 =	vadd.f32 v24, v1  }
0x1b2: {  	v30 =	vld [tilespmem:$0x7F90];
	v0 =	vadd.f32 v25, v0  }
0x1b3: {  	v31 =	vld [tilespmem:$0x7FA0];
	v1 =	vadd.f32 v26, v1  }
0x1b4: {  	v32 =	vld [tilespmem:$0x7FB0];
	v0 =	vadd.f32 v27, v0  }
0x1b5: {  	v33 =	vld [tilespmem:$0x7FC0];
	v1 =	vadd.f32 v28, v1  }
0x1b6: {  	v34 =	vld [tilespmem:$0x7FD0];
	v0 =	vadd.f32 v29, v0  }
0x1b7: {  	v35 =	vld [tilespmem:$0x7FE0];
	v1 =	vadd.f32 v30, v1  }
0x1b8: {  	v36 =	vld [tilespmem:$0x7FF0];
	v0 =	vadd.f32 v31, v0  }
0x1b9: {  	v37 =	vld [tilespmem:$0x8000];
	v1 =	vadd.f32 v32, v1  }
0x1ba: {  	v38 =	vld [tilespmem:$0x8010];
	v0 =	vadd.f32 v33, v0  }
0x1bb: {  	v39 =	vld [tilespmem:$0x8020];
	v1 =	vadd.f32 v34, v1  }
0x1bc: {  	v40 =	vld [tilespmem:$0x8030];
	v0 =	vadd.f32 v35, v0  }
0x1bd: {  	v41 =	vld [tilespmem:$0x8040];
	v1 =	vadd.f32 v36, v1  }
0x1be: {  	v42 =	vld [tilespmem:$0x8050];
	v0 =	vadd.f32 v37, v0  }
0x1bf: {  	v43 =	vld [tilespmem:$0x8060];
	v1 =	vadd.f32 v38, v1  }
0x1c0: {  	v44 =	vld [tilespmem:$0x8070];
	v0 =	vadd.f32 v39, v0  }
0x1c1: {  	v45 =	vld [tilespmem:$0x8080];
	v1 =	vadd.f32 v40, v1  }
0x1c2: {  	v46 =	vld [tilespmem:$0x8090];
	v0 =	vadd.f32 v41, v0  }
0x1c3: {  	v47 =	vld [tilespmem:$0x80A0];
	v1 =	vadd.f32 v42, v1  }
0x1c4: {  	v48 =	vld [tilespmem:$0x80B0];
	v0 =	vadd.f32 v43, v0  }
0x1c5: {  	v49 =	vld [tilespmem:$0x80C0];
	v1 =	vadd.f32 v44, v1  }
0x1c6: {  	v50 =	vld [tilespmem:$0x80D0];
	v0 =	vadd.f32 v45, v0  }
0x1c7: {  	v51 =	vld [tilespmem:$0x80E0];
	v1 =	vadd.f32 v46, v1  }
0x1c8: {  	v52 =	vld [tilespmem:$0x80F0];
	v0 =	vadd.f32 v47, v0  }
0x1c9: {  	v1 =	vadd.f32 v48, v1  }
0x1ca: {  	v0 =	vadd.f32 v49, v0  }
0x1cb: {  	v1 =	vadd.f32 v50, v1  }
0x1cc: {  	v0 =	vadd.f32 v51, v0  }
0x1cd: {  	v1 =	vadd.f32 v52, v1  }
0x1ce: {  	[tilespmem:s25+$0xFFFFFFE0] =	vst v0  }
0x1cf: {  	s1 =	sadd.s32 @!p0 $0x208, s29;
	s31 =	simm.s32 @!p0 $0x7480;
	[tilespmem:s25+$0xFFFFFFF0] =	vst v1  }
0x1d0: {  	[tilespmem:s31], [sflag:$0x2] =	stream.indirect.gather @!p0 [hbm4b:s3+s30], $0x20, s1, s30, $0xb8;
	[tilespmem:$0xDA00] =	vst v63  }
0x1d1: {  	_ =	swait.ge [sflag:s20], $0xC80  }
0x1d2: {  	[sflag:s20] =	ssyncset.done $0x0  }
0x1d3: {  	[sflag:s20] =	ssyncadd.s32 $0xFFFFF380  }
0x1d4: {  	v53 =	vld [tilespmem:$0x8100]  }
0x1d5: {  	v54 =	vld [tilespmem:$0x8110]  }
0x1d6: {  	v55 =	vld [tilespmem:$0x8120]  }
0x1d7: {  	v56 =	vld [tilespmem:$0x8130]  }
0x1d8: {  	v57 =	vld [tilespmem:$0x8140]  }
0x1d9: {  	v58 =	vld [tilespmem:$0x8150]  }
0x1da: {  	v59 =	vld [tilespmem:$0x8160]  }
0x1db: {  	v60 =	vld [tilespmem:$0x8170];
	v0 =	vadd.f32 v55, v53  }
0x1dc: {  	v61 =	vld [tilespmem:$0x8180];
	v1 =	vadd.f32 v56, v54  }
0x1dd: {  	v62 =	vld [tilespmem:$0x8190];
	v0 =	vadd.f32 v57, v0  }
0x1de: {  	v63 =	vld [tilespmem:$0x81A0];
	v1 =	vadd.f32 v58, v1  }
0x1df: {  	v9 =	vld [tilespmem:$0x81B0];
	v0 =	vadd.f32 v59, v0  }
0x1e0: {  	v10 =	vld [tilespmem:$0x81C0];
	v1 =	vadd.f32 v60, v1  }
0x1e1: {  	v11 =	vld [tilespmem:$0x81D0];
	v0 =	vadd.f32 v61, v0  }
0x1e2: {  	v12 =	vld [tilespmem:$0x81E0];
	v1 =	vadd.f32 v62, v1  }
0x1e3: {  	v13 =	vld [tilespmem:$0x81F0];
	v0 =	vadd.f32 v63, v0  }
0x1e4: {  	v14 =	vld [tilespmem:$0x8200];
	v1 =	vadd.f32 v9, v1  }
0x1e5: {  	v15 =	vld [tilespmem:$0x8210];
	v0 =	vadd.f32 v10, v0  }
0x1e6: {  	v16 =	vld [tilespmem:$0x8220];
	v1 =	vadd.f32 v11, v1  }
0x1e7: {  	v17 =	vld [tilespmem:$0x8230];
	v0 =	vadd.f32 v12, v0  }
0x1e8: {  	v18 =	vld [tilespmem:$0x8240];
	v1 =	vadd.f32 v13, v1  }
0x1e9: {  	v19 =	vld [tilespmem:$0x8250];
	v0 =	vadd.f32 v14, v0  }
0x1ea: {  	v20 =	vld [tilespmem:$0x8260];
	v1 =	vadd.f32 v15, v1  }
0x1eb: {  	v21 =	vld [tilespmem:$0x8270];
	v0 =	vadd.f32 v16, v0  }
0x1ec: {  	v22 =	vld [tilespmem:$0x8280];
	v1 =	vadd.f32 v17, v1  }
0x1ed: {  	v23 =	vld [tilespmem:$0x8290];
	v0 =	vadd.f32 v18, v0  }
0x1ee: {  	v24 =	vld [tilespmem:$0x82A0];
	v1 =	vadd.f32 v19, v1  }
0x1ef: {  	v25 =	vld [tilespmem:$0x82B0];
	v0 =	vadd.f32 v20, v0  }
0x1f0: {  	v26 =	vld [tilespmem:$0x82C0];
	v1 =	vadd.f32 v21, v1  }
0x1f1: {  	v27 =	vld [tilespmem:$0x82D0];
	v0 =	vadd.f32 v22, v0  }
0x1f2: {  	v28 =	vld [tilespmem:$0x82E0];
	v1 =	vadd.f32 v23, v1  }
0x1f3: {  	v29 =	vld [tilespmem:$0x82F0];
	v0 =	vadd.f32 v24, v0  }
0x1f4: {  	v30 =	vld [tilespmem:$0x8300];
	v1 =	vadd.f32 v25, v1  }
0x1f5: {  	v31 =	vld [tilespmem:$0x8310];
	v0 =	vadd.f32 v26, v0  }
0x1f6: {  	v32 =	vld [tilespmem:$0x8320];
	v1 =	vadd.f32 v27, v1  }
0x1f7: {  	v33 =	vld [tilespmem:$0x8330];
	v0 =	vadd.f32 v28, v0  }
0x1f8: {  	v34 =	vld [tilespmem:$0x8340];
	v1 =	vadd.f32 v29, v1  }
0x1f9: {  	v35 =	vld [tilespmem:$0x8350];
	v0 =	vadd.f32 v30, v0  }
0x1fa: {  	v36 =	vld [tilespmem:$0x8360];
	v1 =	vadd.f32 v31, v1  }
0x1fb: {  	v37 =	vld [tilespmem:$0x8370];
	v0 =	vadd.f32 v32, v0  }
0x1fc: {  	v38 =	vld [tilespmem:$0x8380];
	v1 =	vadd.f32 v33, v1  }
0x1fd: {  	v39 =	vld [tilespmem:$0x8390];
	v0 =	vadd.f32 v34, v0  }
0x1fe: {  	v40 =	vld [tilespmem:$0x83A0];
	v1 =	vadd.f32 v35, v1  }
0x1ff: {  	v41 =	vld [tilespmem:$0x83B0];
	v0 =	vadd.f32 v36, v0  }
0x200: {  	v42 =	vld [tilespmem:$0x83C0];
	v1 =	vadd.f32 v37, v1  }
0x201: {  	v43 =	vld [tilespmem:$0x83D0];
	v0 =	vadd.f32 v38, v0  }
0x202: {  	v44 =	vld [tilespmem:$0x83E0];
	v1 =	vadd.f32 v39, v1  }
0x203: {  	v45 =	vld [tilespmem:$0x83F0];
	v0 =	vadd.f32 v40, v0  }
0x204: {  	v46 =	vld [tilespmem:$0x8400];
	v1 =	vadd.f32 v41, v1  }
0x205: {  	v47 =	vld [tilespmem:$0x8410];
	v0 =	vadd.f32 v42, v0  }
0x206: {  	v48 =	vld [tilespmem:$0x8420];
	v1 =	vadd.f32 v43, v1  }
0x207: {  	v49 =	vld [tilespmem:$0x8430];
	v0 =	vadd.f32 v44, v0  }
0x208: {  	v50 =	vld [tilespmem:$0x8440];
	v1 =	vadd.f32 v45, v1  }
0x209: {  	v51 =	vld [tilespmem:$0x8450];
	v0 =	vadd.f32 v46, v0  }
0x20a: {  	v52 =	vld [tilespmem:$0x8460];
	v1 =	vadd.f32 v47, v1  }
0x20b: {  	v53 =	vld [tilespmem:$0x8470];
	v0 =	vadd.f32 v48, v0  }
0x20c: {  	v54 =	vld [tilespmem:$0x8480];
	v1 =	vadd.f32 v49, v1  }
0x20d: {  	v55 =	vld [tilespmem:$0x8490];
	v0 =	vadd.f32 v50, v0  }
0x20e: {  	v56 =	vld [tilespmem:$0x84A0];
	v1 =	vadd.f32 v51, v1  }
0x20f: {  	v57 =	vld [tilespmem:$0x84B0];
	v0 =	vadd.f32 v52, v0  }
0x210: {  	v58 =	vld [tilespmem:$0x84C0];
	v1 =	vadd.f32 v53, v1  }
0x211: {  	v59 =	vld [tilespmem:$0x84D0];
	v0 =	vadd.f32 v54, v0  }
0x212: {  	v60 =	vld [tilespmem:$0x84E0];
	v1 =	vadd.f32 v55, v1  }
0x213: {  	v61 =	vld [tilespmem:$0x84F0];
	v0 =	vadd.f32 v56, v0  }
0x214: {  	v62 =	vld [tilespmem:$0x8500];
	v1 =	vadd.f32 v57, v1  }
0x215: {  	v63 =	vld [tilespmem:$0x8510];
	v0 =	vadd.f32 v58, v0  }
0x216: {  	v9 =	vld [tilespmem:$0x8520];
	v1 =	vadd.f32 v59, v1  }
0x217: {  	v10 =	vld [tilespmem:$0x8530];
	v0 =	vadd.f32 v60, v0  }
0x218: {  	v11 =	vld [tilespmem:$0x8540];
	v1 =	vadd.f32 v61, v1  }
0x219: {  	v12 =	vld [tilespmem:$0x8550];
	v0 =	vadd.f32 v62, v0  }
0x21a: {  	v13 =	vld [tilespmem:$0x8560];
	v1 =	vadd.f32 v63, v1  }
0x21b: {  	v14 =	vld [tilespmem:$0x8570];
	v0 =	vadd.f32 v9, v0  }
0x21c: {  	v15 =	vld [tilespmem:$0x8580];
	v1 =	vadd.f32 v10, v1  }
0x21d: {  	v16 =	vld [tilespmem:$0x8590];
	v0 =	vadd.f32 v11, v0  }
0x21e: {  	v17 =	vld [tilespmem:$0x85A0];
	v1 =	vadd.f32 v12, v1  }
0x21f: {  	v18 =	vld [tilespmem:$0x85B0];
	v0 =	vadd.f32 v13, v0  }
0x220: {  	v19 =	vld [tilespmem:$0x85C0];
	v1 =	vadd.f32 v14, v1  }
0x221: {  	v20 =	vld [tilespmem:$0x85D0];
	v0 =	vadd.f32 v15, v0  }
0x222: {  	v21 =	vld [tilespmem:$0x85E0];
	v1 =	vadd.f32 v16, v1  }
0x223: {  	v22 =	vld [tilespmem:$0x85F0];
	v0 =	vadd.f32 v17, v0  }
0x224: {  	v23 =	vld [tilespmem:$0x8600];
	v1 =	vadd.f32 v18, v1  }
0x225: {  	v24 =	vld [tilespmem:$0x8610];
	v0 =	vadd.f32 v19, v0  }
0x226: {  	v25 =	vld [tilespmem:$0x8620];
	v1 =	vadd.f32 v20, v1  }
0x227: {  	v26 =	vld [tilespmem:$0x8630];
	v0 =	vadd.f32 v21, v0  }
0x228: {  	v27 =	vld [tilespmem:$0x8640];
	v1 =	vadd.f32 v22, v1  }
0x229: {  	v28 =	vld [tilespmem:$0x8650];
	v0 =	vadd.f32 v23, v0  }
0x22a: {  	v29 =	vld [tilespmem:$0x8660];
	v1 =	vadd.f32 v24, v1  }
0x22b: {  	v30 =	vld [tilespmem:$0x8670];
	v0 =	vadd.f32 v25, v0  }
0x22c: {  	v31 =	vld [tilespmem:$0x8680];
	v1 =	vadd.f32 v26, v1  }
0x22d: {  	v32 =	vld [tilespmem:$0x8690];
	v0 =	vadd.f32 v27, v0  }
0x22e: {  	v33 =	vld [tilespmem:$0x86A0];
	v1 =	vadd.f32 v28, v1  }
0x22f: {  	v34 =	vld [tilespmem:$0x86B0];
	v0 =	vadd.f32 v29, v0  }
0x230: {  	v35 =	vld [tilespmem:$0x86C0];
	v1 =	vadd.f32 v30, v1  }
0x231: {  	v36 =	vld [tilespmem:$0x86D0];
	v0 =	vadd.f32 v31, v0  }
0x232: {  	v37 =	vld [tilespmem:$0x86E0];
	v1 =	vadd.f32 v32, v1  }
0x233: {  	v38 =	vld [tilespmem:$0x86F0];
	v0 =	vadd.f32 v33, v0  }
0x234: {  	v39 =	vld [tilespmem:$0x8700];
	v1 =	vadd.f32 v34, v1  }
0x235: {  	v40 =	vld [tilespmem:$0x8710];
	v0 =	vadd.f32 v35, v0  }
0x236: {  	v41 =	vld [tilespmem:$0x8720];
	v1 =	vadd.f32 v36, v1  }
0x237: {  	v42 =	vld [tilespmem:$0x8730];
	v0 =	vadd.f32 v37, v0  }
0x238: {  	v1 =	vadd.f32 v38, v1  }
0x239: {  	v0 =	vadd.f32 v39, v0  }
0x23a: {  	v1 =	vadd.f32 v40, v1  }
0x23b: {  	v0 =	vadd.f32 v41, v0  }
0x23c: {  	v1 =	vadd.f32 v42, v1  }
0x23d: {  	[tilespmem:s25+$0x0] =	vst v0  }
0x23e: {  	[tilespmem:s25+$0x10] =	vst v1  }
0x23f: {  	v0 =	vld [tilespmem:$0x8740]  }
0x240: {  	v1 =	vld [tilespmem:$0x8750]  }
0x241: {  	v43 =	vld [tilespmem:$0x8760]  }
0x242: {  	v44 =	vld [tilespmem:$0x8770]  }
0x243: {  	v45 =	vld [tilespmem:$0x8780]  }
0x244: {  	v46 =	vld [tilespmem:$0x8790]  }
0x245: {  	v47 =	vld [tilespmem:$0x87A0]  }
0x246: {  	v48 =	vld [tilespmem:$0x87B0];
	v0 =	vadd.f32 v43, v0  }
0x247: {  	v49 =	vld [tilespmem:$0x87C0];
	v1 =	vadd.f32 v44, v1  }
0x248: {  	v50 =	vld [tilespmem:$0x87D0];
	v0 =	vadd.f32 v45, v0  }
0x249: {  	v51 =	vld [tilespmem:$0x87E0];
	v1 =	vadd.f32 v46, v1  }
0x24a: {  	v52 =	vld [tilespmem:$0x87F0];
	v0 =	vadd.f32 v47, v0  }
0x24b: {  	v53 =	vld [tilespmem:$0x8800];
	v1 =	vadd.f32 v48, v1  }
0x24c: {  	v54 =	vld [tilespmem:$0x8810];
	v0 =	vadd.f32 v49, v0  }
0x24d: {  	v55 =	vld [tilespmem:$0x8820];
	v1 =	vadd.f32 v50, v1  }
0x24e: {  	v56 =	vld [tilespmem:$0x8830];
	v0 =	vadd.f32 v51, v0  }
0x24f: {  	v57 =	vld [tilespmem:$0x8840];
	v1 =	vadd.f32 v52, v1  }
0x250: {  	v58 =	vld [tilespmem:$0x8850];
	v0 =	vadd.f32 v53, v0  }
0x251: {  	v59 =	vld [tilespmem:$0x8860];
	v1 =	vadd.f32 v54, v1  }
0x252: {  	v60 =	vld [tilespmem:$0x8870];
	v0 =	vadd.f32 v55, v0  }
0x253: {  	v61 =	vld [tilespmem:$0x8880];
	v1 =	vadd.f32 v56, v1  }
0x254: {  	v62 =	vld [tilespmem:$0x8890];
	v0 =	vadd.f32 v57, v0  }
0x255: {  	v63 =	vld [tilespmem:$0x88A0];
	v1 =	vadd.f32 v58, v1  }
0x256: {  	v9 =	vld [tilespmem:$0x88B0];
	v0 =	vadd.f32 v59, v0  }
0x257: {  	v10 =	vld [tilespmem:$0x88C0];
	v1 =	vadd.f32 v60, v1  }
0x258: {  	v11 =	vld [tilespmem:$0x88D0];
	v0 =	vadd.f32 v61, v0  }
0x259: {  	v12 =	vld [tilespmem:$0x88E0];
	v1 =	vadd.f32 v62, v1  }
0x25a: {  	v13 =	vld [tilespmem:$0x88F0];
	v0 =	vadd.f32 v63, v0  }
0x25b: {  	v14 =	vld [tilespmem:$0x8900];
	v1 =	vadd.f32 v9, v1  }
0x25c: {  	v15 =	vld [tilespmem:$0x8910];
	v0 =	vadd.f32 v10, v0  }
0x25d: {  	v16 =	vld [tilespmem:$0x8920];
	v1 =	vadd.f32 v11, v1  }
0x25e: {  	v17 =	vld [tilespmem:$0x8930];
	v0 =	vadd.f32 v12, v0  }
0x25f: {  	v18 =	vld [tilespmem:$0x8940];
	v1 =	vadd.f32 v13, v1  }
0x260: {  	v19 =	vld [tilespmem:$0x8950];
	v0 =	vadd.f32 v14, v0  }
0x261: {  	v20 =	vld [tilespmem:$0x8960];
	v1 =	vadd.f32 v15, v1  }
0x262: {  	v21 =	vld [tilespmem:$0x8970];
	v0 =	vadd.f32 v16, v0  }
0x263: {  	v22 =	vld [tilespmem:$0x8980];
	v1 =	vadd.f32 v17, v1  }
0x264: {  	v23 =	vld [tilespmem:$0x8990];
	v0 =	vadd.f32 v18, v0  }
0x265: {  	v24 =	vld [tilespmem:$0x89A0];
	v1 =	vadd.f32 v19, v1  }
0x266: {  	v25 =	vld [tilespmem:$0x89B0];
	v0 =	vadd.f32 v20, v0  }
0x267: {  	v26 =	vld [tilespmem:$0x89C0];
	v1 =	vadd.f32 v21, v1  }
0x268: {  	v27 =	vld [tilespmem:$0x89D0];
	v0 =	vadd.f32 v22, v0  }
0x269: {  	v28 =	vld [tilespmem:$0x89E0];
	v1 =	vadd.f32 v23, v1  }
0x26a: {  	v29 =	vld [tilespmem:$0x89F0];
	v0 =	vadd.f32 v24, v0  }
0x26b: {  	v30 =	vld [tilespmem:$0x8A00];
	v1 =	vadd.f32 v25, v1  }
0x26c: {  	v31 =	vld [tilespmem:$0x8A10];
	v0 =	vadd.f32 v26, v0  }
0x26d: {  	v32 =	vld [tilespmem:$0x8A20];
	v1 =	vadd.f32 v27, v1  }
0x26e: {  	v33 =	vld [tilespmem:$0x8A30];
	v0 =	vadd.f32 v28, v0  }
0x26f: {  	v34 =	vld [tilespmem:$0x8A40];
	v1 =	vadd.f32 v29, v1  }
0x270: {  	v35 =	vld [tilespmem:$0x8A50];
	v0 =	vadd.f32 v30, v0  }
0x271: {  	v36 =	vld [tilespmem:$0x8A60];
	v1 =	vadd.f32 v31, v1  }
0x272: {  	v37 =	vld [tilespmem:$0x8A70];
	v0 =	vadd.f32 v32, v0  }
0x273: {  	v38 =	vld [tilespmem:$0x8A80];
	v1 =	vadd.f32 v33, v1  }
0x274: {  	v39 =	vld [tilespmem:$0x8A90];
	v0 =	vadd.f32 v34, v0  }
0x275: {  	v40 =	vld [tilespmem:$0x8AA0];
	v1 =	vadd.f32 v35, v1  }
0x276: {  	v41 =	vld [tilespmem:$0x8AB0];
	v0 =	vadd.f32 v36, v0  }
0x277: {  	v42 =	vld [tilespmem:$0x8AC0];
	v1 =	vadd.f32 v37, v1  }
0x278: {  	v43 =	vld [tilespmem:$0x8AD0];
	v0 =	vadd.f32 v38, v0  }
0x279: {  	v44 =	vld [tilespmem:$0x8AE0];
	v1 =	vadd.f32 v39, v1  }
0x27a: {  	v45 =	vld [tilespmem:$0x8AF0];
	v0 =	vadd.f32 v40, v0  }
0x27b: {  	v46 =	vld [tilespmem:$0x8B00];
	v1 =	vadd.f32 v41, v1  }
0x27c: {  	v47 =	vld [tilespmem:$0x8B10];
	v0 =	vadd.f32 v42, v0  }
0x27d: {  	v48 =	vld [tilespmem:$0x8B20];
	v1 =	vadd.f32 v43, v1  }
0x27e: {  	v49 =	vld [tilespmem:$0x8B30];
	v0 =	vadd.f32 v44, v0  }
0x27f: {  	v50 =	vld [tilespmem:$0x8B40];
	v1 =	vadd.f32 v45, v1  }
0x280: {  	v51 =	vld [tilespmem:$0x8B50];
	v0 =	vadd.f32 v46, v0  }
0x281: {  	v52 =	vld [tilespmem:$0x8B60];
	v1 =	vadd.f32 v47, v1  }
0x282: {  	v53 =	vld [tilespmem:$0x8B70];
	v0 =	vadd.f32 v48, v0  }
0x283: {  	v54 =	vld [tilespmem:$0x8B80];
	v1 =	vadd.f32 v49, v1  }
0x284: {  	v55 =	vld [tilespmem:$0x8B90];
	v0 =	vadd.f32 v50, v0  }
0x285: {  	v56 =	vld [tilespmem:$0x8BA0];
	v1 =	vadd.f32 v51, v1  }
0x286: {  	v57 =	vld [tilespmem:$0x8BB0];
	v0 =	vadd.f32 v52, v0  }
0x287: {  	v58 =	vld [tilespmem:$0x8BC0];
	v1 =	vadd.f32 v53, v1  }
0x288: {  	v59 =	vld [tilespmem:$0x8BD0];
	v0 =	vadd.f32 v54, v0  }
0x289: {  	v60 =	vld [tilespmem:$0x8BE0];
	v1 =	vadd.f32 v55, v1  }
0x28a: {  	v61 =	vld [tilespmem:$0x8BF0];
	v0 =	vadd.f32 v56, v0  }
0x28b: {  	v62 =	vld [tilespmem:$0x8C00];
	v1 =	vadd.f32 v57, v1  }
0x28c: {  	v63 =	vld [tilespmem:$0x8C10];
	v0 =	vadd.f32 v58, v0  }
0x28d: {  	v9 =	vld [tilespmem:$0x8C20];
	v1 =	vadd.f32 v59, v1  }
0x28e: {  	v10 =	vld [tilespmem:$0x8C30];
	v0 =	vadd.f32 v60, v0  }
0x28f: {  	v11 =	vld [tilespmem:$0x8C40];
	v1 =	vadd.f32 v61, v1  }
0x290: {  	v12 =	vld [tilespmem:$0x8C50];
	v0 =	vadd.f32 v62, v0  }
0x291: {  	v13 =	vld [tilespmem:$0x8C60];
	v1 =	vadd.f32 v63, v1  }
0x292: {  	v14 =	vld [tilespmem:$0x8C70];
	v0 =	vadd.f32 v9, v0  }
0x293: {  	v15 =	vld [tilespmem:$0x8C80];
	v1 =	vadd.f32 v10, v1  }
0x294: {  	v16 =	vld [tilespmem:$0x8C90];
	v0 =	vadd.f32 v11, v0  }
0x295: {  	v17 =	vld [tilespmem:$0x8CA0];
	v1 =	vadd.f32 v12, v1  }
0x296: {  	v18 =	vld [tilespmem:$0x8CB0];
	v0 =	vadd.f32 v13, v0  }
0x297: {  	v19 =	vld [tilespmem:$0x8CC0];
	v1 =	vadd.f32 v14, v1  }
0x298: {  	v20 =	vld [tilespmem:$0x8CD0];
	v0 =	vadd.f32 v15, v0  }
0x299: {  	v21 =	vld [tilespmem:$0x8CE0];
	v1 =	vadd.f32 v16, v1  }
0x29a: {  	v22 =	vld [tilespmem:$0x8CF0];
	v0 =	vadd.f32 v17, v0  }
0x29b: {  	v23 =	vld [tilespmem:$0x8D00];
	v1 =	vadd.f32 v18, v1  }
0x29c: {  	v24 =	vld [tilespmem:$0x8D10];
	v0 =	vadd.f32 v19, v0  }
0x29d: {  	v25 =	vld [tilespmem:$0x8D20];
	v1 =	vadd.f32 v20, v1  }
0x29e: {  	v26 =	vld [tilespmem:$0x8D30];
	v0 =	vadd.f32 v21, v0  }
0x29f: {  	v27 =	vld [tilespmem:$0x8D40];
	v1 =	vadd.f32 v22, v1  }
0x2a0: {  	v28 =	vld [tilespmem:$0x8D50];
	v0 =	vadd.f32 v23, v0  }
0x2a1: {  	v29 =	vld [tilespmem:$0x8D60];
	v1 =	vadd.f32 v24, v1  }
0x2a2: {  	v30 =	vld [tilespmem:$0x8D70];
	v0 =	vadd.f32 v25, v0  }
0x2a3: {  	v1 =	vadd.f32 v26, v1  }
0x2a4: {  	v0 =	vadd.f32 v27, v0  }
0x2a5: {  	v1 =	vadd.f32 v28, v1  }
0x2a6: {  	v0 =	vadd.f32 v29, v0  }
0x2a7: {  	v1 =	vadd.f32 v30, v1  }
0x2a8: {  	[tilespmem:s25+$0x20] =	vst v0  }
0x2a9: {  	s1 =	sadd.s32 @!p0 $0x270, s29;
	s29 =	simm.s32 @!p0 $0x8100;
	[tilespmem:s25+$0x30] =	vst v1  }
0x2aa: {  	[tilespmem:s29], [sflag:$0x3] =	stream.indirect.gather @!p0 [hbm4b:s3+s30], $0x20, s1, s30, $0xb8;
	[tilespmem:$0xDA00] =	vst v63  }
0x2ab: {  	_ =	swait.ge [sflag:s21], $0xC80  }
0x2ac: {  	[sflag:s21] =	ssyncset.done $0x0  }
0x2ad: {  	[sflag:s21] =	ssyncadd.s32 $0xFFFFF380  }
0x2ae: {  	v31 =	vld [tilespmem:$0x8D80]  }
0x2af: {  	v32 =	vld [tilespmem:$0x8D90]  }
0x2b0: {  	v33 =	vld [tilespmem:$0x8DA0]  }
0x2b1: {  	v34 =	vld [tilespmem:$0x8DB0]  }
0x2b2: {  	v35 =	vld [tilespmem:$0x8DC0]  }
0x2b3: {  	v36 =	vld [tilespmem:$0x8DD0]  }
0x2b4: {  	v37 =	vld [tilespmem:$0x8DE0]  }
0x2b5: {  	v38 =	vld [tilespmem:$0x8DF0];
	v0 =	vadd.f32 v33, v31  }
0x2b6: {  	v39 =	vld [tilespmem:$0x8E00];
	v1 =	vadd.f32 v34, v32  }
0x2b7: {  	v40 =	vld [tilespmem:$0x8E10];
	v0 =	vadd.f32 v35, v0  }
0x2b8: {  	v41 =	vld [tilespmem:$0x8E20];
	v1 =	vadd.f32 v36, v1  }
0x2b9: {  	v42 =	vld [tilespmem:$0x8E30];
	v0 =	vadd.f32 v37, v0  }
0x2ba: {  	v43 =	vld [tilespmem:$0x8E40];
	v1 =	vadd.f32 v38, v1  }
0x2bb: {  	v44 =	vld [tilespmem:$0x8E50];
	v0 =	vadd.f32 v39, v0  }
0x2bc: {  	v45 =	vld [tilespmem:$0x8E60];
	v1 =	vadd.f32 v40, v1  }
0x2bd: {  	v46 =	vld [tilespmem:$0x8E70];
	v0 =	vadd.f32 v41, v0  }
0x2be: {  	v47 =	vld [tilespmem:$0x8E80];
	v1 =	vadd.f32 v42, v1  }
0x2bf: {  	v48 =	vld [tilespmem:$0x8E90];
	v0 =	vadd.f32 v43, v0  }
0x2c0: {  	v49 =	vld [tilespmem:$0x8EA0];
	v1 =	vadd.f32 v44, v1  }
0x2c1: {  	v50 =	vld [tilespmem:$0x8EB0];
	v0 =	vadd.f32 v45, v0  }
0x2c2: {  	v51 =	vld [tilespmem:$0x8EC0];
	v1 =	vadd.f32 v46, v1  }
0x2c3: {  	v52 =	vld [tilespmem:$0x8ED0];
	v0 =	vadd.f32 v47, v0  }
0x2c4: {  	v53 =	vld [tilespmem:$0x8EE0];
	v1 =	vadd.f32 v48, v1  }
0x2c5: {  	v54 =	vld [tilespmem:$0x8EF0];
	v0 =	vadd.f32 v49, v0  }
0x2c6: {  	v55 =	vld [tilespmem:$0x8F00];
	v1 =	vadd.f32 v50, v1  }
0x2c7: {  	v56 =	vld [tilespmem:$0x8F10];
	v0 =	vadd.f32 v51, v0  }
0x2c8: {  	v57 =	vld [tilespmem:$0x8F20];
	v1 =	vadd.f32 v52, v1  }
0x2c9: {  	v58 =	vld [tilespmem:$0x8F30];
	v0 =	vadd.f32 v53, v0  }
0x2ca: {  	v59 =	vld [tilespmem:$0x8F40];
	v1 =	vadd.f32 v54, v1  }
0x2cb: {  	v60 =	vld [tilespmem:$0x8F50];
	v0 =	vadd.f32 v55, v0  }
0x2cc: {  	v61 =	vld [tilespmem:$0x8F60];
	v1 =	vadd.f32 v56, v1  }
0x2cd: {  	v62 =	vld [tilespmem:$0x8F70];
	v0 =	vadd.f32 v57, v0  }
0x2ce: {  	v63 =	vld [tilespmem:$0x8F80];
	v1 =	vadd.f32 v58, v1  }
0x2cf: {  	v9 =	vld [tilespmem:$0x8F90];
	v0 =	vadd.f32 v59, v0  }
0x2d0: {  	v10 =	vld [tilespmem:$0x8FA0];
	v1 =	vadd.f32 v60, v1  }
0x2d1: {  	v11 =	vld [tilespmem:$0x8FB0];
	v0 =	vadd.f32 v61, v0  }
0x2d2: {  	v12 =	vld [tilespmem:$0x8FC0];
	v1 =	vadd.f32 v62, v1  }
0x2d3: {  	v13 =	vld [tilespmem:$0x8FD0];
	v0 =	vadd.f32 v63, v0  }
0x2d4: {  	v14 =	vld [tilespmem:$0x8FE0];
	v1 =	vadd.f32 v9, v1  }
0x2d5: {  	v15 =	vld [tilespmem:$0x8FF0];
	v0 =	vadd.f32 v10, v0  }
0x2d6: {  	v16 =	vld [tilespmem:$0x9000];
	v1 =	vadd.f32 v11, v1  }
0x2d7: {  	v17 =	vld [tilespmem:$0x9010];
	v0 =	vadd.f32 v12, v0  }
0x2d8: {  	v18 =	vld [tilespmem:$0x9020];
	v1 =	vadd.f32 v13, v1  }
0x2d9: {  	v19 =	vld [tilespmem:$0x9030];
	v0 =	vadd.f32 v14, v0  }
0x2da: {  	v20 =	vld [tilespmem:$0x9040];
	v1 =	vadd.f32 v15, v1  }
0x2db: {  	v21 =	vld [tilespmem:$0x9050];
	v0 =	vadd.f32 v16, v0  }
0x2dc: {  	v22 =	vld [tilespmem:$0x9060];
	v1 =	vadd.f32 v17, v1  }
0x2dd: {  	v23 =	vld [tilespmem:$0x9070];
	v0 =	vadd.f32 v18, v0  }
0x2de: {  	v24 =	vld [tilespmem:$0x9080];
	v1 =	vadd.f32 v19, v1  }
0x2df: {  	v25 =	vld [tilespmem:$0x9090];
	v0 =	vadd.f32 v20, v0  }
0x2e0: {  	v26 =	vld [tilespmem:$0x90A0];
	v1 =	vadd.f32 v21, v1  }
0x2e1: {  	v27 =	vld [tilespmem:$0x90B0];
	v0 =	vadd.f32 v22, v0  }
0x2e2: {  	v28 =	vld [tilespmem:$0x90C0];
	v1 =	vadd.f32 v23, v1  }
0x2e3: {  	v29 =	vld [tilespmem:$0x90D0];
	v0 =	vadd.f32 v24, v0  }
0x2e4: {  	v30 =	vld [tilespmem:$0x90E0];
	v1 =	vadd.f32 v25, v1  }
0x2e5: {  	v31 =	vld [tilespmem:$0x90F0];
	v0 =	vadd.f32 v26, v0  }
0x2e6: {  	v32 =	vld [tilespmem:$0x9100];
	v1 =	vadd.f32 v27, v1  }
0x2e7: {  	v33 =	vld [tilespmem:$0x9110];
	v0 =	vadd.f32 v28, v0  }
0x2e8: {  	v34 =	vld [tilespmem:$0x9120];
	v1 =	vadd.f32 v29, v1  }
0x2e9: {  	v35 =	vld [tilespmem:$0x9130];
	v0 =	vadd.f32 v30, v0  }
0x2ea: {  	v36 =	vld [tilespmem:$0x9140];
	v1 =	vadd.f32 v31, v1  }
0x2eb: {  	v37 =	vld [tilespmem:$0x9150];
	v0 =	vadd.f32 v32, v0  }
0x2ec: {  	v38 =	vld [tilespmem:$0x9160];
	v1 =	vadd.f32 v33, v1  }
0x2ed: {  	v39 =	vld [tilespmem:$0x9170];
	v0 =	vadd.f32 v34, v0  }
0x2ee: {  	v40 =	vld [tilespmem:$0x9180];
	v1 =	vadd.f32 v35, v1  }
0x2ef: {  	v41 =	vld [tilespmem:$0x9190];
	v0 =	vadd.f32 v36, v0  }
0x2f0: {  	v42 =	vld [tilespmem:$0x91A0];
	v1 =	vadd.f32 v37, v1  }
0x2f1: {  	v43 =	vld [tilespmem:$0x91B0];
	v0 =	vadd.f32 v38, v0  }
0x2f2: {  	v44 =	vld [tilespmem:$0x91C0];
	v1 =	vadd.f32 v39, v1  }
0x2f3: {  	v45 =	vld [tilespmem:$0x91D0];
	v0 =	vadd.f32 v40, v0  }
0x2f4: {  	v46 =	vld [tilespmem:$0x91E0];
	v1 =	vadd.f32 v41, v1  }
0x2f5: {  	v47 =	vld [tilespmem:$0x91F0];
	v0 =	vadd.f32 v42, v0  }
0x2f6: {  	v48 =	vld [tilespmem:$0x9200];
	v1 =	vadd.f32 v43, v1  }
0x2f7: {  	v49 =	vld [tilespmem:$0x9210];
	v0 =	vadd.f32 v44, v0  }
0x2f8: {  	v50 =	vld [tilespmem:$0x9220];
	v1 =	vadd.f32 v45, v1  }
0x2f9: {  	v51 =	vld [tilespmem:$0x9230];
	v0 =	vadd.f32 v46, v0  }
0x2fa: {  	v52 =	vld [tilespmem:$0x9240];
	v1 =	vadd.f32 v47, v1  }
0x2fb: {  	v53 =	vld [tilespmem:$0x9250];
	v0 =	vadd.f32 v48, v0  }
0x2fc: {  	v54 =	vld [tilespmem:$0x9260];
	v1 =	vadd.f32 v49, v1  }
0x2fd: {  	v55 =	vld [tilespmem:$0x9270];
	v0 =	vadd.f32 v50, v0  }
0x2fe: {  	v56 =	vld [tilespmem:$0x9280];
	v1 =	vadd.f32 v51, v1  }
0x2ff: {  	v57 =	vld [tilespmem:$0x9290];
	v0 =	vadd.f32 v52, v0  }
0x300: {  	v58 =	vld [tilespmem:$0x92A0];
	v1 =	vadd.f32 v53, v1  }
0x301: {  	v59 =	vld [tilespmem:$0x92B0];
	v0 =	vadd.f32 v54, v0  }
0x302: {  	v60 =	vld [tilespmem:$0x92C0];
	v1 =	vadd.f32 v55, v1  }
0x303: {  	v61 =	vld [tilespmem:$0x92D0];
	v0 =	vadd.f32 v56, v0  }
0x304: {  	v62 =	vld [tilespmem:$0x92E0];
	v1 =	vadd.f32 v57, v1  }
0x305: {  	v63 =	vld [tilespmem:$0x92F0];
	v0 =	vadd.f32 v58, v0  }
0x306: {  	v9 =	vld [tilespmem:$0x9300];
	v1 =	vadd.f32 v59, v1  }
0x307: {  	v10 =	vld [tilespmem:$0x9310];
	v0 =	vadd.f32 v60, v0  }
0x308: {  	v11 =	vld [tilespmem:$0x9320];
	v1 =	vadd.f32 v61, v1  }
0x309: {  	v12 =	vld [tilespmem:$0x9330];
	v0 =	vadd.f32 v62, v0  }
0x30a: {  	v13 =	vld [tilespmem:$0x9340];
	v1 =	vadd.f32 v63, v1  }
0x30b: {  	v14 =	vld [tilespmem:$0x9350];
	v0 =	vadd.f32 v9, v0  }
0x30c: {  	v15 =	vld [tilespmem:$0x9360];
	v1 =	vadd.f32 v10, v1  }
0x30d: {  	v16 =	vld [tilespmem:$0x9370];
	v0 =	vadd.f32 v11, v0  }
0x30e: {  	v17 =	vld [tilespmem:$0x9380];
	v1 =	vadd.f32 v12, v1  }
0x30f: {  	v18 =	vld [tilespmem:$0x9390];
	v0 =	vadd.f32 v13, v0  }
0x310: {  	v19 =	vld [tilespmem:$0x93A0];
	v1 =	vadd.f32 v14, v1  }
0x311: {  	v20 =	vld [tilespmem:$0x93B0];
	v0 =	vadd.f32 v15, v0  }
0x312: {  	v1 =	vadd.f32 v16, v1  }
0x313: {  	v0 =	vadd.f32 v17, v0  }
0x314: {  	v1 =	vadd.f32 v18, v1  }
0x315: {  	v0 =	vadd.f32 v19, v0  }
0x316: {  	v1 =	vadd.f32 v20, v1  }
0x317: {  	[tilespmem:s25+$0x40] =	vst v0  }
0x318: {  	[tilespmem:s25+$0x50] =	vst v1  }
0x319: {  	v0 =	vld [tilespmem:$0x93C0]  }
0x31a: {  	v1 =	vld [tilespmem:$0x93D0]  }
0x31b: {  	v21 =	vld [tilespmem:$0x93E0]  }
0x31c: {  	v22 =	vld [tilespmem:$0x93F0]  }
0x31d: {  	v23 =	vld [tilespmem:$0x9400]  }
0x31e: {  	v24 =	vld [tilespmem:$0x9410]  }
0x31f: {  	v25 =	vld [tilespmem:$0x9420]  }
0x320: {  	v26 =	vld [tilespmem:$0x9430];
	v0 =	vadd.f32 v21, v0  }
0x321: {  	v27 =	vld [tilespmem:$0x9440];
	v1 =	vadd.f32 v22, v1  }
0x322: {  	v28 =	vld [tilespmem:$0x9450];
	v0 =	vadd.f32 v23, v0  }
0x323: {  	v29 =	vld [tilespmem:$0x9460];
	v1 =	vadd.f32 v24, v1  }
0x324: {  	v30 =	vld [tilespmem:$0x9470];
	v0 =	vadd.f32 v25, v0  }
0x325: {  	v31 =	vld [tilespmem:$0x9480];
	v1 =	vadd.f32 v26, v1  }
0x326: {  	v32 =	vld [tilespmem:$0x9490];
	v0 =	vadd.f32 v27, v0  }
0x327: {  	v33 =	vld [tilespmem:$0x94A0];
	v1 =	vadd.f32 v28, v1  }
0x328: {  	v34 =	vld [tilespmem:$0x94B0];
	v0 =	vadd.f32 v29, v0  }
0x329: {  	v35 =	vld [tilespmem:$0x94C0];
	v1 =	vadd.f32 v30, v1  }
0x32a: {  	v36 =	vld [tilespmem:$0x94D0];
	v0 =	vadd.f32 v31, v0  }
0x32b: {  	v37 =	vld [tilespmem:$0x94E0];
	v1 =	vadd.f32 v32, v1  }
0x32c: {  	v38 =	vld [tilespmem:$0x94F0];
	v0 =	vadd.f32 v33, v0  }
0x32d: {  	v39 =	vld [tilespmem:$0x9500];
	v1 =	vadd.f32 v34, v1  }
0x32e: {  	v40 =	vld [tilespmem:$0x9510];
	v0 =	vadd.f32 v35, v0  }
0x32f: {  	v41 =	vld [tilespmem:$0x9520];
	v1 =	vadd.f32 v36, v1  }
0x330: {  	v42 =	vld [tilespmem:$0x9530];
	v0 =	vadd.f32 v37, v0  }
0x331: {  	v43 =	vld [tilespmem:$0x9540];
	v1 =	vadd.f32 v38, v1  }
0x332: {  	v44 =	vld [tilespmem:$0x9550];
	v0 =	vadd.f32 v39, v0  }
0x333: {  	v45 =	vld [tilespmem:$0x9560];
	v1 =	vadd.f32 v40, v1  }
0x334: {  	v46 =	vld [tilespmem:$0x9570];
	v0 =	vadd.f32 v41, v0  }
0x335: {  	v47 =	vld [tilespmem:$0x9580];
	v1 =	vadd.f32 v42, v1  }
0x336: {  	v48 =	vld [tilespmem:$0x9590];
	v0 =	vadd.f32 v43, v0  }
0x337: {  	v49 =	vld [tilespmem:$0x95A0];
	v1 =	vadd.f32 v44, v1  }
0x338: {  	v50 =	vld [tilespmem:$0x95B0];
	v0 =	vadd.f32 v45, v0  }
0x339: {  	v51 =	vld [tilespmem:$0x95C0];
	v1 =	vadd.f32 v46, v1  }
0x33a: {  	v52 =	vld [tilespmem:$0x95D0];
	v0 =	vadd.f32 v47, v0  }
0x33b: {  	v53 =	vld [tilespmem:$0x95E0];
	v1 =	vadd.f32 v48, v1  }
0x33c: {  	v54 =	vld [tilespmem:$0x95F0];
	v0 =	vadd.f32 v49, v0  }
0x33d: {  	v55 =	vld [tilespmem:$0x9600];
	v1 =	vadd.f32 v50, v1  }
0x33e: {  	v56 =	vld [tilespmem:$0x9610];
	v0 =	vadd.f32 v51, v0  }
0x33f: {  	v57 =	vld [tilespmem:$0x9620];
	v1 =	vadd.f32 v52, v1  }
0x340: {  	v58 =	vld [tilespmem:$0x9630];
	v0 =	vadd.f32 v53, v0  }
0x341: {  	v59 =	vld [tilespmem:$0x9640];
	v1 =	vadd.f32 v54, v1  }
0x342: {  	v60 =	vld [tilespmem:$0x9650];
	v0 =	vadd.f32 v55, v0  }
0x343: {  	v61 =	vld [tilespmem:$0x9660];
	v1 =	vadd.f32 v56, v1  }
0x344: {  	v62 =	vld [tilespmem:$0x9670];
	v0 =	vadd.f32 v57, v0  }
0x345: {  	v63 =	vld [tilespmem:$0x9680];
	v1 =	vadd.f32 v58, v1  }
0x346: {  	v9 =	vld [tilespmem:$0x9690];
	v0 =	vadd.f32 v59, v0  }
0x347: {  	v10 =	vld [tilespmem:$0x96A0];
	v1 =	vadd.f32 v60, v1  }
0x348: {  	v11 =	vld [tilespmem:$0x96B0];
	v0 =	vadd.f32 v61, v0  }
0x349: {  	v12 =	vld [tilespmem:$0x96C0];
	v1 =	vadd.f32 v62, v1  }
0x34a: {  	v13 =	vld [tilespmem:$0x96D0];
	v0 =	vadd.f32 v63, v0  }
0x34b: {  	v14 =	vld [tilespmem:$0x96E0];
	v1 =	vadd.f32 v9, v1  }
0x34c: {  	v15 =	vld [tilespmem:$0x96F0];
	v0 =	vadd.f32 v10, v0  }
0x34d: {  	v16 =	vld [tilespmem:$0x9700];
	v1 =	vadd.f32 v11, v1  }
0x34e: {  	v17 =	vld [tilespmem:$0x9710];
	v0 =	vadd.f32 v12, v0  }
0x34f: {  	v18 =	vld [tilespmem:$0x9720];
	v1 =	vadd.f32 v13, v1  }
0x350: {  	v19 =	vld [tilespmem:$0x9730];
	v0 =	vadd.f32 v14, v0  }
0x351: {  	v20 =	vld [tilespmem:$0x9740];
	v1 =	vadd.f32 v15, v1  }
0x352: {  	v21 =	vld [tilespmem:$0x9750];
	v0 =	vadd.f32 v16, v0  }
0x353: {  	v22 =	vld [tilespmem:$0x9760];
	v1 =	vadd.f32 v17, v1  }
0x354: {  	v23 =	vld [tilespmem:$0x9770];
	v0 =	vadd.f32 v18, v0  }
0x355: {  	v24 =	vld [tilespmem:$0x9780];
	v1 =	vadd.f32 v19, v1  }
0x356: {  	v25 =	vld [tilespmem:$0x9790];
	v0 =	vadd.f32 v20, v0  }
0x357: {  	v26 =	vld [tilespmem:$0x97A0];
	v1 =	vadd.f32 v21, v1  }
0x358: {  	v27 =	vld [tilespmem:$0x97B0];
	v0 =	vadd.f32 v22, v0  }
0x359: {  	v28 =	vld [tilespmem:$0x97C0];
	v1 =	vadd.f32 v23, v1  }
0x35a: {  	v29 =	vld [tilespmem:$0x97D0];
	v0 =	vadd.f32 v24, v0  }
0x35b: {  	v30 =	vld [tilespmem:$0x97E0];
	v1 =	vadd.f32 v25, v1  }
0x35c: {  	v31 =	vld [tilespmem:$0x97F0];
	v0 =	vadd.f32 v26, v0  }
0x35d: {  	v32 =	vld [tilespmem:$0x9800];
	v1 =	vadd.f32 v27, v1  }
0x35e: {  	v33 =	vld [tilespmem:$0x9810];
	v0 =	vadd.f32 v28, v0  }
0x35f: {  	v34 =	vld [tilespmem:$0x9820];
	v1 =	vadd.f32 v29, v1  }
0x360: {  	v35 =	vld [tilespmem:$0x9830];
	v0 =	vadd.f32 v30, v0  }
0x361: {  	v36 =	vld [tilespmem:$0x9840];
	v1 =	vadd.f32 v31, v1  }
0x362: {  	v37 =	vld [tilespmem:$0x9850];
	v0 =	vadd.f32 v32, v0  }
0x363: {  	v38 =	vld [tilespmem:$0x9860];
	v1 =	vadd.f32 v33, v1  }
0x364: {  	v39 =	vld [tilespmem:$0x9870];
	v0 =	vadd.f32 v34, v0  }
0x365: {  	v40 =	vld [tilespmem:$0x9880];
	v1 =	vadd.f32 v35, v1  }
0x366: {  	v41 =	vld [tilespmem:$0x9890];
	v0 =	vadd.f32 v36, v0  }
0x367: {  	v42 =	vld [tilespmem:$0x98A0];
	v1 =	vadd.f32 v37, v1  }
0x368: {  	v43 =	vld [tilespmem:$0x98B0];
	v0 =	vadd.f32 v38, v0  }
0x369: {  	v44 =	vld [tilespmem:$0x98C0];
	v1 =	vadd.f32 v39, v1  }
0x36a: {  	v45 =	vld [tilespmem:$0x98D0];
	v0 =	vadd.f32 v40, v0  }
0x36b: {  	v46 =	vld [tilespmem:$0x98E0];
	v1 =	vadd.f32 v41, v1  }
0x36c: {  	v47 =	vld [tilespmem:$0x98F0];
	v0 =	vadd.f32 v42, v0  }
0x36d: {  	v48 =	vld [tilespmem:$0x9900];
	v1 =	vadd.f32 v43, v1  }
0x36e: {  	v49 =	vld [tilespmem:$0x9910];
	v0 =	vadd.f32 v44, v0  }
0x36f: {  	v50 =	vld [tilespmem:$0x9920];
	v1 =	vadd.f32 v45, v1  }
0x370: {  	v51 =	vld [tilespmem:$0x9930];
	v0 =	vadd.f32 v46, v0  }
0x371: {  	v52 =	vld [tilespmem:$0x9940];
	v1 =	vadd.f32 v47, v1  }
0x372: {  	v53 =	vld [tilespmem:$0x9950];
	v0 =	vadd.f32 v48, v0  }
0x373: {  	v54 =	vld [tilespmem:$0x9960];
	v1 =	vadd.f32 v49, v1  }
0x374: {  	v55 =	vld [tilespmem:$0x9970];
	v0 =	vadd.f32 v50, v0  }
0x375: {  	v56 =	vld [tilespmem:$0x9980];
	v1 =	vadd.f32 v51, v1  }
0x376: {  	v57 =	vld [tilespmem:$0x9990];
	v0 =	vadd.f32 v52, v0  }
0x377: {  	v58 =	vld [tilespmem:$0x99A0];
	v1 =	vadd.f32 v53, v1  }
0x378: {  	v59 =	vld [tilespmem:$0x99B0];
	v0 =	vadd.f32 v54, v0  }
0x379: {  	v60 =	vld [tilespmem:$0x99C0];
	v1 =	vadd.f32 v55, v1  }
0x37a: {  	v61 =	vld [tilespmem:$0x99D0];
	v0 =	vadd.f32 v56, v0  }
0x37b: {  	v62 =	vld [tilespmem:$0x99E0];
	v1 =	vadd.f32 v57, v1  }
0x37c: {  	v63 =	vld [tilespmem:$0x99F0];
	v0 =	vadd.f32 v58, v0  }
0x37d: {  	v1 =	vadd.f32 v59, v1  }
0x37e: {  	v0 =	vadd.f32 v60, v0  }
0x37f: {  	v1 =	vadd.f32 v61, v1  }
0x380: {  	v0 =	vadd.f32 v62, v0  }
0x381: {  	v1 =	vadd.f32 v63, v1  }
0x382: {  	s26 =	sadd.s32 $0x680, s26;
	p0 =	seq.s32 s28, $0x20;
	[tilespmem:s25+$0x60] =	vst v0  }
0x383: {  	s1 =	simm.s32 @p0 $0x0;
	s29 =	simm.s32 @p0 $0x9A00;
	p1 =	sne.s32 @!p0 s28, $0x6;
	[tilespmem:s25+$0x70] =	vst v1  }
0x384: {  	[hbm4b:s6+s1] =	stream.linear.scatter @p0 [tilespmem:s29], [sflag:$0x6], $0x2000, $0x38;
	[tilespmem:$0xDA00] =	vst v63  }
0x385: {  	p0 =	por p1, p0;
	p1 =	sne.s32 s26, $0x1A000  }
.Ltmp0:
0x386: {  	_ = 	snop;
	(pc) =	sbr.rel @p1 .LBB2_2-.Ltmp0, $4  }
0x387: {  	s1 =	simm.s32 @!p0 $0x5  }
0x388: {  	_ =	swait.ge @!p0 [sflag:s1], $0x5B00  }
0x389: {  	[sflag:s1] =	ssyncset.done @!p0 $0x0  }
0x38a: {  	s28 =	sadd.s32 $0x1, s28;
	s25 =	sadd.s32 $0x100, s25;
	[sflag:s1] =	ssyncadd.s32 @!p0 $0xFFFFA500  }
0x38b: {  	[hbm4b:s7+s2] =	stream.linear.scatter [tilespmem:s22], [sflag:$0x7], $0x2000, $0x38;
	[tilespmem:$0xDA00] =	vst v63  }
0x38c: {  	s24 =	sadd.s32 $0x1, s24  }
0x38d: {  	_ =	swait.ge [sflag:s9], $0x2000;
	p0 =	sne.s32 s24, s8  }
.Ltmp1:
0x38e: {  	[sflag:s9] =	ssyncset.done $0x0;
	(pc) =	sbr.rel @p0 .LBB2_1-.Ltmp1, $4  }
0x38f: {  	[sflag:s9] =	ssyncadd.s32 $0xFFFFE000  }
0x390: {  	_ =	swait.ge [sflag:s23], $0x2000  }
0x391: {  	[sflag:s23] =	ssyncset.done $0x0  }
0x392: {  	[sflag:s23] =	ssyncadd.s32 $0xFFFFE000  }
0x393: {  	_ =	sfence.sel $0x180000  }
0x394: {  	[bflag:$0x0] =	sbarrier.arrive $0xFFFF  }
0x395: {  	_ =	strace $0x90000047  }
0x396: {  	[bflag:$0x2] =	sbarrier.arrive $0xFFFF  }
0x397: {  	p0 =	sne.s32 s0, $0x0;
	s0 =	rddreg [dreg:$0x2]  }
0x398: {  	s0 =	sadd.s32 @!p0 $0x100000, s0  }
0x399: {  	[sflag:s0] =	ssyncadd.tile.s32 @!p0 $0x1;
	_ =	shalt  }
.Lfunc_end2:
_tile_overlayer_lowered:
.L_overlay_start_2:
0x39a: {  	(tag) =	ssettag $0x2  }
0x39b: {  	s0 =	rddreg [dreg:$0x0];
	s2 =	stileid.u32  }
0x39c: {  	s1 =	rddreg [dreg:$0x1];
	p0 =	sne.s32 s2, $0x0  }
0x39d: {  	s3 =	rddreg [dreg:$0x2];
	[bflag:$0x3] =	sbarrier.arrive $0xFFFF;
	s2 =	simm.s32 @!p0 $0x1C07  }
0x39e: {  	[timem:s3], [sflag:s2] =	dma.local @!p0 [hbm:s0], s1  }
0x39f: {  	s0 =	simm.s32 @!p0 $0x7  }
0x3a0: {  	_ =	swait.ge @!p0 [sflag:s0], s1  }
0x3a1: {  	s1 =	ssub.s32 @!p0 $0x0, s1;
	[sflag:s0] =	ssyncset.done @!p0 $0x0  }
0x3a2: {  	[sflag:s0] =	ssyncadd.s32 @!p0 s1  }
0x3a3: {  	[bflag:$0x3] =	sbarrier.arrive $0xFFFF  }
0x3a4: {  	_ =	shalt  }

</sc_bundles>
